<compile_context>
chip_gen: v7x
topology: tpu7x:2x2x1
jax: 0.10.2.dev20260603
libtpu: 0.0.44.dev20260713+nightly
codegen_flags: <defaults>
</compile_context>

<pallas_src>
import functools

import jax
import jax.numpy as jnp
from jax import lax
from jax.experimental import pallas as pl
from jax.experimental.pallas import tpu as pltpu
from jax.experimental.pallas import tpu_sc as plsc

L = 16


def _softplus(x):
    return jnp.maximum(x, 0.0) + jnp.log1p(jnp.exp(-jnp.abs(x)))


def _pack_halves(x):
    u = lax.bitcast_convert_type(x.astype(jnp.bfloat16), jnp.uint16)
    m = x.shape[-1] // 2
    lo = u[..., :m].astype(jnp.uint32)
    hi = u[..., m:].astype(jnp.uint32)
    return lax.bitcast_convert_type(lo | (hi << 16), jnp.int32)


def _prep_body(rel_ref, freq_ref, ent_ref, nrel_ref, dir_ref, mask_ref,
               eta_ref, w_ref, b_ref,
               cs_ref, struct_ref):
    K = ent_ref.shape[1]
    D = rel_ref.shape[1]
    ph = rel_ref[...]
    cs_ref[:, :D // 2] = _pack_halves(jnp.cos(ph))
    cs_ref[:, D // 2:] = _pack_halves(jnp.sin(ph))

    eta = _softplus(eta_ref[0, 0])
    w = _softplus(w_ref[0, 0])
    b = b_ref[0, 0]
    x = jnp.log1p(freq_ref[...])
    g = 1.0 / (1.0 + jnp.exp(-(w * x + b)))
    coeff = (1.0 - g) * eta

    mask = mask_ref[...]
    deg = jnp.maximum(jnp.sum(mask, axis=1, keepdims=True), 1.0)
    scale = coeff.reshape(-1, 1) / deg
    cc = mask * scale
    N = mask.shape[0]
    struct_ref[:, 0 * K:1 * K] = ent_ref[...]
    struct_ref[:, 1 * K:2 * K] = (2 * nrel_ref[...]
                                  + dir_ref[...].astype(jnp.int32))
    struct_ref[:, 2 * K:3 * K] = lax.bitcast_convert_type(cc, jnp.int32)
    struct_ref[:, 3 * K:4 * K] = lax.broadcasted_iota(jnp.int32, (N, K), 0)


def _make_sc_kernel(B, N, K, D, R):
    TWO_D = 2 * D
    HD = D // 2
    try:
        info = plsc.get_sparse_core_info()
        NC, NS = info.num_cores, info.num_subcores
    except ValueError:
        NC, NS = 2, 16
    NW = NC * NS
    assert B % NW == 0
    PB = B // NW
    NCH = HD // L
    mesh = plsc.VectorSubcoreMesh(core_axis_name="c", subcore_axis_name="s",
                                  num_cores=NC, num_subcores=NS)

    @functools.partial(
        pl.kernel,
        mesh=mesh,
        out_type=jax.ShapeDtypeStruct((B, TWO_D), jnp.float32),
        compiler_params=pltpu.CompilerParams(needs_layout_passes=False),
        scratch_types=[
            pltpu.VMEM((PB,), jnp.int32),
            pltpu.VMEM((PB, 4 * K), jnp.int32),
            pltpu.VMEM((R, D), jnp.int32),
            pltpu.VMEM((D,), jnp.float32),
            pltpu.VMEM((4, K, D), jnp.int32),
            pltpu.VMEM((4, 1, TWO_D), jnp.float32),
            pltpu.VMEM((4, TWO_D), jnp.float32),
            pltpu.SemaphoreType.DMA,
        ] + [pltpu.SemaphoreType.DMA] * 12,
    )
    def sc_main(anchor_hbm, struct_hbm, entity_hbm, ebf_hbm,
                cs_hbm, a_hbm, out_hbm,
                aid_v, struct_v, cs_l, a_v, e_buf, ei_buf, o_buf,
                sem0, *sems):
        wid = lax.axis_index("s") * NC + lax.axis_index("c")
        base = wid * PB
        sembs = sems[0:4]
        semis = sems[4:8]
        semos = sems[8:12]

        pltpu.sync_copy(anchor_hbm.at[pl.ds(base, PB)], aid_v)
        pltpu.sync_copy(a_hbm, a_v)
        cps = (
            pltpu.async_copy(cs_hbm, cs_l, sem0),
            pltpu.async_copy(struct_hbm.at[aid_v], struct_v, sem0),
        )
        for cp in cps:
            cp.wait()

        def issue(an, p):
            pltpu.async_copy(
                ebf_hbm.at[struct_v.at[an, pl.ds(0, K)]], e_buf.at[p],
                sembs[p])
            pltpu.async_copy(
                entity_hbm.at[struct_v.at[an, pl.ds(3 * K, 1)]],
                ei_buf.at[p], semis[p])

        def drain(an, p):
            pltpu.make_async_copy(
                ebf_hbm.at[struct_v.at[an, pl.ds(0, K)]], e_buf.at[p],
                sembs[p]).wait()
            pltpu.make_async_copy(
                entity_hbm.at[struct_v.at[an, pl.ds(3 * K, 1)]],
                ei_buf.at[p], semis[p]).wait()

        def issue_out(an, p):
            pltpu.async_copy(o_buf.at[p], out_hbm.at[base + an], semos[p])

        def drain_out(an, p):
            pltpu.make_async_copy(
                o_buf.at[p], out_hbm.at[base + an], semos[p]).wait()

        iota = lax.iota(jnp.int32, L)
        iotas = [iota + c * L for c in range(NCH)]
        iotas_s = [iota + HD + c * L for c in range(NCH)]
        av_lo = [a_v[pl.ds(c * L, L)] for c in range(NCH)]
        av_hi = [a_v[pl.ds(HD + c * L, L)] for c in range(NCH)]

        dnums = lax.GatherDimensionNumbers(
            offset_dims=(), collapsed_slice_dims=(0,), start_index_map=(0,))

        def take(v, idx):
            return lax.gather(v, idx[:, None], dnums, slice_sizes=(1,),
                              mode=lax.GatherScatterMode.PROMISE_IN_BOUNDS)

        def compute(a, p):

            halves = []
            for h in range(K // L):
                cb16 = plsc.bitcast(struct_v[a, pl.ds(2 * K + h * L, L)],
                                    jnp.float32)
                rv2 = struct_v[a, pl.ds(K + h * L, L)]
                sgn = 1.0 - 2.0 * jnp.bitwise_and(rv2, 1).astype(jnp.float32)
                sb16 = cb16 * sgn
                rv16 = lax.shift_right_logical(rv2, 1)
                halves.append((cb16, sb16, rv16))

            def body(k, accs):
                idx = jnp.full((L,), k, jnp.int32)
                new = list(accs)
                for h, (cb16, sb16, rv16) in enumerate(halves):
                    cb = take(cb16, idx)
                    sb = take(sb16, idx)
                    rrow = take(rv16, idx)
                    cb_bf = plsc.pack(cb, cb,
                                      format=plsc.PackFormat.INTERLEAVED)
                    sb_bf = plsc.pack(sb, sb,
                                      format=plsc.PackFormat.INTERLEAVED)
                    ke = h * L + k
                    for c in range(NCH):
                        cv = plsc.bitcast(
                            plsc.load_gather(cs_l, [rrow, iotas[c]]),
                            jnp.bfloat16)
                        sv = plsc.bitcast(
                            plsc.load_gather(cs_l, [rrow, iotas_s[c]]),
                            jnp.bfloat16)
                        rj = plsc.bitcast(e_buf[p, ke, pl.ds(c * L, L)],
                                          jnp.bfloat16)
                        ij = plsc.bitcast(e_buf[p, ke, pl.ds(HD + c * L, L)],
                                          jnp.bfloat16)
                        ca = cv * cb_bf
                        sa = sv * sb_bf
                        new[2 * c] = new[2 * c] + (rj * ca - ij * sa)
                        new[2 * c + 1] = new[2 * c + 1] + (rj * sa + ij * ca)
                return tuple(new)

            zeros = tuple(jnp.zeros((2 * L,), jnp.bfloat16)
                          for _ in range(2 * NCH))
            accs = lax.fori_loop(0, L, body, zeros)

            for c in range(NCH):
                re_lo, re_hi = plsc.unpack(
                    accs[2 * c], format=plsc.PackFormat.INTERLEAVED)
                im_lo, im_hi = plsc.unpack(
                    accs[2 * c + 1], format=plsc.PackFormat.INTERLEAVED)
                for off, av, val in (
                        (c * L, av_lo[c], re_lo),
                        (HD + c * L, av_hi[c], re_hi),
                        (D + c * L, av_lo[c], im_lo),
                        (D + HD + c * L, av_hi[c], im_hi)):
                    o_buf[p, pl.ds(off, L)] = (
                        ei_buf[p, 0, pl.ds(off, L)] + av * val)

        NB = 4
        for p in range(NB):
            issue(p, p)

        def outer(i, carry):
            for p in range(NB):
                a = NB * i + p
                drain(a, p)

                @pl.when(a >= NB)
                def _():
                    drain_out(a - NB, p)

                compute(a, p)
                issue_out(a, p)
                nxt = a + NB

                @pl.when(nxt < PB)
                def _():
                    issue(nxt, p)
            return carry

        lax.fori_loop(0, PB // NB, outer, 0)
        for p in range(NB):
            drain_out(PB - NB + p, p)

    return sc_main


def kernel(anchor_ids, nbr_ent, nbr_rel, nbr_dir, nbr_mask, freq,
           entity_embedding, relation_embedding, a, eta_raw, w_raw, b):
    N, K = nbr_ent.shape
    B = anchor_ids.shape[0]
    R, D = relation_embedding.shape

    cs_t, struct_t = pl.pallas_call(
        _prep_body,
        out_shape=[
            jax.ShapeDtypeStruct((R, D), jnp.int32),
            jax.ShapeDtypeStruct((N, 4 * K), jnp.int32),
        ],
    )(relation_embedding, freq.reshape(1, N),
      nbr_ent.astype(jnp.int32), nbr_rel.astype(jnp.int32),
      nbr_dir.astype(jnp.float32), nbr_mask.astype(jnp.float32),
      eta_raw.reshape(1, 1), w_raw.reshape(1, 1), b.reshape(1, 1))

    eb = lax.bitcast_convert_type(
        entity_embedding.astype(jnp.bfloat16), jnp.uint16)
    h = D // 2
    ebf_t = lax.bitcast_convert_type(
        jnp.concatenate(
            [eb[:, :h].astype(jnp.uint32) | (eb[:, h:D].astype(jnp.uint32)
                                             << 16),
             eb[:, D:D + h].astype(jnp.uint32) | (eb[:, D + h:]
                                                  .astype(jnp.uint32) << 16)],
            axis=1),
        jnp.int32)

    sc_main = _make_sc_kernel(B, N, K, D, R)
    return sc_main(anchor_ids.astype(jnp.int32), struct_t,
                   entity_embedding, ebf_t, cs_t, a)

# --- scband reference (transcript-rebuilt; emitter-appended) ---
"""Pipeline reference for scband-struct-refiner-70866960384072 (READ-ONLY COPY).

The authoritative reference and input builder live on the scoring server;
editing this copy changes nothing except your own understanding.
"""

import jax, jax.numpy as jnp
import numpy as np

N = 10000
K = 32
D = 128
R = 500
B = 4096


def setup_inputs(seed: int = 0):
    key = jax.random.key(seed)
    ks = jax.random.split(key, 8)
    anchor_ids = jax.random.randint(ks[0], (B,), 0, N)
    nbr_ent = jax.random.randint(ks[1], (N, K), 0, N)
    nbr_rel = jax.random.randint(ks[2], (N, K), 0, R)
    nbr_dir = jax.random.randint(ks[3], (N, K), 0, 2).astype(bool)
    nbr_mask = jax.random.randint(ks[4], (N, K), 0, 2).astype(bool)
    freq = jax.random.uniform(ks[5], (N,), dtype=jnp.float32) * 100.0
    entity_embedding = jax.random.normal(ks[6], (N, 2 * D), dtype=jnp.float32)
    relation_embedding = jax.random.normal(ks[7], (R, D), dtype=jnp.float32)
    a = jnp.ones((D,), dtype=jnp.float32)
    eta_raw = jnp.array(-6.0, dtype=jnp.float32)
    w_raw = jnp.array(1.0, dtype=jnp.float32)
    b = jnp.array(0.0, dtype=jnp.float32)
    return {"anchor_ids": anchor_ids, "nbr_ent": nbr_ent, "nbr_rel": nbr_rel,
            "nbr_dir": nbr_dir, "nbr_mask": nbr_mask, "freq": freq,
            "entity_embedding": entity_embedding, "relation_embedding": relation_embedding,
            "a": a, "eta_raw": eta_raw, "w_raw": w_raw, "b": b}


def reference(anchor_ids, nbr_ent, nbr_rel, nbr_dir, nbr_mask, freq,
              entity_embedding, relation_embedding, a, eta_raw, w_raw, b):
    # gather per-anchor neighbor structure
    a_ent = jnp.take(nbr_ent, anchor_ids, axis=0)   # [B, K]
    a_rel = jnp.take(nbr_rel, anchor_ids, axis=0)   # [B, K]
    a_dir = jnp.take(nbr_dir, anchor_ids, axis=0)   # [B, K]
    a_msk = jnp.take(nbr_mask, anchor_ids, axis=0)  # [B, K]
    # neighbor entity embeddings (RotatE complex split)
    e_j = jnp.take(entity_embedding, a_ent, axis=0)  # [B, K, 2D]
    re_j, im_j = jnp.split(e_j, 2, axis=-1)
    # relation re/im via phase embedding (rotate_model.get_relation_reim)
    phase = jnp.take(relation_embedding, a_rel, axis=0)  # [B, K, D]
    re_r = jnp.cos(phase)
    im_r = jnp.sin(phase)
    re_rc = re_r
    im_rc = -im_r
    re_sel = jnp.where(a_dir[..., None], re_rc, re_r)
    im_sel = jnp.where(a_dir[..., None], im_rc, im_r)
    # complex multiply message
    re_msg = re_j * re_sel - im_j * im_sel
    im_msg = re_j * im_sel + im_j * re_sel
    msk = a_msk[..., None].astype(jnp.float32)
    re_msg = re_msg * msk
    im_msg = im_msg * msk
    deg = jnp.clip(a_msk.sum(axis=1), 1, None).astype(jnp.float32)[:, None]
    re_m = re_msg.sum(axis=1) / deg
    im_m = im_msg.sum(axis=1) / deg
    # frequency gate
    f = jnp.take(freq, anchor_ids, axis=0)
    x = jnp.log1p(f)
    w = jax.nn.softplus(w_raw)
    g = jax.nn.sigmoid(w * x + b)[:, None]
    eta = jax.nn.softplus(eta_raw)
    aa = a[None, :]
    re_delta = (1.0 - g) * eta * (aa * re_m)
    im_delta = (1.0 - g) * eta * (aa * im_m)
    e_i = jnp.take(entity_embedding, anchor_ids, axis=0)
    re_i, im_i = jnp.split(e_i, 2, axis=-1)
    re_out = re_i + re_delta
    im_out = im_i + im_delta
    return jnp.concatenate([re_out, im_out], axis=-1)

if __name__ == "__main__":
    import jax
    _d = setup_inputs()
    print(jax.jit(kernel)(*tuple(_d.values())))

</pallas_src>

<mosaic_0001>
#map = affine_map<(d0, d1) -> (0)>
#map1 = affine_map<(d0, d1) -> (0, 0)>
module attributes {stable_mosaic.version = 14 : i64} {
  func.func @sc_main(%arg0: i32, %arg1: i32, %arg2: memref<4096xi32, #tpu.memory_space<hbm>>, %arg3: memref<10000x128xi32, #tpu.memory_space<hbm>>, %arg4: memref<10000x256xf32, #tpu.memory_space<hbm>>, %arg5: memref<10000x128xi32, #tpu.memory_space<hbm>>, %arg6: memref<500x128xi32, #tpu.memory_space<hbm>>, %arg7: memref<128xf32, #tpu.memory_space<hbm>>, %arg8: memref<4096x256xf32, #tpu.memory_space<hbm>>, %arg9: memref<128xi32, #tpu.memory_space<vmem>>, %arg10: memref<128x128xi32, #tpu.memory_space<vmem>>, %arg11: memref<500x128xi32, #tpu.memory_space<vmem>>, %arg12: memref<128xf32, #tpu.memory_space<vmem>>, %arg13: memref<4x32x128xi32, #tpu.memory_space<vmem>>, %arg14: memref<4x1x256xf32, #tpu.memory_space<vmem>>, %arg15: memref<4x256xf32, #tpu.memory_space<vmem>>, %arg16: memref<!tpu.dma_semaphore, #tpu.memory_space<semaphore_mem>>, %arg17: memref<!tpu.dma_semaphore, #tpu.memory_space<semaphore_mem>>, %arg18: memref<!tpu.dma_semaphore, #tpu.memory_space<semaphore_mem>>, %arg19: memref<!tpu.dma_semaphore, #tpu.memory_space<semaphore_mem>>, %arg20: memref<!tpu.dma_semaphore, #tpu.memory_space<semaphore_mem>>, %arg21: memref<!tpu.dma_semaphore, #tpu.memory_space<semaphore_mem>>, %arg22: memref<!tpu.dma_semaphore, #tpu.memory_space<semaphore_mem>>, %arg23: memref<!tpu.dma_semaphore, #tpu.memory_space<semaphore_mem>>, %arg24: memref<!tpu.dma_semaphore, #tpu.memory_space<semaphore_mem>>, %arg25: memref<!tpu.dma_semaphore, #tpu.memory_space<semaphore_mem>>, %arg26: memref<!tpu.dma_semaphore, #tpu.memory_space<semaphore_mem>>, %arg27: memref<!tpu.dma_semaphore, #tpu.memory_space<semaphore_mem>>, %arg28: memref<!tpu.dma_semaphore, #tpu.memory_space<semaphore_mem>>) attributes {dimension_semantics = [#tpu.dimension_semantics<core_parallel>, #tpu.dimension_semantics<subcore_parallel>], iteration_bounds = array<i64: 2, 16>, scalar_prefetch = 0 : i64, scratch_operands = 20 : i64, tpu.core_type = #tpu.core_type<sc_vector_subcore>, window_params = [{transform_indices = #map}, {transform_indices = #map1}, {transform_indices = #map1}, {transform_indices = #map1}, {transform_indices = #map1}, {transform_indices = #map}, {transform_indices = #map1}]} {
    %mul3A = arith.constant 2 : i32
    %mul3A_0 = arith.muli %arg1, %mul3A : i32
    %add3A = arith.addi %mul3A_0, %arg0 : i32
    %mul3A_1 = arith.constant 128 : i32
    %mul3A_2 = arith.muli %add3A, %mul3A_1 : i32
    "tpu.region"() ({
      %run_scoped3A = tpu.sem_alloc : memref<!tpu.dma_semaphore, #tpu.memory_space<semaphore_mem>>
      %dma_start3A_219 = tpu.memref_slice %arg2[%mul3A_2] : memref<4096xi32, #tpu.memory_space<hbm>> -> memref<128xi32, #tpu.memory_space<hbm>>
      %dma_start3A_220 = tpu.memref_slice %arg2[%mul3A_2] : memref<4096xi32, #tpu.memory_space<hbm>> -> memref<128xi32, #tpu.memory_space<hbm>>
      tpu.enqueue_dma source(%dma_start3A_220 : memref<128xi32, #tpu.memory_space<hbm>>) target(%arg9 : memref<128xi32, #tpu.memory_space<vmem>>) target_semaphore(%run_scoped3A : memref<!tpu.dma_semaphore, #tpu.memory_space<semaphore_mem>>)
      %dma_wait3A_221 = tpu.memref_slice %arg2[%mul3A_2] : memref<4096xi32, #tpu.memory_space<hbm>> -> memref<128xi32, #tpu.memory_space<hbm>>
      %dma_wait3A_222 = tpu.memref_slice %arg2[%mul3A_2] : memref<4096xi32, #tpu.memory_space<hbm>> -> memref<128xi32, #tpu.memory_space<hbm>>
      tpu.wait_dma2 semaphore(%run_scoped3A : memref<!tpu.dma_semaphore, #tpu.memory_space<semaphore_mem>>) src(%dma_wait3A_222 : memref<128xi32, #tpu.memory_space<hbm>>) dst(%arg9 : memref<128xi32, #tpu.memory_space<vmem>>)
      tpu.yield
    }) : () -> ()
    "tpu.region"() ({
      %run_scoped3A = tpu.sem_alloc : memref<!tpu.dma_semaphore, #tpu.memory_space<semaphore_mem>>
      tpu.enqueue_dma source(%arg7 : memref<128xf32, #tpu.memory_space<hbm>>) target(%arg12 : memref<128xf32, #tpu.memory_space<vmem>>) target_semaphore(%run_scoped3A : memref<!tpu.dma_semaphore, #tpu.memory_space<semaphore_mem>>)
      tpu.wait_dma2 semaphore(%run_scoped3A : memref<!tpu.dma_semaphore, #tpu.memory_space<semaphore_mem>>) src(%arg7 : memref<128xf32, #tpu.memory_space<hbm>>) dst(%arg12 : memref<128xf32, #tpu.memory_space<vmem>>)
      tpu.yield
    }) : () -> ()
    tpu.enqueue_dma source(%arg6 : memref<500x128xi32, #tpu.memory_space<hbm>>) target(%arg11 : memref<500x128xi32, #tpu.memory_space<vmem>>) target_semaphore(%arg16 : memref<!tpu.dma_semaphore, #tpu.memory_space<semaphore_mem>>)
    %dma_start3A = arith.constant 0 : i32
    %dma_start3A_3 = arith.constant 0 : i32
    %dma_start3A_4 = tpu.memref_slice %arg3[%dma_start3A, %dma_start3A_3] : memref<10000x128xi32, #tpu.memory_space<hbm>> -> memref<10000x128xi32, #tpu.memory_space<hbm>>
    tpu.enqueue_indirect_dma source(%dma_start3A_4 : memref<10000x128xi32, #tpu.memory_space<hbm>>) target(%arg10 : memref<128x128xi32, #tpu.memory_space<vmem>>) offsets(%arg9 : memref<128xi32, #tpu.memory_space<vmem>>) semaphore(%arg16 : memref<!tpu.dma_semaphore, #tpu.memory_space<semaphore_mem>>)
    tpu.wait_dma2 semaphore(%arg16 : memref<!tpu.dma_semaphore, #tpu.memory_space<semaphore_mem>>) src(%arg6 : memref<500x128xi32, #tpu.memory_space<hbm>>) dst(%arg11 : memref<500x128xi32, #tpu.memory_space<vmem>>)
    %dma_wait3A = arith.constant 0 : i32
    %dma_wait3A_5 = arith.constant 0 : i32
    %dma_wait3A_6 = tpu.memref_slice %arg3[%dma_wait3A, %dma_wait3A_5] : memref<10000x128xi32, #tpu.memory_space<hbm>> -> memref<10000x128xi32, #tpu.memory_space<hbm>>
    tpu.wait_indirect_dma semaphore(%arg16 : memref<!tpu.dma_semaphore, #tpu.memory_space<semaphore_mem>>) src(%dma_wait3A_6 : memref<10000x128xi32, #tpu.memory_space<hbm>>) dst(%arg10 : memref<128x128xi32, #tpu.memory_space<vmem>>)
    %iota3A = tpu.iota {dimensions = array<i32: 0>} : vector<16xi32>
    %add3A_7 = arith.constant 0 : i32
    %add3A_8 = vector.broadcast %add3A_7 : i32 to vector<16xi32>
    %add3A_9 = arith.addi %iota3A, %add3A_8 : vector<16xi32>
    %add3A_10 = arith.constant 16 : i32
    %add3A_11 = vector.broadcast %add3A_10 : i32 to vector<16xi32>
    %add3A_12 = arith.addi %iota3A, %add3A_11 : vector<16xi32>
    %add3A_13 = arith.constant 32 : i32
    %add3A_14 = vector.broadcast %add3A_13 : i32 to vector<16xi32>
    %add3A_15 = arith.addi %iota3A, %add3A_14 : vector<16xi32>
    %add3A_16 = arith.constant 48 : i32
    %add3A_17 = vector.broadcast %add3A_16 : i32 to vector<16xi32>
    %add3A_18 = arith.addi %iota3A, %add3A_17 : vector<16xi32>
    %add3A_19 = arith.constant 64 : i32
    %add3A_20 = vector.broadcast %add3A_19 : i32 to vector<16xi32>
    %add3A_21 = arith.addi %iota3A, %add3A_20 : vector<16xi32>
    %add3A_22 = arith.constant 0 : i32
    %add3A_23 = vector.broadcast %add3A_22 : i32 to vector<16xi32>
    %add3A_24 = arith.addi %add3A_21, %add3A_23 : vector<16xi32>
    %add3A_25 = arith.constant 64 : i32
    %add3A_26 = vector.broadcast %add3A_25 : i32 to vector<16xi32>
    %add3A_27 = arith.addi %iota3A, %add3A_26 : vector<16xi32>
    %add3A_28 = arith.constant 16 : i32
    %add3A_29 = vector.broadcast %add3A_28 : i32 to vector<16xi32>
    %add3A_30 = arith.addi %add3A_27, %add3A_29 : vector<16xi32>
    %add3A_31 = arith.constant 64 : i32
    %add3A_32 = vector.broadcast %add3A_31 : i32 to vector<16xi32>
    %add3A_33 = arith.addi %iota3A, %add3A_32 : vector<16xi32>
    %add3A_34 = arith.constant 32 : i32
    %add3A_35 = vector.broadcast %add3A_34 : i32 to vector<16xi32>
    %add3A_36 = arith.addi %add3A_33, %add3A_35 : vector<16xi32>
    %add3A_37 = arith.constant 64 : i32
    %add3A_38 = vector.broadcast %add3A_37 : i32 to vector<16xi32>
    %add3A_39 = arith.addi %iota3A, %add3A_38 : vector<16xi32>
    %add3A_40 = arith.constant 48 : i32
    %add3A_41 = vector.broadcast %add3A_40 : i32 to vector<16xi32>
    %add3A_42 = arith.addi %add3A_39, %add3A_41 : vector<16xi32>
    %get3A = arith.constant 0 : index
    %get3A_43 = tpu.vector_load %arg12[%get3A] {strides = array<i32>} : memref<128xf32, #tpu.memory_space<vmem>>, vector<16xf32>,
    %get3A_44 = arith.constant 16 : index
    %get3A_45 = tpu.vector_load %arg12[%get3A_44] {strides = array<i32>} : memref<128xf32, #tpu.memory_space<vmem>>, vector<16xf32>,
    %get3A_46 = arith.constant 32 : index
    %get3A_47 = tpu.vector_load %arg12[%get3A_46] {strides = array<i32>} : memref<128xf32, #tpu.memory_space<vmem>>, vector<16xf32>,
    %get3A_48 = arith.constant 48 : index
    %get3A_49 = tpu.vector_load %arg12[%get3A_48] {strides = array<i32>} : memref<128xf32, #tpu.memory_space<vmem>>, vector<16xf32>,
    %get3A_50 = arith.constant 64 : index
    %get3A_51 = tpu.vector_load %arg12[%get3A_50] {strides = array<i32>} : memref<128xf32, #tpu.memory_space<vmem>>, vector<16xf32>,
    %get3A_52 = arith.constant 80 : index
    %get3A_53 = tpu.vector_load %arg12[%get3A_52] {strides = array<i32>} : memref<128xf32, #tpu.memory_space<vmem>>, vector<16xf32>,
    %get3A_54 = arith.constant 96 : index
    %get3A_55 = tpu.vector_load %arg12[%get3A_54] {strides = array<i32>} : memref<128xf32, #tpu.memory_space<vmem>>, vector<16xf32>,
    %get3A_56 = arith.constant 112 : index
    %get3A_57 = tpu.vector_load %arg12[%get3A_56] {strides = array<i32>} : memref<128xf32, #tpu.memory_space<vmem>>, vector<16xf32>,
    %dma_start3A_58 = arith.constant 0 : i32
    %dma_start3A_59 = arith.constant 0 : i32
    %dma_start3A_60 = arith.constant 0 : i32
    %dma_start3A_61 = arith.constant 0 : i32
    %dma_start3A_62 = tpu.memref_slice %arg13[%dma_start3A_59, %dma_start3A_60, %dma_start3A_61] : memref<4x32x128xi32, #tpu.memory_space<vmem>> -> memref<1x32x128xi32, #tpu.memory_space<vmem>>
    %dma_start3A_63 = tpu.memref_squeeze %dma_start3A_62 : memref<1x32x128xi32, #tpu.memory_space<vmem>> -> memref<32x128xi32, #tpu.memory_space<vmem>>
    %dma_start3A_64 = arith.constant 0 : i32
    %dma_start3A_65 = tpu.memref_slice %arg10[%dma_start3A_58, %dma_start3A_64] : memref<128x128xi32, #tpu.memory_space<vmem>> -> memref<1x32xi32, #tpu.memory_space<vmem>>
    %dma_start3A_66 = tpu.memref_squeeze %dma_start3A_65 : memref<1x32xi32, #tpu.memory_space<vmem>> -> memref<32xi32, #tpu.memory_space<vmem>>
    %dma_start3A_67 = arith.constant 0 : i32
    %dma_start3A_68 = arith.constant 0 : i32
    %dma_start3A_69 = tpu.memref_slice %arg5[%dma_start3A_67, %dma_start3A_68] : memref<10000x128xi32, #tpu.memory_space<hbm>> -> memref<10000x128xi32, #tpu.memory_space<hbm>>
    tpu.enqueue_indirect_dma source(%dma_start3A_69 : memref<10000x128xi32, #tpu.memory_space<hbm>>) target(%dma_start3A_63 : memref<32x128xi32, #tpu.memory_space<vmem>>) offsets(%dma_start3A_66 : memref<32xi32, #tpu.memory_space<vmem>>) semaphore(%arg17 : memref<!tpu.dma_semaphore, #tpu.memory_space<semaphore_mem>>)
    %dma_start3A_70 = arith.constant 0 : i32
    %dma_start3A_71 = arith.constant 0 : i32
    %dma_start3A_72 = arith.constant 0 : i32
    %dma_start3A_73 = arith.constant 0 : i32
    %dma_start3A_74 = tpu.memref_slice %arg14[%dma_start3A_71, %dma_start3A_72, %dma_start3A_73] : memref<4x1x256xf32, #tpu.memory_space<vmem>> -> memref<1x1x256xf32, #tpu.memory_space<vmem>>
    %dma_start3A_75 = tpu.memref_squeeze %dma_start3A_74 : memref<1x1x256xf32, #tpu.memory_space<vmem>> -> memref<1x256xf32, #tpu.memory_space<vmem>>
    %dma_start3A_76 = arith.constant 96 : i32
    %dma_start3A_77 = tpu.memref_slice %arg10[%dma_start3A_70, %dma_start3A_76] : memref<128x128xi32, #tpu.memory_space<vmem>> -> memref<1x1xi32, #tpu.memory_space<vmem>>
    %dma_start3A_78 = tpu.memref_squeeze %dma_start3A_77 : memref<1x1xi32, #tpu.memory_space<vmem>> -> memref<1xi32, #tpu.memory_space<vmem>>
    %dma_start3A_79 = arith.constant 0 : i32
    %dma_start3A_80 = arith.constant 0 : i32
    %dma_start3A_81 = tpu.memref_slice %arg4[%dma_start3A_79, %dma_start3A_80] : memref<10000x256xf32, #tpu.memory_space<hbm>> -> memref<10000x256xf32, #tpu.memory_space<hbm>>
    tpu.enqueue_indirect_dma source(%dma_start3A_81 : memref<10000x256xf32, #tpu.memory_space<hbm>>) target(%dma_start3A_75 : memref<1x256xf32, #tpu.memory_space<vmem>>) offsets(%dma_start3A_78 : memref<1xi32, #tpu.memory_space<vmem>>) semaphore(%arg21 : memref<!tpu.dma_semaphore, #tpu.memory_space<semaphore_mem>>)
    %dma_start3A_82 = arith.constant 1 : i32
    %dma_start3A_83 = arith.constant 1 : i32
    %dma_start3A_84 = arith.constant 0 : i32
    %dma_start3A_85 = arith.constant 0 : i32
    %dma_start3A_86 = tpu.memref_slice %arg13[%dma_start3A_83, %dma_start3A_84, %dma_start3A_85] : memref<4x32x128xi32, #tpu.memory_space<vmem>> -> memref<1x32x128xi32, #tpu.memory_space<vmem>>
    %dma_start3A_87 = tpu.memref_squeeze %dma_start3A_86 : memref<1x32x128xi32, #tpu.memory_space<vmem>> -> memref<32x128xi32, #tpu.memory_space<vmem>>
    %dma_start3A_88 = arith.constant 0 : i32
    %dma_start3A_89 = tpu.memref_slice %arg10[%dma_start3A_82, %dma_start3A_88] : memref<128x128xi32, #tpu.memory_space<vmem>> -> memref<1x32xi32, #tpu.memory_space<vmem>>
    %dma_start3A_90 = tpu.memref_squeeze %dma_start3A_89 : memref<1x32xi32, #tpu.memory_space<vmem>> -> memref<32xi32, #tpu.memory_space<vmem>>
    %dma_start3A_91 = arith.constant 0 : i32
    %dma_start3A_92 = arith.constant 0 : i32
    %dma_start3A_93 = tpu.memref_slice %arg5[%dma_start3A_91, %dma_start3A_92] : memref<10000x128xi32, #tpu.memory_space<hbm>> -> memref<10000x128xi32, #tpu.memory_space<hbm>>
    tpu.enqueue_indirect_dma source(%dma_start3A_93 : memref<10000x128xi32, #tpu.memory_space<hbm>>) target(%dma_start3A_87 : memref<32x128xi32, #tpu.memory_space<vmem>>) offsets(%dma_start3A_90 : memref<32xi32, #tpu.memory_space<vmem>>) semaphore(%arg18 : memref<!tpu.dma_semaphore, #tpu.memory_space<semaphore_mem>>)
    %dma_start3A_94 = arith.constant 1 : i32
    %dma_start3A_95 = arith.constant 1 : i32
    %dma_start3A_96 = arith.constant 0 : i32
    %dma_start3A_97 = arith.constant 0 : i32
    %dma_start3A_98 = tpu.memref_slice %arg14[%dma_start3A_95, %dma_start3A_96, %dma_start3A_97] : memref<4x1x256xf32, #tpu.memory_space<vmem>> -> memref<1x1x256xf32, #tpu.memory_space<vmem>>
    %dma_start3A_99 = tpu.memref_squeeze %dma_start3A_98 : memref<1x1x256xf32, #tpu.memory_space<vmem>> -> memref<1x256xf32, #tpu.memory_space<vmem>>
    %dma_start3A_100 = arith.constant 96 : i32
    %dma_start3A_101 = tpu.memref_slice %arg10[%dma_start3A_94, %dma_start3A_100] : memref<128x128xi32, #tpu.memory_space<vmem>> -> memref<1x1xi32, #tpu.memory_space<vmem>>
    %dma_start3A_102 = tpu.memref_squeeze %dma_start3A_101 : memref<1x1xi32, #tpu.memory_space<vmem>> -> memref<1xi32, #tpu.memory_space<vmem>>
    %dma_start3A_103 = arith.constant 0 : i32
    %dma_start3A_104 = arith.constant 0 : i32
    %dma_start3A_105 = tpu.memref_slice %arg4[%dma_start3A_103, %dma_start3A_104] : memref<10000x256xf32, #tpu.memory_space<hbm>> -> memref<10000x256xf32, #tpu.memory_space<hbm>>
    tpu.enqueue_indirect_dma source(%dma_start3A_105 : memref<10000x256xf32, #tpu.memory_space<hbm>>) target(%dma_start3A_99 : memref<1x256xf32, #tpu.memory_space<vmem>>) offsets(%dma_start3A_102 : memref<1xi32, #tpu.memory_space<vmem>>) semaphore(%arg22 : memref<!tpu.dma_semaphore, #tpu.memory_space<semaphore_mem>>)
    %dma_start3A_106 = arith.constant 2 : i32
    %dma_start3A_107 = arith.constant 2 : i32
    %dma_start3A_108 = arith.constant 0 : i32
    %dma_start3A_109 = arith.constant 0 : i32
    %dma_start3A_110 = tpu.memref_slice %arg13[%dma_start3A_107, %dma_start3A_108, %dma_start3A_109] : memref<4x32x128xi32, #tpu.memory_space<vmem>> -> memref<1x32x128xi32, #tpu.memory_space<vmem>>
    %dma_start3A_111 = tpu.memref_squeeze %dma_start3A_110 : memref<1x32x128xi32, #tpu.memory_space<vmem>> -> memref<32x128xi32, #tpu.memory_space<vmem>>
    %dma_start3A_112 = arith.constant 0 : i32
    %dma_start3A_113 = tpu.memref_slice %arg10[%dma_start3A_106, %dma_start3A_112] : memref<128x128xi32, #tpu.memory_space<vmem>> -> memref<1x32xi32, #tpu.memory_space<vmem>>
    %dma_start3A_114 = tpu.memref_squeeze %dma_start3A_113 : memref<1x32xi32, #tpu.memory_space<vmem>> -> memref<32xi32, #tpu.memory_space<vmem>>
    %dma_start3A_115 = arith.constant 0 : i32
    %dma_start3A_116 = arith.constant 0 : i32
    %dma_start3A_117 = tpu.memref_slice %arg5[%dma_start3A_115, %dma_start3A_116] : memref<10000x128xi32, #tpu.memory_space<hbm>> -> memref<10000x128xi32, #tpu.memory_space<hbm>>
    tpu.enqueue_indirect_dma source(%dma_start3A_117 : memref<10000x128xi32, #tpu.memory_space<hbm>>) target(%dma_start3A_111 : memref<32x128xi32, #tpu.memory_space<vmem>>) offsets(%dma_start3A_114 : memref<32xi32, #tpu.memory_space<vmem>>) semaphore(%arg19 : memref<!tpu.dma_semaphore, #tpu.memory_space<semaphore_mem>>)
    %dma_start3A_118 = arith.constant 2 : i32
    %dma_start3A_119 = arith.constant 2 : i32
    %dma_start3A_120 = arith.constant 0 : i32
    %dma_start3A_121 = arith.constant 0 : i32
    %dma_start3A_122 = tpu.memref_slice %arg14[%dma_start3A_119, %dma_start3A_120, %dma_start3A_121] : memref<4x1x256xf32, #tpu.memory_space<vmem>> -> memref<1x1x256xf32, #tpu.memory_space<vmem>>
    %dma_start3A_123 = tpu.memref_squeeze %dma_start3A_122 : memref<1x1x256xf32, #tpu.memory_space<vmem>> -> memref<1x256xf32, #tpu.memory_space<vmem>>
    %dma_start3A_124 = arith.constant 96 : i32
    %dma_start3A_125 = tpu.memref_slice %arg10[%dma_start3A_118, %dma_start3A_124] : memref<128x128xi32, #tpu.memory_space<vmem>> -> memref<1x1xi32, #tpu.memory_space<vmem>>
    %dma_start3A_126 = tpu.memref_squeeze %dma_start3A_125 : memref<1x1xi32, #tpu.memory_space<vmem>> -> memref<1xi32, #tpu.memory_space<vmem>>
    %dma_start3A_127 = arith.constant 0 : i32
    %dma_start3A_128 = arith.constant 0 : i32
    %dma_start3A_129 = tpu.memref_slice %arg4[%dma_start3A_127, %dma_start3A_128] : memref<10000x256xf32, #tpu.memory_space<hbm>> -> memref<10000x256xf32, #tpu.memory_space<hbm>>
    tpu.enqueue_indirect_dma source(%dma_start3A_129 : memref<10000x256xf32, #tpu.memory_space<hbm>>) target(%dma_start3A_123 : memref<1x256xf32, #tpu.memory_space<vmem>>) offsets(%dma_start3A_126 : memref<1xi32, #tpu.memory_space<vmem>>) semaphore(%arg23 : memref<!tpu.dma_semaphore, #tpu.memory_space<semaphore_mem>>)
    %dma_start3A_130 = arith.constant 3 : i32
    %dma_start3A_131 = arith.constant 3 : i32
    %dma_start3A_132 = arith.constant 0 : i32
    %dma_start3A_133 = arith.constant 0 : i32
    %dma_start3A_134 = tpu.memref_slice %arg13[%dma_start3A_131, %dma_start3A_132, %dma_start3A_133] : memref<4x32x128xi32, #tpu.memory_space<vmem>> -> memref<1x32x128xi32, #tpu.memory_space<vmem>>
    %dma_start3A_135 = tpu.memref_squeeze %dma_start3A_134 : memref<1x32x128xi32, #tpu.memory_space<vmem>> -> memref<32x128xi32, #tpu.memory_space<vmem>>
    %dma_start3A_136 = arith.constant 0 : i32
    %dma_start3A_137 = tpu.memref_slice %arg10[%dma_start3A_130, %dma_start3A_136] : memref<128x128xi32, #tpu.memory_space<vmem>> -> memref<1x32xi32, #tpu.memory_space<vmem>>
    %dma_start3A_138 = tpu.memref_squeeze %dma_start3A_137 : memref<1x32xi32, #tpu.memory_space<vmem>> -> memref<32xi32, #tpu.memory_space<vmem>>
    %dma_start3A_139 = arith.constant 0 : i32
    %dma_start3A_140 = arith.constant 0 : i32
    %dma_start3A_141 = tpu.memref_slice %arg5[%dma_start3A_139, %dma_start3A_140] : memref<10000x128xi32, #tpu.memory_space<hbm>> -> memref<10000x128xi32, #tpu.memory_space<hbm>>
    tpu.enqueue_indirect_dma source(%dma_start3A_141 : memref<10000x128xi32, #tpu.memory_space<hbm>>) target(%dma_start3A_135 : memref<32x128xi32, #tpu.memory_space<vmem>>) offsets(%dma_start3A_138 : memref<32xi32, #tpu.memory_space<vmem>>) semaphore(%arg20 : memref<!tpu.dma_semaphore, #tpu.memory_space<semaphore_mem>>)
    %dma_start3A_142 = arith.constant 3 : i32
    %dma_start3A_143 = arith.constant 3 : i32
    %dma_start3A_144 = arith.constant 0 : i32
    %dma_start3A_145 = arith.constant 0 : i32
    %dma_start3A_146 = tpu.memref_slice %arg14[%dma_start3A_143, %dma_start3A_144, %dma_start3A_145] : memref<4x1x256xf32, #tpu.memory_space<vmem>> -> memref<1x1x256xf32, #tpu.memory_space<vmem>>
    %dma_start3A_147 = tpu.memref_squeeze %dma_start3A_146 : memref<1x1x256xf32, #tpu.memory_space<vmem>> -> memref<1x256xf32, #tpu.memory_space<vmem>>
    %dma_start3A_148 = arith.constant 96 : i32
    %dma_start3A_149 = tpu.memref_slice %arg10[%dma_start3A_142, %dma_start3A_148] : memref<128x128xi32, #tpu.memory_space<vmem>> -> memref<1x1xi32, #tpu.memory_space<vmem>>
    %dma_start3A_150 = tpu.memref_squeeze %dma_start3A_149 : memref<1x1xi32, #tpu.memory_space<vmem>> -> memref<1xi32, #tpu.memory_space<vmem>>
    %dma_start3A_151 = arith.constant 0 : i32
    %dma_start3A_152 = arith.constant 0 : i32
    %dma_start3A_153 = tpu.memref_slice %arg4[%dma_start3A_151, %dma_start3A_152] : memref<10000x256xf32, #tpu.memory_space<hbm>> -> memref<10000x256xf32, #tpu.memory_space<hbm>>
    tpu.enqueue_indirect_dma source(%dma_start3A_153 : memref<10000x256xf32, #tpu.memory_space<hbm>>) target(%dma_start3A_147 : memref<1x256xf32, #tpu.memory_space<vmem>>) offsets(%dma_start3A_150 : memref<1xi32, #tpu.memory_space<vmem>>) semaphore(%arg24 : memref<!tpu.dma_semaphore, #tpu.memory_space<semaphore_mem>>)
    %scan3A = arith.constant 0 : i32
    %scan3A_154 = arith.constant 0 : i32
    %scan3A_155 = arith.constant 32 : i32
    %scan3A_156 = arith.addi %scan3A_154, %scan3A_155 : i32
    %scan3A_157 = arith.constant 1 : i32
    scf.for %scan3A_219 = %scan3A_154 to %scan3A_156 step %scan3A_157  : i32 {
      %mul3A_220 = arith.constant 4 : i32
      %mul3A_221 = arith.muli %mul3A_220, %scan3A_219 : i32
      %add3A_222 = arith.constant 0 : i32
      %add3A_223 = arith.addi %mul3A_221, %add3A_222 : i32
      %dma_wait3A_224 = arith.constant 0 : i32
      %dma_wait3A_225 = arith.constant 0 : i32
      %dma_wait3A_226 = arith.constant 0 : i32
      %dma_wait3A_227 = tpu.memref_slice %arg13[%dma_wait3A_224, %dma_wait3A_225, %dma_wait3A_226] : memref<4x32x128xi32, #tpu.memory_space<vmem>> -> memref<1x32x128xi32, #tpu.memory_space<vmem>>
      %dma_wait3A_228 = tpu.memref_squeeze %dma_wait3A_227 : memref<1x32x128xi32, #tpu.memory_space<vmem>> -> memref<32x128xi32, #tpu.memory_space<vmem>>
      %dma_wait3A_229 = arith.constant 0 : i32
      %dma_wait3A_230 = tpu.memref_slice %arg10[%add3A_223, %dma_wait3A_229] : memref<128x128xi32, #tpu.memory_space<vmem>> -> memref<1x32xi32, #tpu.memory_space<vmem>>
      %dma_wait3A_231 = tpu.memref_squeeze %dma_wait3A_230 : memref<1x32xi32, #tpu.memory_space<vmem>> -> memref<32xi32, #tpu.memory_space<vmem>>
      %dma_wait3A_232 = arith.constant 0 : i32
      %dma_wait3A_233 = arith.constant 0 : i32
      %dma_wait3A_234 = tpu.memref_slice %arg5[%dma_wait3A_232, %dma_wait3A_233] : memref<10000x128xi32, #tpu.memory_space<hbm>> -> memref<10000x128xi32, #tpu.memory_space<hbm>>
      tpu.wait_indirect_dma semaphore(%arg17 : memref<!tpu.dma_semaphore, #tpu.memory_space<semaphore_mem>>) src(%dma_wait3A_234 : memref<10000x128xi32, #tpu.memory_space<hbm>>) dst(%dma_wait3A_228 : memref<32x128xi32, #tpu.memory_space<vmem>>)
      %dma_wait3A_235 = arith.constant 0 : i32
      %dma_wait3A_236 = arith.constant 0 : i32
      %dma_wait3A_237 = arith.constant 0 : i32
      %dma_wait3A_238 = tpu.memref_slice %arg14[%dma_wait3A_235, %dma_wait3A_236, %dma_wait3A_237] : memref<4x1x256xf32, #tpu.memory_space<vmem>> -> memref<1x1x256xf32, #tpu.memory_space<vmem>>
      %dma_wait3A_239 = tpu.memref_squeeze %dma_wait3A_238 : memref<1x1x256xf32, #tpu.memory_space<vmem>> -> memref<1x256xf32, #tpu.memory_space<vmem>>
      %dma_wait3A_240 = arith.constant 96 : i32
      %dma_wait3A_241 = tpu.memref_slice %arg10[%add3A_223, %dma_wait3A_240] : memref<128x128xi32, #tpu.memory_space<vmem>> -> memref<1x1xi32, #tpu.memory_space<vmem>>
      %dma_wait3A_242 = tpu.memref_squeeze %dma_wait3A_241 : memref<1x1xi32, #tpu.memory_space<vmem>> -> memref<1xi32, #tpu.memory_space<vmem>>
      %dma_wait3A_243 = arith.constant 0 : i32
      %dma_wait3A_244 = arith.constant 0 : i32
      %dma_wait3A_245 = tpu.memref_slice %arg4[%dma_wait3A_243, %dma_wait3A_244] : memref<10000x256xf32, #tpu.memory_space<hbm>> -> memref<10000x256xf32, #tpu.memory_space<hbm>>
      tpu.wait_indirect_dma semaphore(%arg21 : memref<!tpu.dma_semaphore, #tpu.memory_space<semaphore_mem>>) src(%dma_wait3A_245 : memref<10000x256xf32, #tpu.memory_space<hbm>>) dst(%dma_wait3A_239 : memref<1x256xf32, #tpu.memory_space<vmem>>)
      %ge3A = arith.constant 4 : i32
      %ge3A_246 = arith.cmpi sge, %add3A_223, %ge3A : i32
      %convert_element_type3A = arith.extui %ge3A_246 : i1 to i32
      %cond3A = arith.constant 0 : i32
      %cond3A_247 = arith.cmpi ne, %convert_element_type3A, %cond3A : i32
      scf.if %cond3A_247 {
        %sub3A_1505 = arith.constant 4 : i32
        %sub3A_1506 = arith.subi %add3A_223, %sub3A_1505 : i32
        %add3A_1507 = arith.addi %mul3A_2, %sub3A_1506 : i32
        %dma_wait3A_1508 = arith.constant 0 : i32
        %dma_wait3A_1509 = arith.constant 0 : i32
        %dma_wait3A_1510 = tpu.memref_slice %arg15[%dma_wait3A_1508, %dma_wait3A_1509] : memref<4x256xf32, #tpu.memory_space<vmem>> -> memref<1x256xf32, #tpu.memory_space<vmem>>
        %dma_wait3A_1511 = tpu.memref_squeeze %dma_wait3A_1510 : memref<1x256xf32, #tpu.memory_space<vmem>> -> memref<256xf32, #tpu.memory_space<vmem>>
        %dma_wait3A_1512 = arith.constant 0 : i32
        %dma_wait3A_1513 = tpu.memref_slice %arg8[%add3A_1507, %dma_wait3A_1512] : memref<4096x256xf32, #tpu.memory_space<hbm>> -> memref<1x256xf32, #tpu.memory_space<hbm>>
        %dma_wait3A_1514 = tpu.memref_squeeze %dma_wait3A_1513 : memref<1x256xf32, #tpu.memory_space<hbm>> -> memref<256xf32, #tpu.memory_space<hbm>>
        %dma_wait3A_1515 = arith.constant 0 : i32
        %dma_wait3A_1516 = tpu.memref_slice %arg8[%add3A_1507, %dma_wait3A_1515] : memref<4096x256xf32, #tpu.memory_space<hbm>> -> memref<1x256xf32, #tpu.memory_space<hbm>>
        %dma_wait3A_1517 = tpu.memref_squeeze %dma_wait3A_1516 : memref<1x256xf32, #tpu.memory_space<hbm>> -> memref<256xf32, #tpu.memory_space<hbm>>
        %dma_wait3A_1518 = arith.constant 0 : i32
        %dma_wait3A_1519 = tpu.memref_slice %arg15[%dma_wait3A_1508, %dma_wait3A_1518] : memref<4x256xf32, #tpu.memory_space<vmem>> -> memref<1x256xf32, #tpu.memory_space<vmem>>
        %dma_wait3A_1520 = tpu.memref_squeeze %dma_wait3A_1519 : memref<1x256xf32, #tpu.memory_space<vmem>> -> memref<256xf32, #tpu.memory_space<vmem>>
        tpu.wait_dma2 semaphore(%arg25 : memref<!tpu.dma_semaphore, #tpu.memory_space<semaphore_mem>>) src(%dma_wait3A_1520 : memref<256xf32, #tpu.memory_space<vmem>>) dst(%dma_wait3A_1517 : memref<256xf32, #tpu.memory_space<hbm>>)
      } else {
      }
      %get3A_248 = arith.index_cast %add3A_223 : i32 to index
      %get3A_249 = arith.constant 64 : index
      %get3A_250 = tpu.vector_load %arg10[%get3A_248, %get3A_249] {strides = array<i32>} : memref<128x128xi32, #tpu.memory_space<vmem>>, vector<16xi32>,
      %bitcast3A = vector.bitcast %get3A_250 : vector<16xi32> to vector<16xf32>
      %get3A_251 = arith.index_cast %add3A_223 : i32 to index
      %get3A_252 = arith.constant 32 : index
      %get3A_253 = tpu.vector_load %arg10[%get3A_251, %get3A_252] {strides = array<i32>} : memref<128x128xi32, #tpu.memory_space<vmem>>, vector<16xi32>,
      %and3A = arith.constant 1 : i32
      %and3A_254 = vector.broadcast %and3A : i32 to vector<16xi32>
      %and3A_255 = arith.andi %get3A_253, %and3A_254 : vector<16xi32>
      %convert_element_type3A_256 = arith.sitofp %and3A_255 : vector<16xi32> to vector<16xf32>
      %mul3A_257 = arith.constant 2.000000e+00 : f32
      %mul3A_258 = vector.broadcast %mul3A_257 : f32 to vector<16xf32>
      %mul3A_259 = arith.mulf %mul3A_258, %convert_element_type3A_256 : vector<16xf32>
      %sub3A = arith.constant 1.000000e+00 : f32
      %sub3A_260 = vector.broadcast %sub3A : f32 to vector<16xf32>
      %sub3A_261 = arith.subf %sub3A_260, %mul3A_259 : vector<16xf32>
      %mul3A_262 = arith.mulf %bitcast3A, %sub3A_261 : vector<16xf32>
      %shift_right_logical3A = arith.constant 1 : i32
      %shift_right_logical3A_263 = vector.broadcast %shift_right_logical3A : i32 to vector<16xi32>
      %shift_right_logical3A_264 = arith.shrui %get3A_253, %shift_right_logical3A_263 : vector<16xi32>
      %get3A_265 = arith.index_cast %add3A_223 : i32 to index
      %get3A_266 = arith.constant 80 : index
      %get3A_267 = tpu.vector_load %arg10[%get3A_265, %get3A_266] {strides = array<i32>} : memref<128x128xi32, #tpu.memory_space<vmem>>, vector<16xi32>,
      %bitcast3A_268 = vector.bitcast %get3A_267 : vector<16xi32> to vector<16xf32>
      %get3A_269 = arith.index_cast %add3A_223 : i32 to index
      %get3A_270 = arith.constant 48 : index
      %get3A_271 = tpu.vector_load %arg10[%get3A_269, %get3A_270] {strides = array<i32>} : memref<128x128xi32, #tpu.memory_space<vmem>>, vector<16xi32>,
      %and3A_272 = arith.constant 1 : i32
      %and3A_273 = vector.broadcast %and3A_272 : i32 to vector<16xi32>
      %and3A_274 = arith.andi %get3A_271, %and3A_273 : vector<16xi32>
      %convert_element_type3A_275 = arith.sitofp %and3A_274 : vector<16xi32> to vector<16xf32>
      %mul3A_276 = arith.constant 2.000000e+00 : f32
      %mul3A_277 = vector.broadcast %mul3A_276 : f32 to vector<16xf32>
      %mul3A_278 = arith.mulf %mul3A_277, %convert_element_type3A_275 : vector<16xf32>
      %sub3A_279 = arith.constant 1.000000e+00 : f32
      %sub3A_280 = vector.broadcast %sub3A_279 : f32 to vector<16xf32>
      %sub3A_281 = arith.subf %sub3A_280, %mul3A_278 : vector<16xf32>
      %mul3A_282 = arith.mulf %bitcast3A_268, %sub3A_281 : vector<16xf32>
      %shift_right_logical3A_283 = arith.constant 1 : i32
      %shift_right_logical3A_284 = vector.broadcast %shift_right_logical3A_283 : i32 to vector<16xi32>
      %shift_right_logical3A_285 = arith.shrui %get3A_271, %shift_right_logical3A_284 : vector<16xi32>
      %broadcast_in_dim3A = arith.constant 0.000000e+00 : bf16
      %broadcast_in_dim3A_286 = vector.broadcast %broadcast_in_dim3A : bf16 to vector<32xbf16>
      %broadcast_in_dim3A_287 = arith.constant 0.000000e+00 : bf16
      %broadcast_in_dim3A_288 = vector.broadcast %broadcast_in_dim3A_287 : bf16 to vector<32xbf16>
      %broadcast_in_dim3A_289 = arith.constant 0.000000e+00 : bf16
      %broadcast_in_dim3A_290 = vector.broadcast %broadcast_in_dim3A_289 : bf16 to vector<32xbf16>
      %broadcast_in_dim3A_291 = arith.constant 0.000000e+00 : bf16
      %broadcast_in_dim3A_292 = vector.broadcast %broadcast_in_dim3A_291 : bf16 to vector<32xbf16>
      %broadcast_in_dim3A_293 = arith.constant 0.000000e+00 : bf16
      %broadcast_in_dim3A_294 = vector.broadcast %broadcast_in_dim3A_293 : bf16 to vector<32xbf16>
      %broadcast_in_dim3A_295 = arith.constant 0.000000e+00 : bf16
      %broadcast_in_dim3A_296 = vector.broadcast %broadcast_in_dim3A_295 : bf16 to vector<32xbf16>
      %broadcast_in_dim3A_297 = arith.constant 0.000000e+00 : bf16
      %broadcast_in_dim3A_298 = vector.broadcast %broadcast_in_dim3A_297 : bf16 to vector<32xbf16>
      %broadcast_in_dim3A_299 = arith.constant 0.000000e+00 : bf16
      %broadcast_in_dim3A_300 = vector.broadcast %broadcast_in_dim3A_299 : bf16 to vector<32xbf16>
      %scan3A_301 = arith.constant 0 : i32
      %scan3A_302 = arith.constant 16 : i32
      %scan3A_303 = arith.addi %scan3A_301, %scan3A_302 : i32
      %scan3A_304 = arith.constant 1 : i32
      %scan3A_305:8 = scf.for %scan3A_1505 = %scan3A_301 to %scan3A_303 step %scan3A_304 iter_args(%scan3A_1506 = %broadcast_in_dim3A_286, %scan3A_1507 = %broadcast_in_dim3A_288, %scan3A_1508 = %broadcast_in_dim3A_290, %scan3A_1509 = %broadcast_in_dim3A_292, %scan3A_1510 = %broadcast_in_dim3A_294, %scan3A_1511 = %broadcast_in_dim3A_296, %scan3A_1512 = %broadcast_in_dim3A_298, %scan3A_1513 = %broadcast_in_dim3A_300) -> (vector<32xbf16>, vector<32xbf16>, vector<32xbf16>, vector<32xbf16>, vector<32xbf16>, vector<32xbf16>, vector<32xbf16>, vector<32xbf16>)  : i32 {
        %broadcast_in_dim3A_1514 = vector.broadcast %scan3A_1505 : i32 to vector<16xi32>
        %broadcast_in_dim3A_1515 = vector.shape_cast %broadcast_in_dim3A_1514 : vector<16xi32> to vector<16x1xi32>
        %gather3A = vector.shape_cast %broadcast_in_dim3A_1515 : vector<16x1xi32> to vector<16xi32>
        %gather3A_1516 = tpu.dynamic_gather %bitcast3A[%gather3A] in [0] : vector<16xf32>, vector<16xi32> -> vector<16xf32>
        %broadcast_in_dim3A_1517 = vector.shape_cast %broadcast_in_dim3A_1514 : vector<16xi32> to vector<16x1xi32>
        %gather3A_1518 = vector.shape_cast %broadcast_in_dim3A_1517 : vector<16x1xi32> to vector<16xi32>
        %gather3A_1519 = tpu.dynamic_gather %mul3A_262[%gather3A_1518] in [0] : vector<16xf32>, vector<16xi32> -> vector<16xf32>
        %broadcast_in_dim3A_1520 = vector.shape_cast %broadcast_in_dim3A_1514 : vector<16xi32> to vector<16x1xi32>
        %gather3A_1521 = vector.shape_cast %broadcast_in_dim3A_1520 : vector<16x1xi32> to vector<16xi32>
        %gather3A_1522 = tpu.dynamic_gather %shift_right_logical3A_264[%gather3A_1521] in [0] : vector<16xi32>, vector<16xi32> -> vector<16xi32>
        %pack3A = tpu.pack_subelements %gather3A_1516, %gather3A_1516 {pack_format = #tpu.pack_format<interleaved>, positions = array<i32: 0, 1>} : vector<16xf32>, vector<16xf32> -> vector<32xbf16>
        %pack3A_1523 = tpu.pack_subelements %gather3A_1519, %gather3A_1519 {pack_format = #tpu.pack_format<interleaved>, positions = array<i32: 0, 1>} : vector<16xf32>, vector<16xf32> -> vector<32xbf16>
        %add3A_1524 = arith.constant 0 : i32
        %add3A_1525 = arith.addi %add3A_1524, %scan3A_1505 : i32
        %gather3A_1526 = tpu.vector_load_idx %arg11[%gather3A_1522, %add3A_9] : memref<500x128xi32, #tpu.memory_space<vmem>>[vector<16xi32>, vector<16xi32>], vector<16xi32>,
        %bitcast3A_1527 = vector.bitcast %gather3A_1526 : vector<16xi32> to vector<32xbf16>
        %gather3A_1528 = tpu.vector_load_idx %arg11[%gather3A_1522, %add3A_24] : memref<500x128xi32, #tpu.memory_space<vmem>>[vector<16xi32>, vector<16xi32>], vector<16xi32>,
        %bitcast3A_1529 = vector.bitcast %gather3A_1528 : vector<16xi32> to vector<32xbf16>
        %get3A_1530 = arith.constant 0 : i32
        %get3A_1531 = arith.index_cast %get3A_1530 : i32 to index
        %get3A_1532 = arith.index_cast %add3A_1525 : i32 to index
        %get3A_1533 = arith.constant 0 : index
        %get3A_1534 = tpu.vector_load %arg13[%get3A_1531, %get3A_1532, %get3A_1533] {strides = array<i32>} : memref<4x32x128xi32, #tpu.memory_space<vmem>>, vector<16xi32>,
        %bitcast3A_1535 = vector.bitcast %get3A_1534 : vector<16xi32> to vector<32xbf16>
        %get3A_1536 = arith.constant 0 : i32
        %get3A_1537 = arith.index_cast %get3A_1536 : i32 to index
        %get3A_1538 = arith.index_cast %add3A_1525 : i32 to index
        %get3A_1539 = arith.constant 64 : index
        %get3A_1540 = tpu.vector_load %arg13[%get3A_1537, %get3A_1538, %get3A_1539] {strides = array<i32>} : memref<4x32x128xi32, #tpu.memory_space<vmem>>, vector<16xi32>,
        %bitcast3A_1541 = vector.bitcast %get3A_1540 : vector<16xi32> to vector<32xbf16>
        %mul3A_1542 = arith.mulf %bitcast3A_1527, %pack3A : vector<32xbf16>
        %mul3A_1543 = arith.mulf %bitcast3A_1529, %pack3A_1523 : vector<32xbf16>
        %mul3A_1544 = arith.mulf %bitcast3A_1535, %mul3A_1542 : vector<32xbf16>
        %mul3A_1545 = arith.mulf %bitcast3A_1541, %mul3A_1543 : vector<32xbf16>
        %sub3A_1546 = arith.subf %mul3A_1544, %mul3A_1545 : vector<32xbf16>
        %add3A_1547 = arith.addf %scan3A_1506, %sub3A_1546 : vector<32xbf16>
        %mul3A_1548 = arith.mulf %bitcast3A_1535, %mul3A_1543 : vector<32xbf16>
        %mul3A_1549 = arith.mulf %bitcast3A_1541, %mul3A_1542 : vector<32xbf16>
        %add3A_1550 = arith.addf %mul3A_1548, %mul3A_1549 : vector<32xbf16>
        %add3A_1551 = arith.addf %scan3A_1507, %add3A_1550 : vector<32xbf16>
        %gather3A_1552 = tpu.vector_load_idx %arg11[%gather3A_1522, %add3A_12] : memref<500x128xi32, #tpu.memory_space<vmem>>[vector<16xi32>, vector<16xi32>], vector<16xi32>,
        %bitcast3A_1553 = vector.bitcast %gather3A_1552 : vector<16xi32> to vector<32xbf16>
        %gather3A_1554 = tpu.vector_load_idx %arg11[%gather3A_1522, %add3A_30] : memref<500x128xi32, #tpu.memory_space<vmem>>[vector<16xi32>, vector<16xi32>], vector<16xi32>,
        %bitcast3A_1555 = vector.bitcast %gather3A_1554 : vector<16xi32> to vector<32xbf16>
        %get3A_1556 = arith.constant 0 : i32
        %get3A_1557 = arith.index_cast %get3A_1556 : i32 to index
        %get3A_1558 = arith.index_cast %add3A_1525 : i32 to index
        %get3A_1559 = arith.constant 16 : index
        %get3A_1560 = tpu.vector_load %arg13[%get3A_1557, %get3A_1558, %get3A_1559] {strides = array<i32>} : memref<4x32x128xi32, #tpu.memory_space<vmem>>, vector<16xi32>,
        %bitcast3A_1561 = vector.bitcast %get3A_1560 : vector<16xi32> to vector<32xbf16>
        %get3A_1562 = arith.constant 0 : i32
        %get3A_1563 = arith.index_cast %get3A_1562 : i32 to index
        %get3A_1564 = arith.index_cast %add3A_1525 : i32 to index
        %get3A_1565 = arith.constant 80 : index
        %get3A_1566 = tpu.vector_load %arg13[%get3A_1563, %get3A_1564, %get3A_1565] {strides = array<i32>} : memref<4x32x128xi32, #tpu.memory_space<vmem>>, vector<16xi32>,
        %bitcast3A_1567 = vector.bitcast %get3A_1566 : vector<16xi32> to vector<32xbf16>
        %mul3A_1568 = arith.mulf %bitcast3A_1553, %pack3A : vector<32xbf16>
        %mul3A_1569 = arith.mulf %bitcast3A_1555, %pack3A_1523 : vector<32xbf16>
        %mul3A_1570 = arith.mulf %bitcast3A_1561, %mul3A_1568 : vector<32xbf16>
        %mul3A_1571 = arith.mulf %bitcast3A_1567, %mul3A_1569 : vector<32xbf16>
        %sub3A_1572 = arith.subf %mul3A_1570, %mul3A_1571 : vector<32xbf16>
        %add3A_1573 = arith.addf %scan3A_1508, %sub3A_1572 : vector<32xbf16>
        %mul3A_1574 = arith.mulf %bitcast3A_1561, %mul3A_1569 : vector<32xbf16>
        %mul3A_1575 = arith.mulf %bitcast3A_1567, %mul3A_1568 : vector<32xbf16>
        %add3A_1576 = arith.addf %mul3A_1574, %mul3A_1575 : vector<32xbf16>
        %add3A_1577 = arith.addf %scan3A_1509, %add3A_1576 : vector<32xbf16>
        %gather3A_1578 = tpu.vector_load_idx %arg11[%gather3A_1522, %add3A_15] : memref<500x128xi32, #tpu.memory_space<vmem>>[vector<16xi32>, vector<16xi32>], vector<16xi32>,
        %bitcast3A_1579 = vector.bitcast %gather3A_1578 : vector<16xi32> to vector<32xbf16>
        %gather3A_1580 = tpu.vector_load_idx %arg11[%gather3A_1522, %add3A_36] : memref<500x128xi32, #tpu.memory_space<vmem>>[vector<16xi32>, vector<16xi32>], vector<16xi32>,
        %bitcast3A_1581 = vector.bitcast %gather3A_1580 : vector<16xi32> to vector<32xbf16>
        %get3A_1582 = arith.constant 0 : i32
        %get3A_1583 = arith.index_cast %get3A_1582 : i32 to index
        %get3A_1584 = arith.index_cast %add3A_1525 : i32 to index
        %get3A_1585 = arith.constant 32 : index
        %get3A_1586 = tpu.vector_load %arg13[%get3A_1583, %get3A_1584, %get3A_1585] {strides = array<i32>} : memref<4x32x128xi32, #tpu.memory_space<vmem>>, vector<16xi32>,
        %bitcast3A_1587 = vector.bitcast %get3A_1586 : vector<16xi32> to vector<32xbf16>
        %get3A_1588 = arith.constant 0 : i32
        %get3A_1589 = arith.index_cast %get3A_1588 : i32 to index
        %get3A_1590 = arith.index_cast %add3A_1525 : i32 to index
        %get3A_1591 = arith.constant 96 : index
        %get3A_1592 = tpu.vector_load %arg13[%get3A_1589, %get3A_1590, %get3A_1591] {strides = array<i32>} : memref<4x32x128xi32, #tpu.memory_space<vmem>>, vector<16xi32>,
        %bitcast3A_1593 = vector.bitcast %get3A_1592 : vector<16xi32> to vector<32xbf16>
        %mul3A_1594 = arith.mulf %bitcast3A_1579, %pack3A : vector<32xbf16>
        %mul3A_1595 = arith.mulf %bitcast3A_1581, %pack3A_1523 : vector<32xbf16>
        %mul3A_1596 = arith.mulf %bitcast3A_1587, %mul3A_1594 : vector<32xbf16>
        %mul3A_1597 = arith.mulf %bitcast3A_1593, %mul3A_1595 : vector<32xbf16>
        %sub3A_1598 = arith.subf %mul3A_1596, %mul3A_1597 : vector<32xbf16>
        %add3A_1599 = arith.addf %scan3A_1510, %sub3A_1598 : vector<32xbf16>
        %mul3A_1600 = arith.mulf %bitcast3A_1587, %mul3A_1595 : vector<32xbf16>
        %mul3A_1601 = arith.mulf %bitcast3A_1593, %mul3A_1594 : vector<32xbf16>
        %add3A_1602 = arith.addf %mul3A_1600, %mul3A_1601 : vector<32xbf16>
        %add3A_1603 = arith.addf %scan3A_1511, %add3A_1602 : vector<32xbf16>
        %gather3A_1604 = tpu.vector_load_idx %arg11[%gather3A_1522, %add3A_18] : memref<500x128xi32, #tpu.memory_space<vmem>>[vector<16xi32>, vector<16xi32>], vector<16xi32>,
        %bitcast3A_1605 = vector.bitcast %gather3A_1604 : vector<16xi32> to vector<32xbf16>
        %gather3A_1606 = tpu.vector_load_idx %arg11[%gather3A_1522, %add3A_42] : memref<500x128xi32, #tpu.memory_space<vmem>>[vector<16xi32>, vector<16xi32>], vector<16xi32>,
        %bitcast3A_1607 = vector.bitcast %gather3A_1606 : vector<16xi32> to vector<32xbf16>
        %get3A_1608 = arith.constant 0 : i32
        %get3A_1609 = arith.index_cast %get3A_1608 : i32 to index
        %get3A_1610 = arith.index_cast %add3A_1525 : i32 to index
        %get3A_1611 = arith.constant 48 : index
        %get3A_1612 = tpu.vector_load %arg13[%get3A_1609, %get3A_1610, %get3A_1611] {strides = array<i32>} : memref<4x32x128xi32, #tpu.memory_space<vmem>>, vector<16xi32>,
        %bitcast3A_1613 = vector.bitcast %get3A_1612 : vector<16xi32> to vector<32xbf16>
        %get3A_1614 = arith.constant 0 : i32
        %get3A_1615 = arith.index_cast %get3A_1614 : i32 to index
        %get3A_1616 = arith.index_cast %add3A_1525 : i32 to index
        %get3A_1617 = arith.constant 112 : index
        %get3A_1618 = tpu.vector_load %arg13[%get3A_1615, %get3A_1616, %get3A_1617] {strides = array<i32>} : memref<4x32x128xi32, #tpu.memory_space<vmem>>, vector<16xi32>,
        %bitcast3A_1619 = vector.bitcast %get3A_1618 : vector<16xi32> to vector<32xbf16>
        %mul3A_1620 = arith.mulf %bitcast3A_1605, %pack3A : vector<32xbf16>
        %mul3A_1621 = arith.mulf %bitcast3A_1607, %pack3A_1523 : vector<32xbf16>
        %mul3A_1622 = arith.mulf %bitcast3A_1613, %mul3A_1620 : vector<32xbf16>
        %mul3A_1623 = arith.mulf %bitcast3A_1619, %mul3A_1621 : vector<32xbf16>
        %sub3A_1624 = arith.subf %mul3A_1622, %mul3A_1623 : vector<32xbf16>
        %add3A_1625 = arith.addf %scan3A_1512, %sub3A_1624 : vector<32xbf16>
        %mul3A_1626 = arith.mulf %bitcast3A_1613, %mul3A_1621 : vector<32xbf16>
        %mul3A_1627 = arith.mulf %bitcast3A_1619, %mul3A_1620 : vector<32xbf16>
        %add3A_1628 = arith.addf %mul3A_1626, %mul3A_1627 : vector<32xbf16>
        %add3A_1629 = arith.addf %scan3A_1513, %add3A_1628 : vector<32xbf16>
        %broadcast_in_dim3A_1630 = vector.shape_cast %broadcast_in_dim3A_1514 : vector<16xi32> to vector<16x1xi32>
        %gather3A_1631 = vector.shape_cast %broadcast_in_dim3A_1630 : vector<16x1xi32> to vector<16xi32>
        %gather3A_1632 = tpu.dynamic_gather %bitcast3A_268[%gather3A_1631] in [0] : vector<16xf32>, vector<16xi32> -> vector<16xf32>
        %broadcast_in_dim3A_1633 = vector.shape_cast %broadcast_in_dim3A_1514 : vector<16xi32> to vector<16x1xi32>
        %gather3A_1634 = vector.shape_cast %broadcast_in_dim3A_1633 : vector<16x1xi32> to vector<16xi32>
        %gather3A_1635 = tpu.dynamic_gather %mul3A_282[%gather3A_1634] in [0] : vector<16xf32>, vector<16xi32> -> vector<16xf32>
        %broadcast_in_dim3A_1636 = vector.shape_cast %broadcast_in_dim3A_1514 : vector<16xi32> to vector<16x1xi32>
        %gather3A_1637 = vector.shape_cast %broadcast_in_dim3A_1636 : vector<16x1xi32> to vector<16xi32>
        %gather3A_1638 = tpu.dynamic_gather %shift_right_logical3A_285[%gather3A_1637] in [0] : vector<16xi32>, vector<16xi32> -> vector<16xi32>
        %pack3A_1639 = tpu.pack_subelements %gather3A_1632, %gather3A_1632 {pack_format = #tpu.pack_format<interleaved>, positions = array<i32: 0, 1>} : vector<16xf32>, vector<16xf32> -> vector<32xbf16>
        %pack3A_1640 = tpu.pack_subelements %gather3A_1635, %gather3A_1635 {pack_format = #tpu.pack_format<interleaved>, positions = array<i32: 0, 1>} : vector<16xf32>, vector<16xf32> -> vector<32xbf16>
        %add3A_1641 = arith.constant 16 : i32
        %add3A_1642 = arith.addi %add3A_1641, %scan3A_1505 : i32
        %gather3A_1643 = tpu.vector_load_idx %arg11[%gather3A_1638, %add3A_9] : memref<500x128xi32, #tpu.memory_space<vmem>>[vector<16xi32>, vector<16xi32>], vector<16xi32>,
        %bitcast3A_1644 = vector.bitcast %gather3A_1643 : vector<16xi32> to vector<32xbf16>
        %gather3A_1645 = tpu.vector_load_idx %arg11[%gather3A_1638, %add3A_24] : memref<500x128xi32, #tpu.memory_space<vmem>>[vector<16xi32>, vector<16xi32>], vector<16xi32>,
        %bitcast3A_1646 = vector.bitcast %gather3A_1645 : vector<16xi32> to vector<32xbf16>
        %get3A_1647 = arith.constant 0 : i32
        %get3A_1648 = arith.index_cast %get3A_1647 : i32 to index
        %get3A_1649 = arith.index_cast %add3A_1642 : i32 to index
        %get3A_1650 = arith.constant 0 : index
        %get3A_1651 = tpu.vector_load %arg13[%get3A_1648, %get3A_1649, %get3A_1650] {strides = array<i32>} : memref<4x32x128xi32, #tpu.memory_space<vmem>>, vector<16xi32>,
        %bitcast3A_1652 = vector.bitcast %get3A_1651 : vector<16xi32> to vector<32xbf16>
        %get3A_1653 = arith.constant 0 : i32
        %get3A_1654 = arith.index_cast %get3A_1653 : i32 to index
        %get3A_1655 = arith.index_cast %add3A_1642 : i32 to index
        %get3A_1656 = arith.constant 64 : index
        %get3A_1657 = tpu.vector_load %arg13[%get3A_1654, %get3A_1655, %get3A_1656] {strides = array<i32>} : memref<4x32x128xi32, #tpu.memory_space<vmem>>, vector<16xi32>,
        %bitcast3A_1658 = vector.bitcast %get3A_1657 : vector<16xi32> to vector<32xbf16>
        %mul3A_1659 = arith.mulf %bitcast3A_1644, %pack3A_1639 : vector<32xbf16>
        %mul3A_1660 = arith.mulf %bitcast3A_1646, %pack3A_1640 : vector<32xbf16>
        %mul3A_1661 = arith.mulf %bitcast3A_1652, %mul3A_1659 : vector<32xbf16>
        %mul3A_1662 = arith.mulf %bitcast3A_1658, %mul3A_1660 : vector<32xbf16>
        %sub3A_1663 = arith.subf %mul3A_1661, %mul3A_1662 : vector<32xbf16>
        %add3A_1664 = arith.addf %add3A_1547, %sub3A_1663 : vector<32xbf16>
        %mul3A_1665 = arith.mulf %bitcast3A_1652, %mul3A_1660 : vector<32xbf16>
        %mul3A_1666 = arith.mulf %bitcast3A_1658, %mul3A_1659 : vector<32xbf16>
        %add3A_1667 = arith.addf %mul3A_1665, %mul3A_1666 : vector<32xbf16>
        %add3A_1668 = arith.addf %add3A_1551, %add3A_1667 : vector<32xbf16>
        %gather3A_1669 = tpu.vector_load_idx %arg11[%gather3A_1638, %add3A_12] : memref<500x128xi32, #tpu.memory_space<vmem>>[vector<16xi32>, vector<16xi32>], vector<16xi32>,
        %bitcast3A_1670 = vector.bitcast %gather3A_1669 : vector<16xi32> to vector<32xbf16>
        %gather3A_1671 = tpu.vector_load_idx %arg11[%gather3A_1638, %add3A_30] : memref<500x128xi32, #tpu.memory_space<vmem>>[vector<16xi32>, vector<16xi32>], vector<16xi32>,
        %bitcast3A_1672 = vector.bitcast %gather3A_1671 : vector<16xi32> to vector<32xbf16>
        %get3A_1673 = arith.constant 0 : i32
        %get3A_1674 = arith.index_cast %get3A_1673 : i32 to index
        %get3A_1675 = arith.index_cast %add3A_1642 : i32 to index
        %get3A_1676 = arith.constant 16 : index
        %get3A_1677 = tpu.vector_load %arg13[%get3A_1674, %get3A_1675, %get3A_1676] {strides = array<i32>} : memref<4x32x128xi32, #tpu.memory_space<vmem>>, vector<16xi32>,
        %bitcast3A_1678 = vector.bitcast %get3A_1677 : vector<16xi32> to vector<32xbf16>
        %get3A_1679 = arith.constant 0 : i32
        %get3A_1680 = arith.index_cast %get3A_1679 : i32 to index
        %get3A_1681 = arith.index_cast %add3A_1642 : i32 to index
        %get3A_1682 = arith.constant 80 : index
        %get3A_1683 = tpu.vector_load %arg13[%get3A_1680, %get3A_1681, %get3A_1682] {strides = array<i32>} : memref<4x32x128xi32, #tpu.memory_space<vmem>>, vector<16xi32>,
        %bitcast3A_1684 = vector.bitcast %get3A_1683 : vector<16xi32> to vector<32xbf16>
        %mul3A_1685 = arith.mulf %bitcast3A_1670, %pack3A_1639 : vector<32xbf16>
        %mul3A_1686 = arith.mulf %bitcast3A_1672, %pack3A_1640 : vector<32xbf16>
        %mul3A_1687 = arith.mulf %bitcast3A_1678, %mul3A_1685 : vector<32xbf16>
        %mul3A_1688 = arith.mulf %bitcast3A_1684, %mul3A_1686 : vector<32xbf16>
        %sub3A_1689 = arith.subf %mul3A_1687, %mul3A_1688 : vector<32xbf16>
        %add3A_1690 = arith.addf %add3A_1573, %sub3A_1689 : vector<32xbf16>
        %mul3A_1691 = arith.mulf %bitcast3A_1678, %mul3A_1686 : vector<32xbf16>
        %mul3A_1692 = arith.mulf %bitcast3A_1684, %mul3A_1685 : vector<32xbf16>
        %add3A_1693 = arith.addf %mul3A_1691, %mul3A_1692 : vector<32xbf16>
        %add3A_1694 = arith.addf %add3A_1577, %add3A_1693 : vector<32xbf16>
        %gather3A_1695 = tpu.vector_load_idx %arg11[%gather3A_1638, %add3A_15] : memref<500x128xi32, #tpu.memory_space<vmem>>[vector<16xi32>, vector<16xi32>], vector<16xi32>,
        %bitcast3A_1696 = vector.bitcast %gather3A_1695 : vector<16xi32> to vector<32xbf16>
        %gather3A_1697 = tpu.vector_load_idx %arg11[%gather3A_1638, %add3A_36] : memref<500x128xi32, #tpu.memory_space<vmem>>[vector<16xi32>, vector<16xi32>], vector<16xi32>,
        %bitcast3A_1698 = vector.bitcast %gather3A_1697 : vector<16xi32> to vector<32xbf16>
        %get3A_1699 = arith.constant 0 : i32
        %get3A_1700 = arith.index_cast %get3A_1699 : i32 to index
        %get3A_1701 = arith.index_cast %add3A_1642 : i32 to index
        %get3A_1702 = arith.constant 32 : index
        %get3A_1703 = tpu.vector_load %arg13[%get3A_1700, %get3A_1701, %get3A_1702] {strides = array<i32>} : memref<4x32x128xi32, #tpu.memory_space<vmem>>, vector<16xi32>,
        %bitcast3A_1704 = vector.bitcast %get3A_1703 : vector<16xi32> to vector<32xbf16>
        %get3A_1705 = arith.constant 0 : i32
        %get3A_1706 = arith.index_cast %get3A_1705 : i32 to index
        %get3A_1707 = arith.index_cast %add3A_1642 : i32 to index
        %get3A_1708 = arith.constant 96 : index
        %get3A_1709 = tpu.vector_load %arg13[%get3A_1706, %get3A_1707, %get3A_1708] {strides = array<i32>} : memref<4x32x128xi32, #tpu.memory_space<vmem>>, vector<16xi32>,
        %bitcast3A_1710 = vector.bitcast %get3A_1709 : vector<16xi32> to vector<32xbf16>
        %mul3A_1711 = arith.mulf %bitcast3A_1696, %pack3A_1639 : vector<32xbf16>
        %mul3A_1712 = arith.mulf %bitcast3A_1698, %pack3A_1640 : vector<32xbf16>
        %mul3A_1713 = arith.mulf %bitcast3A_1704, %mul3A_1711 : vector<32xbf16>
        %mul3A_1714 = arith.mulf %bitcast3A_1710, %mul3A_1712 : vector<32xbf16>
        %sub3A_1715 = arith.subf %mul3A_1713, %mul3A_1714 : vector<32xbf16>
        %add3A_1716 = arith.addf %add3A_1599, %sub3A_1715 : vector<32xbf16>
        %mul3A_1717 = arith.mulf %bitcast3A_1704, %mul3A_1712 : vector<32xbf16>
        %mul3A_1718 = arith.mulf %bitcast3A_1710, %mul3A_1711 : vector<32xbf16>
        %add3A_1719 = arith.addf %mul3A_1717, %mul3A_1718 : vector<32xbf16>
        %add3A_1720 = arith.addf %add3A_1603, %add3A_1719 : vector<32xbf16>
        %gather3A_1721 = tpu.vector_load_idx %arg11[%gather3A_1638, %add3A_18] : memref<500x128xi32, #tpu.memory_space<vmem>>[vector<16xi32>, vector<16xi32>], vector<16xi32>,
        %bitcast3A_1722 = vector.bitcast %gather3A_1721 : vector<16xi32> to vector<32xbf16>
        %gather3A_1723 = tpu.vector_load_idx %arg11[%gather3A_1638, %add3A_42] : memref<500x128xi32, #tpu.memory_space<vmem>>[vector<16xi32>, vector<16xi32>], vector<16xi32>,
        %bitcast3A_1724 = vector.bitcast %gather3A_1723 : vector<16xi32> to vector<32xbf16>
        %get3A_1725 = arith.constant 0 : i32
        %get3A_1726 = arith.index_cast %get3A_1725 : i32 to index
        %get3A_1727 = arith.index_cast %add3A_1642 : i32 to index
        %get3A_1728 = arith.constant 48 : index
        %get3A_1729 = tpu.vector_load %arg13[%get3A_1726, %get3A_1727, %get3A_1728] {strides = array<i32>} : memref<4x32x128xi32, #tpu.memory_space<vmem>>, vector<16xi32>,
        %bitcast3A_1730 = vector.bitcast %get3A_1729 : vector<16xi32> to vector<32xbf16>
        %get3A_1731 = arith.constant 0 : i32
        %get3A_1732 = arith.index_cast %get3A_1731 : i32 to index
        %get3A_1733 = arith.index_cast %add3A_1642 : i32 to index
        %get3A_1734 = arith.constant 112 : index
        %get3A_1735 = tpu.vector_load %arg13[%get3A_1732, %get3A_1733, %get3A_1734] {strides = array<i32>} : memref<4x32x128xi32, #tpu.memory_space<vmem>>, vector<16xi32>,
        %bitcast3A_1736 = vector.bitcast %get3A_1735 : vector<16xi32> to vector<32xbf16>
        %mul3A_1737 = arith.mulf %bitcast3A_1722, %pack3A_1639 : vector<32xbf16>
        %mul3A_1738 = arith.mulf %bitcast3A_1724, %pack3A_1640 : vector<32xbf16>
        %mul3A_1739 = arith.mulf %bitcast3A_1730, %mul3A_1737 : vector<32xbf16>
        %mul3A_1740 = arith.mulf %bitcast3A_1736, %mul3A_1738 : vector<32xbf16>
        %sub3A_1741 = arith.subf %mul3A_1739, %mul3A_1740 : vector<32xbf16>
        %add3A_1742 = arith.addf %add3A_1625, %sub3A_1741 : vector<32xbf16>
        %mul3A_1743 = arith.mulf %bitcast3A_1730, %mul3A_1738 : vector<32xbf16>
        %mul3A_1744 = arith.mulf %bitcast3A_1736, %mul3A_1737 : vector<32xbf16>
        %add3A_1745 = arith.addf %mul3A_1743, %mul3A_1744 : vector<32xbf16>
        %add3A_1746 = arith.addf %add3A_1629, %add3A_1745 : vector<32xbf16>
        scf.yield %add3A_1664, %add3A_1668, %add3A_1690, %add3A_1694, %add3A_1716, %add3A_1720, %add3A_1742, %add3A_1746 : vector<32xbf16>, vector<32xbf16>, vector<32xbf16>, vector<32xbf16>, vector<32xbf16>, vector<32xbf16>, vector<32xbf16>, vector<32xbf16>
      }
      %scan3A_306 = arith.constant 16 : i32
      %unpack3A = tpu.unpack_subelements %scan3A_305#0, 0 {pack_format = #tpu.pack_format<interleaved>} : vector<32xbf16> -> vector<16xf32>
      %unpack3A_307 = tpu.unpack_subelements %scan3A_305#0, 1 {pack_format = #tpu.pack_format<interleaved>} : vector<32xbf16> -> vector<16xf32>
      %unpack3A_308 = tpu.unpack_subelements %scan3A_305#1, 0 {pack_format = #tpu.pack_format<interleaved>} : vector<32xbf16> -> vector<16xf32>
      %unpack3A_309 = tpu.unpack_subelements %scan3A_305#1, 1 {pack_format = #tpu.pack_format<interleaved>} : vector<32xbf16> -> vector<16xf32>
      %get3A_310 = arith.constant 0 : i32
      %get3A_311 = arith.constant 0 : i32
      %get3A_312 = arith.index_cast %get3A_310 : i32 to index
      %get3A_313 = arith.index_cast %get3A_311 : i32 to index
      %get3A_314 = arith.constant 0 : index
      %get3A_315 = tpu.vector_load %arg14[%get3A_312, %get3A_313, %get3A_314] {strides = array<i32>} : memref<4x1x256xf32, #tpu.memory_space<vmem>>, vector<16xf32>,
      %mul3A_316 = arith.mulf %get3A_43, %unpack3A : vector<16xf32>
      %add3A_317 = arith.addf %get3A_315, %mul3A_316 : vector<16xf32>
      %swap3A = arith.constant 0 : i32
      %swap3A_318 = arith.index_cast %swap3A : i32 to index
      %swap3A_319 = arith.constant 0 : index
      %swap3A_320 = tpu.vector_load %arg15[%swap3A_318, %swap3A_319] {strides = array<i32>} : memref<4x256xf32, #tpu.memory_space<vmem>>, vector<16xf32>,
      tpu.vector_store %arg15[%swap3A_318, %swap3A_319], %add3A_317 {strides = array<i32>} : memref<4x256xf32, #tpu.memory_space<vmem>>, vector<16xf32>,
      %get3A_321 = arith.constant 0 : i32
      %get3A_322 = arith.constant 0 : i32
      %get3A_323 = arith.index_cast %get3A_321 : i32 to index
      %get3A_324 = arith.index_cast %get3A_322 : i32 to index
      %get3A_325 = arith.constant 64 : index
      %get3A_326 = tpu.vector_load %arg14[%get3A_323, %get3A_324, %get3A_325] {strides = array<i32>} : memref<4x1x256xf32, #tpu.memory_space<vmem>>, vector<16xf32>,
      %mul3A_327 = arith.mulf %get3A_51, %unpack3A_307 : vector<16xf32>
      %add3A_328 = arith.addf %get3A_326, %mul3A_327 : vector<16xf32>
      %swap3A_329 = arith.constant 0 : i32
      %swap3A_330 = arith.index_cast %swap3A_329 : i32 to index
      %swap3A_331 = arith.constant 64 : index
      %swap3A_332 = tpu.vector_load %arg15[%swap3A_330, %swap3A_331] {strides = array<i32>} : memref<4x256xf32, #tpu.memory_space<vmem>>, vector<16xf32>,
      tpu.vector_store %arg15[%swap3A_330, %swap3A_331], %add3A_328 {strides = array<i32>} : memref<4x256xf32, #tpu.memory_space<vmem>>, vector<16xf32>,
      %get3A_333 = arith.constant 0 : i32
      %get3A_334 = arith.constant 0 : i32
      %get3A_335 = arith.index_cast %get3A_333 : i32 to index
      %get3A_336 = arith.index_cast %get3A_334 : i32 to index
      %get3A_337 = arith.constant 128 : index
      %get3A_338 = tpu.vector_load %arg14[%get3A_335, %get3A_336, %get3A_337] {strides = array<i32>} : memref<4x1x256xf32, #tpu.memory_space<vmem>>, vector<16xf32>,
      %mul3A_339 = arith.mulf %get3A_43, %unpack3A_308 : vector<16xf32>
      %add3A_340 = arith.addf %get3A_338, %mul3A_339 : vector<16xf32>
      %swap3A_341 = arith.constant 0 : i32
      %swap3A_342 = arith.index_cast %swap3A_341 : i32 to index
      %swap3A_343 = arith.constant 128 : index
      %swap3A_344 = tpu.vector_load %arg15[%swap3A_342, %swap3A_343] {strides = array<i32>} : memref<4x256xf32, #tpu.memory_space<vmem>>, vector<16xf32>,
      tpu.vector_store %arg15[%swap3A_342, %swap3A_343], %add3A_340 {strides = array<i32>} : memref<4x256xf32, #tpu.memory_space<vmem>>, vector<16xf32>,
      %get3A_345 = arith.constant 0 : i32
      %get3A_346 = arith.constant 0 : i32
      %get3A_347 = arith.index_cast %get3A_345 : i32 to index
      %get3A_348 = arith.index_cast %get3A_346 : i32 to index
      %get3A_349 = arith.constant 192 : index
      %get3A_350 = tpu.vector_load %arg14[%get3A_347, %get3A_348, %get3A_349] {strides = array<i32>} : memref<4x1x256xf32, #tpu.memory_space<vmem>>, vector<16xf32>,
      %mul3A_351 = arith.mulf %get3A_51, %unpack3A_309 : vector<16xf32>
      %add3A_352 = arith.addf %get3A_350, %mul3A_351 : vector<16xf32>
      %swap3A_353 = arith.constant 0 : i32
      %swap3A_354 = arith.index_cast %swap3A_353 : i32 to index
      %swap3A_355 = arith.constant 192 : index
      %swap3A_356 = tpu.vector_load %arg15[%swap3A_354, %swap3A_355] {strides = array<i32>} : memref<4x256xf32, #tpu.memory_space<vmem>>, vector<16xf32>,
      tpu.vector_store %arg15[%swap3A_354, %swap3A_355], %add3A_352 {strides = array<i32>} : memref<4x256xf32, #tpu.memory_space<vmem>>, vector<16xf32>,
      %unpack3A_357 = tpu.unpack_subelements %scan3A_305#2, 0 {pack_format = #tpu.pack_format<interleaved>} : vector<32xbf16> -> vector<16xf32>
      %unpack3A_358 = tpu.unpack_subelements %scan3A_305#2, 1 {pack_format = #tpu.pack_format<interleaved>} : vector<32xbf16> -> vector<16xf32>
      %unpack3A_359 = tpu.unpack_subelements %scan3A_305#3, 0 {pack_format = #tpu.pack_format<interleaved>} : vector<32xbf16> -> vector<16xf32>
      %unpack3A_360 = tpu.unpack_subelements %scan3A_305#3, 1 {pack_format = #tpu.pack_format<interleaved>} : vector<32xbf16> -> vector<16xf32>
      %get3A_361 = arith.constant 0 : i32
      %get3A_362 = arith.constant 0 : i32
      %get3A_363 = arith.index_cast %get3A_361 : i32 to index
      %get3A_364 = arith.index_cast %get3A_362 : i32 to index
      %get3A_365 = arith.constant 16 : index
      %get3A_366 = tpu.vector_load %arg14[%get3A_363, %get3A_364, %get3A_365] {strides = array<i32>} : memref<4x1x256xf32, #tpu.memory_space<vmem>>, vector<16xf32>,
      %mul3A_367 = arith.mulf %get3A_45, %unpack3A_357 : vector<16xf32>
      %add3A_368 = arith.addf %get3A_366, %mul3A_367 : vector<16xf32>
      %swap3A_369 = arith.constant 0 : i32
      %swap3A_370 = arith.index_cast %swap3A_369 : i32 to index
      %swap3A_371 = arith.constant 16 : index
      %swap3A_372 = tpu.vector_load %arg15[%swap3A_370, %swap3A_371] {strides = array<i32>} : memref<4x256xf32, #tpu.memory_space<vmem>>, vector<16xf32>,
      tpu.vector_store %arg15[%swap3A_370, %swap3A_371], %add3A_368 {strides = array<i32>} : memref<4x256xf32, #tpu.memory_space<vmem>>, vector<16xf32>,
      %get3A_373 = arith.constant 0 : i32
      %get3A_374 = arith.constant 0 : i32
      %get3A_375 = arith.index_cast %get3A_373 : i32 to index
      %get3A_376 = arith.index_cast %get3A_374 : i32 to index
      %get3A_377 = arith.constant 80 : index
      %get3A_378 = tpu.vector_load %arg14[%get3A_375, %get3A_376, %get3A_377] {strides = array<i32>} : memref<4x1x256xf32, #tpu.memory_space<vmem>>, vector<16xf32>,
      %mul3A_379 = arith.mulf %get3A_53, %unpack3A_358 : vector<16xf32>
      %add3A_380 = arith.addf %get3A_378, %mul3A_379 : vector<16xf32>
      %swap3A_381 = arith.constant 0 : i32
      %swap3A_382 = arith.index_cast %swap3A_381 : i32 to index
      %swap3A_383 = arith.constant 80 : index
      %swap3A_384 = tpu.vector_load %arg15[%swap3A_382, %swap3A_383] {strides = array<i32>} : memref<4x256xf32, #tpu.memory_space<vmem>>, vector<16xf32>,
      tpu.vector_store %arg15[%swap3A_382, %swap3A_383], %add3A_380 {strides = array<i32>} : memref<4x256xf32, #tpu.memory_space<vmem>>, vector<16xf32>,
      %get3A_385 = arith.constant 0 : i32
      %get3A_386 = arith.constant 0 : i32
      %get3A_387 = arith.index_cast %get3A_385 : i32 to index
      %get3A_388 = arith.index_cast %get3A_386 : i32 to index
      %get3A_389 = arith.constant 144 : index
      %get3A_390 = tpu.vector_load %arg14[%get3A_387, %get3A_388, %get3A_389] {strides = array<i32>} : memref<4x1x256xf32, #tpu.memory_space<vmem>>, vector<16xf32>,
      %mul3A_391 = arith.mulf %get3A_45, %unpack3A_359 : vector<16xf32>
      %add3A_392 = arith.addf %get3A_390, %mul3A_391 : vector<16xf32>
      %swap3A_393 = arith.constant 0 : i32
      %swap3A_394 = arith.index_cast %swap3A_393 : i32 to index
      %swap3A_395 = arith.constant 144 : index
      %swap3A_396 = tpu.vector_load %arg15[%swap3A_394, %swap3A_395] {strides = array<i32>} : memref<4x256xf32, #tpu.memory_space<vmem>>, vector<16xf32>,
      tpu.vector_store %arg15[%swap3A_394, %swap3A_395], %add3A_392 {strides = array<i32>} : memref<4x256xf32, #tpu.memory_space<vmem>>, vector<16xf32>,
      %get3A_397 = arith.constant 0 : i32
      %get3A_398 = arith.constant 0 : i32
      %get3A_399 = arith.index_cast %get3A_397 : i32 to index
      %get3A_400 = arith.index_cast %get3A_398 : i32 to index
      %get3A_401 = arith.constant 208 : index
      %get3A_402 = tpu.vector_load %arg14[%get3A_399, %get3A_400, %get3A_401] {strides = array<i32>} : memref<4x1x256xf32, #tpu.memory_space<vmem>>, vector<16xf32>,
      %mul3A_403 = arith.mulf %get3A_53, %unpack3A_360 : vector<16xf32>
      %add3A_404 = arith.addf %get3A_402, %mul3A_403 : vector<16xf32>
      %swap3A_405 = arith.constant 0 : i32
      %swap3A_406 = arith.index_cast %swap3A_405 : i32 to index
      %swap3A_407 = arith.constant 208 : index
      %swap3A_408 = tpu.vector_load %arg15[%swap3A_406, %swap3A_407] {strides = array<i32>} : memref<4x256xf32, #tpu.memory_space<vmem>>, vector<16xf32>,
      tpu.vector_store %arg15[%swap3A_406, %swap3A_407], %add3A_404 {strides = array<i32>} : memref<4x256xf32, #tpu.memory_space<vmem>>, vector<16xf32>,
      %unpack3A_409 = tpu.unpack_subelements %scan3A_305#4, 0 {pack_format = #tpu.pack_format<interleaved>} : vector<32xbf16> -> vector<16xf32>
      %unpack3A_410 = tpu.unpack_subelements %scan3A_305#4, 1 {pack_format = #tpu.pack_format<interleaved>} : vector<32xbf16> -> vector<16xf32>
      %unpack3A_411 = tpu.unpack_subelements %scan3A_305#5, 0 {pack_format = #tpu.pack_format<interleaved>} : vector<32xbf16> -> vector<16xf32>
      %unpack3A_412 = tpu.unpack_subelements %scan3A_305#5, 1 {pack_format = #tpu.pack_format<interleaved>} : vector<32xbf16> -> vector<16xf32>
      %get3A_413 = arith.constant 0 : i32
      %get3A_414 = arith.constant 0 : i32
      %get3A_415 = arith.index_cast %get3A_413 : i32 to index
      %get3A_416 = arith.index_cast %get3A_414 : i32 to index
      %get3A_417 = arith.constant 32 : index
      %get3A_418 = tpu.vector_load %arg14[%get3A_415, %get3A_416, %get3A_417] {strides = array<i32>} : memref<4x1x256xf32, #tpu.memory_space<vmem>>, vector<16xf32>,
      %mul3A_419 = arith.mulf %get3A_47, %unpack3A_409 : vector<16xf32>
      %add3A_420 = arith.addf %get3A_418, %mul3A_419 : vector<16xf32>
      %swap3A_421 = arith.constant 0 : i32
      %swap3A_422 = arith.index_cast %swap3A_421 : i32 to index
      %swap3A_423 = arith.constant 32 : index
      %swap3A_424 = tpu.vector_load %arg15[%swap3A_422, %swap3A_423] {strides = array<i32>} : memref<4x256xf32, #tpu.memory_space<vmem>>, vector<16xf32>,
      tpu.vector_store %arg15[%swap3A_422, %swap3A_423], %add3A_420 {strides = array<i32>} : memref<4x256xf32, #tpu.memory_space<vmem>>, vector<16xf32>,
      %get3A_425 = arith.constant 0 : i32
      %get3A_426 = arith.constant 0 : i32
      %get3A_427 = arith.index_cast %get3A_425 : i32 to index
      %get3A_428 = arith.index_cast %get3A_426 : i32 to index
      %get3A_429 = arith.constant 96 : index
      %get3A_430 = tpu.vector_load %arg14[%get3A_427, %get3A_428, %get3A_429] {strides = array<i32>} : memref<4x1x256xf32, #tpu.memory_space<vmem>>, vector<16xf32>,
      %mul3A_431 = arith.mulf %get3A_55, %unpack3A_410 : vector<16xf32>
      %add3A_432 = arith.addf %get3A_430, %mul3A_431 : vector<16xf32>
      %swap3A_433 = arith.constant 0 : i32
      %swap3A_434 = arith.index_cast %swap3A_433 : i32 to index
      %swap3A_435 = arith.constant 96 : index
      %swap3A_436 = tpu.vector_load %arg15[%swap3A_434, %swap3A_435] {strides = array<i32>} : memref<4x256xf32, #tpu.memory_space<vmem>>, vector<16xf32>,
      tpu.vector_store %arg15[%swap3A_434, %swap3A_435], %add3A_432 {strides = array<i32>} : memref<4x256xf32, #tpu.memory_space<vmem>>, vector<16xf32>,
      %get3A_437 = arith.constant 0 : i32
      %get3A_438 = arith.constant 0 : i32
      %get3A_439 = arith.index_cast %get3A_437 : i32 to index
      %get3A_440 = arith.index_cast %get3A_438 : i32 to index
      %get3A_441 = arith.constant 160 : index
      %get3A_442 = tpu.vector_load %arg14[%get3A_439, %get3A_440, %get3A_441] {strides = array<i32>} : memref<4x1x256xf32, #tpu.memory_space<vmem>>, vector<16xf32>,
      %mul3A_443 = arith.mulf %get3A_47, %unpack3A_411 : vector<16xf32>
      %add3A_444 = arith.addf %get3A_442, %mul3A_443 : vector<16xf32>
      %swap3A_445 = arith.constant 0 : i32
      %swap3A_446 = arith.index_cast %swap3A_445 : i32 to index
      %swap3A_447 = arith.constant 160 : index
      %swap3A_448 = tpu.vector_load %arg15[%swap3A_446, %swap3A_447] {strides = array<i32>} : memref<4x256xf32, #tpu.memory_space<vmem>>, vector<16xf32>,
      tpu.vector_store %arg15[%swap3A_446, %swap3A_447], %add3A_444 {strides = array<i32>} : memref<4x256xf32, #tpu.memory_space<vmem>>, vector<16xf32>,
      %get3A_449 = arith.constant 0 : i32
      %get3A_450 = arith.constant 0 : i32
      %get3A_451 = arith.index_cast %get3A_449 : i32 to index
      %get3A_452 = arith.index_cast %get3A_450 : i32 to index
      %get3A_453 = arith.constant 224 : index
      %get3A_454 = tpu.vector_load %arg14[%get3A_451, %get3A_452, %get3A_453] {strides = array<i32>} : memref<4x1x256xf32, #tpu.memory_space<vmem>>, vector<16xf32>,
      %mul3A_455 = arith.mulf %get3A_55, %unpack3A_412 : vector<16xf32>
      %add3A_456 = arith.addf %get3A_454, %mul3A_455 : vector<16xf32>
      %swap3A_457 = arith.constant 0 : i32
      %swap3A_458 = arith.index_cast %swap3A_457 : i32 to index
      %swap3A_459 = arith.constant 224 : index
      %swap3A_460 = tpu.vector_load %arg15[%swap3A_458, %swap3A_459] {strides = array<i32>} : memref<4x256xf32, #tpu.memory_space<vmem>>, vector<16xf32>,
      tpu.vector_store %arg15[%swap3A_458, %swap3A_459], %add3A_456 {strides = array<i32>} : memref<4x256xf32, #tpu.memory_space<vmem>>, vector<16xf32>,
      %unpack3A_461 = tpu.unpack_subelements %scan3A_305#6, 0 {pack_format = #tpu.pack_format<interleaved>} : vector<32xbf16> -> vector<16xf32>
      %unpack3A_462 = tpu.unpack_subelements %scan3A_305#6, 1 {pack_format = #tpu.pack_format<interleaved>} : vector<32xbf16> -> vector<16xf32>
      %unpack3A_463 = tpu.unpack_subelements %scan3A_305#7, 0 {pack_format = #tpu.pack_format<interleaved>} : vector<32xbf16> -> vector<16xf32>
      %unpack3A_464 = tpu.unpack_subelements %scan3A_305#7, 1 {pack_format = #tpu.pack_format<interleaved>} : vector<32xbf16> -> vector<16xf32>
      %get3A_465 = arith.constant 0 : i32
      %get3A_466 = arith.constant 0 : i32
      %get3A_467 = arith.index_cast %get3A_465 : i32 to index
      %get3A_468 = arith.index_cast %get3A_466 : i32 to index
      %get3A_469 = arith.constant 48 : index
      %get3A_470 = tpu.vector_load %arg14[%get3A_467, %get3A_468, %get3A_469] {strides = array<i32>} : memref<4x1x256xf32, #tpu.memory_space<vmem>>, vector<16xf32>,
      %mul3A_471 = arith.mulf %get3A_49, %unpack3A_461 : vector<16xf32>
      %add3A_472 = arith.addf %get3A_470, %mul3A_471 : vector<16xf32>
      %swap3A_473 = arith.constant 0 : i32
      %swap3A_474 = arith.index_cast %swap3A_473 : i32 to index
      %swap3A_475 = arith.constant 48 : index
      %swap3A_476 = tpu.vector_load %arg15[%swap3A_474, %swap3A_475] {strides = array<i32>} : memref<4x256xf32, #tpu.memory_space<vmem>>, vector<16xf32>,
      tpu.vector_store %arg15[%swap3A_474, %swap3A_475], %add3A_472 {strides = array<i32>} : memref<4x256xf32, #tpu.memory_space<vmem>>, vector<16xf32>,
      %get3A_477 = arith.constant 0 : i32
      %get3A_478 = arith.constant 0 : i32
      %get3A_479 = arith.index_cast %get3A_477 : i32 to index
      %get3A_480 = arith.index_cast %get3A_478 : i32 to index
      %get3A_481 = arith.constant 112 : index
      %get3A_482 = tpu.vector_load %arg14[%get3A_479, %get3A_480, %get3A_481] {strides = array<i32>} : memref<4x1x256xf32, #tpu.memory_space<vmem>>, vector<16xf32>,
      %mul3A_483 = arith.mulf %get3A_57, %unpack3A_462 : vector<16xf32>
      %add3A_484 = arith.addf %get3A_482, %mul3A_483 : vector<16xf32>
      %swap3A_485 = arith.constant 0 : i32
      %swap3A_486 = arith.index_cast %swap3A_485 : i32 to index
      %swap3A_487 = arith.constant 112 : index
      %swap3A_488 = tpu.vector_load %arg15[%swap3A_486, %swap3A_487] {strides = array<i32>} : memref<4x256xf32, #tpu.memory_space<vmem>>, vector<16xf32>,
      tpu.vector_store %arg15[%swap3A_486, %swap3A_487], %add3A_484 {strides = array<i32>} : memref<4x256xf32, #tpu.memory_space<vmem>>, vector<16xf32>,
      %get3A_489 = arith.constant 0 : i32
      %get3A_490 = arith.constant 0 : i32
      %get3A_491 = arith.index_cast %get3A_489 : i32 to index
      %get3A_492 = arith.index_cast %get3A_490 : i32 to index
      %get3A_493 = arith.constant 176 : index
      %get3A_494 = tpu.vector_load %arg14[%get3A_491, %get3A_492, %get3A_493] {strides = array<i32>} : memref<4x1x256xf32, #tpu.memory_space<vmem>>, vector<16xf32>,
      %mul3A_495 = arith.mulf %get3A_49, %unpack3A_463 : vector<16xf32>
      %add3A_496 = arith.addf %get3A_494, %mul3A_495 : vector<16xf32>
      %swap3A_497 = arith.constant 0 : i32
      %swap3A_498 = arith.index_cast %swap3A_497 : i32 to index
      %swap3A_499 = arith.constant 176 : index
      %swap3A_500 = tpu.vector_load %arg15[%swap3A_498, %swap3A_499] {strides = array<i32>} : memref<4x256xf32, #tpu.memory_space<vmem>>, vector<16xf32>,
      tpu.vector_store %arg15[%swap3A_498, %swap3A_499], %add3A_496 {strides = array<i32>} : memref<4x256xf32, #tpu.memory_space<vmem>>, vector<16xf32>,
      %get3A_501 = arith.constant 0 : i32
      %get3A_502 = arith.constant 0 : i32
      %get3A_503 = arith.index_cast %get3A_501 : i32 to index
      %get3A_504 = arith.index_cast %get3A_502 : i32 to index
      %get3A_505 = arith.constant 240 : index
      %get3A_506 = tpu.vector_load %arg14[%get3A_503, %get3A_504, %get3A_505] {strides = array<i32>} : memref<4x1x256xf32, #tpu.memory_space<vmem>>, vector<16xf32>,
      %mul3A_507 = arith.mulf %get3A_57, %unpack3A_464 : vector<16xf32>
      %add3A_508 = arith.addf %get3A_506, %mul3A_507 : vector<16xf32>
      %swap3A_509 = arith.constant 0 : i32
      %swap3A_510 = arith.index_cast %swap3A_509 : i32 to index
      %swap3A_511 = arith.constant 240 : index
      %swap3A_512 = tpu.vector_load %arg15[%swap3A_510, %swap3A_511] {strides = array<i32>} : memref<4x256xf32, #tpu.memory_space<vmem>>, vector<16xf32>,
      tpu.vector_store %arg15[%swap3A_510, %swap3A_511], %add3A_508 {strides = array<i32>} : memref<4x256xf32, #tpu.memory_space<vmem>>, vector<16xf32>,
      %add3A_513 = arith.addi %mul3A_2, %add3A_223 : i32
      %dma_start3A_514 = arith.constant 0 : i32
      %dma_start3A_515 = arith.constant 0 : i32
      %dma_start3A_516 = tpu.memref_slice %arg15[%dma_start3A_514, %dma_start3A_515] : memref<4x256xf32, #tpu.memory_space<vmem>> -> memref<1x256xf32, #tpu.memory_space<vmem>>
      %dma_start3A_517 = tpu.memref_squeeze %dma_start3A_516 : memref<1x256xf32, #tpu.memory_space<vmem>> -> memref<256xf32, #tpu.memory_space<vmem>>
      %dma_start3A_518 = arith.constant 0 : i32
      %dma_start3A_519 = tpu.memref_slice %arg8[%add3A_513, %dma_start3A_518] : memref<4096x256xf32, #tpu.memory_space<hbm>> -> memref<1x256xf32, #tpu.memory_space<hbm>>
      %dma_start3A_520 = tpu.memref_squeeze %dma_start3A_519 : memref<1x256xf32, #tpu.memory_space<hbm>> -> memref<256xf32, #tpu.memory_space<hbm>>
      %dma_start3A_521 = arith.constant 0 : i32
      %dma_start3A_522 = tpu.memref_slice %arg8[%add3A_513, %dma_start3A_521] : memref<4096x256xf32, #tpu.memory_space<hbm>> -> memref<1x256xf32, #tpu.memory_space<hbm>>
      %dma_start3A_523 = tpu.memref_squeeze %dma_start3A_522 : memref<1x256xf32, #tpu.memory_space<hbm>> -> memref<256xf32, #tpu.memory_space<hbm>>
      %dma_start3A_524 = arith.constant 0 : i32
      %dma_start3A_525 = tpu.memref_slice %arg15[%dma_start3A_514, %dma_start3A_524] : memref<4x256xf32, #tpu.memory_space<vmem>> -> memref<1x256xf32, #tpu.memory_space<vmem>>
      %dma_start3A_526 = tpu.memref_squeeze %dma_start3A_525 : memref<1x256xf32, #tpu.memory_space<vmem>> -> memref<256xf32, #tpu.memory_space<vmem>>
      tpu.enqueue_dma source(%dma_start3A_526 : memref<256xf32, #tpu.memory_space<vmem>>) target(%dma_start3A_523 : memref<256xf32, #tpu.memory_space<hbm>>) target_semaphore(%arg25 : memref<!tpu.dma_semaphore, #tpu.memory_space<semaphore_mem>>)
      %add3A_527 = arith.constant 4 : i32
      %add3A_528 = arith.addi %add3A_223, %add3A_527 : i32
      %lt3A = arith.constant 128 : i32
      %lt3A_529 = arith.cmpi slt, %add3A_528, %lt3A : i32
      %convert_element_type3A_530 = arith.extui %lt3A_529 : i1 to i32
      %cond3A_531 = arith.constant 0 : i32
      %cond3A_532 = arith.cmpi ne, %convert_element_type3A_530, %cond3A_531 : i32
      scf.if %cond3A_532 {
        %dma_start3A_1505 = arith.constant 0 : i32
        %dma_start3A_1506 = arith.constant 0 : i32
        %dma_start3A_1507 = arith.constant 0 : i32
        %dma_start3A_1508 = tpu.memref_slice %arg13[%dma_start3A_1505, %dma_start3A_1506, %dma_start3A_1507] : memref<4x32x128xi32, #tpu.memory_space<vmem>> -> memref<1x32x128xi32, #tpu.memory_space<vmem>>
        %dma_start3A_1509 = tpu.memref_squeeze %dma_start3A_1508 : memref<1x32x128xi32, #tpu.memory_space<vmem>> -> memref<32x128xi32, #tpu.memory_space<vmem>>
        %dma_start3A_1510 = arith.constant 0 : i32
        %dma_start3A_1511 = tpu.memref_slice %arg10[%add3A_528, %dma_start3A_1510] : memref<128x128xi32, #tpu.memory_space<vmem>> -> memref<1x32xi32, #tpu.memory_space<vmem>>
        %dma_start3A_1512 = tpu.memref_squeeze %dma_start3A_1511 : memref<1x32xi32, #tpu.memory_space<vmem>> -> memref<32xi32, #tpu.memory_space<vmem>>
        %dma_start3A_1513 = arith.constant 0 : i32
        %dma_start3A_1514 = arith.constant 0 : i32
        %dma_start3A_1515 = tpu.memref_slice %arg5[%dma_start3A_1513, %dma_start3A_1514] : memref<10000x128xi32, #tpu.memory_space<hbm>> -> memref<10000x128xi32, #tpu.memory_space<hbm>>
        tpu.enqueue_indirect_dma source(%dma_start3A_1515 : memref<10000x128xi32, #tpu.memory_space<hbm>>) target(%dma_start3A_1509 : memref<32x128xi32, #tpu.memory_space<vmem>>) offsets(%dma_start3A_1512 : memref<32xi32, #tpu.memory_space<vmem>>) semaphore(%arg17 : memref<!tpu.dma_semaphore, #tpu.memory_space<semaphore_mem>>)
        %dma_start3A_1516 = arith.constant 0 : i32
        %dma_start3A_1517 = arith.constant 0 : i32
        %dma_start3A_1518 = arith.constant 0 : i32
        %dma_start3A_1519 = tpu.memref_slice %arg14[%dma_start3A_1516, %dma_start3A_1517, %dma_start3A_1518] : memref<4x1x256xf32, #tpu.memory_space<vmem>> -> memref<1x1x256xf32, #tpu.memory_space<vmem>>
        %dma_start3A_1520 = tpu.memref_squeeze %dma_start3A_1519 : memref<1x1x256xf32, #tpu.memory_space<vmem>> -> memref<1x256xf32, #tpu.memory_space<vmem>>
        %dma_start3A_1521 = arith.constant 96 : i32
        %dma_start3A_1522 = tpu.memref_slice %arg10[%add3A_528, %dma_start3A_1521] : memref<128x128xi32, #tpu.memory_space<vmem>> -> memref<1x1xi32, #tpu.memory_space<vmem>>
        %dma_start3A_1523 = tpu.memref_squeeze %dma_start3A_1522 : memref<1x1xi32, #tpu.memory_space<vmem>> -> memref<1xi32, #tpu.memory_space<vmem>>
        %dma_start3A_1524 = arith.constant 0 : i32
        %dma_start3A_1525 = arith.constant 0 : i32
        %dma_start3A_1526 = tpu.memref_slice %arg4[%dma_start3A_1524, %dma_start3A_1525] : memref<10000x256xf32, #tpu.memory_space<hbm>> -> memref<10000x256xf32, #tpu.memory_space<hbm>>
        tpu.enqueue_indirect_dma source(%dma_start3A_1526 : memref<10000x256xf32, #tpu.memory_space<hbm>>) target(%dma_start3A_1520 : memref<1x256xf32, #tpu.memory_space<vmem>>) offsets(%dma_start3A_1523 : memref<1xi32, #tpu.memory_space<vmem>>) semaphore(%arg21 : memref<!tpu.dma_semaphore, #tpu.memory_space<semaphore_mem>>)
      } else {
      }
      %mul3A_533 = arith.constant 4 : i32
      %mul3A_534 = arith.muli %mul3A_533, %scan3A_219 : i32
      %add3A_535 = arith.constant 1 : i32
      %add3A_536 = arith.addi %mul3A_534, %add3A_535 : i32
      %dma_wait3A_537 = arith.constant 1 : i32
      %dma_wait3A_538 = arith.constant 0 : i32
      %dma_wait3A_539 = arith.constant 0 : i32
      %dma_wait3A_540 = tpu.memref_slice %arg13[%dma_wait3A_537, %dma_wait3A_538, %dma_wait3A_539] : memref<4x32x128xi32, #tpu.memory_space<vmem>> -> memref<1x32x128xi32, #tpu.memory_space<vmem>>
      %dma_wait3A_541 = tpu.memref_squeeze %dma_wait3A_540 : memref<1x32x128xi32, #tpu.memory_space<vmem>> -> memref<32x128xi32, #tpu.memory_space<vmem>>
      %dma_wait3A_542 = arith.constant 0 : i32
      %dma_wait3A_543 = tpu.memref_slice %arg10[%add3A_536, %dma_wait3A_542] : memref<128x128xi32, #tpu.memory_space<vmem>> -> memref<1x32xi32, #tpu.memory_space<vmem>>
      %dma_wait3A_544 = tpu.memref_squeeze %dma_wait3A_543 : memref<1x32xi32, #tpu.memory_space<vmem>> -> memref<32xi32, #tpu.memory_space<vmem>>
      %dma_wait3A_545 = arith.constant 0 : i32
      %dma_wait3A_546 = arith.constant 0 : i32
      %dma_wait3A_547 = tpu.memref_slice %arg5[%dma_wait3A_545, %dma_wait3A_546] : memref<10000x128xi32, #tpu.memory_space<hbm>> -> memref<10000x128xi32, #tpu.memory_space<hbm>>
      tpu.wait_indirect_dma semaphore(%arg18 : memref<!tpu.dma_semaphore, #tpu.memory_space<semaphore_mem>>) src(%dma_wait3A_547 : memref<10000x128xi32, #tpu.memory_space<hbm>>) dst(%dma_wait3A_541 : memref<32x128xi32, #tpu.memory_space<vmem>>)
      %dma_wait3A_548 = arith.constant 1 : i32
      %dma_wait3A_549 = arith.constant 0 : i32
      %dma_wait3A_550 = arith.constant 0 : i32
      %dma_wait3A_551 = tpu.memref_slice %arg14[%dma_wait3A_548, %dma_wait3A_549, %dma_wait3A_550] : memref<4x1x256xf32, #tpu.memory_space<vmem>> -> memref<1x1x256xf32, #tpu.memory_space<vmem>>
      %dma_wait3A_552 = tpu.memref_squeeze %dma_wait3A_551 : memref<1x1x256xf32, #tpu.memory_space<vmem>> -> memref<1x256xf32, #tpu.memory_space<vmem>>
      %dma_wait3A_553 = arith.constant 96 : i32
      %dma_wait3A_554 = tpu.memref_slice %arg10[%add3A_536, %dma_wait3A_553] : memref<128x128xi32, #tpu.memory_space<vmem>> -> memref<1x1xi32, #tpu.memory_space<vmem>>
      %dma_wait3A_555 = tpu.memref_squeeze %dma_wait3A_554 : memref<1x1xi32, #tpu.memory_space<vmem>> -> memref<1xi32, #tpu.memory_space<vmem>>
      %dma_wait3A_556 = arith.constant 0 : i32
      %dma_wait3A_557 = arith.constant 0 : i32
      %dma_wait3A_558 = tpu.memref_slice %arg4[%dma_wait3A_556, %dma_wait3A_557] : memref<10000x256xf32, #tpu.memory_space<hbm>> -> memref<10000x256xf32, #tpu.memory_space<hbm>>
      tpu.wait_indirect_dma semaphore(%arg22 : memref<!tpu.dma_semaphore, #tpu.memory_space<semaphore_mem>>) src(%dma_wait3A_558 : memref<10000x256xf32, #tpu.memory_space<hbm>>) dst(%dma_wait3A_552 : memref<1x256xf32, #tpu.memory_space<vmem>>)
      %ge3A_559 = arith.constant 4 : i32
      %ge3A_560 = arith.cmpi sge, %add3A_536, %ge3A_559 : i32
      %convert_element_type3A_561 = arith.extui %ge3A_560 : i1 to i32
      %cond3A_562 = arith.constant 0 : i32
      %cond3A_563 = arith.cmpi ne, %convert_element_type3A_561, %cond3A_562 : i32
      scf.if %cond3A_563 {
        %sub3A_1505 = arith.constant 4 : i32
        %sub3A_1506 = arith.subi %add3A_536, %sub3A_1505 : i32
        %add3A_1507 = arith.addi %mul3A_2, %sub3A_1506 : i32
        %dma_wait3A_1508 = arith.constant 1 : i32
        %dma_wait3A_1509 = arith.constant 0 : i32
        %dma_wait3A_1510 = tpu.memref_slice %arg15[%dma_wait3A_1508, %dma_wait3A_1509] : memref<4x256xf32, #tpu.memory_space<vmem>> -> memref<1x256xf32, #tpu.memory_space<vmem>>
        %dma_wait3A_1511 = tpu.memref_squeeze %dma_wait3A_1510 : memref<1x256xf32, #tpu.memory_space<vmem>> -> memref<256xf32, #tpu.memory_space<vmem>>
        %dma_wait3A_1512 = arith.constant 0 : i32
        %dma_wait3A_1513 = tpu.memref_slice %arg8[%add3A_1507, %dma_wait3A_1512] : memref<4096x256xf32, #tpu.memory_space<hbm>> -> memref<1x256xf32, #tpu.memory_space<hbm>>
        %dma_wait3A_1514 = tpu.memref_squeeze %dma_wait3A_1513 : memref<1x256xf32, #tpu.memory_space<hbm>> -> memref<256xf32, #tpu.memory_space<hbm>>
        %dma_wait3A_1515 = arith.constant 0 : i32
        %dma_wait3A_1516 = tpu.memref_slice %arg8[%add3A_1507, %dma_wait3A_1515] : memref<4096x256xf32, #tpu.memory_space<hbm>> -> memref<1x256xf32, #tpu.memory_space<hbm>>
        %dma_wait3A_1517 = tpu.memref_squeeze %dma_wait3A_1516 : memref<1x256xf32, #tpu.memory_space<hbm>> -> memref<256xf32, #tpu.memory_space<hbm>>
        %dma_wait3A_1518 = arith.constant 0 : i32
        %dma_wait3A_1519 = tpu.memref_slice %arg15[%dma_wait3A_1508, %dma_wait3A_1518] : memref<4x256xf32, #tpu.memory_space<vmem>> -> memref<1x256xf32, #tpu.memory_space<vmem>>
        %dma_wait3A_1520 = tpu.memref_squeeze %dma_wait3A_1519 : memref<1x256xf32, #tpu.memory_space<vmem>> -> memref<256xf32, #tpu.memory_space<vmem>>
        tpu.wait_dma2 semaphore(%arg26 : memref<!tpu.dma_semaphore, #tpu.memory_space<semaphore_mem>>) src(%dma_wait3A_1520 : memref<256xf32, #tpu.memory_space<vmem>>) dst(%dma_wait3A_1517 : memref<256xf32, #tpu.memory_space<hbm>>)
      } else {
      }
      %get3A_564 = arith.index_cast %add3A_536 : i32 to index
      %get3A_565 = arith.constant 64 : index
      %get3A_566 = tpu.vector_load %arg10[%get3A_564, %get3A_565] {strides = array<i32>} : memref<128x128xi32, #tpu.memory_space<vmem>>, vector<16xi32>,
      %bitcast3A_567 = vector.bitcast %get3A_566 : vector<16xi32> to vector<16xf32>
      %get3A_568 = arith.index_cast %add3A_536 : i32 to index
      %get3A_569 = arith.constant 32 : index
      %get3A_570 = tpu.vector_load %arg10[%get3A_568, %get3A_569] {strides = array<i32>} : memref<128x128xi32, #tpu.memory_space<vmem>>, vector<16xi32>,
      %and3A_571 = arith.constant 1 : i32
      %and3A_572 = vector.broadcast %and3A_571 : i32 to vector<16xi32>
      %and3A_573 = arith.andi %get3A_570, %and3A_572 : vector<16xi32>
      %convert_element_type3A_574 = arith.sitofp %and3A_573 : vector<16xi32> to vector<16xf32>
      %mul3A_575 = arith.constant 2.000000e+00 : f32
      %mul3A_576 = vector.broadcast %mul3A_575 : f32 to vector<16xf32>
      %mul3A_577 = arith.mulf %mul3A_576, %convert_element_type3A_574 : vector<16xf32>
      %sub3A_578 = arith.constant 1.000000e+00 : f32
      %sub3A_579 = vector.broadcast %sub3A_578 : f32 to vector<16xf32>
      %sub3A_580 = arith.subf %sub3A_579, %mul3A_577 : vector<16xf32>
      %mul3A_581 = arith.mulf %bitcast3A_567, %sub3A_580 : vector<16xf32>
      %shift_right_logical3A_582 = arith.constant 1 : i32
      %shift_right_logical3A_583 = vector.broadcast %shift_right_logical3A_582 : i32 to vector<16xi32>
      %shift_right_logical3A_584 = arith.shrui %get3A_570, %shift_right_logical3A_583 : vector<16xi32>
      %get3A_585 = arith.index_cast %add3A_536 : i32 to index
      %get3A_586 = arith.constant 80 : index
      %get3A_587 = tpu.vector_load %arg10[%get3A_585, %get3A_586] {strides = array<i32>} : memref<128x128xi32, #tpu.memory_space<vmem>>, vector<16xi32>,
      %bitcast3A_588 = vector.bitcast %get3A_587 : vector<16xi32> to vector<16xf32>
      %get3A_589 = arith.index_cast %add3A_536 : i32 to index
      %get3A_590 = arith.constant 48 : index
      %get3A_591 = tpu.vector_load %arg10[%get3A_589, %get3A_590] {strides = array<i32>} : memref<128x128xi32, #tpu.memory_space<vmem>>, vector<16xi32>,
      %and3A_592 = arith.constant 1 : i32
      %and3A_593 = vector.broadcast %and3A_592 : i32 to vector<16xi32>
      %and3A_594 = arith.andi %get3A_591, %and3A_593 : vector<16xi32>
      %convert_element_type3A_595 = arith.sitofp %and3A_594 : vector<16xi32> to vector<16xf32>
      %mul3A_596 = arith.constant 2.000000e+00 : f32
      %mul3A_597 = vector.broadcast %mul3A_596 : f32 to vector<16xf32>
      %mul3A_598 = arith.mulf %mul3A_597, %convert_element_type3A_595 : vector<16xf32>
      %sub3A_599 = arith.constant 1.000000e+00 : f32
      %sub3A_600 = vector.broadcast %sub3A_599 : f32 to vector<16xf32>
      %sub3A_601 = arith.subf %sub3A_600, %mul3A_598 : vector<16xf32>
      %mul3A_602 = arith.mulf %bitcast3A_588, %sub3A_601 : vector<16xf32>
      %shift_right_logical3A_603 = arith.constant 1 : i32
      %shift_right_logical3A_604 = vector.broadcast %shift_right_logical3A_603 : i32 to vector<16xi32>
      %shift_right_logical3A_605 = arith.shrui %get3A_591, %shift_right_logical3A_604 : vector<16xi32>
      %broadcast_in_dim3A_606 = arith.constant 0.000000e+00 : bf16
      %broadcast_in_dim3A_607 = vector.broadcast %broadcast_in_dim3A_606 : bf16 to vector<32xbf16>
      %broadcast_in_dim3A_608 = arith.constant 0.000000e+00 : bf16
      %broadcast_in_dim3A_609 = vector.broadcast %broadcast_in_dim3A_608 : bf16 to vector<32xbf16>
      %broadcast_in_dim3A_610 = arith.constant 0.000000e+00 : bf16
      %broadcast_in_dim3A_611 = vector.broadcast %broadcast_in_dim3A_610 : bf16 to vector<32xbf16>
      %broadcast_in_dim3A_612 = arith.constant 0.000000e+00 : bf16
      %broadcast_in_dim3A_613 = vector.broadcast %broadcast_in_dim3A_612 : bf16 to vector<32xbf16>
      %broadcast_in_dim3A_614 = arith.constant 0.000000e+00 : bf16
      %broadcast_in_dim3A_615 = vector.broadcast %broadcast_in_dim3A_614 : bf16 to vector<32xbf16>
      %broadcast_in_dim3A_616 = arith.constant 0.000000e+00 : bf16
      %broadcast_in_dim3A_617 = vector.broadcast %broadcast_in_dim3A_616 : bf16 to vector<32xbf16>
      %broadcast_in_dim3A_618 = arith.constant 0.000000e+00 : bf16
      %broadcast_in_dim3A_619 = vector.broadcast %broadcast_in_dim3A_618 : bf16 to vector<32xbf16>
      %broadcast_in_dim3A_620 = arith.constant 0.000000e+00 : bf16
      %broadcast_in_dim3A_621 = vector.broadcast %broadcast_in_dim3A_620 : bf16 to vector<32xbf16>
      %scan3A_622 = arith.constant 0 : i32
      %scan3A_623 = arith.constant 16 : i32
      %scan3A_624 = arith.addi %scan3A_622, %scan3A_623 : i32
      %scan3A_625 = arith.constant 1 : i32
      %scan3A_626:8 = scf.for %scan3A_1505 = %scan3A_622 to %scan3A_624 step %scan3A_625 iter_args(%scan3A_1506 = %broadcast_in_dim3A_607, %scan3A_1507 = %broadcast_in_dim3A_609, %scan3A_1508 = %broadcast_in_dim3A_611, %scan3A_1509 = %broadcast_in_dim3A_613, %scan3A_1510 = %broadcast_in_dim3A_615, %scan3A_1511 = %broadcast_in_dim3A_617, %scan3A_1512 = %broadcast_in_dim3A_619, %scan3A_1513 = %broadcast_in_dim3A_621) -> (vector<32xbf16>, vector<32xbf16>, vector<32xbf16>, vector<32xbf16>, vector<32xbf16>, vector<32xbf16>, vector<32xbf16>, vector<32xbf16>)  : i32 {
        %broadcast_in_dim3A_1514 = vector.broadcast %scan3A_1505 : i32 to vector<16xi32>
        %broadcast_in_dim3A_1515 = vector.shape_cast %broadcast_in_dim3A_1514 : vector<16xi32> to vector<16x1xi32>
        %gather3A = vector.shape_cast %broadcast_in_dim3A_1515 : vector<16x1xi32> to vector<16xi32>
        %gather3A_1516 = tpu.dynamic_gather %bitcast3A_567[%gather3A] in [0] : vector<16xf32>, vector<16xi32> -> vector<16xf32>
        %broadcast_in_dim3A_1517 = vector.shape_cast %broadcast_in_dim3A_1514 : vector<16xi32> to vector<16x1xi32>
        %gather3A_1518 = vector.shape_cast %broadcast_in_dim3A_1517 : vector<16x1xi32> to vector<16xi32>
        %gather3A_1519 = tpu.dynamic_gather %mul3A_581[%gather3A_1518] in [0] : vector<16xf32>, vector<16xi32> -> vector<16xf32>
        %broadcast_in_dim3A_1520 = vector.shape_cast %broadcast_in_dim3A_1514 : vector<16xi32> to vector<16x1xi32>
        %gather3A_1521 = vector.shape_cast %broadcast_in_dim3A_1520 : vector<16x1xi32> to vector<16xi32>
        %gather3A_1522 = tpu.dynamic_gather %shift_right_logical3A_584[%gather3A_1521] in [0] : vector<16xi32>, vector<16xi32> -> vector<16xi32>
        %pack3A = tpu.pack_subelements %gather3A_1516, %gather3A_1516 {pack_format = #tpu.pack_format<interleaved>, positions = array<i32: 0, 1>} : vector<16xf32>, vector<16xf32> -> vector<32xbf16>
        %pack3A_1523 = tpu.pack_subelements %gather3A_1519, %gather3A_1519 {pack_format = #tpu.pack_format<interleaved>, positions = array<i32: 0, 1>} : vector<16xf32>, vector<16xf32> -> vector<32xbf16>
        %add3A_1524 = arith.constant 0 : i32
        %add3A_1525 = arith.addi %add3A_1524, %scan3A_1505 : i32
        %gather3A_1526 = tpu.vector_load_idx %arg11[%gather3A_1522, %add3A_9] : memref<500x128xi32, #tpu.memory_space<vmem>>[vector<16xi32>, vector<16xi32>], vector<16xi32>,
        %bitcast3A_1527 = vector.bitcast %gather3A_1526 : vector<16xi32> to vector<32xbf16>
        %gather3A_1528 = tpu.vector_load_idx %arg11[%gather3A_1522, %add3A_24] : memref<500x128xi32, #tpu.memory_space<vmem>>[vector<16xi32>, vector<16xi32>], vector<16xi32>,
        %bitcast3A_1529 = vector.bitcast %gather3A_1528 : vector<16xi32> to vector<32xbf16>
        %get3A_1530 = arith.constant 1 : i32
        %get3A_1531 = arith.index_cast %get3A_1530 : i32 to index
        %get3A_1532 = arith.index_cast %add3A_1525 : i32 to index
        %get3A_1533 = arith.constant 0 : index
        %get3A_1534 = tpu.vector_load %arg13[%get3A_1531, %get3A_1532, %get3A_1533] {strides = array<i32>} : memref<4x32x128xi32, #tpu.memory_space<vmem>>, vector<16xi32>,
        %bitcast3A_1535 = vector.bitcast %get3A_1534 : vector<16xi32> to vector<32xbf16>
        %get3A_1536 = arith.constant 1 : i32
        %get3A_1537 = arith.index_cast %get3A_1536 : i32 to index
        %get3A_1538 = arith.index_cast %add3A_1525 : i32 to index
        %get3A_1539 = arith.constant 64 : index
        %get3A_1540 = tpu.vector_load %arg13[%get3A_1537, %get3A_1538, %get3A_1539] {strides = array<i32>} : memref<4x32x128xi32, #tpu.memory_space<vmem>>, vector<16xi32>,
        %bitcast3A_1541 = vector.bitcast %get3A_1540 : vector<16xi32> to vector<32xbf16>
        %mul3A_1542 = arith.mulf %bitcast3A_1527, %pack3A : vector<32xbf16>
        %mul3A_1543 = arith.mulf %bitcast3A_1529, %pack3A_1523 : vector<32xbf16>
        %mul3A_1544 = arith.mulf %bitcast3A_1535, %mul3A_1542 : vector<32xbf16>
        %mul3A_1545 = arith.mulf %bitcast3A_1541, %mul3A_1543 : vector<32xbf16>
        %sub3A_1546 = arith.subf %mul3A_1544, %mul3A_1545 : vector<32xbf16>
        %add3A_1547 = arith.addf %scan3A_1506, %sub3A_1546 : vector<32xbf16>
        %mul3A_1548 = arith.mulf %bitcast3A_1535, %mul3A_1543 : vector<32xbf16>
        %mul3A_1549 = arith.mulf %bitcast3A_1541, %mul3A_1542 : vector<32xbf16>
        %add3A_1550 = arith.addf %mul3A_1548, %mul3A_1549 : vector<32xbf16>
        %add3A_1551 = arith.addf %scan3A_1507, %add3A_1550 : vector<32xbf16>
        %gather3A_1552 = tpu.vector_load_idx %arg11[%gather3A_1522, %add3A_12] : memref<500x128xi32, #tpu.memory_space<vmem>>[vector<16xi32>, vector<16xi32>], vector<16xi32>,
        %bitcast3A_1553 = vector.bitcast %gather3A_1552 : vector<16xi32> to vector<32xbf16>
        %gather3A_1554 = tpu.vector_load_idx %arg11[%gather3A_1522, %add3A_30] : memref<500x128xi32, #tpu.memory_space<vmem>>[vector<16xi32>, vector<16xi32>], vector<16xi32>,
        %bitcast3A_1555 = vector.bitcast %gather3A_1554 : vector<16xi32> to vector<32xbf16>
        %get3A_1556 = arith.constant 1 : i32
        %get3A_1557 = arith.index_cast %get3A_1556 : i32 to index
        %get3A_1558 = arith.index_cast %add3A_1525 : i32 to index
        %get3A_1559 = arith.constant 16 : index
        %get3A_1560 = tpu.vector_load %arg13[%get3A_1557, %get3A_1558, %get3A_1559] {strides = array<i32>} : memref<4x32x128xi32, #tpu.memory_space<vmem>>, vector<16xi32>,
        %bitcast3A_1561 = vector.bitcast %get3A_1560 : vector<16xi32> to vector<32xbf16>
        %get3A_1562 = arith.constant 1 : i32
        %get3A_1563 = arith.index_cast %get3A_1562 : i32 to index
        %get3A_1564 = arith.index_cast %add3A_1525 : i32 to index
        %get3A_1565 = arith.constant 80 : index
        %get3A_1566 = tpu.vector_load %arg13[%get3A_1563, %get3A_1564, %get3A_1565] {strides = array<i32>} : memref<4x32x128xi32, #tpu.memory_space<vmem>>, vector<16xi32>,
        %bitcast3A_1567 = vector.bitcast %get3A_1566 : vector<16xi32> to vector<32xbf16>
        %mul3A_1568 = arith.mulf %bitcast3A_1553, %pack3A : vector<32xbf16>
        %mul3A_1569 = arith.mulf %bitcast3A_1555, %pack3A_1523 : vector<32xbf16>
        %mul3A_1570 = arith.mulf %bitcast3A_1561, %mul3A_1568 : vector<32xbf16>
        %mul3A_1571 = arith.mulf %bitcast3A_1567, %mul3A_1569 : vector<32xbf16>
        %sub3A_1572 = arith.subf %mul3A_1570, %mul3A_1571 : vector<32xbf16>
        %add3A_1573 = arith.addf %scan3A_1508, %sub3A_1572 : vector<32xbf16>
        %mul3A_1574 = arith.mulf %bitcast3A_1561, %mul3A_1569 : vector<32xbf16>
        %mul3A_1575 = arith.mulf %bitcast3A_1567, %mul3A_1568 : vector<32xbf16>
        %add3A_1576 = arith.addf %mul3A_1574, %mul3A_1575 : vector<32xbf16>
        %add3A_1577 = arith.addf %scan3A_1509, %add3A_1576 : vector<32xbf16>
        %gather3A_1578 = tpu.vector_load_idx %arg11[%gather3A_1522, %add3A_15] : memref<500x128xi32, #tpu.memory_space<vmem>>[vector<16xi32>, vector<16xi32>], vector<16xi32>,
        %bitcast3A_1579 = vector.bitcast %gather3A_1578 : vector<16xi32> to vector<32xbf16>
        %gather3A_1580 = tpu.vector_load_idx %arg11[%gather3A_1522, %add3A_36] : memref<500x128xi32, #tpu.memory_space<vmem>>[vector<16xi32>, vector<16xi32>], vector<16xi32>,
        %bitcast3A_1581 = vector.bitcast %gather3A_1580 : vector<16xi32> to vector<32xbf16>
        %get3A_1582 = arith.constant 1 : i32
        %get3A_1583 = arith.index_cast %get3A_1582 : i32 to index
        %get3A_1584 = arith.index_cast %add3A_1525 : i32 to index
        %get3A_1585 = arith.constant 32 : index
        %get3A_1586 = tpu.vector_load %arg13[%get3A_1583, %get3A_1584, %get3A_1585] {strides = array<i32>} : memref<4x32x128xi32, #tpu.memory_space<vmem>>, vector<16xi32>,
        %bitcast3A_1587 = vector.bitcast %get3A_1586 : vector<16xi32> to vector<32xbf16>
        %get3A_1588 = arith.constant 1 : i32
        %get3A_1589 = arith.index_cast %get3A_1588 : i32 to index
        %get3A_1590 = arith.index_cast %add3A_1525 : i32 to index
        %get3A_1591 = arith.constant 96 : index
        %get3A_1592 = tpu.vector_load %arg13[%get3A_1589, %get3A_1590, %get3A_1591] {strides = array<i32>} : memref<4x32x128xi32, #tpu.memory_space<vmem>>, vector<16xi32>,
        %bitcast3A_1593 = vector.bitcast %get3A_1592 : vector<16xi32> to vector<32xbf16>
        %mul3A_1594 = arith.mulf %bitcast3A_1579, %pack3A : vector<32xbf16>
        %mul3A_1595 = arith.mulf %bitcast3A_1581, %pack3A_1523 : vector<32xbf16>
        %mul3A_1596 = arith.mulf %bitcast3A_1587, %mul3A_1594 : vector<32xbf16>
        %mul3A_1597 = arith.mulf %bitcast3A_1593, %mul3A_1595 : vector<32xbf16>
        %sub3A_1598 = arith.subf %mul3A_1596, %mul3A_1597 : vector<32xbf16>
        %add3A_1599 = arith.addf %scan3A_1510, %sub3A_1598 : vector<32xbf16>
        %mul3A_1600 = arith.mulf %bitcast3A_1587, %mul3A_1595 : vector<32xbf16>
        %mul3A_1601 = arith.mulf %bitcast3A_1593, %mul3A_1594 : vector<32xbf16>
        %add3A_1602 = arith.addf %mul3A_1600, %mul3A_1601 : vector<32xbf16>
        %add3A_1603 = arith.addf %scan3A_1511, %add3A_1602 : vector<32xbf16>
        %gather3A_1604 = tpu.vector_load_idx %arg11[%gather3A_1522, %add3A_18] : memref<500x128xi32, #tpu.memory_space<vmem>>[vector<16xi32>, vector<16xi32>], vector<16xi32>,
        %bitcast3A_1605 = vector.bitcast %gather3A_1604 : vector<16xi32> to vector<32xbf16>
        %gather3A_1606 = tpu.vector_load_idx %arg11[%gather3A_1522, %add3A_42] : memref<500x128xi32, #tpu.memory_space<vmem>>[vector<16xi32>, vector<16xi32>], vector<16xi32>,
        %bitcast3A_1607 = vector.bitcast %gather3A_1606 : vector<16xi32> to vector<32xbf16>
        %get3A_1608 = arith.constant 1 : i32
        %get3A_1609 = arith.index_cast %get3A_1608 : i32 to index
        %get3A_1610 = arith.index_cast %add3A_1525 : i32 to index
        %get3A_1611 = arith.constant 48 : index
        %get3A_1612 = tpu.vector_load %arg13[%get3A_1609, %get3A_1610, %get3A_1611] {strides = array<i32>} : memref<4x32x128xi32, #tpu.memory_space<vmem>>, vector<16xi32>,
        %bitcast3A_1613 = vector.bitcast %get3A_1612 : vector<16xi32> to vector<32xbf16>
        %get3A_1614 = arith.constant 1 : i32
        %get3A_1615 = arith.index_cast %get3A_1614 : i32 to index
        %get3A_1616 = arith.index_cast %add3A_1525 : i32 to index
        %get3A_1617 = arith.constant 112 : index
        %get3A_1618 = tpu.vector_load %arg13[%get3A_1615, %get3A_1616, %get3A_1617] {strides = array<i32>} : memref<4x32x128xi32, #tpu.memory_space<vmem>>, vector<16xi32>,
        %bitcast3A_1619 = vector.bitcast %get3A_1618 : vector<16xi32> to vector<32xbf16>
        %mul3A_1620 = arith.mulf %bitcast3A_1605, %pack3A : vector<32xbf16>
        %mul3A_1621 = arith.mulf %bitcast3A_1607, %pack3A_1523 : vector<32xbf16>
        %mul3A_1622 = arith.mulf %bitcast3A_1613, %mul3A_1620 : vector<32xbf16>
        %mul3A_1623 = arith.mulf %bitcast3A_1619, %mul3A_1621 : vector<32xbf16>
        %sub3A_1624 = arith.subf %mul3A_1622, %mul3A_1623 : vector<32xbf16>
        %add3A_1625 = arith.addf %scan3A_1512, %sub3A_1624 : vector<32xbf16>
        %mul3A_1626 = arith.mulf %bitcast3A_1613, %mul3A_1621 : vector<32xbf16>
        %mul3A_1627 = arith.mulf %bitcast3A_1619, %mul3A_1620 : vector<32xbf16>
        %add3A_1628 = arith.addf %mul3A_1626, %mul3A_1627 : vector<32xbf16>
        %add3A_1629 = arith.addf %scan3A_1513, %add3A_1628 : vector<32xbf16>
        %broadcast_in_dim3A_1630 = vector.shape_cast %broadcast_in_dim3A_1514 : vector<16xi32> to vector<16x1xi32>
        %gather3A_1631 = vector.shape_cast %broadcast_in_dim3A_1630 : vector<16x1xi32> to vector<16xi32>
        %gather3A_1632 = tpu.dynamic_gather %bitcast3A_588[%gather3A_1631] in [0] : vector<16xf32>, vector<16xi32> -> vector<16xf32>
        %broadcast_in_dim3A_1633 = vector.shape_cast %broadcast_in_dim3A_1514 : vector<16xi32> to vector<16x1xi32>
        %gather3A_1634 = vector.shape_cast %broadcast_in_dim3A_1633 : vector<16x1xi32> to vector<16xi32>
        %gather3A_1635 = tpu.dynamic_gather %mul3A_602[%gather3A_1634] in [0] : vector<16xf32>, vector<16xi32> -> vector<16xf32>
        %broadcast_in_dim3A_1636 = vector.shape_cast %broadcast_in_dim3A_1514 : vector<16xi32> to vector<16x1xi32>
        %gather3A_1637 = vector.shape_cast %broadcast_in_dim3A_1636 : vector<16x1xi32> to vector<16xi32>
        %gather3A_1638 = tpu.dynamic_gather %shift_right_logical3A_605[%gather3A_1637] in [0] : vector<16xi32>, vector<16xi32> -> vector<16xi32>
        %pack3A_1639 = tpu.pack_subelements %gather3A_1632, %gather3A_1632 {pack_format = #tpu.pack_format<interleaved>, positions = array<i32: 0, 1>} : vector<16xf32>, vector<16xf32> -> vector<32xbf16>
        %pack3A_1640 = tpu.pack_subelements %gather3A_1635, %gather3A_1635 {pack_format = #tpu.pack_format<interleaved>, positions = array<i32: 0, 1>} : vector<16xf32>, vector<16xf32> -> vector<32xbf16>
        %add3A_1641 = arith.constant 16 : i32
        %add3A_1642 = arith.addi %add3A_1641, %scan3A_1505 : i32
        %gather3A_1643 = tpu.vector_load_idx %arg11[%gather3A_1638, %add3A_9] : memref<500x128xi32, #tpu.memory_space<vmem>>[vector<16xi32>, vector<16xi32>], vector<16xi32>,
        %bitcast3A_1644 = vector.bitcast %gather3A_1643 : vector<16xi32> to vector<32xbf16>
        %gather3A_1645 = tpu.vector_load_idx %arg11[%gather3A_1638, %add3A_24] : memref<500x128xi32, #tpu.memory_space<vmem>>[vector<16xi32>, vector<16xi32>], vector<16xi32>,
        %bitcast3A_1646 = vector.bitcast %gather3A_1645 : vector<16xi32> to vector<32xbf16>
        %get3A_1647 = arith.constant 1 : i32
        %get3A_1648 = arith.index_cast %get3A_1647 : i32 to index
        %get3A_1649 = arith.index_cast %add3A_1642 : i32 to index
        %get3A_1650 = arith.constant 0 : index
        %get3A_1651 = tpu.vector_load %arg13[%get3A_1648, %get3A_1649, %get3A_1650] {strides = array<i32>} : memref<4x32x128xi32, #tpu.memory_space<vmem>>, vector<16xi32>,
        %bitcast3A_1652 = vector.bitcast %get3A_1651 : vector<16xi32> to vector<32xbf16>
        %get3A_1653 = arith.constant 1 : i32
        %get3A_1654 = arith.index_cast %get3A_1653 : i32 to index
        %get3A_1655 = arith.index_cast %add3A_1642 : i32 to index
        %get3A_1656 = arith.constant 64 : index
        %get3A_1657 = tpu.vector_load %arg13[%get3A_1654, %get3A_1655, %get3A_1656] {strides = array<i32>} : memref<4x32x128xi32, #tpu.memory_space<vmem>>, vector<16xi32>,
        %bitcast3A_1658 = vector.bitcast %get3A_1657 : vector<16xi32> to vector<32xbf16>
        %mul3A_1659 = arith.mulf %bitcast3A_1644, %pack3A_1639 : vector<32xbf16>
        %mul3A_1660 = arith.mulf %bitcast3A_1646, %pack3A_1640 : vector<32xbf16>
        %mul3A_1661 = arith.mulf %bitcast3A_1652, %mul3A_1659 : vector<32xbf16>
        %mul3A_1662 = arith.mulf %bitcast3A_1658, %mul3A_1660 : vector<32xbf16>
        %sub3A_1663 = arith.subf %mul3A_1661, %mul3A_1662 : vector<32xbf16>
        %add3A_1664 = arith.addf %add3A_1547, %sub3A_1663 : vector<32xbf16>
        %mul3A_1665 = arith.mulf %bitcast3A_1652, %mul3A_1660 : vector<32xbf16>
        %mul3A_1666 = arith.mulf %bitcast3A_1658, %mul3A_1659 : vector<32xbf16>
        %add3A_1667 = arith.addf %mul3A_1665, %mul3A_1666 : vector<32xbf16>
        %add3A_1668 = arith.addf %add3A_1551, %add3A_1667 : vector<32xbf16>
        %gather3A_1669 = tpu.vector_load_idx %arg11[%gather3A_1638, %add3A_12] : memref<500x128xi32, #tpu.memory_space<vmem>>[vector<16xi32>, vector<16xi32>], vector<16xi32>,
        %bitcast3A_1670 = vector.bitcast %gather3A_1669 : vector<16xi32> to vector<32xbf16>
        %gather3A_1671 = tpu.vector_load_idx %arg11[%gather3A_1638, %add3A_30] : memref<500x128xi32, #tpu.memory_space<vmem>>[vector<16xi32>, vector<16xi32>], vector<16xi32>,
        %bitcast3A_1672 = vector.bitcast %gather3A_1671 : vector<16xi32> to vector<32xbf16>
        %get3A_1673 = arith.constant 1 : i32
        %get3A_1674 = arith.index_cast %get3A_1673 : i32 to index
        %get3A_1675 = arith.index_cast %add3A_1642 : i32 to index
        %get3A_1676 = arith.constant 16 : index
        %get3A_1677 = tpu.vector_load %arg13[%get3A_1674, %get3A_1675, %get3A_1676] {strides = array<i32>} : memref<4x32x128xi32, #tpu.memory_space<vmem>>, vector<16xi32>,
        %bitcast3A_1678 = vector.bitcast %get3A_1677 : vector<16xi32> to vector<32xbf16>
        %get3A_1679 = arith.constant 1 : i32
        %get3A_1680 = arith.index_cast %get3A_1679 : i32 to index
        %get3A_1681 = arith.index_cast %add3A_1642 : i32 to index
        %get3A_1682 = arith.constant 80 : index
        %get3A_1683 = tpu.vector_load %arg13[%get3A_1680, %get3A_1681, %get3A_1682] {strides = array<i32>} : memref<4x32x128xi32, #tpu.memory_space<vmem>>, vector<16xi32>,
        %bitcast3A_1684 = vector.bitcast %get3A_1683 : vector<16xi32> to vector<32xbf16>
        %mul3A_1685 = arith.mulf %bitcast3A_1670, %pack3A_1639 : vector<32xbf16>
        %mul3A_1686 = arith.mulf %bitcast3A_1672, %pack3A_1640 : vector<32xbf16>
        %mul3A_1687 = arith.mulf %bitcast3A_1678, %mul3A_1685 : vector<32xbf16>
        %mul3A_1688 = arith.mulf %bitcast3A_1684, %mul3A_1686 : vector<32xbf16>
        %sub3A_1689 = arith.subf %mul3A_1687, %mul3A_1688 : vector<32xbf16>
        %add3A_1690 = arith.addf %add3A_1573, %sub3A_1689 : vector<32xbf16>
        %mul3A_1691 = arith.mulf %bitcast3A_1678, %mul3A_1686 : vector<32xbf16>
        %mul3A_1692 = arith.mulf %bitcast3A_1684, %mul3A_1685 : vector<32xbf16>
        %add3A_1693 = arith.addf %mul3A_1691, %mul3A_1692 : vector<32xbf16>
        %add3A_1694 = arith.addf %add3A_1577, %add3A_1693 : vector<32xbf16>
        %gather3A_1695 = tpu.vector_load_idx %arg11[%gather3A_1638, %add3A_15] : memref<500x128xi32, #tpu.memory_space<vmem>>[vector<16xi32>, vector<16xi32>], vector<16xi32>,
        %bitcast3A_1696 = vector.bitcast %gather3A_1695 : vector<16xi32> to vector<32xbf16>
        %gather3A_1697 = tpu.vector_load_idx %arg11[%gather3A_1638, %add3A_36] : memref<500x128xi32, #tpu.memory_space<vmem>>[vector<16xi32>, vector<16xi32>], vector<16xi32>,
        %bitcast3A_1698 = vector.bitcast %gather3A_1697 : vector<16xi32> to vector<32xbf16>
        %get3A_1699 = arith.constant 1 : i32
        %get3A_1700 = arith.index_cast %get3A_1699 : i32 to index
        %get3A_1701 = arith.index_cast %add3A_1642 : i32 to index
        %get3A_1702 = arith.constant 32 : index
        %get3A_1703 = tpu.vector_load %arg13[%get3A_1700, %get3A_1701, %get3A_1702] {strides = array<i32>} : memref<4x32x128xi32, #tpu.memory_space<vmem>>, vector<16xi32>,
        %bitcast3A_1704 = vector.bitcast %get3A_1703 : vector<16xi32> to vector<32xbf16>
        %get3A_1705 = arith.constant 1 : i32
        %get3A_1706 = arith.index_cast %get3A_1705 : i32 to index
        %get3A_1707 = arith.index_cast %add3A_1642 : i32 to index
        %get3A_1708 = arith.constant 96 : index
        %get3A_1709 = tpu.vector_load %arg13[%get3A_1706, %get3A_1707, %get3A_1708] {strides = array<i32>} : memref<4x32x128xi32, #tpu.memory_space<vmem>>, vector<16xi32>,
        %bitcast3A_1710 = vector.bitcast %get3A_1709 : vector<16xi32> to vector<32xbf16>
        %mul3A_1711 = arith.mulf %bitcast3A_1696, %pack3A_1639 : vector<32xbf16>
        %mul3A_1712 = arith.mulf %bitcast3A_1698, %pack3A_1640 : vector<32xbf16>
        %mul3A_1713 = arith.mulf %bitcast3A_1704, %mul3A_1711 : vector<32xbf16>
        %mul3A_1714 = arith.mulf %bitcast3A_1710, %mul3A_1712 : vector<32xbf16>
        %sub3A_1715 = arith.subf %mul3A_1713, %mul3A_1714 : vector<32xbf16>
        %add3A_1716 = arith.addf %add3A_1599, %sub3A_1715 : vector<32xbf16>
        %mul3A_1717 = arith.mulf %bitcast3A_1704, %mul3A_1712 : vector<32xbf16>
        %mul3A_1718 = arith.mulf %bitcast3A_1710, %mul3A_1711 : vector<32xbf16>
        %add3A_1719 = arith.addf %mul3A_1717, %mul3A_1718 : vector<32xbf16>
        %add3A_1720 = arith.addf %add3A_1603, %add3A_1719 : vector<32xbf16>
        %gather3A_1721 = tpu.vector_load_idx %arg11[%gather3A_1638, %add3A_18] : memref<500x128xi32, #tpu.memory_space<vmem>>[vector<16xi32>, vector<16xi32>], vector<16xi32>,
        %bitcast3A_1722 = vector.bitcast %gather3A_1721 : vector<16xi32> to vector<32xbf16>
        %gather3A_1723 = tpu.vector_load_idx %arg11[%gather3A_1638, %add3A_42] : memref<500x128xi32, #tpu.memory_space<vmem>>[vector<16xi32>, vector<16xi32>], vector<16xi32>,
        %bitcast3A_1724 = vector.bitcast %gather3A_1723 : vector<16xi32> to vector<32xbf16>
        %get3A_1725 = arith.constant 1 : i32
        %get3A_1726 = arith.index_cast %get3A_1725 : i32 to index
        %get3A_1727 = arith.index_cast %add3A_1642 : i32 to index
        %get3A_1728 = arith.constant 48 : index
        %get3A_1729 = tpu.vector_load %arg13[%get3A_1726, %get3A_1727, %get3A_1728] {strides = array<i32>} : memref<4x32x128xi32, #tpu.memory_space<vmem>>, vector<16xi32>,
        %bitcast3A_1730 = vector.bitcast %get3A_1729 : vector<16xi32> to vector<32xbf16>
        %get3A_1731 = arith.constant 1 : i32
        %get3A_1732 = arith.index_cast %get3A_1731 : i32 to index
        %get3A_1733 = arith.index_cast %add3A_1642 : i32 to index
        %get3A_1734 = arith.constant 112 : index
        %get3A_1735 = tpu.vector_load %arg13[%get3A_1732, %get3A_1733, %get3A_1734] {strides = array<i32>} : memref<4x32x128xi32, #tpu.memory_space<vmem>>, vector<16xi32>,
        %bitcast3A_1736 = vector.bitcast %get3A_1735 : vector<16xi32> to vector<32xbf16>
        %mul3A_1737 = arith.mulf %bitcast3A_1722, %pack3A_1639 : vector<32xbf16>
        %mul3A_1738 = arith.mulf %bitcast3A_1724, %pack3A_1640 : vector<32xbf16>
        %mul3A_1739 = arith.mulf %bitcast3A_1730, %mul3A_1737 : vector<32xbf16>
        %mul3A_1740 = arith.mulf %bitcast3A_1736, %mul3A_1738 : vector<32xbf16>
        %sub3A_1741 = arith.subf %mul3A_1739, %mul3A_1740 : vector<32xbf16>
        %add3A_1742 = arith.addf %add3A_1625, %sub3A_1741 : vector<32xbf16>
        %mul3A_1743 = arith.mulf %bitcast3A_1730, %mul3A_1738 : vector<32xbf16>
        %mul3A_1744 = arith.mulf %bitcast3A_1736, %mul3A_1737 : vector<32xbf16>
        %add3A_1745 = arith.addf %mul3A_1743, %mul3A_1744 : vector<32xbf16>
        %add3A_1746 = arith.addf %add3A_1629, %add3A_1745 : vector<32xbf16>
        scf.yield %add3A_1664, %add3A_1668, %add3A_1690, %add3A_1694, %add3A_1716, %add3A_1720, %add3A_1742, %add3A_1746 : vector<32xbf16>, vector<32xbf16>, vector<32xbf16>, vector<32xbf16>, vector<32xbf16>, vector<32xbf16>, vector<32xbf16>, vector<32xbf16>
      }
      %scan3A_627 = arith.constant 16 : i32
      %unpack3A_628 = tpu.unpack_subelements %scan3A_626#0, 0 {pack_format = #tpu.pack_format<interleaved>} : vector<32xbf16> -> vector<16xf32>
      %unpack3A_629 = tpu.unpack_subelements %scan3A_626#0, 1 {pack_format = #tpu.pack_format<interleaved>} : vector<32xbf16> -> vector<16xf32>
      %unpack3A_630 = tpu.unpack_subelements %scan3A_626#1, 0 {pack_format = #tpu.pack_format<interleaved>} : vector<32xbf16> -> vector<16xf32>
      %unpack3A_631 = tpu.unpack_subelements %scan3A_626#1, 1 {pack_format = #tpu.pack_format<interleaved>} : vector<32xbf16> -> vector<16xf32>
      %get3A_632 = arith.constant 1 : i32
      %get3A_633 = arith.constant 0 : i32
      %get3A_634 = arith.index_cast %get3A_632 : i32 to index
      %get3A_635 = arith.index_cast %get3A_633 : i32 to index
      %get3A_636 = arith.constant 0 : index
      %get3A_637 = tpu.vector_load %arg14[%get3A_634, %get3A_635, %get3A_636] {strides = array<i32>} : memref<4x1x256xf32, #tpu.memory_space<vmem>>, vector<16xf32>,
      %mul3A_638 = arith.mulf %get3A_43, %unpack3A_628 : vector<16xf32>
      %add3A_639 = arith.addf %get3A_637, %mul3A_638 : vector<16xf32>
      %swap3A_640 = arith.constant 1 : i32
      %swap3A_641 = arith.index_cast %swap3A_640 : i32 to index
      %swap3A_642 = arith.constant 0 : index
      %swap3A_643 = tpu.vector_load %arg15[%swap3A_641, %swap3A_642] {strides = array<i32>} : memref<4x256xf32, #tpu.memory_space<vmem>>, vector<16xf32>,
      tpu.vector_store %arg15[%swap3A_641, %swap3A_642], %add3A_639 {strides = array<i32>} : memref<4x256xf32, #tpu.memory_space<vmem>>, vector<16xf32>,
      %get3A_644 = arith.constant 1 : i32
      %get3A_645 = arith.constant 0 : i32
      %get3A_646 = arith.index_cast %get3A_644 : i32 to index
      %get3A_647 = arith.index_cast %get3A_645 : i32 to index
      %get3A_648 = arith.constant 64 : index
      %get3A_649 = tpu.vector_load %arg14[%get3A_646, %get3A_647, %get3A_648] {strides = array<i32>} : memref<4x1x256xf32, #tpu.memory_space<vmem>>, vector<16xf32>,
      %mul3A_650 = arith.mulf %get3A_51, %unpack3A_629 : vector<16xf32>
      %add3A_651 = arith.addf %get3A_649, %mul3A_650 : vector<16xf32>
      %swap3A_652 = arith.constant 1 : i32
      %swap3A_653 = arith.index_cast %swap3A_652 : i32 to index
      %swap3A_654 = arith.constant 64 : index
      %swap3A_655 = tpu.vector_load %arg15[%swap3A_653, %swap3A_654] {strides = array<i32>} : memref<4x256xf32, #tpu.memory_space<vmem>>, vector<16xf32>,
      tpu.vector_store %arg15[%swap3A_653, %swap3A_654], %add3A_651 {strides = array<i32>} : memref<4x256xf32, #tpu.memory_space<vmem>>, vector<16xf32>,
      %get3A_656 = arith.constant 1 : i32
      %get3A_657 = arith.constant 0 : i32
      %get3A_658 = arith.index_cast %get3A_656 : i32 to index
      %get3A_659 = arith.index_cast %get3A_657 : i32 to index
      %get3A_660 = arith.constant 128 : index
      %get3A_661 = tpu.vector_load %arg14[%get3A_658, %get3A_659, %get3A_660] {strides = array<i32>} : memref<4x1x256xf32, #tpu.memory_space<vmem>>, vector<16xf32>,
      %mul3A_662 = arith.mulf %get3A_43, %unpack3A_630 : vector<16xf32>
      %add3A_663 = arith.addf %get3A_661, %mul3A_662 : vector<16xf32>
      %swap3A_664 = arith.constant 1 : i32
      %swap3A_665 = arith.index_cast %swap3A_664 : i32 to index
      %swap3A_666 = arith.constant 128 : index
      %swap3A_667 = tpu.vector_load %arg15[%swap3A_665, %swap3A_666] {strides = array<i32>} : memref<4x256xf32, #tpu.memory_space<vmem>>, vector<16xf32>,
      tpu.vector_store %arg15[%swap3A_665, %swap3A_666], %add3A_663 {strides = array<i32>} : memref<4x256xf32, #tpu.memory_space<vmem>>, vector<16xf32>,
      %get3A_668 = arith.constant 1 : i32
      %get3A_669 = arith.constant 0 : i32
      %get3A_670 = arith.index_cast %get3A_668 : i32 to index
      %get3A_671 = arith.index_cast %get3A_669 : i32 to index
      %get3A_672 = arith.constant 192 : index
      %get3A_673 = tpu.vector_load %arg14[%get3A_670, %get3A_671, %get3A_672] {strides = array<i32>} : memref<4x1x256xf32, #tpu.memory_space<vmem>>, vector<16xf32>,
      %mul3A_674 = arith.mulf %get3A_51, %unpack3A_631 : vector<16xf32>
      %add3A_675 = arith.addf %get3A_673, %mul3A_674 : vector<16xf32>
      %swap3A_676 = arith.constant 1 : i32
      %swap3A_677 = arith.index_cast %swap3A_676 : i32 to index
      %swap3A_678 = arith.constant 192 : index
      %swap3A_679 = tpu.vector_load %arg15[%swap3A_677, %swap3A_678] {strides = array<i32>} : memref<4x256xf32, #tpu.memory_space<vmem>>, vector<16xf32>,
      tpu.vector_store %arg15[%swap3A_677, %swap3A_678], %add3A_675 {strides = array<i32>} : memref<4x256xf32, #tpu.memory_space<vmem>>, vector<16xf32>,
      %unpack3A_680 = tpu.unpack_subelements %scan3A_626#2, 0 {pack_format = #tpu.pack_format<interleaved>} : vector<32xbf16> -> vector<16xf32>
      %unpack3A_681 = tpu.unpack_subelements %scan3A_626#2, 1 {pack_format = #tpu.pack_format<interleaved>} : vector<32xbf16> -> vector<16xf32>
      %unpack3A_682 = tpu.unpack_subelements %scan3A_626#3, 0 {pack_format = #tpu.pack_format<interleaved>} : vector<32xbf16> -> vector<16xf32>
      %unpack3A_683 = tpu.unpack_subelements %scan3A_626#3, 1 {pack_format = #tpu.pack_format<interleaved>} : vector<32xbf16> -> vector<16xf32>
      %get3A_684 = arith.constant 1 : i32
      %get3A_685 = arith.constant 0 : i32
      %get3A_686 = arith.index_cast %get3A_684 : i32 to index
      %get3A_687 = arith.index_cast %get3A_685 : i32 to index
      %get3A_688 = arith.constant 16 : index
      %get3A_689 = tpu.vector_load %arg14[%get3A_686, %get3A_687, %get3A_688] {strides = array<i32>} : memref<4x1x256xf32, #tpu.memory_space<vmem>>, vector<16xf32>,
      %mul3A_690 = arith.mulf %get3A_45, %unpack3A_680 : vector<16xf32>
      %add3A_691 = arith.addf %get3A_689, %mul3A_690 : vector<16xf32>
      %swap3A_692 = arith.constant 1 : i32
      %swap3A_693 = arith.index_cast %swap3A_692 : i32 to index
      %swap3A_694 = arith.constant 16 : index
      %swap3A_695 = tpu.vector_load %arg15[%swap3A_693, %swap3A_694] {strides = array<i32>} : memref<4x256xf32, #tpu.memory_space<vmem>>, vector<16xf32>,
      tpu.vector_store %arg15[%swap3A_693, %swap3A_694], %add3A_691 {strides = array<i32>} : memref<4x256xf32, #tpu.memory_space<vmem>>, vector<16xf32>,
      %get3A_696 = arith.constant 1 : i32
      %get3A_697 = arith.constant 0 : i32
      %get3A_698 = arith.index_cast %get3A_696 : i32 to index
      %get3A_699 = arith.index_cast %get3A_697 : i32 to index
      %get3A_700 = arith.constant 80 : index
      %get3A_701 = tpu.vector_load %arg14[%get3A_698, %get3A_699, %get3A_700] {strides = array<i32>} : memref<4x1x256xf32, #tpu.memory_space<vmem>>, vector<16xf32>,
      %mul3A_702 = arith.mulf %get3A_53, %unpack3A_681 : vector<16xf32>
      %add3A_703 = arith.addf %get3A_701, %mul3A_702 : vector<16xf32>
      %swap3A_704 = arith.constant 1 : i32
      %swap3A_705 = arith.index_cast %swap3A_704 : i32 to index
      %swap3A_706 = arith.constant 80 : index
      %swap3A_707 = tpu.vector_load %arg15[%swap3A_705, %swap3A_706] {strides = array<i32>} : memref<4x256xf32, #tpu.memory_space<vmem>>, vector<16xf32>,
      tpu.vector_store %arg15[%swap3A_705, %swap3A_706], %add3A_703 {strides = array<i32>} : memref<4x256xf32, #tpu.memory_space<vmem>>, vector<16xf32>,
      %get3A_708 = arith.constant 1 : i32
      %get3A_709 = arith.constant 0 : i32
      %get3A_710 = arith.index_cast %get3A_708 : i32 to index
      %get3A_711 = arith.index_cast %get3A_709 : i32 to index
      %get3A_712 = arith.constant 144 : index
      %get3A_713 = tpu.vector_load %arg14[%get3A_710, %get3A_711, %get3A_712] {strides = array<i32>} : memref<4x1x256xf32, #tpu.memory_space<vmem>>, vector<16xf32>,
      %mul3A_714 = arith.mulf %get3A_45, %unpack3A_682 : vector<16xf32>
      %add3A_715 = arith.addf %get3A_713, %mul3A_714 : vector<16xf32>
      %swap3A_716 = arith.constant 1 : i32
      %swap3A_717 = arith.index_cast %swap3A_716 : i32 to index
      %swap3A_718 = arith.constant 144 : index
      %swap3A_719 = tpu.vector_load %arg15[%swap3A_717, %swap3A_718] {strides = array<i32>} : memref<4x256xf32, #tpu.memory_space<vmem>>, vector<16xf32>,
      tpu.vector_store %arg15[%swap3A_717, %swap3A_718], %add3A_715 {strides = array<i32>} : memref<4x256xf32, #tpu.memory_space<vmem>>, vector<16xf32>,
      %get3A_720 = arith.constant 1 : i32
      %get3A_721 = arith.constant 0 : i32
      %get3A_722 = arith.index_cast %get3A_720 : i32 to index
      %get3A_723 = arith.index_cast %get3A_721 : i32 to index
      %get3A_724 = arith.constant 208 : index
      %get3A_725 = tpu.vector_load %arg14[%get3A_722, %get3A_723, %get3A_724] {strides = array<i32>} : memref<4x1x256xf32, #tpu.memory_space<vmem>>, vector<16xf32>,
      %mul3A_726 = arith.mulf %get3A_53, %unpack3A_683 : vector<16xf32>
      %add3A_727 = arith.addf %get3A_725, %mul3A_726 : vector<16xf32>
      %swap3A_728 = arith.constant 1 : i32
      %swap3A_729 = arith.index_cast %swap3A_728 : i32 to index
      %swap3A_730 = arith.constant 208 : index
      %swap3A_731 = tpu.vector_load %arg15[%swap3A_729, %swap3A_730] {strides = array<i32>} : memref<4x256xf32, #tpu.memory_space<vmem>>, vector<16xf32>,
      tpu.vector_store %arg15[%swap3A_729, %swap3A_730], %add3A_727 {strides = array<i32>} : memref<4x256xf32, #tpu.memory_space<vmem>>, vector<16xf32>,
      %unpack3A_732 = tpu.unpack_subelements %scan3A_626#4, 0 {pack_format = #tpu.pack_format<interleaved>} : vector<32xbf16> -> vector<16xf32>
      %unpack3A_733 = tpu.unpack_subelements %scan3A_626#4, 1 {pack_format = #tpu.pack_format<interleaved>} : vector<32xbf16> -> vector<16xf32>
      %unpack3A_734 = tpu.unpack_subelements %scan3A_626#5, 0 {pack_format = #tpu.pack_format<interleaved>} : vector<32xbf16> -> vector<16xf32>
      %unpack3A_735 = tpu.unpack_subelements %scan3A_626#5, 1 {pack_format = #tpu.pack_format<interleaved>} : vector<32xbf16> -> vector<16xf32>
      %get3A_736 = arith.constant 1 : i32
      %get3A_737 = arith.constant 0 : i32
      %get3A_738 = arith.index_cast %get3A_736 : i32 to index
      %get3A_739 = arith.index_cast %get3A_737 : i32 to index
      %get3A_740 = arith.constant 32 : index
      %get3A_741 = tpu.vector_load %arg14[%get3A_738, %get3A_739, %get3A_740] {strides = array<i32>} : memref<4x1x256xf32, #tpu.memory_space<vmem>>, vector<16xf32>,
      %mul3A_742 = arith.mulf %get3A_47, %unpack3A_732 : vector<16xf32>
      %add3A_743 = arith.addf %get3A_741, %mul3A_742 : vector<16xf32>
      %swap3A_744 = arith.constant 1 : i32
      %swap3A_745 = arith.index_cast %swap3A_744 : i32 to index
      %swap3A_746 = arith.constant 32 : index
      %swap3A_747 = tpu.vector_load %arg15[%swap3A_745, %swap3A_746] {strides = array<i32>} : memref<4x256xf32, #tpu.memory_space<vmem>>, vector<16xf32>,
      tpu.vector_store %arg15[%swap3A_745, %swap3A_746], %add3A_743 {strides = array<i32>} : memref<4x256xf32, #tpu.memory_space<vmem>>, vector<16xf32>,
      %get3A_748 = arith.constant 1 : i32
      %get3A_749 = arith.constant 0 : i32
      %get3A_750 = arith.index_cast %get3A_748 : i32 to index
      %get3A_751 = arith.index_cast %get3A_749 : i32 to index
      %get3A_752 = arith.constant 96 : index
      %get3A_753 = tpu.vector_load %arg14[%get3A_750, %get3A_751, %get3A_752] {strides = array<i32>} : memref<4x1x256xf32, #tpu.memory_space<vmem>>, vector<16xf32>,
      %mul3A_754 = arith.mulf %get3A_55, %unpack3A_733 : vector<16xf32>
      %add3A_755 = arith.addf %get3A_753, %mul3A_754 : vector<16xf32>
      %swap3A_756 = arith.constant 1 : i32
      %swap3A_757 = arith.index_cast %swap3A_756 : i32 to index
      %swap3A_758 = arith.constant 96 : index
      %swap3A_759 = tpu.vector_load %arg15[%swap3A_757, %swap3A_758] {strides = array<i32>} : memref<4x256xf32, #tpu.memory_space<vmem>>, vector<16xf32>,
      tpu.vector_store %arg15[%swap3A_757, %swap3A_758], %add3A_755 {strides = array<i32>} : memref<4x256xf32, #tpu.memory_space<vmem>>, vector<16xf32>,
      %get3A_760 = arith.constant 1 : i32
      %get3A_761 = arith.constant 0 : i32
      %get3A_762 = arith.index_cast %get3A_760 : i32 to index
      %get3A_763 = arith.index_cast %get3A_761 : i32 to index
      %get3A_764 = arith.constant 160 : index
      %get3A_765 = tpu.vector_load %arg14[%get3A_762, %get3A_763, %get3A_764] {strides = array<i32>} : memref<4x1x256xf32, #tpu.memory_space<vmem>>, vector<16xf32>,
      %mul3A_766 = arith.mulf %get3A_47, %unpack3A_734 : vector<16xf32>
      %add3A_767 = arith.addf %get3A_765, %mul3A_766 : vector<16xf32>
      %swap3A_768 = arith.constant 1 : i32
      %swap3A_769 = arith.index_cast %swap3A_768 : i32 to index
      %swap3A_770 = arith.constant 160 : index
      %swap3A_771 = tpu.vector_load %arg15[%swap3A_769, %swap3A_770] {strides = array<i32>} : memref<4x256xf32, #tpu.memory_space<vmem>>, vector<16xf32>,
      tpu.vector_store %arg15[%swap3A_769, %swap3A_770], %add3A_767 {strides = array<i32>} : memref<4x256xf32, #tpu.memory_space<vmem>>, vector<16xf32>,
      %get3A_772 = arith.constant 1 : i32
      %get3A_773 = arith.constant 0 : i32
      %get3A_774 = arith.index_cast %get3A_772 : i32 to index
      %get3A_775 = arith.index_cast %get3A_773 : i32 to index
      %get3A_776 = arith.constant 224 : index
      %get3A_777 = tpu.vector_load %arg14[%get3A_774, %get3A_775, %get3A_776] {strides = array<i32>} : memref<4x1x256xf32, #tpu.memory_space<vmem>>, vector<16xf32>,
      %mul3A_778 = arith.mulf %get3A_55, %unpack3A_735 : vector<16xf32>
      %add3A_779 = arith.addf %get3A_777, %mul3A_778 : vector<16xf32>
      %swap3A_780 = arith.constant 1 : i32
      %swap3A_781 = arith.index_cast %swap3A_780 : i32 to index
      %swap3A_782 = arith.constant 224 : index
      %swap3A_783 = tpu.vector_load %arg15[%swap3A_781, %swap3A_782] {strides = array<i32>} : memref<4x256xf32, #tpu.memory_space<vmem>>, vector<16xf32>,
      tpu.vector_store %arg15[%swap3A_781, %swap3A_782], %add3A_779 {strides = array<i32>} : memref<4x256xf32, #tpu.memory_space<vmem>>, vector<16xf32>,
      %unpack3A_784 = tpu.unpack_subelements %scan3A_626#6, 0 {pack_format = #tpu.pack_format<interleaved>} : vector<32xbf16> -> vector<16xf32>
      %unpack3A_785 = tpu.unpack_subelements %scan3A_626#6, 1 {pack_format = #tpu.pack_format<interleaved>} : vector<32xbf16> -> vector<16xf32>
      %unpack3A_786 = tpu.unpack_subelements %scan3A_626#7, 0 {pack_format = #tpu.pack_format<interleaved>} : vector<32xbf16> -> vector<16xf32>
      %unpack3A_787 = tpu.unpack_subelements %scan3A_626#7, 1 {pack_format = #tpu.pack_format<interleaved>} : vector<32xbf16> -> vector<16xf32>
      %get3A_788 = arith.constant 1 : i32
      %get3A_789 = arith.constant 0 : i32
      %get3A_790 = arith.index_cast %get3A_788 : i32 to index
      %get3A_791 = arith.index_cast %get3A_789 : i32 to index
      %get3A_792 = arith.constant 48 : index
      %get3A_793 = tpu.vector_load %arg14[%get3A_790, %get3A_791, %get3A_792] {strides = array<i32>} : memref<4x1x256xf32, #tpu.memory_space<vmem>>, vector<16xf32>,
      %mul3A_794 = arith.mulf %get3A_49, %unpack3A_784 : vector<16xf32>
      %add3A_795 = arith.addf %get3A_793, %mul3A_794 : vector<16xf32>
      %swap3A_796 = arith.constant 1 : i32
      %swap3A_797 = arith.index_cast %swap3A_796 : i32 to index
      %swap3A_798 = arith.constant 48 : index
      %swap3A_799 = tpu.vector_load %arg15[%swap3A_797, %swap3A_798] {strides = array<i32>} : memref<4x256xf32, #tpu.memory_space<vmem>>, vector<16xf32>,
      tpu.vector_store %arg15[%swap3A_797, %swap3A_798], %add3A_795 {strides = array<i32>} : memref<4x256xf32, #tpu.memory_space<vmem>>, vector<16xf32>,
      %get3A_800 = arith.constant 1 : i32
      %get3A_801 = arith.constant 0 : i32
      %get3A_802 = arith.index_cast %get3A_800 : i32 to index
      %get3A_803 = arith.index_cast %get3A_801 : i32 to index
      %get3A_804 = arith.constant 112 : index
      %get3A_805 = tpu.vector_load %arg14[%get3A_802, %get3A_803, %get3A_804] {strides = array<i32>} : memref<4x1x256xf32, #tpu.memory_space<vmem>>, vector<16xf32>,
      %mul3A_806 = arith.mulf %get3A_57, %unpack3A_785 : vector<16xf32>
      %add3A_807 = arith.addf %get3A_805, %mul3A_806 : vector<16xf32>
      %swap3A_808 = arith.constant 1 : i32
      %swap3A_809 = arith.index_cast %swap3A_808 : i32 to index
      %swap3A_810 = arith.constant 112 : index
      %swap3A_811 = tpu.vector_load %arg15[%swap3A_809, %swap3A_810] {strides = array<i32>} : memref<4x256xf32, #tpu.memory_space<vmem>>, vector<16xf32>,
      tpu.vector_store %arg15[%swap3A_809, %swap3A_810], %add3A_807 {strides = array<i32>} : memref<4x256xf32, #tpu.memory_space<vmem>>, vector<16xf32>,
      %get3A_812 = arith.constant 1 : i32
      %get3A_813 = arith.constant 0 : i32
      %get3A_814 = arith.index_cast %get3A_812 : i32 to index
      %get3A_815 = arith.index_cast %get3A_813 : i32 to index
      %get3A_816 = arith.constant 176 : index
      %get3A_817 = tpu.vector_load %arg14[%get3A_814, %get3A_815, %get3A_816] {strides = array<i32>} : memref<4x1x256xf32, #tpu.memory_space<vmem>>, vector<16xf32>,
      %mul3A_818 = arith.mulf %get3A_49, %unpack3A_786 : vector<16xf32>
      %add3A_819 = arith.addf %get3A_817, %mul3A_818 : vector<16xf32>
      %swap3A_820 = arith.constant 1 : i32
      %swap3A_821 = arith.index_cast %swap3A_820 : i32 to index
      %swap3A_822 = arith.constant 176 : index
      %swap3A_823 = tpu.vector_load %arg15[%swap3A_821, %swap3A_822] {strides = array<i32>} : memref<4x256xf32, #tpu.memory_space<vmem>>, vector<16xf32>,
      tpu.vector_store %arg15[%swap3A_821, %swap3A_822], %add3A_819 {strides = array<i32>} : memref<4x256xf32, #tpu.memory_space<vmem>>, vector<16xf32>,
      %get3A_824 = arith.constant 1 : i32
      %get3A_825 = arith.constant 0 : i32
      %get3A_826 = arith.index_cast %get3A_824 : i32 to index
      %get3A_827 = arith.index_cast %get3A_825 : i32 to index
      %get3A_828 = arith.constant 240 : index
      %get3A_829 = tpu.vector_load %arg14[%get3A_826, %get3A_827, %get3A_828] {strides = array<i32>} : memref<4x1x256xf32, #tpu.memory_space<vmem>>, vector<16xf32>,
      %mul3A_830 = arith.mulf %get3A_57, %unpack3A_787 : vector<16xf32>
      %add3A_831 = arith.addf %get3A_829, %mul3A_830 : vector<16xf32>
      %swap3A_832 = arith.constant 1 : i32
      %swap3A_833 = arith.index_cast %swap3A_832 : i32 to index
      %swap3A_834 = arith.constant 240 : index
      %swap3A_835 = tpu.vector_load %arg15[%swap3A_833, %swap3A_834] {strides = array<i32>} : memref<4x256xf32, #tpu.memory_space<vmem>>, vector<16xf32>,
      tpu.vector_store %arg15[%swap3A_833, %swap3A_834], %add3A_831 {strides = array<i32>} : memref<4x256xf32, #tpu.memory_space<vmem>>, vector<16xf32>,
      %add3A_836 = arith.addi %mul3A_2, %add3A_536 : i32
      %dma_start3A_837 = arith.constant 1 : i32
      %dma_start3A_838 = arith.constant 0 : i32
      %dma_start3A_839 = tpu.memref_slice %arg15[%dma_start3A_837, %dma_start3A_838] : memref<4x256xf32, #tpu.memory_space<vmem>> -> memref<1x256xf32, #tpu.memory_space<vmem>>
      %dma_start3A_840 = tpu.memref_squeeze %dma_start3A_839 : memref<1x256xf32, #tpu.memory_space<vmem>> -> memref<256xf32, #tpu.memory_space<vmem>>
      %dma_start3A_841 = arith.constant 0 : i32
      %dma_start3A_842 = tpu.memref_slice %arg8[%add3A_836, %dma_start3A_841] : memref<4096x256xf32, #tpu.memory_space<hbm>> -> memref<1x256xf32, #tpu.memory_space<hbm>>
      %dma_start3A_843 = tpu.memref_squeeze %dma_start3A_842 : memref<1x256xf32, #tpu.memory_space<hbm>> -> memref<256xf32, #tpu.memory_space<hbm>>
      %dma_start3A_844 = arith.constant 0 : i32
      %dma_start3A_845 = tpu.memref_slice %arg8[%add3A_836, %dma_start3A_844] : memref<4096x256xf32, #tpu.memory_space<hbm>> -> memref<1x256xf32, #tpu.memory_space<hbm>>
      %dma_start3A_846 = tpu.memref_squeeze %dma_start3A_845 : memref<1x256xf32, #tpu.memory_space<hbm>> -> memref<256xf32, #tpu.memory_space<hbm>>
      %dma_start3A_847 = arith.constant 0 : i32
      %dma_start3A_848 = tpu.memref_slice %arg15[%dma_start3A_837, %dma_start3A_847] : memref<4x256xf32, #tpu.memory_space<vmem>> -> memref<1x256xf32, #tpu.memory_space<vmem>>
      %dma_start3A_849 = tpu.memref_squeeze %dma_start3A_848 : memref<1x256xf32, #tpu.memory_space<vmem>> -> memref<256xf32, #tpu.memory_space<vmem>>
      tpu.enqueue_dma source(%dma_start3A_849 : memref<256xf32, #tpu.memory_space<vmem>>) target(%dma_start3A_846 : memref<256xf32, #tpu.memory_space<hbm>>) target_semaphore(%arg26 : memref<!tpu.dma_semaphore, #tpu.memory_space<semaphore_mem>>)
      %add3A_850 = arith.constant 4 : i32
      %add3A_851 = arith.addi %add3A_536, %add3A_850 : i32
      %lt3A_852 = arith.constant 128 : i32
      %lt3A_853 = arith.cmpi slt, %add3A_851, %lt3A_852 : i32
      %convert_element_type3A_854 = arith.extui %lt3A_853 : i1 to i32
      %cond3A_855 = arith.constant 0 : i32
      %cond3A_856 = arith.cmpi ne, %convert_element_type3A_854, %cond3A_855 : i32
      scf.if %cond3A_856 {
        %dma_start3A_1505 = arith.constant 1 : i32
        %dma_start3A_1506 = arith.constant 0 : i32
        %dma_start3A_1507 = arith.constant 0 : i32
        %dma_start3A_1508 = tpu.memref_slice %arg13[%dma_start3A_1505, %dma_start3A_1506, %dma_start3A_1507] : memref<4x32x128xi32, #tpu.memory_space<vmem>> -> memref<1x32x128xi32, #tpu.memory_space<vmem>>
        %dma_start3A_1509 = tpu.memref_squeeze %dma_start3A_1508 : memref<1x32x128xi32, #tpu.memory_space<vmem>> -> memref<32x128xi32, #tpu.memory_space<vmem>>
        %dma_start3A_1510 = arith.constant 0 : i32
        %dma_start3A_1511 = tpu.memref_slice %arg10[%add3A_851, %dma_start3A_1510] : memref<128x128xi32, #tpu.memory_space<vmem>> -> memref<1x32xi32, #tpu.memory_space<vmem>>
        %dma_start3A_1512 = tpu.memref_squeeze %dma_start3A_1511 : memref<1x32xi32, #tpu.memory_space<vmem>> -> memref<32xi32, #tpu.memory_space<vmem>>
        %dma_start3A_1513 = arith.constant 0 : i32
        %dma_start3A_1514 = arith.constant 0 : i32
        %dma_start3A_1515 = tpu.memref_slice %arg5[%dma_start3A_1513, %dma_start3A_1514] : memref<10000x128xi32, #tpu.memory_space<hbm>> -> memref<10000x128xi32, #tpu.memory_space<hbm>>
        tpu.enqueue_indirect_dma source(%dma_start3A_1515 : memref<10000x128xi32, #tpu.memory_space<hbm>>) target(%dma_start3A_1509 : memref<32x128xi32, #tpu.memory_space<vmem>>) offsets(%dma_start3A_1512 : memref<32xi32, #tpu.memory_space<vmem>>) semaphore(%arg18 : memref<!tpu.dma_semaphore, #tpu.memory_space<semaphore_mem>>)
        %dma_start3A_1516 = arith.constant 1 : i32
        %dma_start3A_1517 = arith.constant 0 : i32
        %dma_start3A_1518 = arith.constant 0 : i32
        %dma_start3A_1519 = tpu.memref_slice %arg14[%dma_start3A_1516, %dma_start3A_1517, %dma_start3A_1518] : memref<4x1x256xf32, #tpu.memory_space<vmem>> -> memref<1x1x256xf32, #tpu.memory_space<vmem>>
        %dma_start3A_1520 = tpu.memref_squeeze %dma_start3A_1519 : memref<1x1x256xf32, #tpu.memory_space<vmem>> -> memref<1x256xf32, #tpu.memory_space<vmem>>
        %dma_start3A_1521 = arith.constant 96 : i32
        %dma_start3A_1522 = tpu.memref_slice %arg10[%add3A_851, %dma_start3A_1521] : memref<128x128xi32, #tpu.memory_space<vmem>> -> memref<1x1xi32, #tpu.memory_space<vmem>>
        %dma_start3A_1523 = tpu.memref_squeeze %dma_start3A_1522 : memref<1x1xi32, #tpu.memory_space<vmem>> -> memref<1xi32, #tpu.memory_space<vmem>>
        %dma_start3A_1524 = arith.constant 0 : i32
        %dma_start3A_1525 = arith.constant 0 : i32
        %dma_start3A_1526 = tpu.memref_slice %arg4[%dma_start3A_1524, %dma_start3A_1525] : memref<10000x256xf32, #tpu.memory_space<hbm>> -> memref<10000x256xf32, #tpu.memory_space<hbm>>
        tpu.enqueue_indirect_dma source(%dma_start3A_1526 : memref<10000x256xf32, #tpu.memory_space<hbm>>) target(%dma_start3A_1520 : memref<1x256xf32, #tpu.memory_space<vmem>>) offsets(%dma_start3A_1523 : memref<1xi32, #tpu.memory_space<vmem>>) semaphore(%arg22 : memref<!tpu.dma_semaphore, #tpu.memory_space<semaphore_mem>>)
      } else {
      }
      %mul3A_857 = arith.constant 4 : i32
      %mul3A_858 = arith.muli %mul3A_857, %scan3A_219 : i32
      %add3A_859 = arith.constant 2 : i32
      %add3A_860 = arith.addi %mul3A_858, %add3A_859 : i32
      %dma_wait3A_861 = arith.constant 2 : i32
      %dma_wait3A_862 = arith.constant 0 : i32
      %dma_wait3A_863 = arith.constant 0 : i32
      %dma_wait3A_864 = tpu.memref_slice %arg13[%dma_wait3A_861, %dma_wait3A_862, %dma_wait3A_863] : memref<4x32x128xi32, #tpu.memory_space<vmem>> -> memref<1x32x128xi32, #tpu.memory_space<vmem>>
      %dma_wait3A_865 = tpu.memref_squeeze %dma_wait3A_864 : memref<1x32x128xi32, #tpu.memory_space<vmem>> -> memref<32x128xi32, #tpu.memory_space<vmem>>
      %dma_wait3A_866 = arith.constant 0 : i32
      %dma_wait3A_867 = tpu.memref_slice %arg10[%add3A_860, %dma_wait3A_866] : memref<128x128xi32, #tpu.memory_space<vmem>> -> memref<1x32xi32, #tpu.memory_space<vmem>>
      %dma_wait3A_868 = tpu.memref_squeeze %dma_wait3A_867 : memref<1x32xi32, #tpu.memory_space<vmem>> -> memref<32xi32, #tpu.memory_space<vmem>>
      %dma_wait3A_869 = arith.constant 0 : i32
      %dma_wait3A_870 = arith.constant 0 : i32
      %dma_wait3A_871 = tpu.memref_slice %arg5[%dma_wait3A_869, %dma_wait3A_870] : memref<10000x128xi32, #tpu.memory_space<hbm>> -> memref<10000x128xi32, #tpu.memory_space<hbm>>
      tpu.wait_indirect_dma semaphore(%arg19 : memref<!tpu.dma_semaphore, #tpu.memory_space<semaphore_mem>>) src(%dma_wait3A_871 : memref<10000x128xi32, #tpu.memory_space<hbm>>) dst(%dma_wait3A_865 : memref<32x128xi32, #tpu.memory_space<vmem>>)
      %dma_wait3A_872 = arith.constant 2 : i32
      %dma_wait3A_873 = arith.constant 0 : i32
      %dma_wait3A_874 = arith.constant 0 : i32
      %dma_wait3A_875 = tpu.memref_slice %arg14[%dma_wait3A_872, %dma_wait3A_873, %dma_wait3A_874] : memref<4x1x256xf32, #tpu.memory_space<vmem>> -> memref<1x1x256xf32, #tpu.memory_space<vmem>>
      %dma_wait3A_876 = tpu.memref_squeeze %dma_wait3A_875 : memref<1x1x256xf32, #tpu.memory_space<vmem>> -> memref<1x256xf32, #tpu.memory_space<vmem>>
      %dma_wait3A_877 = arith.constant 96 : i32
      %dma_wait3A_878 = tpu.memref_slice %arg10[%add3A_860, %dma_wait3A_877] : memref<128x128xi32, #tpu.memory_space<vmem>> -> memref<1x1xi32, #tpu.memory_space<vmem>>
      %dma_wait3A_879 = tpu.memref_squeeze %dma_wait3A_878 : memref<1x1xi32, #tpu.memory_space<vmem>> -> memref<1xi32, #tpu.memory_space<vmem>>
      %dma_wait3A_880 = arith.constant 0 : i32
      %dma_wait3A_881 = arith.constant 0 : i32
      %dma_wait3A_882 = tpu.memref_slice %arg4[%dma_wait3A_880, %dma_wait3A_881] : memref<10000x256xf32, #tpu.memory_space<hbm>> -> memref<10000x256xf32, #tpu.memory_space<hbm>>
      tpu.wait_indirect_dma semaphore(%arg23 : memref<!tpu.dma_semaphore, #tpu.memory_space<semaphore_mem>>) src(%dma_wait3A_882 : memref<10000x256xf32, #tpu.memory_space<hbm>>) dst(%dma_wait3A_876 : memref<1x256xf32, #tpu.memory_space<vmem>>)
      %ge3A_883 = arith.constant 4 : i32
      %ge3A_884 = arith.cmpi sge, %add3A_860, %ge3A_883 : i32
      %convert_element_type3A_885 = arith.extui %ge3A_884 : i1 to i32
      %cond3A_886 = arith.constant 0 : i32
      %cond3A_887 = arith.cmpi ne, %convert_element_type3A_885, %cond3A_886 : i32
      scf.if %cond3A_887 {
        %sub3A_1505 = arith.constant 4 : i32
        %sub3A_1506 = arith.subi %add3A_860, %sub3A_1505 : i32
        %add3A_1507 = arith.addi %mul3A_2, %sub3A_1506 : i32
        %dma_wait3A_1508 = arith.constant 2 : i32
        %dma_wait3A_1509 = arith.constant 0 : i32
        %dma_wait3A_1510 = tpu.memref_slice %arg15[%dma_wait3A_1508, %dma_wait3A_1509] : memref<4x256xf32, #tpu.memory_space<vmem>> -> memref<1x256xf32, #tpu.memory_space<vmem>>
        %dma_wait3A_1511 = tpu.memref_squeeze %dma_wait3A_1510 : memref<1x256xf32, #tpu.memory_space<vmem>> -> memref<256xf32, #tpu.memory_space<vmem>>
        %dma_wait3A_1512 = arith.constant 0 : i32
        %dma_wait3A_1513 = tpu.memref_slice %arg8[%add3A_1507, %dma_wait3A_1512] : memref<4096x256xf32, #tpu.memory_space<hbm>> -> memref<1x256xf32, #tpu.memory_space<hbm>>
        %dma_wait3A_1514 = tpu.memref_squeeze %dma_wait3A_1513 : memref<1x256xf32, #tpu.memory_space<hbm>> -> memref<256xf32, #tpu.memory_space<hbm>>
        %dma_wait3A_1515 = arith.constant 0 : i32
        %dma_wait3A_1516 = tpu.memref_slice %arg8[%add3A_1507, %dma_wait3A_1515] : memref<4096x256xf32, #tpu.memory_space<hbm>> -> memref<1x256xf32, #tpu.memory_space<hbm>>
        %dma_wait3A_1517 = tpu.memref_squeeze %dma_wait3A_1516 : memref<1x256xf32, #tpu.memory_space<hbm>> -> memref<256xf32, #tpu.memory_space<hbm>>
        %dma_wait3A_1518 = arith.constant 0 : i32
        %dma_wait3A_1519 = tpu.memref_slice %arg15[%dma_wait3A_1508, %dma_wait3A_1518] : memref<4x256xf32, #tpu.memory_space<vmem>> -> memref<1x256xf32, #tpu.memory_space<vmem>>
        %dma_wait3A_1520 = tpu.memref_squeeze %dma_wait3A_1519 : memref<1x256xf32, #tpu.memory_space<vmem>> -> memref<256xf32, #tpu.memory_space<vmem>>
        tpu.wait_dma2 semaphore(%arg27 : memref<!tpu.dma_semaphore, #tpu.memory_space<semaphore_mem>>) src(%dma_wait3A_1520 : memref<256xf32, #tpu.memory_space<vmem>>) dst(%dma_wait3A_1517 : memref<256xf32, #tpu.memory_space<hbm>>)
      } else {
      }
      %get3A_888 = arith.index_cast %add3A_860 : i32 to index
      %get3A_889 = arith.constant 64 : index
      %get3A_890 = tpu.vector_load %arg10[%get3A_888, %get3A_889] {strides = array<i32>} : memref<128x128xi32, #tpu.memory_space<vmem>>, vector<16xi32>,
      %bitcast3A_891 = vector.bitcast %get3A_890 : vector<16xi32> to vector<16xf32>
      %get3A_892 = arith.index_cast %add3A_860 : i32 to index
      %get3A_893 = arith.constant 32 : index
      %get3A_894 = tpu.vector_load %arg10[%get3A_892, %get3A_893] {strides = array<i32>} : memref<128x128xi32, #tpu.memory_space<vmem>>, vector<16xi32>,
      %and3A_895 = arith.constant 1 : i32
      %and3A_896 = vector.broadcast %and3A_895 : i32 to vector<16xi32>
      %and3A_897 = arith.andi %get3A_894, %and3A_896 : vector<16xi32>
      %convert_element_type3A_898 = arith.sitofp %and3A_897 : vector<16xi32> to vector<16xf32>
      %mul3A_899 = arith.constant 2.000000e+00 : f32
      %mul3A_900 = vector.broadcast %mul3A_899 : f32 to vector<16xf32>
      %mul3A_901 = arith.mulf %mul3A_900, %convert_element_type3A_898 : vector<16xf32>
      %sub3A_902 = arith.constant 1.000000e+00 : f32
      %sub3A_903 = vector.broadcast %sub3A_902 : f32 to vector<16xf32>
      %sub3A_904 = arith.subf %sub3A_903, %mul3A_901 : vector<16xf32>
      %mul3A_905 = arith.mulf %bitcast3A_891, %sub3A_904 : vector<16xf32>
      %shift_right_logical3A_906 = arith.constant 1 : i32
      %shift_right_logical3A_907 = vector.broadcast %shift_right_logical3A_906 : i32 to vector<16xi32>
      %shift_right_logical3A_908 = arith.shrui %get3A_894, %shift_right_logical3A_907 : vector<16xi32>
      %get3A_909 = arith.index_cast %add3A_860 : i32 to index
      %get3A_910 = arith.constant 80 : index
      %get3A_911 = tpu.vector_load %arg10[%get3A_909, %get3A_910] {strides = array<i32>} : memref<128x128xi32, #tpu.memory_space<vmem>>, vector<16xi32>,
      %bitcast3A_912 = vector.bitcast %get3A_911 : vector<16xi32> to vector<16xf32>
      %get3A_913 = arith.index_cast %add3A_860 : i32 to index
      %get3A_914 = arith.constant 48 : index
      %get3A_915 = tpu.vector_load %arg10[%get3A_913, %get3A_914] {strides = array<i32>} : memref<128x128xi32, #tpu.memory_space<vmem>>, vector<16xi32>,
      %and3A_916 = arith.constant 1 : i32
      %and3A_917 = vector.broadcast %and3A_916 : i32 to vector<16xi32>
      %and3A_918 = arith.andi %get3A_915, %and3A_917 : vector<16xi32>
      %convert_element_type3A_919 = arith.sitofp %and3A_918 : vector<16xi32> to vector<16xf32>
      %mul3A_920 = arith.constant 2.000000e+00 : f32
      %mul3A_921 = vector.broadcast %mul3A_920 : f32 to vector<16xf32>
      %mul3A_922 = arith.mulf %mul3A_921, %convert_element_type3A_919 : vector<16xf32>
      %sub3A_923 = arith.constant 1.000000e+00 : f32
      %sub3A_924 = vector.broadcast %sub3A_923 : f32 to vector<16xf32>
      %sub3A_925 = arith.subf %sub3A_924, %mul3A_922 : vector<16xf32>
      %mul3A_926 = arith.mulf %bitcast3A_912, %sub3A_925 : vector<16xf32>
      %shift_right_logical3A_927 = arith.constant 1 : i32
      %shift_right_logical3A_928 = vector.broadcast %shift_right_logical3A_927 : i32 to vector<16xi32>
      %shift_right_logical3A_929 = arith.shrui %get3A_915, %shift_right_logical3A_928 : vector<16xi32>
      %broadcast_in_dim3A_930 = arith.constant 0.000000e+00 : bf16
      %broadcast_in_dim3A_931 = vector.broadcast %broadcast_in_dim3A_930 : bf16 to vector<32xbf16>
      %broadcast_in_dim3A_932 = arith.constant 0.000000e+00 : bf16
      %broadcast_in_dim3A_933 = vector.broadcast %broadcast_in_dim3A_932 : bf16 to vector<32xbf16>
      %broadcast_in_dim3A_934 = arith.constant 0.000000e+00 : bf16
      %broadcast_in_dim3A_935 = vector.broadcast %broadcast_in_dim3A_934 : bf16 to vector<32xbf16>
      %broadcast_in_dim3A_936 = arith.constant 0.000000e+00 : bf16
      %broadcast_in_dim3A_937 = vector.broadcast %broadcast_in_dim3A_936 : bf16 to vector<32xbf16>
      %broadcast_in_dim3A_938 = arith.constant 0.000000e+00 : bf16
      %broadcast_in_dim3A_939 = vector.broadcast %broadcast_in_dim3A_938 : bf16 to vector<32xbf16>
      %broadcast_in_dim3A_940 = arith.constant 0.000000e+00 : bf16
      %broadcast_in_dim3A_941 = vector.broadcast %broadcast_in_dim3A_940 : bf16 to vector<32xbf16>
      %broadcast_in_dim3A_942 = arith.constant 0.000000e+00 : bf16
      %broadcast_in_dim3A_943 = vector.broadcast %broadcast_in_dim3A_942 : bf16 to vector<32xbf16>
      %broadcast_in_dim3A_944 = arith.constant 0.000000e+00 : bf16
      %broadcast_in_dim3A_945 = vector.broadcast %broadcast_in_dim3A_944 : bf16 to vector<32xbf16>
      %scan3A_946 = arith.constant 0 : i32
      %scan3A_947 = arith.constant 16 : i32
      %scan3A_948 = arith.addi %scan3A_946, %scan3A_947 : i32
      %scan3A_949 = arith.constant 1 : i32
      %scan3A_950:8 = scf.for %scan3A_1505 = %scan3A_946 to %scan3A_948 step %scan3A_949 iter_args(%scan3A_1506 = %broadcast_in_dim3A_931, %scan3A_1507 = %broadcast_in_dim3A_933, %scan3A_1508 = %broadcast_in_dim3A_935, %scan3A_1509 = %broadcast_in_dim3A_937, %scan3A_1510 = %broadcast_in_dim3A_939, %scan3A_1511 = %broadcast_in_dim3A_941, %scan3A_1512 = %broadcast_in_dim3A_943, %scan3A_1513 = %broadcast_in_dim3A_945) -> (vector<32xbf16>, vector<32xbf16>, vector<32xbf16>, vector<32xbf16>, vector<32xbf16>, vector<32xbf16>, vector<32xbf16>, vector<32xbf16>)  : i32 {
        %broadcast_in_dim3A_1514 = vector.broadcast %scan3A_1505 : i32 to vector<16xi32>
        %broadcast_in_dim3A_1515 = vector.shape_cast %broadcast_in_dim3A_1514 : vector<16xi32> to vector<16x1xi32>
        %gather3A = vector.shape_cast %broadcast_in_dim3A_1515 : vector<16x1xi32> to vector<16xi32>
        %gather3A_1516 = tpu.dynamic_gather %bitcast3A_891[%gather3A] in [0] : vector<16xf32>, vector<16xi32> -> vector<16xf32>
        %broadcast_in_dim3A_1517 = vector.shape_cast %broadcast_in_dim3A_1514 : vector<16xi32> to vector<16x1xi32>
        %gather3A_1518 = vector.shape_cast %broadcast_in_dim3A_1517 : vector<16x1xi32> to vector<16xi32>
        %gather3A_1519 = tpu.dynamic_gather %mul3A_905[%gather3A_1518] in [0] : vector<16xf32>, vector<16xi32> -> vector<16xf32>
        %broadcast_in_dim3A_1520 = vector.shape_cast %broadcast_in_dim3A_1514 : vector<16xi32> to vector<16x1xi32>
        %gather3A_1521 = vector.shape_cast %broadcast_in_dim3A_1520 : vector<16x1xi32> to vector<16xi32>
        %gather3A_1522 = tpu.dynamic_gather %shift_right_logical3A_908[%gather3A_1521] in [0] : vector<16xi32>, vector<16xi32> -> vector<16xi32>
        %pack3A = tpu.pack_subelements %gather3A_1516, %gather3A_1516 {pack_format = #tpu.pack_format<interleaved>, positions = array<i32: 0, 1>} : vector<16xf32>, vector<16xf32> -> vector<32xbf16>
        %pack3A_1523 = tpu.pack_subelements %gather3A_1519, %gather3A_1519 {pack_format = #tpu.pack_format<interleaved>, positions = array<i32: 0, 1>} : vector<16xf32>, vector<16xf32> -> vector<32xbf16>
        %add3A_1524 = arith.constant 0 : i32
        %add3A_1525 = arith.addi %add3A_1524, %scan3A_1505 : i32
        %gather3A_1526 = tpu.vector_load_idx %arg11[%gather3A_1522, %add3A_9] : memref<500x128xi32, #tpu.memory_space<vmem>>[vector<16xi32>, vector<16xi32>], vector<16xi32>,
        %bitcast3A_1527 = vector.bitcast %gather3A_1526 : vector<16xi32> to vector<32xbf16>
        %gather3A_1528 = tpu.vector_load_idx %arg11[%gather3A_1522, %add3A_24] : memref<500x128xi32, #tpu.memory_space<vmem>>[vector<16xi32>, vector<16xi32>], vector<16xi32>,
        %bitcast3A_1529 = vector.bitcast %gather3A_1528 : vector<16xi32> to vector<32xbf16>
        %get3A_1530 = arith.constant 2 : i32
        %get3A_1531 = arith.index_cast %get3A_1530 : i32 to index
        %get3A_1532 = arith.index_cast %add3A_1525 : i32 to index
        %get3A_1533 = arith.constant 0 : index
        %get3A_1534 = tpu.vector_load %arg13[%get3A_1531, %get3A_1532, %get3A_1533] {strides = array<i32>} : memref<4x32x128xi32, #tpu.memory_space<vmem>>, vector<16xi32>,
        %bitcast3A_1535 = vector.bitcast %get3A_1534 : vector<16xi32> to vector<32xbf16>
        %get3A_1536 = arith.constant 2 : i32
        %get3A_1537 = arith.index_cast %get3A_1536 : i32 to index
        %get3A_1538 = arith.index_cast %add3A_1525 : i32 to index
        %get3A_1539 = arith.constant 64 : index
        %get3A_1540 = tpu.vector_load %arg13[%get3A_1537, %get3A_1538, %get3A_1539] {strides = array<i32>} : memref<4x32x128xi32, #tpu.memory_space<vmem>>, vector<16xi32>,
        %bitcast3A_1541 = vector.bitcast %get3A_1540 : vector<16xi32> to vector<32xbf16>
        %mul3A_1542 = arith.mulf %bitcast3A_1527, %pack3A : vector<32xbf16>
        %mul3A_1543 = arith.mulf %bitcast3A_1529, %pack3A_1523 : vector<32xbf16>
        %mul3A_1544 = arith.mulf %bitcast3A_1535, %mul3A_1542 : vector<32xbf16>
        %mul3A_1545 = arith.mulf %bitcast3A_1541, %mul3A_1543 : vector<32xbf16>
        %sub3A_1546 = arith.subf %mul3A_1544, %mul3A_1545 : vector<32xbf16>
        %add3A_1547 = arith.addf %scan3A_1506, %sub3A_1546 : vector<32xbf16>
        %mul3A_1548 = arith.mulf %bitcast3A_1535, %mul3A_1543 : vector<32xbf16>
        %mul3A_1549 = arith.mulf %bitcast3A_1541, %mul3A_1542 : vector<32xbf16>
        %add3A_1550 = arith.addf %mul3A_1548, %mul3A_1549 : vector<32xbf16>
        %add3A_1551 = arith.addf %scan3A_1507, %add3A_1550 : vector<32xbf16>
        %gather3A_1552 = tpu.vector_load_idx %arg11[%gather3A_1522, %add3A_12] : memref<500x128xi32, #tpu.memory_space<vmem>>[vector<16xi32>, vector<16xi32>], vector<16xi32>,
        %bitcast3A_1553 = vector.bitcast %gather3A_1552 : vector<16xi32> to vector<32xbf16>
        %gather3A_1554 = tpu.vector_load_idx %arg11[%gather3A_1522, %add3A_30] : memref<500x128xi32, #tpu.memory_space<vmem>>[vector<16xi32>, vector<16xi32>], vector<16xi32>,
        %bitcast3A_1555 = vector.bitcast %gather3A_1554 : vector<16xi32> to vector<32xbf16>
        %get3A_1556 = arith.constant 2 : i32
        %get3A_1557 = arith.index_cast %get3A_1556 : i32 to index
        %get3A_1558 = arith.index_cast %add3A_1525 : i32 to index
        %get3A_1559 = arith.constant 16 : index
        %get3A_1560 = tpu.vector_load %arg13[%get3A_1557, %get3A_1558, %get3A_1559] {strides = array<i32>} : memref<4x32x128xi32, #tpu.memory_space<vmem>>, vector<16xi32>,
        %bitcast3A_1561 = vector.bitcast %get3A_1560 : vector<16xi32> to vector<32xbf16>
        %get3A_1562 = arith.constant 2 : i32
        %get3A_1563 = arith.index_cast %get3A_1562 : i32 to index
        %get3A_1564 = arith.index_cast %add3A_1525 : i32 to index
        %get3A_1565 = arith.constant 80 : index
        %get3A_1566 = tpu.vector_load %arg13[%get3A_1563, %get3A_1564, %get3A_1565] {strides = array<i32>} : memref<4x32x128xi32, #tpu.memory_space<vmem>>, vector<16xi32>,
        %bitcast3A_1567 = vector.bitcast %get3A_1566 : vector<16xi32> to vector<32xbf16>
        %mul3A_1568 = arith.mulf %bitcast3A_1553, %pack3A : vector<32xbf16>
        %mul3A_1569 = arith.mulf %bitcast3A_1555, %pack3A_1523 : vector<32xbf16>
        %mul3A_1570 = arith.mulf %bitcast3A_1561, %mul3A_1568 : vector<32xbf16>
        %mul3A_1571 = arith.mulf %bitcast3A_1567, %mul3A_1569 : vector<32xbf16>
        %sub3A_1572 = arith.subf %mul3A_1570, %mul3A_1571 : vector<32xbf16>
        %add3A_1573 = arith.addf %scan3A_1508, %sub3A_1572 : vector<32xbf16>
        %mul3A_1574 = arith.mulf %bitcast3A_1561, %mul3A_1569 : vector<32xbf16>
        %mul3A_1575 = arith.mulf %bitcast3A_1567, %mul3A_1568 : vector<32xbf16>
        %add3A_1576 = arith.addf %mul3A_1574, %mul3A_1575 : vector<32xbf16>
        %add3A_1577 = arith.addf %scan3A_1509, %add3A_1576 : vector<32xbf16>
        %gather3A_1578 = tpu.vector_load_idx %arg11[%gather3A_1522, %add3A_15] : memref<500x128xi32, #tpu.memory_space<vmem>>[vector<16xi32>, vector<16xi32>], vector<16xi32>,
        %bitcast3A_1579 = vector.bitcast %gather3A_1578 : vector<16xi32> to vector<32xbf16>
        %gather3A_1580 = tpu.vector_load_idx %arg11[%gather3A_1522, %add3A_36] : memref<500x128xi32, #tpu.memory_space<vmem>>[vector<16xi32>, vector<16xi32>], vector<16xi32>,
        %bitcast3A_1581 = vector.bitcast %gather3A_1580 : vector<16xi32> to vector<32xbf16>
        %get3A_1582 = arith.constant 2 : i32
        %get3A_1583 = arith.index_cast %get3A_1582 : i32 to index
        %get3A_1584 = arith.index_cast %add3A_1525 : i32 to index
        %get3A_1585 = arith.constant 32 : index
        %get3A_1586 = tpu.vector_load %arg13[%get3A_1583, %get3A_1584, %get3A_1585] {strides = array<i32>} : memref<4x32x128xi32, #tpu.memory_space<vmem>>, vector<16xi32>,
        %bitcast3A_1587 = vector.bitcast %get3A_1586 : vector<16xi32> to vector<32xbf16>
        %get3A_1588 = arith.constant 2 : i32
        %get3A_1589 = arith.index_cast %get3A_1588 : i32 to index
        %get3A_1590 = arith.index_cast %add3A_1525 : i32 to index
        %get3A_1591 = arith.constant 96 : index
        %get3A_1592 = tpu.vector_load %arg13[%get3A_1589, %get3A_1590, %get3A_1591] {strides = array<i32>} : memref<4x32x128xi32, #tpu.memory_space<vmem>>, vector<16xi32>,
        %bitcast3A_1593 = vector.bitcast %get3A_1592 : vector<16xi32> to vector<32xbf16>
        %mul3A_1594 = arith.mulf %bitcast3A_1579, %pack3A : vector<32xbf16>
        %mul3A_1595 = arith.mulf %bitcast3A_1581, %pack3A_1523 : vector<32xbf16>
        %mul3A_1596 = arith.mulf %bitcast3A_1587, %mul3A_1594 : vector<32xbf16>
        %mul3A_1597 = arith.mulf %bitcast3A_1593, %mul3A_1595 : vector<32xbf16>
        %sub3A_1598 = arith.subf %mul3A_1596, %mul3A_1597 : vector<32xbf16>
        %add3A_1599 = arith.addf %scan3A_1510, %sub3A_1598 : vector<32xbf16>
        %mul3A_1600 = arith.mulf %bitcast3A_1587, %mul3A_1595 : vector<32xbf16>
        %mul3A_1601 = arith.mulf %bitcast3A_1593, %mul3A_1594 : vector<32xbf16>
        %add3A_1602 = arith.addf %mul3A_1600, %mul3A_1601 : vector<32xbf16>
        %add3A_1603 = arith.addf %scan3A_1511, %add3A_1602 : vector<32xbf16>
        %gather3A_1604 = tpu.vector_load_idx %arg11[%gather3A_1522, %add3A_18] : memref<500x128xi32, #tpu.memory_space<vmem>>[vector<16xi32>, vector<16xi32>], vector<16xi32>,
        %bitcast3A_1605 = vector.bitcast %gather3A_1604 : vector<16xi32> to vector<32xbf16>
        %gather3A_1606 = tpu.vector_load_idx %arg11[%gather3A_1522, %add3A_42] : memref<500x128xi32, #tpu.memory_space<vmem>>[vector<16xi32>, vector<16xi32>], vector<16xi32>,
        %bitcast3A_1607 = vector.bitcast %gather3A_1606 : vector<16xi32> to vector<32xbf16>
        %get3A_1608 = arith.constant 2 : i32
        %get3A_1609 = arith.index_cast %get3A_1608 : i32 to index
        %get3A_1610 = arith.index_cast %add3A_1525 : i32 to index
        %get3A_1611 = arith.constant 48 : index
        %get3A_1612 = tpu.vector_load %arg13[%get3A_1609, %get3A_1610, %get3A_1611] {strides = array<i32>} : memref<4x32x128xi32, #tpu.memory_space<vmem>>, vector<16xi32>,
        %bitcast3A_1613 = vector.bitcast %get3A_1612 : vector<16xi32> to vector<32xbf16>
        %get3A_1614 = arith.constant 2 : i32
        %get3A_1615 = arith.index_cast %get3A_1614 : i32 to index
        %get3A_1616 = arith.index_cast %add3A_1525 : i32 to index
        %get3A_1617 = arith.constant 112 : index
        %get3A_1618 = tpu.vector_load %arg13[%get3A_1615, %get3A_1616, %get3A_1617] {strides = array<i32>} : memref<4x32x128xi32, #tpu.memory_space<vmem>>, vector<16xi32>,
        %bitcast3A_1619 = vector.bitcast %get3A_1618 : vector<16xi32> to vector<32xbf16>
        %mul3A_1620 = arith.mulf %bitcast3A_1605, %pack3A : vector<32xbf16>
        %mul3A_1621 = arith.mulf %bitcast3A_1607, %pack3A_1523 : vector<32xbf16>
        %mul3A_1622 = arith.mulf %bitcast3A_1613, %mul3A_1620 : vector<32xbf16>
        %mul3A_1623 = arith.mulf %bitcast3A_1619, %mul3A_1621 : vector<32xbf16>
        %sub3A_1624 = arith.subf %mul3A_1622, %mul3A_1623 : vector<32xbf16>
        %add3A_1625 = arith.addf %scan3A_1512, %sub3A_1624 : vector<32xbf16>
        %mul3A_1626 = arith.mulf %bitcast3A_1613, %mul3A_1621 : vector<32xbf16>
        %mul3A_1627 = arith.mulf %bitcast3A_1619, %mul3A_1620 : vector<32xbf16>
        %add3A_1628 = arith.addf %mul3A_1626, %mul3A_1627 : vector<32xbf16>
        %add3A_1629 = arith.addf %scan3A_1513, %add3A_1628 : vector<32xbf16>
        %broadcast_in_dim3A_1630 = vector.shape_cast %broadcast_in_dim3A_1514 : vector<16xi32> to vector<16x1xi32>
        %gather3A_1631 = vector.shape_cast %broadcast_in_dim3A_1630 : vector<16x1xi32> to vector<16xi32>
        %gather3A_1632 = tpu.dynamic_gather %bitcast3A_912[%gather3A_1631] in [0] : vector<16xf32>, vector<16xi32> -> vector<16xf32>
        %broadcast_in_dim3A_1633 = vector.shape_cast %broadcast_in_dim3A_1514 : vector<16xi32> to vector<16x1xi32>
        %gather3A_1634 = vector.shape_cast %broadcast_in_dim3A_1633 : vector<16x1xi32> to vector<16xi32>
        %gather3A_1635 = tpu.dynamic_gather %mul3A_926[%gather3A_1634] in [0] : vector<16xf32>, vector<16xi32> -> vector<16xf32>
        %broadcast_in_dim3A_1636 = vector.shape_cast %broadcast_in_dim3A_1514 : vector<16xi32> to vector<16x1xi32>
        %gather3A_1637 = vector.shape_cast %broadcast_in_dim3A_1636 : vector<16x1xi32> to vector<16xi32>
        %gather3A_1638 = tpu.dynamic_gather %shift_right_logical3A_929[%gather3A_1637] in [0] : vector<16xi32>, vector<16xi32> -> vector<16xi32>
        %pack3A_1639 = tpu.pack_subelements %gather3A_1632, %gather3A_1632 {pack_format = #tpu.pack_format<interleaved>, positions = array<i32: 0, 1>} : vector<16xf32>, vector<16xf32> -> vector<32xbf16>
        %pack3A_1640 = tpu.pack_subelements %gather3A_1635, %gather3A_1635 {pack_format = #tpu.pack_format<interleaved>, positions = array<i32: 0, 1>} : vector<16xf32>, vector<16xf32> -> vector<32xbf16>
        %add3A_1641 = arith.constant 16 : i32
        %add3A_1642 = arith.addi %add3A_1641, %scan3A_1505 : i32
        %gather3A_1643 = tpu.vector_load_idx %arg11[%gather3A_1638, %add3A_9] : memref<500x128xi32, #tpu.memory_space<vmem>>[vector<16xi32>, vector<16xi32>], vector<16xi32>,
        %bitcast3A_1644 = vector.bitcast %gather3A_1643 : vector<16xi32> to vector<32xbf16>
        %gather3A_1645 = tpu.vector_load_idx %arg11[%gather3A_1638, %add3A_24] : memref<500x128xi32, #tpu.memory_space<vmem>>[vector<16xi32>, vector<16xi32>], vector<16xi32>,
        %bitcast3A_1646 = vector.bitcast %gather3A_1645 : vector<16xi32> to vector<32xbf16>
        %get3A_1647 = arith.constant 2 : i32
        %get3A_1648 = arith.index_cast %get3A_1647 : i32 to index
        %get3A_1649 = arith.index_cast %add3A_1642 : i32 to index
        %get3A_1650 = arith.constant 0 : index
        %get3A_1651 = tpu.vector_load %arg13[%get3A_1648, %get3A_1649, %get3A_1650] {strides = array<i32>} : memref<4x32x128xi32, #tpu.memory_space<vmem>>, vector<16xi32>,
        %bitcast3A_1652 = vector.bitcast %get3A_1651 : vector<16xi32> to vector<32xbf16>
        %get3A_1653 = arith.constant 2 : i32
        %get3A_1654 = arith.index_cast %get3A_1653 : i32 to index
        %get3A_1655 = arith.index_cast %add3A_1642 : i32 to index
        %get3A_1656 = arith.constant 64 : index
        %get3A_1657 = tpu.vector_load %arg13[%get3A_1654, %get3A_1655, %get3A_1656] {strides = array<i32>} : memref<4x32x128xi32, #tpu.memory_space<vmem>>, vector<16xi32>,
        %bitcast3A_1658 = vector.bitcast %get3A_1657 : vector<16xi32> to vector<32xbf16>
        %mul3A_1659 = arith.mulf %bitcast3A_1644, %pack3A_1639 : vector<32xbf16>
        %mul3A_1660 = arith.mulf %bitcast3A_1646, %pack3A_1640 : vector<32xbf16>
        %mul3A_1661 = arith.mulf %bitcast3A_1652, %mul3A_1659 : vector<32xbf16>
        %mul3A_1662 = arith.mulf %bitcast3A_1658, %mul3A_1660 : vector<32xbf16>
        %sub3A_1663 = arith.subf %mul3A_1661, %mul3A_1662 : vector<32xbf16>
        %add3A_1664 = arith.addf %add3A_1547, %sub3A_1663 : vector<32xbf16>
        %mul3A_1665 = arith.mulf %bitcast3A_1652, %mul3A_1660 : vector<32xbf16>
        %mul3A_1666 = arith.mulf %bitcast3A_1658, %mul3A_1659 : vector<32xbf16>
        %add3A_1667 = arith.addf %mul3A_1665, %mul3A_1666 : vector<32xbf16>
        %add3A_1668 = arith.addf %add3A_1551, %add3A_1667 : vector<32xbf16>
        %gather3A_1669 = tpu.vector_load_idx %arg11[%gather3A_1638, %add3A_12] : memref<500x128xi32, #tpu.memory_space<vmem>>[vector<16xi32>, vector<16xi32>], vector<16xi32>,
        %bitcast3A_1670 = vector.bitcast %gather3A_1669 : vector<16xi32> to vector<32xbf16>
        %gather3A_1671 = tpu.vector_load_idx %arg11[%gather3A_1638, %add3A_30] : memref<500x128xi32, #tpu.memory_space<vmem>>[vector<16xi32>, vector<16xi32>], vector<16xi32>,
        %bitcast3A_1672 = vector.bitcast %gather3A_1671 : vector<16xi32> to vector<32xbf16>
        %get3A_1673 = arith.constant 2 : i32
        %get3A_1674 = arith.index_cast %get3A_1673 : i32 to index
        %get3A_1675 = arith.index_cast %add3A_1642 : i32 to index
        %get3A_1676 = arith.constant 16 : index
        %get3A_1677 = tpu.vector_load %arg13[%get3A_1674, %get3A_1675, %get3A_1676] {strides = array<i32>} : memref<4x32x128xi32, #tpu.memory_space<vmem>>, vector<16xi32>,
        %bitcast3A_1678 = vector.bitcast %get3A_1677 : vector<16xi32> to vector<32xbf16>
        %get3A_1679 = arith.constant 2 : i32
        %get3A_1680 = arith.index_cast %get3A_1679 : i32 to index
        %get3A_1681 = arith.index_cast %add3A_1642 : i32 to index
        %get3A_1682 = arith.constant 80 : index
        %get3A_1683 = tpu.vector_load %arg13[%get3A_1680, %get3A_1681, %get3A_1682] {strides = array<i32>} : memref<4x32x128xi32, #tpu.memory_space<vmem>>, vector<16xi32>,
        %bitcast3A_1684 = vector.bitcast %get3A_1683 : vector<16xi32> to vector<32xbf16>
        %mul3A_1685 = arith.mulf %bitcast3A_1670, %pack3A_1639 : vector<32xbf16>
        %mul3A_1686 = arith.mulf %bitcast3A_1672, %pack3A_1640 : vector<32xbf16>
        %mul3A_1687 = arith.mulf %bitcast3A_1678, %mul3A_1685 : vector<32xbf16>
        %mul3A_1688 = arith.mulf %bitcast3A_1684, %mul3A_1686 : vector<32xbf16>
        %sub3A_1689 = arith.subf %mul3A_1687, %mul3A_1688 : vector<32xbf16>
        %add3A_1690 = arith.addf %add3A_1573, %sub3A_1689 : vector<32xbf16>
        %mul3A_1691 = arith.mulf %bitcast3A_1678, %mul3A_1686 : vector<32xbf16>
        %mul3A_1692 = arith.mulf %bitcast3A_1684, %mul3A_1685 : vector<32xbf16>
        %add3A_1693 = arith.addf %mul3A_1691, %mul3A_1692 : vector<32xbf16>
        %add3A_1694 = arith.addf %add3A_1577, %add3A_1693 : vector<32xbf16>
        %gather3A_1695 = tpu.vector_load_idx %arg11[%gather3A_1638, %add3A_15] : memref<500x128xi32, #tpu.memory_space<vmem>>[vector<16xi32>, vector<16xi32>], vector<16xi32>,
        %bitcast3A_1696 = vector.bitcast %gather3A_1695 : vector<16xi32> to vector<32xbf16>
        %gather3A_1697 = tpu.vector_load_idx %arg11[%gather3A_1638, %add3A_36] : memref<500x128xi32, #tpu.memory_space<vmem>>[vector<16xi32>, vector<16xi32>], vector<16xi32>,
        %bitcast3A_1698 = vector.bitcast %gather3A_1697 : vector<16xi32> to vector<32xbf16>
        %get3A_1699 = arith.constant 2 : i32
        %get3A_1700 = arith.index_cast %get3A_1699 : i32 to index
        %get3A_1701 = arith.index_cast %add3A_1642 : i32 to index
        %get3A_1702 = arith.constant 32 : index
        %get3A_1703 = tpu.vector_load %arg13[%get3A_1700, %get3A_1701, %get3A_1702] {strides = array<i32>} : memref<4x32x128xi32, #tpu.memory_space<vmem>>, vector<16xi32>,
        %bitcast3A_1704 = vector.bitcast %get3A_1703 : vector<16xi32> to vector<32xbf16>
        %get3A_1705 = arith.constant 2 : i32
        %get3A_1706 = arith.index_cast %get3A_1705 : i32 to index
        %get3A_1707 = arith.index_cast %add3A_1642 : i32 to index
        %get3A_1708 = arith.constant 96 : index
        %get3A_1709 = tpu.vector_load %arg13[%get3A_1706, %get3A_1707, %get3A_1708] {strides = array<i32>} : memref<4x32x128xi32, #tpu.memory_space<vmem>>, vector<16xi32>,
        %bitcast3A_1710 = vector.bitcast %get3A_1709 : vector<16xi32> to vector<32xbf16>
        %mul3A_1711 = arith.mulf %bitcast3A_1696, %pack3A_1639 : vector<32xbf16>
        %mul3A_1712 = arith.mulf %bitcast3A_1698, %pack3A_1640 : vector<32xbf16>
        %mul3A_1713 = arith.mulf %bitcast3A_1704, %mul3A_1711 : vector<32xbf16>
        %mul3A_1714 = arith.mulf %bitcast3A_1710, %mul3A_1712 : vector<32xbf16>
        %sub3A_1715 = arith.subf %mul3A_1713, %mul3A_1714 : vector<32xbf16>
        %add3A_1716 = arith.addf %add3A_1599, %sub3A_1715 : vector<32xbf16>
        %mul3A_1717 = arith.mulf %bitcast3A_1704, %mul3A_1712 : vector<32xbf16>
        %mul3A_1718 = arith.mulf %bitcast3A_1710, %mul3A_1711 : vector<32xbf16>
        %add3A_1719 = arith.addf %mul3A_1717, %mul3A_1718 : vector<32xbf16>
        %add3A_1720 = arith.addf %add3A_1603, %add3A_1719 : vector<32xbf16>
        %gather3A_1721 = tpu.vector_load_idx %arg11[%gather3A_1638, %add3A_18] : memref<500x128xi32, #tpu.memory_space<vmem>>[vector<16xi32>, vector<16xi32>], vector<16xi32>,
        %bitcast3A_1722 = vector.bitcast %gather3A_1721 : vector<16xi32> to vector<32xbf16>
        %gather3A_1723 = tpu.vector_load_idx %arg11[%gather3A_1638, %add3A_42] : memref<500x128xi32, #tpu.memory_space<vmem>>[vector<16xi32>, vector<16xi32>], vector<16xi32>,
        %bitcast3A_1724 = vector.bitcast %gather3A_1723 : vector<16xi32> to vector<32xbf16>
        %get3A_1725 = arith.constant 2 : i32
        %get3A_1726 = arith.index_cast %get3A_1725 : i32 to index
        %get3A_1727 = arith.index_cast %add3A_1642 : i32 to index
        %get3A_1728 = arith.constant 48 : index
        %get3A_1729 = tpu.vector_load %arg13[%get3A_1726, %get3A_1727, %get3A_1728] {strides = array<i32>} : memref<4x32x128xi32, #tpu.memory_space<vmem>>, vector<16xi32>,
        %bitcast3A_1730 = vector.bitcast %get3A_1729 : vector<16xi32> to vector<32xbf16>
        %get3A_1731 = arith.constant 2 : i32
        %get3A_1732 = arith.index_cast %get3A_1731 : i32 to index
        %get3A_1733 = arith.index_cast %add3A_1642 : i32 to index
        %get3A_1734 = arith.constant 112 : index
        %get3A_1735 = tpu.vector_load %arg13[%get3A_1732, %get3A_1733, %get3A_1734] {strides = array<i32>} : memref<4x32x128xi32, #tpu.memory_space<vmem>>, vector<16xi32>,
        %bitcast3A_1736 = vector.bitcast %get3A_1735 : vector<16xi32> to vector<32xbf16>
        %mul3A_1737 = arith.mulf %bitcast3A_1722, %pack3A_1639 : vector<32xbf16>
        %mul3A_1738 = arith.mulf %bitcast3A_1724, %pack3A_1640 : vector<32xbf16>
        %mul3A_1739 = arith.mulf %bitcast3A_1730, %mul3A_1737 : vector<32xbf16>
        %mul3A_1740 = arith.mulf %bitcast3A_1736, %mul3A_1738 : vector<32xbf16>
        %sub3A_1741 = arith.subf %mul3A_1739, %mul3A_1740 : vector<32xbf16>
        %add3A_1742 = arith.addf %add3A_1625, %sub3A_1741 : vector<32xbf16>
        %mul3A_1743 = arith.mulf %bitcast3A_1730, %mul3A_1738 : vector<32xbf16>
        %mul3A_1744 = arith.mulf %bitcast3A_1736, %mul3A_1737 : vector<32xbf16>
        %add3A_1745 = arith.addf %mul3A_1743, %mul3A_1744 : vector<32xbf16>
        %add3A_1746 = arith.addf %add3A_1629, %add3A_1745 : vector<32xbf16>
        scf.yield %add3A_1664, %add3A_1668, %add3A_1690, %add3A_1694, %add3A_1716, %add3A_1720, %add3A_1742, %add3A_1746 : vector<32xbf16>, vector<32xbf16>, vector<32xbf16>, vector<32xbf16>, vector<32xbf16>, vector<32xbf16>, vector<32xbf16>, vector<32xbf16>
      }
      %scan3A_951 = arith.constant 16 : i32
      %unpack3A_952 = tpu.unpack_subelements %scan3A_950#0, 0 {pack_format = #tpu.pack_format<interleaved>} : vector<32xbf16> -> vector<16xf32>
      %unpack3A_953 = tpu.unpack_subelements %scan3A_950#0, 1 {pack_format = #tpu.pack_format<interleaved>} : vector<32xbf16> -> vector<16xf32>
      %unpack3A_954 = tpu.unpack_subelements %scan3A_950#1, 0 {pack_format = #tpu.pack_format<interleaved>} : vector<32xbf16> -> vector<16xf32>
      %unpack3A_955 = tpu.unpack_subelements %scan3A_950#1, 1 {pack_format = #tpu.pack_format<interleaved>} : vector<32xbf16> -> vector<16xf32>
      %get3A_956 = arith.constant 2 : i32
      %get3A_957 = arith.constant 0 : i32
      %get3A_958 = arith.index_cast %get3A_956 : i32 to index
      %get3A_959 = arith.index_cast %get3A_957 : i32 to index
      %get3A_960 = arith.constant 0 : index
      %get3A_961 = tpu.vector_load %arg14[%get3A_958, %get3A_959, %get3A_960] {strides = array<i32>} : memref<4x1x256xf32, #tpu.memory_space<vmem>>, vector<16xf32>,
      %mul3A_962 = arith.mulf %get3A_43, %unpack3A_952 : vector<16xf32>
      %add3A_963 = arith.addf %get3A_961, %mul3A_962 : vector<16xf32>
      %swap3A_964 = arith.constant 2 : i32
      %swap3A_965 = arith.index_cast %swap3A_964 : i32 to index
      %swap3A_966 = arith.constant 0 : index
      %swap3A_967 = tpu.vector_load %arg15[%swap3A_965, %swap3A_966] {strides = array<i32>} : memref<4x256xf32, #tpu.memory_space<vmem>>, vector<16xf32>,
      tpu.vector_store %arg15[%swap3A_965, %swap3A_966], %add3A_963 {strides = array<i32>} : memref<4x256xf32, #tpu.memory_space<vmem>>, vector<16xf32>,
      %get3A_968 = arith.constant 2 : i32
      %get3A_969 = arith.constant 0 : i32
      %get3A_970 = arith.index_cast %get3A_968 : i32 to index
      %get3A_971 = arith.index_cast %get3A_969 : i32 to index
      %get3A_972 = arith.constant 64 : index
      %get3A_973 = tpu.vector_load %arg14[%get3A_970, %get3A_971, %get3A_972] {strides = array<i32>} : memref<4x1x256xf32, #tpu.memory_space<vmem>>, vector<16xf32>,
      %mul3A_974 = arith.mulf %get3A_51, %unpack3A_953 : vector<16xf32>
      %add3A_975 = arith.addf %get3A_973, %mul3A_974 : vector<16xf32>
      %swap3A_976 = arith.constant 2 : i32
      %swap3A_977 = arith.index_cast %swap3A_976 : i32 to index
      %swap3A_978 = arith.constant 64 : index
      %swap3A_979 = tpu.vector_load %arg15[%swap3A_977, %swap3A_978] {strides = array<i32>} : memref<4x256xf32, #tpu.memory_space<vmem>>, vector<16xf32>,
      tpu.vector_store %arg15[%swap3A_977, %swap3A_978], %add3A_975 {strides = array<i32>} : memref<4x256xf32, #tpu.memory_space<vmem>>, vector<16xf32>,
      %get3A_980 = arith.constant 2 : i32
      %get3A_981 = arith.constant 0 : i32
      %get3A_982 = arith.index_cast %get3A_980 : i32 to index
      %get3A_983 = arith.index_cast %get3A_981 : i32 to index
      %get3A_984 = arith.constant 128 : index
      %get3A_985 = tpu.vector_load %arg14[%get3A_982, %get3A_983, %get3A_984] {strides = array<i32>} : memref<4x1x256xf32, #tpu.memory_space<vmem>>, vector<16xf32>,
      %mul3A_986 = arith.mulf %get3A_43, %unpack3A_954 : vector<16xf32>
      %add3A_987 = arith.addf %get3A_985, %mul3A_986 : vector<16xf32>
      %swap3A_988 = arith.constant 2 : i32
      %swap3A_989 = arith.index_cast %swap3A_988 : i32 to index
      %swap3A_990 = arith.constant 128 : index
      %swap3A_991 = tpu.vector_load %arg15[%swap3A_989, %swap3A_990] {strides = array<i32>} : memref<4x256xf32, #tpu.memory_space<vmem>>, vector<16xf32>,
      tpu.vector_store %arg15[%swap3A_989, %swap3A_990], %add3A_987 {strides = array<i32>} : memref<4x256xf32, #tpu.memory_space<vmem>>, vector<16xf32>,
      %get3A_992 = arith.constant 2 : i32
      %get3A_993 = arith.constant 0 : i32
      %get3A_994 = arith.index_cast %get3A_992 : i32 to index
      %get3A_995 = arith.index_cast %get3A_993 : i32 to index
      %get3A_996 = arith.constant 192 : index
      %get3A_997 = tpu.vector_load %arg14[%get3A_994, %get3A_995, %get3A_996] {strides = array<i32>} : memref<4x1x256xf32, #tpu.memory_space<vmem>>, vector<16xf32>,
      %mul3A_998 = arith.mulf %get3A_51, %unpack3A_955 : vector<16xf32>
      %add3A_999 = arith.addf %get3A_997, %mul3A_998 : vector<16xf32>
      %swap3A_1000 = arith.constant 2 : i32
      %swap3A_1001 = arith.index_cast %swap3A_1000 : i32 to index
      %swap3A_1002 = arith.constant 192 : index
      %swap3A_1003 = tpu.vector_load %arg15[%swap3A_1001, %swap3A_1002] {strides = array<i32>} : memref<4x256xf32, #tpu.memory_space<vmem>>, vector<16xf32>,
      tpu.vector_store %arg15[%swap3A_1001, %swap3A_1002], %add3A_999 {strides = array<i32>} : memref<4x256xf32, #tpu.memory_space<vmem>>, vector<16xf32>,
      %unpack3A_1004 = tpu.unpack_subelements %scan3A_950#2, 0 {pack_format = #tpu.pack_format<interleaved>} : vector<32xbf16> -> vector<16xf32>
      %unpack3A_1005 = tpu.unpack_subelements %scan3A_950#2, 1 {pack_format = #tpu.pack_format<interleaved>} : vector<32xbf16> -> vector<16xf32>
      %unpack3A_1006 = tpu.unpack_subelements %scan3A_950#3, 0 {pack_format = #tpu.pack_format<interleaved>} : vector<32xbf16> -> vector<16xf32>
      %unpack3A_1007 = tpu.unpack_subelements %scan3A_950#3, 1 {pack_format = #tpu.pack_format<interleaved>} : vector<32xbf16> -> vector<16xf32>
      %get3A_1008 = arith.constant 2 : i32
      %get3A_1009 = arith.constant 0 : i32
      %get3A_1010 = arith.index_cast %get3A_1008 : i32 to index
      %get3A_1011 = arith.index_cast %get3A_1009 : i32 to index
      %get3A_1012 = arith.constant 16 : index
      %get3A_1013 = tpu.vector_load %arg14[%get3A_1010, %get3A_1011, %get3A_1012] {strides = array<i32>} : memref<4x1x256xf32, #tpu.memory_space<vmem>>, vector<16xf32>,
      %mul3A_1014 = arith.mulf %get3A_45, %unpack3A_1004 : vector<16xf32>
      %add3A_1015 = arith.addf %get3A_1013, %mul3A_1014 : vector<16xf32>
      %swap3A_1016 = arith.constant 2 : i32
      %swap3A_1017 = arith.index_cast %swap3A_1016 : i32 to index
      %swap3A_1018 = arith.constant 16 : index
      %swap3A_1019 = tpu.vector_load %arg15[%swap3A_1017, %swap3A_1018] {strides = array<i32>} : memref<4x256xf32, #tpu.memory_space<vmem>>, vector<16xf32>,
      tpu.vector_store %arg15[%swap3A_1017, %swap3A_1018], %add3A_1015 {strides = array<i32>} : memref<4x256xf32, #tpu.memory_space<vmem>>, vector<16xf32>,
      %get3A_1020 = arith.constant 2 : i32
      %get3A_1021 = arith.constant 0 : i32
      %get3A_1022 = arith.index_cast %get3A_1020 : i32 to index
      %get3A_1023 = arith.index_cast %get3A_1021 : i32 to index
      %get3A_1024 = arith.constant 80 : index
      %get3A_1025 = tpu.vector_load %arg14[%get3A_1022, %get3A_1023, %get3A_1024] {strides = array<i32>} : memref<4x1x256xf32, #tpu.memory_space<vmem>>, vector<16xf32>,
      %mul3A_1026 = arith.mulf %get3A_53, %unpack3A_1005 : vector<16xf32>
      %add3A_1027 = arith.addf %get3A_1025, %mul3A_1026 : vector<16xf32>
      %swap3A_1028 = arith.constant 2 : i32
      %swap3A_1029 = arith.index_cast %swap3A_1028 : i32 to index
      %swap3A_1030 = arith.constant 80 : index
      %swap3A_1031 = tpu.vector_load %arg15[%swap3A_1029, %swap3A_1030] {strides = array<i32>} : memref<4x256xf32, #tpu.memory_space<vmem>>, vector<16xf32>,
      tpu.vector_store %arg15[%swap3A_1029, %swap3A_1030], %add3A_1027 {strides = array<i32>} : memref<4x256xf32, #tpu.memory_space<vmem>>, vector<16xf32>,
      %get3A_1032 = arith.constant 2 : i32
      %get3A_1033 = arith.constant 0 : i32
      %get3A_1034 = arith.index_cast %get3A_1032 : i32 to index
      %get3A_1035 = arith.index_cast %get3A_1033 : i32 to index
      %get3A_1036 = arith.constant 144 : index
      %get3A_1037 = tpu.vector_load %arg14[%get3A_1034, %get3A_1035, %get3A_1036] {strides = array<i32>} : memref<4x1x256xf32, #tpu.memory_space<vmem>>, vector<16xf32>,
      %mul3A_1038 = arith.mulf %get3A_45, %unpack3A_1006 : vector<16xf32>
      %add3A_1039 = arith.addf %get3A_1037, %mul3A_1038 : vector<16xf32>
      %swap3A_1040 = arith.constant 2 : i32
      %swap3A_1041 = arith.index_cast %swap3A_1040 : i32 to index
      %swap3A_1042 = arith.constant 144 : index
      %swap3A_1043 = tpu.vector_load %arg15[%swap3A_1041, %swap3A_1042] {strides = array<i32>} : memref<4x256xf32, #tpu.memory_space<vmem>>, vector<16xf32>,
      tpu.vector_store %arg15[%swap3A_1041, %swap3A_1042], %add3A_1039 {strides = array<i32>} : memref<4x256xf32, #tpu.memory_space<vmem>>, vector<16xf32>,
      %get3A_1044 = arith.constant 2 : i32
      %get3A_1045 = arith.constant 0 : i32
      %get3A_1046 = arith.index_cast %get3A_1044 : i32 to index
      %get3A_1047 = arith.index_cast %get3A_1045 : i32 to index
      %get3A_1048 = arith.constant 208 : index
      %get3A_1049 = tpu.vector_load %arg14[%get3A_1046, %get3A_1047, %get3A_1048] {strides = array<i32>} : memref<4x1x256xf32, #tpu.memory_space<vmem>>, vector<16xf32>,
      %mul3A_1050 = arith.mulf %get3A_53, %unpack3A_1007 : vector<16xf32>
      %add3A_1051 = arith.addf %get3A_1049, %mul3A_1050 : vector<16xf32>
      %swap3A_1052 = arith.constant 2 : i32
      %swap3A_1053 = arith.index_cast %swap3A_1052 : i32 to index
      %swap3A_1054 = arith.constant 208 : index
      %swap3A_1055 = tpu.vector_load %arg15[%swap3A_1053, %swap3A_1054] {strides = array<i32>} : memref<4x256xf32, #tpu.memory_space<vmem>>, vector<16xf32>,
      tpu.vector_store %arg15[%swap3A_1053, %swap3A_1054], %add3A_1051 {strides = array<i32>} : memref<4x256xf32, #tpu.memory_space<vmem>>, vector<16xf32>,
      %unpack3A_1056 = tpu.unpack_subelements %scan3A_950#4, 0 {pack_format = #tpu.pack_format<interleaved>} : vector<32xbf16> -> vector<16xf32>
      %unpack3A_1057 = tpu.unpack_subelements %scan3A_950#4, 1 {pack_format = #tpu.pack_format<interleaved>} : vector<32xbf16> -> vector<16xf32>
      %unpack3A_1058 = tpu.unpack_subelements %scan3A_950#5, 0 {pack_format = #tpu.pack_format<interleaved>} : vector<32xbf16> -> vector<16xf32>
      %unpack3A_1059 = tpu.unpack_subelements %scan3A_950#5, 1 {pack_format = #tpu.pack_format<interleaved>} : vector<32xbf16> -> vector<16xf32>
      %get3A_1060 = arith.constant 2 : i32
      %get3A_1061 = arith.constant 0 : i32
      %get3A_1062 = arith.index_cast %get3A_1060 : i32 to index
      %get3A_1063 = arith.index_cast %get3A_1061 : i32 to index
      %get3A_1064 = arith.constant 32 : index
      %get3A_1065 = tpu.vector_load %arg14[%get3A_1062, %get3A_1063, %get3A_1064] {strides = array<i32>} : memref<4x1x256xf32, #tpu.memory_space<vmem>>, vector<16xf32>,
      %mul3A_1066 = arith.mulf %get3A_47, %unpack3A_1056 : vector<16xf32>
      %add3A_1067 = arith.addf %get3A_1065, %mul3A_1066 : vector<16xf32>
      %swap3A_1068 = arith.constant 2 : i32
      %swap3A_1069 = arith.index_cast %swap3A_1068 : i32 to index
      %swap3A_1070 = arith.constant 32 : index
      %swap3A_1071 = tpu.vector_load %arg15[%swap3A_1069, %swap3A_1070] {strides = array<i32>} : memref<4x256xf32, #tpu.memory_space<vmem>>, vector<16xf32>,
      tpu.vector_store %arg15[%swap3A_1069, %swap3A_1070], %add3A_1067 {strides = array<i32>} : memref<4x256xf32, #tpu.memory_space<vmem>>, vector<16xf32>,
      %get3A_1072 = arith.constant 2 : i32
      %get3A_1073 = arith.constant 0 : i32
      %get3A_1074 = arith.index_cast %get3A_1072 : i32 to index
      %get3A_1075 = arith.index_cast %get3A_1073 : i32 to index
      %get3A_1076 = arith.constant 96 : index
      %get3A_1077 = tpu.vector_load %arg14[%get3A_1074, %get3A_1075, %get3A_1076] {strides = array<i32>} : memref<4x1x256xf32, #tpu.memory_space<vmem>>, vector<16xf32>,
      %mul3A_1078 = arith.mulf %get3A_55, %unpack3A_1057 : vector<16xf32>
      %add3A_1079 = arith.addf %get3A_1077, %mul3A_1078 : vector<16xf32>
      %swap3A_1080 = arith.constant 2 : i32
      %swap3A_1081 = arith.index_cast %swap3A_1080 : i32 to index
      %swap3A_1082 = arith.constant 96 : index
      %swap3A_1083 = tpu.vector_load %arg15[%swap3A_1081, %swap3A_1082] {strides = array<i32>} : memref<4x256xf32, #tpu.memory_space<vmem>>, vector<16xf32>,
      tpu.vector_store %arg15[%swap3A_1081, %swap3A_1082], %add3A_1079 {strides = array<i32>} : memref<4x256xf32, #tpu.memory_space<vmem>>, vector<16xf32>,
      %get3A_1084 = arith.constant 2 : i32
      %get3A_1085 = arith.constant 0 : i32
      %get3A_1086 = arith.index_cast %get3A_1084 : i32 to index
      %get3A_1087 = arith.index_cast %get3A_1085 : i32 to index
      %get3A_1088 = arith.constant 160 : index
      %get3A_1089 = tpu.vector_load %arg14[%get3A_1086, %get3A_1087, %get3A_1088] {strides = array<i32>} : memref<4x1x256xf32, #tpu.memory_space<vmem>>, vector<16xf32>,
      %mul3A_1090 = arith.mulf %get3A_47, %unpack3A_1058 : vector<16xf32>
      %add3A_1091 = arith.addf %get3A_1089, %mul3A_1090 : vector<16xf32>
      %swap3A_1092 = arith.constant 2 : i32
      %swap3A_1093 = arith.index_cast %swap3A_1092 : i32 to index
      %swap3A_1094 = arith.constant 160 : index
      %swap3A_1095 = tpu.vector_load %arg15[%swap3A_1093, %swap3A_1094] {strides = array<i32>} : memref<4x256xf32, #tpu.memory_space<vmem>>, vector<16xf32>,
      tpu.vector_store %arg15[%swap3A_1093, %swap3A_1094], %add3A_1091 {strides = array<i32>} : memref<4x256xf32, #tpu.memory_space<vmem>>, vector<16xf32>,
      %get3A_1096 = arith.constant 2 : i32
      %get3A_1097 = arith.constant 0 : i32
      %get3A_1098 = arith.index_cast %get3A_1096 : i32 to index
      %get3A_1099 = arith.index_cast %get3A_1097 : i32 to index
      %get3A_1100 = arith.constant 224 : index
      %get3A_1101 = tpu.vector_load %arg14[%get3A_1098, %get3A_1099, %get3A_1100] {strides = array<i32>} : memref<4x1x256xf32, #tpu.memory_space<vmem>>, vector<16xf32>,
      %mul3A_1102 = arith.mulf %get3A_55, %unpack3A_1059 : vector<16xf32>
      %add3A_1103 = arith.addf %get3A_1101, %mul3A_1102 : vector<16xf32>
      %swap3A_1104 = arith.constant 2 : i32
      %swap3A_1105 = arith.index_cast %swap3A_1104 : i32 to index
      %swap3A_1106 = arith.constant 224 : index
      %swap3A_1107 = tpu.vector_load %arg15[%swap3A_1105, %swap3A_1106] {strides = array<i32>} : memref<4x256xf32, #tpu.memory_space<vmem>>, vector<16xf32>,
      tpu.vector_store %arg15[%swap3A_1105, %swap3A_1106], %add3A_1103 {strides = array<i32>} : memref<4x256xf32, #tpu.memory_space<vmem>>, vector<16xf32>,
      %unpack3A_1108 = tpu.unpack_subelements %scan3A_950#6, 0 {pack_format = #tpu.pack_format<interleaved>} : vector<32xbf16> -> vector<16xf32>
      %unpack3A_1109 = tpu.unpack_subelements %scan3A_950#6, 1 {pack_format = #tpu.pack_format<interleaved>} : vector<32xbf16> -> vector<16xf32>
      %unpack3A_1110 = tpu.unpack_subelements %scan3A_950#7, 0 {pack_format = #tpu.pack_format<interleaved>} : vector<32xbf16> -> vector<16xf32>
      %unpack3A_1111 = tpu.unpack_subelements %scan3A_950#7, 1 {pack_format = #tpu.pack_format<interleaved>} : vector<32xbf16> -> vector<16xf32>
      %get3A_1112 = arith.constant 2 : i32
      %get3A_1113 = arith.constant 0 : i32
      %get3A_1114 = arith.index_cast %get3A_1112 : i32 to index
      %get3A_1115 = arith.index_cast %get3A_1113 : i32 to index
      %get3A_1116 = arith.constant 48 : index
      %get3A_1117 = tpu.vector_load %arg14[%get3A_1114, %get3A_1115, %get3A_1116] {strides = array<i32>} : memref<4x1x256xf32, #tpu.memory_space<vmem>>, vector<16xf32>,
      %mul3A_1118 = arith.mulf %get3A_49, %unpack3A_1108 : vector<16xf32>
      %add3A_1119 = arith.addf %get3A_1117, %mul3A_1118 : vector<16xf32>
      %swap3A_1120 = arith.constant 2 : i32
      %swap3A_1121 = arith.index_cast %swap3A_1120 : i32 to index
      %swap3A_1122 = arith.constant 48 : index
      %swap3A_1123 = tpu.vector_load %arg15[%swap3A_1121, %swap3A_1122] {strides = array<i32>} : memref<4x256xf32, #tpu.memory_space<vmem>>, vector<16xf32>,
      tpu.vector_store %arg15[%swap3A_1121, %swap3A_1122], %add3A_1119 {strides = array<i32>} : memref<4x256xf32, #tpu.memory_space<vmem>>, vector<16xf32>,
      %get3A_1124 = arith.constant 2 : i32
      %get3A_1125 = arith.constant 0 : i32
      %get3A_1126 = arith.index_cast %get3A_1124 : i32 to index
      %get3A_1127 = arith.index_cast %get3A_1125 : i32 to index
      %get3A_1128 = arith.constant 112 : index
      %get3A_1129 = tpu.vector_load %arg14[%get3A_1126, %get3A_1127, %get3A_1128] {strides = array<i32>} : memref<4x1x256xf32, #tpu.memory_space<vmem>>, vector<16xf32>,
      %mul3A_1130 = arith.mulf %get3A_57, %unpack3A_1109 : vector<16xf32>
      %add3A_1131 = arith.addf %get3A_1129, %mul3A_1130 : vector<16xf32>
      %swap3A_1132 = arith.constant 2 : i32
      %swap3A_1133 = arith.index_cast %swap3A_1132 : i32 to index
      %swap3A_1134 = arith.constant 112 : index
      %swap3A_1135 = tpu.vector_load %arg15[%swap3A_1133, %swap3A_1134] {strides = array<i32>} : memref<4x256xf32, #tpu.memory_space<vmem>>, vector<16xf32>,
      tpu.vector_store %arg15[%swap3A_1133, %swap3A_1134], %add3A_1131 {strides = array<i32>} : memref<4x256xf32, #tpu.memory_space<vmem>>, vector<16xf32>,
      %get3A_1136 = arith.constant 2 : i32
      %get3A_1137 = arith.constant 0 : i32
      %get3A_1138 = arith.index_cast %get3A_1136 : i32 to index
      %get3A_1139 = arith.index_cast %get3A_1137 : i32 to index
      %get3A_1140 = arith.constant 176 : index
      %get3A_1141 = tpu.vector_load %arg14[%get3A_1138, %get3A_1139, %get3A_1140] {strides = array<i32>} : memref<4x1x256xf32, #tpu.memory_space<vmem>>, vector<16xf32>,
      %mul3A_1142 = arith.mulf %get3A_49, %unpack3A_1110 : vector<16xf32>
      %add3A_1143 = arith.addf %get3A_1141, %mul3A_1142 : vector<16xf32>
      %swap3A_1144 = arith.constant 2 : i32
      %swap3A_1145 = arith.index_cast %swap3A_1144 : i32 to index
      %swap3A_1146 = arith.constant 176 : index
      %swap3A_1147 = tpu.vector_load %arg15[%swap3A_1145, %swap3A_1146] {strides = array<i32>} : memref<4x256xf32, #tpu.memory_space<vmem>>, vector<16xf32>,
      tpu.vector_store %arg15[%swap3A_1145, %swap3A_1146], %add3A_1143 {strides = array<i32>} : memref<4x256xf32, #tpu.memory_space<vmem>>, vector<16xf32>,
      %get3A_1148 = arith.constant 2 : i32
      %get3A_1149 = arith.constant 0 : i32
      %get3A_1150 = arith.index_cast %get3A_1148 : i32 to index
      %get3A_1151 = arith.index_cast %get3A_1149 : i32 to index
      %get3A_1152 = arith.constant 240 : index
      %get3A_1153 = tpu.vector_load %arg14[%get3A_1150, %get3A_1151, %get3A_1152] {strides = array<i32>} : memref<4x1x256xf32, #tpu.memory_space<vmem>>, vector<16xf32>,
      %mul3A_1154 = arith.mulf %get3A_57, %unpack3A_1111 : vector<16xf32>
      %add3A_1155 = arith.addf %get3A_1153, %mul3A_1154 : vector<16xf32>
      %swap3A_1156 = arith.constant 2 : i32
      %swap3A_1157 = arith.index_cast %swap3A_1156 : i32 to index
      %swap3A_1158 = arith.constant 240 : index
      %swap3A_1159 = tpu.vector_load %arg15[%swap3A_1157, %swap3A_1158] {strides = array<i32>} : memref<4x256xf32, #tpu.memory_space<vmem>>, vector<16xf32>,
      tpu.vector_store %arg15[%swap3A_1157, %swap3A_1158], %add3A_1155 {strides = array<i32>} : memref<4x256xf32, #tpu.memory_space<vmem>>, vector<16xf32>,
      %add3A_1160 = arith.addi %mul3A_2, %add3A_860 : i32
      %dma_start3A_1161 = arith.constant 2 : i32
      %dma_start3A_1162 = arith.constant 0 : i32
      %dma_start3A_1163 = tpu.memref_slice %arg15[%dma_start3A_1161, %dma_start3A_1162] : memref<4x256xf32, #tpu.memory_space<vmem>> -> memref<1x256xf32, #tpu.memory_space<vmem>>
      %dma_start3A_1164 = tpu.memref_squeeze %dma_start3A_1163 : memref<1x256xf32, #tpu.memory_space<vmem>> -> memref<256xf32, #tpu.memory_space<vmem>>
      %dma_start3A_1165 = arith.constant 0 : i32
      %dma_start3A_1166 = tpu.memref_slice %arg8[%add3A_1160, %dma_start3A_1165] : memref<4096x256xf32, #tpu.memory_space<hbm>> -> memref<1x256xf32, #tpu.memory_space<hbm>>
      %dma_start3A_1167 = tpu.memref_squeeze %dma_start3A_1166 : memref<1x256xf32, #tpu.memory_space<hbm>> -> memref<256xf32, #tpu.memory_space<hbm>>
      %dma_start3A_1168 = arith.constant 0 : i32
      %dma_start3A_1169 = tpu.memref_slice %arg8[%add3A_1160, %dma_start3A_1168] : memref<4096x256xf32, #tpu.memory_space<hbm>> -> memref<1x256xf32, #tpu.memory_space<hbm>>
      %dma_start3A_1170 = tpu.memref_squeeze %dma_start3A_1169 : memref<1x256xf32, #tpu.memory_space<hbm>> -> memref<256xf32, #tpu.memory_space<hbm>>
      %dma_start3A_1171 = arith.constant 0 : i32
      %dma_start3A_1172 = tpu.memref_slice %arg15[%dma_start3A_1161, %dma_start3A_1171] : memref<4x256xf32, #tpu.memory_space<vmem>> -> memref<1x256xf32, #tpu.memory_space<vmem>>
      %dma_start3A_1173 = tpu.memref_squeeze %dma_start3A_1172 : memref<1x256xf32, #tpu.memory_space<vmem>> -> memref<256xf32, #tpu.memory_space<vmem>>
      tpu.enqueue_dma source(%dma_start3A_1173 : memref<256xf32, #tpu.memory_space<vmem>>) target(%dma_start3A_1170 : memref<256xf32, #tpu.memory_space<hbm>>) target_semaphore(%arg27 : memref<!tpu.dma_semaphore, #tpu.memory_space<semaphore_mem>>)
      %add3A_1174 = arith.constant 4 : i32
      %add3A_1175 = arith.addi %add3A_860, %add3A_1174 : i32
      %lt3A_1176 = arith.constant 128 : i32
      %lt3A_1177 = arith.cmpi slt, %add3A_1175, %lt3A_1176 : i32
      %convert_element_type3A_1178 = arith.extui %lt3A_1177 : i1 to i32
      %cond3A_1179 = arith.constant 0 : i32
      %cond3A_1180 = arith.cmpi ne, %convert_element_type3A_1178, %cond3A_1179 : i32
      scf.if %cond3A_1180 {
        %dma_start3A_1505 = arith.constant 2 : i32
        %dma_start3A_1506 = arith.constant 0 : i32
        %dma_start3A_1507 = arith.constant 0 : i32
        %dma_start3A_1508 = tpu.memref_slice %arg13[%dma_start3A_1505, %dma_start3A_1506, %dma_start3A_1507] : memref<4x32x128xi32, #tpu.memory_space<vmem>> -> memref<1x32x128xi32, #tpu.memory_space<vmem>>
        %dma_start3A_1509 = tpu.memref_squeeze %dma_start3A_1508 : memref<1x32x128xi32, #tpu.memory_space<vmem>> -> memref<32x128xi32, #tpu.memory_space<vmem>>
        %dma_start3A_1510 = arith.constant 0 : i32
        %dma_start3A_1511 = tpu.memref_slice %arg10[%add3A_1175, %dma_start3A_1510] : memref<128x128xi32, #tpu.memory_space<vmem>> -> memref<1x32xi32, #tpu.memory_space<vmem>>
        %dma_start3A_1512 = tpu.memref_squeeze %dma_start3A_1511 : memref<1x32xi32, #tpu.memory_space<vmem>> -> memref<32xi32, #tpu.memory_space<vmem>>
        %dma_start3A_1513 = arith.constant 0 : i32
        %dma_start3A_1514 = arith.constant 0 : i32
        %dma_start3A_1515 = tpu.memref_slice %arg5[%dma_start3A_1513, %dma_start3A_1514] : memref<10000x128xi32, #tpu.memory_space<hbm>> -> memref<10000x128xi32, #tpu.memory_space<hbm>>
        tpu.enqueue_indirect_dma source(%dma_start3A_1515 : memref<10000x128xi32, #tpu.memory_space<hbm>>) target(%dma_start3A_1509 : memref<32x128xi32, #tpu.memory_space<vmem>>) offsets(%dma_start3A_1512 : memref<32xi32, #tpu.memory_space<vmem>>) semaphore(%arg19 : memref<!tpu.dma_semaphore, #tpu.memory_space<semaphore_mem>>)
        %dma_start3A_1516 = arith.constant 2 : i32
        %dma_start3A_1517 = arith.constant 0 : i32
        %dma_start3A_1518 = arith.constant 0 : i32
        %dma_start3A_1519 = tpu.memref_slice %arg14[%dma_start3A_1516, %dma_start3A_1517, %dma_start3A_1518] : memref<4x1x256xf32, #tpu.memory_space<vmem>> -> memref<1x1x256xf32, #tpu.memory_space<vmem>>
        %dma_start3A_1520 = tpu.memref_squeeze %dma_start3A_1519 : memref<1x1x256xf32, #tpu.memory_space<vmem>> -> memref<1x256xf32, #tpu.memory_space<vmem>>
        %dma_start3A_1521 = arith.constant 96 : i32
        %dma_start3A_1522 = tpu.memref_slice %arg10[%add3A_1175, %dma_start3A_1521] : memref<128x128xi32, #tpu.memory_space<vmem>> -> memref<1x1xi32, #tpu.memory_space<vmem>>
        %dma_start3A_1523 = tpu.memref_squeeze %dma_start3A_1522 : memref<1x1xi32, #tpu.memory_space<vmem>> -> memref<1xi32, #tpu.memory_space<vmem>>
        %dma_start3A_1524 = arith.constant 0 : i32
        %dma_start3A_1525 = arith.constant 0 : i32
        %dma_start3A_1526 = tpu.memref_slice %arg4[%dma_start3A_1524, %dma_start3A_1525] : memref<10000x256xf32, #tpu.memory_space<hbm>> -> memref<10000x256xf32, #tpu.memory_space<hbm>>
        tpu.enqueue_indirect_dma source(%dma_start3A_1526 : memref<10000x256xf32, #tpu.memory_space<hbm>>) target(%dma_start3A_1520 : memref<1x256xf32, #tpu.memory_space<vmem>>) offsets(%dma_start3A_1523 : memref<1xi32, #tpu.memory_space<vmem>>) semaphore(%arg23 : memref<!tpu.dma_semaphore, #tpu.memory_space<semaphore_mem>>)
      } else {
      }
      %mul3A_1181 = arith.constant 4 : i32
      %mul3A_1182 = arith.muli %mul3A_1181, %scan3A_219 : i32
      %add3A_1183 = arith.constant 3 : i32
      %add3A_1184 = arith.addi %mul3A_1182, %add3A_1183 : i32
      %dma_wait3A_1185 = arith.constant 3 : i32
      %dma_wait3A_1186 = arith.constant 0 : i32
      %dma_wait3A_1187 = arith.constant 0 : i32
      %dma_wait3A_1188 = tpu.memref_slice %arg13[%dma_wait3A_1185, %dma_wait3A_1186, %dma_wait3A_1187] : memref<4x32x128xi32, #tpu.memory_space<vmem>> -> memref<1x32x128xi32, #tpu.memory_space<vmem>>
      %dma_wait3A_1189 = tpu.memref_squeeze %dma_wait3A_1188 : memref<1x32x128xi32, #tpu.memory_space<vmem>> -> memref<32x128xi32, #tpu.memory_space<vmem>>
      %dma_wait3A_1190 = arith.constant 0 : i32
      %dma_wait3A_1191 = tpu.memref_slice %arg10[%add3A_1184, %dma_wait3A_1190] : memref<128x128xi32, #tpu.memory_space<vmem>> -> memref<1x32xi32, #tpu.memory_space<vmem>>
      %dma_wait3A_1192 = tpu.memref_squeeze %dma_wait3A_1191 : memref<1x32xi32, #tpu.memory_space<vmem>> -> memref<32xi32, #tpu.memory_space<vmem>>
      %dma_wait3A_1193 = arith.constant 0 : i32
      %dma_wait3A_1194 = arith.constant 0 : i32
      %dma_wait3A_1195 = tpu.memref_slice %arg5[%dma_wait3A_1193, %dma_wait3A_1194] : memref<10000x128xi32, #tpu.memory_space<hbm>> -> memref<10000x128xi32, #tpu.memory_space<hbm>>
      tpu.wait_indirect_dma semaphore(%arg20 : memref<!tpu.dma_semaphore, #tpu.memory_space<semaphore_mem>>) src(%dma_wait3A_1195 : memref<10000x128xi32, #tpu.memory_space<hbm>>) dst(%dma_wait3A_1189 : memref<32x128xi32, #tpu.memory_space<vmem>>)
      %dma_wait3A_1196 = arith.constant 3 : i32
      %dma_wait3A_1197 = arith.constant 0 : i32
      %dma_wait3A_1198 = arith.constant 0 : i32
      %dma_wait3A_1199 = tpu.memref_slice %arg14[%dma_wait3A_1196, %dma_wait3A_1197, %dma_wait3A_1198] : memref<4x1x256xf32, #tpu.memory_space<vmem>> -> memref<1x1x256xf32, #tpu.memory_space<vmem>>
      %dma_wait3A_1200 = tpu.memref_squeeze %dma_wait3A_1199 : memref<1x1x256xf32, #tpu.memory_space<vmem>> -> memref<1x256xf32, #tpu.memory_space<vmem>>
      %dma_wait3A_1201 = arith.constant 96 : i32
      %dma_wait3A_1202 = tpu.memref_slice %arg10[%add3A_1184, %dma_wait3A_1201] : memref<128x128xi32, #tpu.memory_space<vmem>> -> memref<1x1xi32, #tpu.memory_space<vmem>>
      %dma_wait3A_1203 = tpu.memref_squeeze %dma_wait3A_1202 : memref<1x1xi32, #tpu.memory_space<vmem>> -> memref<1xi32, #tpu.memory_space<vmem>>
      %dma_wait3A_1204 = arith.constant 0 : i32
      %dma_wait3A_1205 = arith.constant 0 : i32
      %dma_wait3A_1206 = tpu.memref_slice %arg4[%dma_wait3A_1204, %dma_wait3A_1205] : memref<10000x256xf32, #tpu.memory_space<hbm>> -> memref<10000x256xf32, #tpu.memory_space<hbm>>
      tpu.wait_indirect_dma semaphore(%arg24 : memref<!tpu.dma_semaphore, #tpu.memory_space<semaphore_mem>>) src(%dma_wait3A_1206 : memref<10000x256xf32, #tpu.memory_space<hbm>>) dst(%dma_wait3A_1200 : memref<1x256xf32, #tpu.memory_space<vmem>>)
      %ge3A_1207 = arith.constant 4 : i32
      %ge3A_1208 = arith.cmpi sge, %add3A_1184, %ge3A_1207 : i32
      %convert_element_type3A_1209 = arith.extui %ge3A_1208 : i1 to i32
      %cond3A_1210 = arith.constant 0 : i32
      %cond3A_1211 = arith.cmpi ne, %convert_element_type3A_1209, %cond3A_1210 : i32
      scf.if %cond3A_1211 {
        %sub3A_1505 = arith.constant 4 : i32
        %sub3A_1506 = arith.subi %add3A_1184, %sub3A_1505 : i32
        %add3A_1507 = arith.addi %mul3A_2, %sub3A_1506 : i32
        %dma_wait3A_1508 = arith.constant 3 : i32
        %dma_wait3A_1509 = arith.constant 0 : i32
        %dma_wait3A_1510 = tpu.memref_slice %arg15[%dma_wait3A_1508, %dma_wait3A_1509] : memref<4x256xf32, #tpu.memory_space<vmem>> -> memref<1x256xf32, #tpu.memory_space<vmem>>
        %dma_wait3A_1511 = tpu.memref_squeeze %dma_wait3A_1510 : memref<1x256xf32, #tpu.memory_space<vmem>> -> memref<256xf32, #tpu.memory_space<vmem>>
        %dma_wait3A_1512 = arith.constant 0 : i32
        %dma_wait3A_1513 = tpu.memref_slice %arg8[%add3A_1507, %dma_wait3A_1512] : memref<4096x256xf32, #tpu.memory_space<hbm>> -> memref<1x256xf32, #tpu.memory_space<hbm>>
        %dma_wait3A_1514 = tpu.memref_squeeze %dma_wait3A_1513 : memref<1x256xf32, #tpu.memory_space<hbm>> -> memref<256xf32, #tpu.memory_space<hbm>>
        %dma_wait3A_1515 = arith.constant 0 : i32
        %dma_wait3A_1516 = tpu.memref_slice %arg8[%add3A_1507, %dma_wait3A_1515] : memref<4096x256xf32, #tpu.memory_space<hbm>> -> memref<1x256xf32, #tpu.memory_space<hbm>>
        %dma_wait3A_1517 = tpu.memref_squeeze %dma_wait3A_1516 : memref<1x256xf32, #tpu.memory_space<hbm>> -> memref<256xf32, #tpu.memory_space<hbm>>
        %dma_wait3A_1518 = arith.constant 0 : i32
        %dma_wait3A_1519 = tpu.memref_slice %arg15[%dma_wait3A_1508, %dma_wait3A_1518] : memref<4x256xf32, #tpu.memory_space<vmem>> -> memref<1x256xf32, #tpu.memory_space<vmem>>
        %dma_wait3A_1520 = tpu.memref_squeeze %dma_wait3A_1519 : memref<1x256xf32, #tpu.memory_space<vmem>> -> memref<256xf32, #tpu.memory_space<vmem>>
        tpu.wait_dma2 semaphore(%arg28 : memref<!tpu.dma_semaphore, #tpu.memory_space<semaphore_mem>>) src(%dma_wait3A_1520 : memref<256xf32, #tpu.memory_space<vmem>>) dst(%dma_wait3A_1517 : memref<256xf32, #tpu.memory_space<hbm>>)
      } else {
      }
      %get3A_1212 = arith.index_cast %add3A_1184 : i32 to index
      %get3A_1213 = arith.constant 64 : index
      %get3A_1214 = tpu.vector_load %arg10[%get3A_1212, %get3A_1213] {strides = array<i32>} : memref<128x128xi32, #tpu.memory_space<vmem>>, vector<16xi32>,
      %bitcast3A_1215 = vector.bitcast %get3A_1214 : vector<16xi32> to vector<16xf32>
      %get3A_1216 = arith.index_cast %add3A_1184 : i32 to index
      %get3A_1217 = arith.constant 32 : index
      %get3A_1218 = tpu.vector_load %arg10[%get3A_1216, %get3A_1217] {strides = array<i32>} : memref<128x128xi32, #tpu.memory_space<vmem>>, vector<16xi32>,
      %and3A_1219 = arith.constant 1 : i32
      %and3A_1220 = vector.broadcast %and3A_1219 : i32 to vector<16xi32>
      %and3A_1221 = arith.andi %get3A_1218, %and3A_1220 : vector<16xi32>
      %convert_element_type3A_1222 = arith.sitofp %and3A_1221 : vector<16xi32> to vector<16xf32>
      %mul3A_1223 = arith.constant 2.000000e+00 : f32
      %mul3A_1224 = vector.broadcast %mul3A_1223 : f32 to vector<16xf32>
      %mul3A_1225 = arith.mulf %mul3A_1224, %convert_element_type3A_1222 : vector<16xf32>
      %sub3A_1226 = arith.constant 1.000000e+00 : f32
      %sub3A_1227 = vector.broadcast %sub3A_1226 : f32 to vector<16xf32>
      %sub3A_1228 = arith.subf %sub3A_1227, %mul3A_1225 : vector<16xf32>
      %mul3A_1229 = arith.mulf %bitcast3A_1215, %sub3A_1228 : vector<16xf32>
      %shift_right_logical3A_1230 = arith.constant 1 : i32
      %shift_right_logical3A_1231 = vector.broadcast %shift_right_logical3A_1230 : i32 to vector<16xi32>
      %shift_right_logical3A_1232 = arith.shrui %get3A_1218, %shift_right_logical3A_1231 : vector<16xi32>
      %get3A_1233 = arith.index_cast %add3A_1184 : i32 to index
      %get3A_1234 = arith.constant 80 : index
      %get3A_1235 = tpu.vector_load %arg10[%get3A_1233, %get3A_1234] {strides = array<i32>} : memref<128x128xi32, #tpu.memory_space<vmem>>, vector<16xi32>,
      %bitcast3A_1236 = vector.bitcast %get3A_1235 : vector<16xi32> to vector<16xf32>
      %get3A_1237 = arith.index_cast %add3A_1184 : i32 to index
      %get3A_1238 = arith.constant 48 : index
      %get3A_1239 = tpu.vector_load %arg10[%get3A_1237, %get3A_1238] {strides = array<i32>} : memref<128x128xi32, #tpu.memory_space<vmem>>, vector<16xi32>,
      %and3A_1240 = arith.constant 1 : i32
      %and3A_1241 = vector.broadcast %and3A_1240 : i32 to vector<16xi32>
      %and3A_1242 = arith.andi %get3A_1239, %and3A_1241 : vector<16xi32>
      %convert_element_type3A_1243 = arith.sitofp %and3A_1242 : vector<16xi32> to vector<16xf32>
      %mul3A_1244 = arith.constant 2.000000e+00 : f32
      %mul3A_1245 = vector.broadcast %mul3A_1244 : f32 to vector<16xf32>
      %mul3A_1246 = arith.mulf %mul3A_1245, %convert_element_type3A_1243 : vector<16xf32>
      %sub3A_1247 = arith.constant 1.000000e+00 : f32
      %sub3A_1248 = vector.broadcast %sub3A_1247 : f32 to vector<16xf32>
      %sub3A_1249 = arith.subf %sub3A_1248, %mul3A_1246 : vector<16xf32>
      %mul3A_1250 = arith.mulf %bitcast3A_1236, %sub3A_1249 : vector<16xf32>
      %shift_right_logical3A_1251 = arith.constant 1 : i32
      %shift_right_logical3A_1252 = vector.broadcast %shift_right_logical3A_1251 : i32 to vector<16xi32>
      %shift_right_logical3A_1253 = arith.shrui %get3A_1239, %shift_right_logical3A_1252 : vector<16xi32>
      %broadcast_in_dim3A_1254 = arith.constant 0.000000e+00 : bf16
      %broadcast_in_dim3A_1255 = vector.broadcast %broadcast_in_dim3A_1254 : bf16 to vector<32xbf16>
      %broadcast_in_dim3A_1256 = arith.constant 0.000000e+00 : bf16
      %broadcast_in_dim3A_1257 = vector.broadcast %broadcast_in_dim3A_1256 : bf16 to vector<32xbf16>
      %broadcast_in_dim3A_1258 = arith.constant 0.000000e+00 : bf16
      %broadcast_in_dim3A_1259 = vector.broadcast %broadcast_in_dim3A_1258 : bf16 to vector<32xbf16>
      %broadcast_in_dim3A_1260 = arith.constant 0.000000e+00 : bf16
      %broadcast_in_dim3A_1261 = vector.broadcast %broadcast_in_dim3A_1260 : bf16 to vector<32xbf16>
      %broadcast_in_dim3A_1262 = arith.constant 0.000000e+00 : bf16
      %broadcast_in_dim3A_1263 = vector.broadcast %broadcast_in_dim3A_1262 : bf16 to vector<32xbf16>
      %broadcast_in_dim3A_1264 = arith.constant 0.000000e+00 : bf16
      %broadcast_in_dim3A_1265 = vector.broadcast %broadcast_in_dim3A_1264 : bf16 to vector<32xbf16>
      %broadcast_in_dim3A_1266 = arith.constant 0.000000e+00 : bf16
      %broadcast_in_dim3A_1267 = vector.broadcast %broadcast_in_dim3A_1266 : bf16 to vector<32xbf16>
      %broadcast_in_dim3A_1268 = arith.constant 0.000000e+00 : bf16
      %broadcast_in_dim3A_1269 = vector.broadcast %broadcast_in_dim3A_1268 : bf16 to vector<32xbf16>
      %scan3A_1270 = arith.constant 0 : i32
      %scan3A_1271 = arith.constant 16 : i32
      %scan3A_1272 = arith.addi %scan3A_1270, %scan3A_1271 : i32
      %scan3A_1273 = arith.constant 1 : i32
      %scan3A_1274:8 = scf.for %scan3A_1505 = %scan3A_1270 to %scan3A_1272 step %scan3A_1273 iter_args(%scan3A_1506 = %broadcast_in_dim3A_1255, %scan3A_1507 = %broadcast_in_dim3A_1257, %scan3A_1508 = %broadcast_in_dim3A_1259, %scan3A_1509 = %broadcast_in_dim3A_1261, %scan3A_1510 = %broadcast_in_dim3A_1263, %scan3A_1511 = %broadcast_in_dim3A_1265, %scan3A_1512 = %broadcast_in_dim3A_1267, %scan3A_1513 = %broadcast_in_dim3A_1269) -> (vector<32xbf16>, vector<32xbf16>, vector<32xbf16>, vector<32xbf16>, vector<32xbf16>, vector<32xbf16>, vector<32xbf16>, vector<32xbf16>)  : i32 {
        %broadcast_in_dim3A_1514 = vector.broadcast %scan3A_1505 : i32 to vector<16xi32>
        %broadcast_in_dim3A_1515 = vector.shape_cast %broadcast_in_dim3A_1514 : vector<16xi32> to vector<16x1xi32>
        %gather3A = vector.shape_cast %broadcast_in_dim3A_1515 : vector<16x1xi32> to vector<16xi32>
        %gather3A_1516 = tpu.dynamic_gather %bitcast3A_1215[%gather3A] in [0] : vector<16xf32>, vector<16xi32> -> vector<16xf32>
        %broadcast_in_dim3A_1517 = vector.shape_cast %broadcast_in_dim3A_1514 : vector<16xi32> to vector<16x1xi32>
        %gather3A_1518 = vector.shape_cast %broadcast_in_dim3A_1517 : vector<16x1xi32> to vector<16xi32>
        %gather3A_1519 = tpu.dynamic_gather %mul3A_1229[%gather3A_1518] in [0] : vector<16xf32>, vector<16xi32> -> vector<16xf32>
        %broadcast_in_dim3A_1520 = vector.shape_cast %broadcast_in_dim3A_1514 : vector<16xi32> to vector<16x1xi32>
        %gather3A_1521 = vector.shape_cast %broadcast_in_dim3A_1520 : vector<16x1xi32> to vector<16xi32>
        %gather3A_1522 = tpu.dynamic_gather %shift_right_logical3A_1232[%gather3A_1521] in [0] : vector<16xi32>, vector<16xi32> -> vector<16xi32>
        %pack3A = tpu.pack_subelements %gather3A_1516, %gather3A_1516 {pack_format = #tpu.pack_format<interleaved>, positions = array<i32: 0, 1>} : vector<16xf32>, vector<16xf32> -> vector<32xbf16>
        %pack3A_1523 = tpu.pack_subelements %gather3A_1519, %gather3A_1519 {pack_format = #tpu.pack_format<interleaved>, positions = array<i32: 0, 1>} : vector<16xf32>, vector<16xf32> -> vector<32xbf16>
        %add3A_1524 = arith.constant 0 : i32
        %add3A_1525 = arith.addi %add3A_1524, %scan3A_1505 : i32
        %gather3A_1526 = tpu.vector_load_idx %arg11[%gather3A_1522, %add3A_9] : memref<500x128xi32, #tpu.memory_space<vmem>>[vector<16xi32>, vector<16xi32>], vector<16xi32>,
        %bitcast3A_1527 = vector.bitcast %gather3A_1526 : vector<16xi32> to vector<32xbf16>
        %gather3A_1528 = tpu.vector_load_idx %arg11[%gather3A_1522, %add3A_24] : memref<500x128xi32, #tpu.memory_space<vmem>>[vector<16xi32>, vector<16xi32>], vector<16xi32>,
        %bitcast3A_1529 = vector.bitcast %gather3A_1528 : vector<16xi32> to vector<32xbf16>
        %get3A_1530 = arith.constant 3 : i32
        %get3A_1531 = arith.index_cast %get3A_1530 : i32 to index
        %get3A_1532 = arith.index_cast %add3A_1525 : i32 to index
        %get3A_1533 = arith.constant 0 : index
        %get3A_1534 = tpu.vector_load %arg13[%get3A_1531, %get3A_1532, %get3A_1533] {strides = array<i32>} : memref<4x32x128xi32, #tpu.memory_space<vmem>>, vector<16xi32>,
        %bitcast3A_1535 = vector.bitcast %get3A_1534 : vector<16xi32> to vector<32xbf16>
        %get3A_1536 = arith.constant 3 : i32
        %get3A_1537 = arith.index_cast %get3A_1536 : i32 to index
        %get3A_1538 = arith.index_cast %add3A_1525 : i32 to index
        %get3A_1539 = arith.constant 64 : index
        %get3A_1540 = tpu.vector_load %arg13[%get3A_1537, %get3A_1538, %get3A_1539] {strides = array<i32>} : memref<4x32x128xi32, #tpu.memory_space<vmem>>, vector<16xi32>,
        %bitcast3A_1541 = vector.bitcast %get3A_1540 : vector<16xi32> to vector<32xbf16>
        %mul3A_1542 = arith.mulf %bitcast3A_1527, %pack3A : vector<32xbf16>
        %mul3A_1543 = arith.mulf %bitcast3A_1529, %pack3A_1523 : vector<32xbf16>
        %mul3A_1544 = arith.mulf %bitcast3A_1535, %mul3A_1542 : vector<32xbf16>
        %mul3A_1545 = arith.mulf %bitcast3A_1541, %mul3A_1543 : vector<32xbf16>
        %sub3A_1546 = arith.subf %mul3A_1544, %mul3A_1545 : vector<32xbf16>
        %add3A_1547 = arith.addf %scan3A_1506, %sub3A_1546 : vector<32xbf16>
        %mul3A_1548 = arith.mulf %bitcast3A_1535, %mul3A_1543 : vector<32xbf16>
        %mul3A_1549 = arith.mulf %bitcast3A_1541, %mul3A_1542 : vector<32xbf16>
        %add3A_1550 = arith.addf %mul3A_1548, %mul3A_1549 : vector<32xbf16>
        %add3A_1551 = arith.addf %scan3A_1507, %add3A_1550 : vector<32xbf16>
        %gather3A_1552 = tpu.vector_load_idx %arg11[%gather3A_1522, %add3A_12] : memref<500x128xi32, #tpu.memory_space<vmem>>[vector<16xi32>, vector<16xi32>], vector<16xi32>,
        %bitcast3A_1553 = vector.bitcast %gather3A_1552 : vector<16xi32> to vector<32xbf16>
        %gather3A_1554 = tpu.vector_load_idx %arg11[%gather3A_1522, %add3A_30] : memref<500x128xi32, #tpu.memory_space<vmem>>[vector<16xi32>, vector<16xi32>], vector<16xi32>,
        %bitcast3A_1555 = vector.bitcast %gather3A_1554 : vector<16xi32> to vector<32xbf16>
        %get3A_1556 = arith.constant 3 : i32
        %get3A_1557 = arith.index_cast %get3A_1556 : i32 to index
        %get3A_1558 = arith.index_cast %add3A_1525 : i32 to index
        %get3A_1559 = arith.constant 16 : index
        %get3A_1560 = tpu.vector_load %arg13[%get3A_1557, %get3A_1558, %get3A_1559] {strides = array<i32>} : memref<4x32x128xi32, #tpu.memory_space<vmem>>, vector<16xi32>,
        %bitcast3A_1561 = vector.bitcast %get3A_1560 : vector<16xi32> to vector<32xbf16>
        %get3A_1562 = arith.constant 3 : i32
        %get3A_1563 = arith.index_cast %get3A_1562 : i32 to index
        %get3A_1564 = arith.index_cast %add3A_1525 : i32 to index
        %get3A_1565 = arith.constant 80 : index
        %get3A_1566 = tpu.vector_load %arg13[%get3A_1563, %get3A_1564, %get3A_1565] {strides = array<i32>} : memref<4x32x128xi32, #tpu.memory_space<vmem>>, vector<16xi32>,
        %bitcast3A_1567 = vector.bitcast %get3A_1566 : vector<16xi32> to vector<32xbf16>
        %mul3A_1568 = arith.mulf %bitcast3A_1553, %pack3A : vector<32xbf16>
        %mul3A_1569 = arith.mulf %bitcast3A_1555, %pack3A_1523 : vector<32xbf16>
        %mul3A_1570 = arith.mulf %bitcast3A_1561, %mul3A_1568 : vector<32xbf16>
        %mul3A_1571 = arith.mulf %bitcast3A_1567, %mul3A_1569 : vector<32xbf16>
        %sub3A_1572 = arith.subf %mul3A_1570, %mul3A_1571 : vector<32xbf16>
        %add3A_1573 = arith.addf %scan3A_1508, %sub3A_1572 : vector<32xbf16>
        %mul3A_1574 = arith.mulf %bitcast3A_1561, %mul3A_1569 : vector<32xbf16>
        %mul3A_1575 = arith.mulf %bitcast3A_1567, %mul3A_1568 : vector<32xbf16>
        %add3A_1576 = arith.addf %mul3A_1574, %mul3A_1575 : vector<32xbf16>
        %add3A_1577 = arith.addf %scan3A_1509, %add3A_1576 : vector<32xbf16>
        %gather3A_1578 = tpu.vector_load_idx %arg11[%gather3A_1522, %add3A_15] : memref<500x128xi32, #tpu.memory_space<vmem>>[vector<16xi32>, vector<16xi32>], vector<16xi32>,
        %bitcast3A_1579 = vector.bitcast %gather3A_1578 : vector<16xi32> to vector<32xbf16>
        %gather3A_1580 = tpu.vector_load_idx %arg11[%gather3A_1522, %add3A_36] : memref<500x128xi32, #tpu.memory_space<vmem>>[vector<16xi32>, vector<16xi32>], vector<16xi32>,
        %bitcast3A_1581 = vector.bitcast %gather3A_1580 : vector<16xi32> to vector<32xbf16>
        %get3A_1582 = arith.constant 3 : i32
        %get3A_1583 = arith.index_cast %get3A_1582 : i32 to index
        %get3A_1584 = arith.index_cast %add3A_1525 : i32 to index
        %get3A_1585 = arith.constant 32 : index
        %get3A_1586 = tpu.vector_load %arg13[%get3A_1583, %get3A_1584, %get3A_1585] {strides = array<i32>} : memref<4x32x128xi32, #tpu.memory_space<vmem>>, vector<16xi32>,
        %bitcast3A_1587 = vector.bitcast %get3A_1586 : vector<16xi32> to vector<32xbf16>
        %get3A_1588 = arith.constant 3 : i32
        %get3A_1589 = arith.index_cast %get3A_1588 : i32 to index
        %get3A_1590 = arith.index_cast %add3A_1525 : i32 to index
        %get3A_1591 = arith.constant 96 : index
        %get3A_1592 = tpu.vector_load %arg13[%get3A_1589, %get3A_1590, %get3A_1591] {strides = array<i32>} : memref<4x32x128xi32, #tpu.memory_space<vmem>>, vector<16xi32>,
        %bitcast3A_1593 = vector.bitcast %get3A_1592 : vector<16xi32> to vector<32xbf16>
        %mul3A_1594 = arith.mulf %bitcast3A_1579, %pack3A : vector<32xbf16>
        %mul3A_1595 = arith.mulf %bitcast3A_1581, %pack3A_1523 : vector<32xbf16>
        %mul3A_1596 = arith.mulf %bitcast3A_1587, %mul3A_1594 : vector<32xbf16>
        %mul3A_1597 = arith.mulf %bitcast3A_1593, %mul3A_1595 : vector<32xbf16>
        %sub3A_1598 = arith.subf %mul3A_1596, %mul3A_1597 : vector<32xbf16>
        %add3A_1599 = arith.addf %scan3A_1510, %sub3A_1598 : vector<32xbf16>
        %mul3A_1600 = arith.mulf %bitcast3A_1587, %mul3A_1595 : vector<32xbf16>
        %mul3A_1601 = arith.mulf %bitcast3A_1593, %mul3A_1594 : vector<32xbf16>
        %add3A_1602 = arith.addf %mul3A_1600, %mul3A_1601 : vector<32xbf16>
        %add3A_1603 = arith.addf %scan3A_1511, %add3A_1602 : vector<32xbf16>
        %gather3A_1604 = tpu.vector_load_idx %arg11[%gather3A_1522, %add3A_18] : memref<500x128xi32, #tpu.memory_space<vmem>>[vector<16xi32>, vector<16xi32>], vector<16xi32>,
        %bitcast3A_1605 = vector.bitcast %gather3A_1604 : vector<16xi32> to vector<32xbf16>
        %gather3A_1606 = tpu.vector_load_idx %arg11[%gather3A_1522, %add3A_42] : memref<500x128xi32, #tpu.memory_space<vmem>>[vector<16xi32>, vector<16xi32>], vector<16xi32>,
        %bitcast3A_1607 = vector.bitcast %gather3A_1606 : vector<16xi32> to vector<32xbf16>
        %get3A_1608 = arith.constant 3 : i32
        %get3A_1609 = arith.index_cast %get3A_1608 : i32 to index
        %get3A_1610 = arith.index_cast %add3A_1525 : i32 to index
        %get3A_1611 = arith.constant 48 : index
        %get3A_1612 = tpu.vector_load %arg13[%get3A_1609, %get3A_1610, %get3A_1611] {strides = array<i32>} : memref<4x32x128xi32, #tpu.memory_space<vmem>>, vector<16xi32>,
        %bitcast3A_1613 = vector.bitcast %get3A_1612 : vector<16xi32> to vector<32xbf16>
        %get3A_1614 = arith.constant 3 : i32
        %get3A_1615 = arith.index_cast %get3A_1614 : i32 to index
        %get3A_1616 = arith.index_cast %add3A_1525 : i32 to index
        %get3A_1617 = arith.constant 112 : index
        %get3A_1618 = tpu.vector_load %arg13[%get3A_1615, %get3A_1616, %get3A_1617] {strides = array<i32>} : memref<4x32x128xi32, #tpu.memory_space<vmem>>, vector<16xi32>,
        %bitcast3A_1619 = vector.bitcast %get3A_1618 : vector<16xi32> to vector<32xbf16>
        %mul3A_1620 = arith.mulf %bitcast3A_1605, %pack3A : vector<32xbf16>
        %mul3A_1621 = arith.mulf %bitcast3A_1607, %pack3A_1523 : vector<32xbf16>
        %mul3A_1622 = arith.mulf %bitcast3A_1613, %mul3A_1620 : vector<32xbf16>
        %mul3A_1623 = arith.mulf %bitcast3A_1619, %mul3A_1621 : vector<32xbf16>
        %sub3A_1624 = arith.subf %mul3A_1622, %mul3A_1623 : vector<32xbf16>
        %add3A_1625 = arith.addf %scan3A_1512, %sub3A_1624 : vector<32xbf16>
        %mul3A_1626 = arith.mulf %bitcast3A_1613, %mul3A_1621 : vector<32xbf16>
        %mul3A_1627 = arith.mulf %bitcast3A_1619, %mul3A_1620 : vector<32xbf16>
        %add3A_1628 = arith.addf %mul3A_1626, %mul3A_1627 : vector<32xbf16>
        %add3A_1629 = arith.addf %scan3A_1513, %add3A_1628 : vector<32xbf16>
        %broadcast_in_dim3A_1630 = vector.shape_cast %broadcast_in_dim3A_1514 : vector<16xi32> to vector<16x1xi32>
        %gather3A_1631 = vector.shape_cast %broadcast_in_dim3A_1630 : vector<16x1xi32> to vector<16xi32>
        %gather3A_1632 = tpu.dynamic_gather %bitcast3A_1236[%gather3A_1631] in [0] : vector<16xf32>, vector<16xi32> -> vector<16xf32>
        %broadcast_in_dim3A_1633 = vector.shape_cast %broadcast_in_dim3A_1514 : vector<16xi32> to vector<16x1xi32>
        %gather3A_1634 = vector.shape_cast %broadcast_in_dim3A_1633 : vector<16x1xi32> to vector<16xi32>
        %gather3A_1635 = tpu.dynamic_gather %mul3A_1250[%gather3A_1634] in [0] : vector<16xf32>, vector<16xi32> -> vector<16xf32>
        %broadcast_in_dim3A_1636 = vector.shape_cast %broadcast_in_dim3A_1514 : vector<16xi32> to vector<16x1xi32>
        %gather3A_1637 = vector.shape_cast %broadcast_in_dim3A_1636 : vector<16x1xi32> to vector<16xi32>
        %gather3A_1638 = tpu.dynamic_gather %shift_right_logical3A_1253[%gather3A_1637] in [0] : vector<16xi32>, vector<16xi32> -> vector<16xi32>
        %pack3A_1639 = tpu.pack_subelements %gather3A_1632, %gather3A_1632 {pack_format = #tpu.pack_format<interleaved>, positions = array<i32: 0, 1>} : vector<16xf32>, vector<16xf32> -> vector<32xbf16>
        %pack3A_1640 = tpu.pack_subelements %gather3A_1635, %gather3A_1635 {pack_format = #tpu.pack_format<interleaved>, positions = array<i32: 0, 1>} : vector<16xf32>, vector<16xf32> -> vector<32xbf16>
        %add3A_1641 = arith.constant 16 : i32
        %add3A_1642 = arith.addi %add3A_1641, %scan3A_1505 : i32
        %gather3A_1643 = tpu.vector_load_idx %arg11[%gather3A_1638, %add3A_9] : memref<500x128xi32, #tpu.memory_space<vmem>>[vector<16xi32>, vector<16xi32>], vector<16xi32>,
        %bitcast3A_1644 = vector.bitcast %gather3A_1643 : vector<16xi32> to vector<32xbf16>
        %gather3A_1645 = tpu.vector_load_idx %arg11[%gather3A_1638, %add3A_24] : memref<500x128xi32, #tpu.memory_space<vmem>>[vector<16xi32>, vector<16xi32>], vector<16xi32>,
        %bitcast3A_1646 = vector.bitcast %gather3A_1645 : vector<16xi32> to vector<32xbf16>
        %get3A_1647 = arith.constant 3 : i32
        %get3A_1648 = arith.index_cast %get3A_1647 : i32 to index
        %get3A_1649 = arith.index_cast %add3A_1642 : i32 to index
        %get3A_1650 = arith.constant 0 : index
        %get3A_1651 = tpu.vector_load %arg13[%get3A_1648, %get3A_1649, %get3A_1650] {strides = array<i32>} : memref<4x32x128xi32, #tpu.memory_space<vmem>>, vector<16xi32>,
        %bitcast3A_1652 = vector.bitcast %get3A_1651 : vector<16xi32> to vector<32xbf16>
        %get3A_1653 = arith.constant 3 : i32
        %get3A_1654 = arith.index_cast %get3A_1653 : i32 to index
        %get3A_1655 = arith.index_cast %add3A_1642 : i32 to index
        %get3A_1656 = arith.constant 64 : index
        %get3A_1657 = tpu.vector_load %arg13[%get3A_1654, %get3A_1655, %get3A_1656] {strides = array<i32>} : memref<4x32x128xi32, #tpu.memory_space<vmem>>, vector<16xi32>,
        %bitcast3A_1658 = vector.bitcast %get3A_1657 : vector<16xi32> to vector<32xbf16>
        %mul3A_1659 = arith.mulf %bitcast3A_1644, %pack3A_1639 : vector<32xbf16>
        %mul3A_1660 = arith.mulf %bitcast3A_1646, %pack3A_1640 : vector<32xbf16>
        %mul3A_1661 = arith.mulf %bitcast3A_1652, %mul3A_1659 : vector<32xbf16>
        %mul3A_1662 = arith.mulf %bitcast3A_1658, %mul3A_1660 : vector<32xbf16>
        %sub3A_1663 = arith.subf %mul3A_1661, %mul3A_1662 : vector<32xbf16>
        %add3A_1664 = arith.addf %add3A_1547, %sub3A_1663 : vector<32xbf16>
        %mul3A_1665 = arith.mulf %bitcast3A_1652, %mul3A_1660 : vector<32xbf16>
        %mul3A_1666 = arith.mulf %bitcast3A_1658, %mul3A_1659 : vector<32xbf16>
        %add3A_1667 = arith.addf %mul3A_1665, %mul3A_1666 : vector<32xbf16>
        %add3A_1668 = arith.addf %add3A_1551, %add3A_1667 : vector<32xbf16>
        %gather3A_1669 = tpu.vector_load_idx %arg11[%gather3A_1638, %add3A_12] : memref<500x128xi32, #tpu.memory_space<vmem>>[vector<16xi32>, vector<16xi32>], vector<16xi32>,
        %bitcast3A_1670 = vector.bitcast %gather3A_1669 : vector<16xi32> to vector<32xbf16>
        %gather3A_1671 = tpu.vector_load_idx %arg11[%gather3A_1638, %add3A_30] : memref<500x128xi32, #tpu.memory_space<vmem>>[vector<16xi32>, vector<16xi32>], vector<16xi32>,
        %bitcast3A_1672 = vector.bitcast %gather3A_1671 : vector<16xi32> to vector<32xbf16>
        %get3A_1673 = arith.constant 3 : i32
        %get3A_1674 = arith.index_cast %get3A_1673 : i32 to index
        %get3A_1675 = arith.index_cast %add3A_1642 : i32 to index
        %get3A_1676 = arith.constant 16 : index
        %get3A_1677 = tpu.vector_load %arg13[%get3A_1674, %get3A_1675, %get3A_1676] {strides = array<i32>} : memref<4x32x128xi32, #tpu.memory_space<vmem>>, vector<16xi32>,
        %bitcast3A_1678 = vector.bitcast %get3A_1677 : vector<16xi32> to vector<32xbf16>
        %get3A_1679 = arith.constant 3 : i32
        %get3A_1680 = arith.index_cast %get3A_1679 : i32 to index
        %get3A_1681 = arith.index_cast %add3A_1642 : i32 to index
        %get3A_1682 = arith.constant 80 : index
        %get3A_1683 = tpu.vector_load %arg13[%get3A_1680, %get3A_1681, %get3A_1682] {strides = array<i32>} : memref<4x32x128xi32, #tpu.memory_space<vmem>>, vector<16xi32>,
        %bitcast3A_1684 = vector.bitcast %get3A_1683 : vector<16xi32> to vector<32xbf16>
        %mul3A_1685 = arith.mulf %bitcast3A_1670, %pack3A_1639 : vector<32xbf16>
        %mul3A_1686 = arith.mulf %bitcast3A_1672, %pack3A_1640 : vector<32xbf16>
        %mul3A_1687 = arith.mulf %bitcast3A_1678, %mul3A_1685 : vector<32xbf16>
        %mul3A_1688 = arith.mulf %bitcast3A_1684, %mul3A_1686 : vector<32xbf16>
        %sub3A_1689 = arith.subf %mul3A_1687, %mul3A_1688 : vector<32xbf16>
        %add3A_1690 = arith.addf %add3A_1573, %sub3A_1689 : vector<32xbf16>
        %mul3A_1691 = arith.mulf %bitcast3A_1678, %mul3A_1686 : vector<32xbf16>
        %mul3A_1692 = arith.mulf %bitcast3A_1684, %mul3A_1685 : vector<32xbf16>
        %add3A_1693 = arith.addf %mul3A_1691, %mul3A_1692 : vector<32xbf16>
        %add3A_1694 = arith.addf %add3A_1577, %add3A_1693 : vector<32xbf16>
        %gather3A_1695 = tpu.vector_load_idx %arg11[%gather3A_1638, %add3A_15] : memref<500x128xi32, #tpu.memory_space<vmem>>[vector<16xi32>, vector<16xi32>], vector<16xi32>,
        %bitcast3A_1696 = vector.bitcast %gather3A_1695 : vector<16xi32> to vector<32xbf16>
        %gather3A_1697 = tpu.vector_load_idx %arg11[%gather3A_1638, %add3A_36] : memref<500x128xi32, #tpu.memory_space<vmem>>[vector<16xi32>, vector<16xi32>], vector<16xi32>,
        %bitcast3A_1698 = vector.bitcast %gather3A_1697 : vector<16xi32> to vector<32xbf16>
        %get3A_1699 = arith.constant 3 : i32
        %get3A_1700 = arith.index_cast %get3A_1699 : i32 to index
        %get3A_1701 = arith.index_cast %add3A_1642 : i32 to index
        %get3A_1702 = arith.constant 32 : index
        %get3A_1703 = tpu.vector_load %arg13[%get3A_1700, %get3A_1701, %get3A_1702] {strides = array<i32>} : memref<4x32x128xi32, #tpu.memory_space<vmem>>, vector<16xi32>,
        %bitcast3A_1704 = vector.bitcast %get3A_1703 : vector<16xi32> to vector<32xbf16>
        %get3A_1705 = arith.constant 3 : i32
        %get3A_1706 = arith.index_cast %get3A_1705 : i32 to index
        %get3A_1707 = arith.index_cast %add3A_1642 : i32 to index
        %get3A_1708 = arith.constant 96 : index
        %get3A_1709 = tpu.vector_load %arg13[%get3A_1706, %get3A_1707, %get3A_1708] {strides = array<i32>} : memref<4x32x128xi32, #tpu.memory_space<vmem>>, vector<16xi32>,
        %bitcast3A_1710 = vector.bitcast %get3A_1709 : vector<16xi32> to vector<32xbf16>
        %mul3A_1711 = arith.mulf %bitcast3A_1696, %pack3A_1639 : vector<32xbf16>
        %mul3A_1712 = arith.mulf %bitcast3A_1698, %pack3A_1640 : vector<32xbf16>
        %mul3A_1713 = arith.mulf %bitcast3A_1704, %mul3A_1711 : vector<32xbf16>
        %mul3A_1714 = arith.mulf %bitcast3A_1710, %mul3A_1712 : vector<32xbf16>
        %sub3A_1715 = arith.subf %mul3A_1713, %mul3A_1714 : vector<32xbf16>
        %add3A_1716 = arith.addf %add3A_1599, %sub3A_1715 : vector<32xbf16>
        %mul3A_1717 = arith.mulf %bitcast3A_1704, %mul3A_1712 : vector<32xbf16>
        %mul3A_1718 = arith.mulf %bitcast3A_1710, %mul3A_1711 : vector<32xbf16>
        %add3A_1719 = arith.addf %mul3A_1717, %mul3A_1718 : vector<32xbf16>
        %add3A_1720 = arith.addf %add3A_1603, %add3A_1719 : vector<32xbf16>
        %gather3A_1721 = tpu.vector_load_idx %arg11[%gather3A_1638, %add3A_18] : memref<500x128xi32, #tpu.memory_space<vmem>>[vector<16xi32>, vector<16xi32>], vector<16xi32>,
        %bitcast3A_1722 = vector.bitcast %gather3A_1721 : vector<16xi32> to vector<32xbf16>
        %gather3A_1723 = tpu.vector_load_idx %arg11[%gather3A_1638, %add3A_42] : memref<500x128xi32, #tpu.memory_space<vmem>>[vector<16xi32>, vector<16xi32>], vector<16xi32>,
        %bitcast3A_1724 = vector.bitcast %gather3A_1723 : vector<16xi32> to vector<32xbf16>
        %get3A_1725 = arith.constant 3 : i32
        %get3A_1726 = arith.index_cast %get3A_1725 : i32 to index
        %get3A_1727 = arith.index_cast %add3A_1642 : i32 to index
        %get3A_1728 = arith.constant 48 : index
        %get3A_1729 = tpu.vector_load %arg13[%get3A_1726, %get3A_1727, %get3A_1728] {strides = array<i32>} : memref<4x32x128xi32, #tpu.memory_space<vmem>>, vector<16xi32>,
        %bitcast3A_1730 = vector.bitcast %get3A_1729 : vector<16xi32> to vector<32xbf16>
        %get3A_1731 = arith.constant 3 : i32
        %get3A_1732 = arith.index_cast %get3A_1731 : i32 to index
        %get3A_1733 = arith.index_cast %add3A_1642 : i32 to index
        %get3A_1734 = arith.constant 112 : index
        %get3A_1735 = tpu.vector_load %arg13[%get3A_1732, %get3A_1733, %get3A_1734] {strides = array<i32>} : memref<4x32x128xi32, #tpu.memory_space<vmem>>, vector<16xi32>,
        %bitcast3A_1736 = vector.bitcast %get3A_1735 : vector<16xi32> to vector<32xbf16>
        %mul3A_1737 = arith.mulf %bitcast3A_1722, %pack3A_1639 : vector<32xbf16>
        %mul3A_1738 = arith.mulf %bitcast3A_1724, %pack3A_1640 : vector<32xbf16>
        %mul3A_1739 = arith.mulf %bitcast3A_1730, %mul3A_1737 : vector<32xbf16>
        %mul3A_1740 = arith.mulf %bitcast3A_1736, %mul3A_1738 : vector<32xbf16>
        %sub3A_1741 = arith.subf %mul3A_1739, %mul3A_1740 : vector<32xbf16>
        %add3A_1742 = arith.addf %add3A_1625, %sub3A_1741 : vector<32xbf16>
        %mul3A_1743 = arith.mulf %bitcast3A_1730, %mul3A_1738 : vector<32xbf16>
        %mul3A_1744 = arith.mulf %bitcast3A_1736, %mul3A_1737 : vector<32xbf16>
        %add3A_1745 = arith.addf %mul3A_1743, %mul3A_1744 : vector<32xbf16>
        %add3A_1746 = arith.addf %add3A_1629, %add3A_1745 : vector<32xbf16>
        scf.yield %add3A_1664, %add3A_1668, %add3A_1690, %add3A_1694, %add3A_1716, %add3A_1720, %add3A_1742, %add3A_1746 : vector<32xbf16>, vector<32xbf16>, vector<32xbf16>, vector<32xbf16>, vector<32xbf16>, vector<32xbf16>, vector<32xbf16>, vector<32xbf16>
      }
      %scan3A_1275 = arith.constant 16 : i32
      %unpack3A_1276 = tpu.unpack_subelements %scan3A_1274#0, 0 {pack_format = #tpu.pack_format<interleaved>} : vector<32xbf16> -> vector<16xf32>
      %unpack3A_1277 = tpu.unpack_subelements %scan3A_1274#0, 1 {pack_format = #tpu.pack_format<interleaved>} : vector<32xbf16> -> vector<16xf32>
      %unpack3A_1278 = tpu.unpack_subelements %scan3A_1274#1, 0 {pack_format = #tpu.pack_format<interleaved>} : vector<32xbf16> -> vector<16xf32>
      %unpack3A_1279 = tpu.unpack_subelements %scan3A_1274#1, 1 {pack_format = #tpu.pack_format<interleaved>} : vector<32xbf16> -> vector<16xf32>
      %get3A_1280 = arith.constant 3 : i32
      %get3A_1281 = arith.constant 0 : i32
      %get3A_1282 = arith.index_cast %get3A_1280 : i32 to index
      %get3A_1283 = arith.index_cast %get3A_1281 : i32 to index
      %get3A_1284 = arith.constant 0 : index
      %get3A_1285 = tpu.vector_load %arg14[%get3A_1282, %get3A_1283, %get3A_1284] {strides = array<i32>} : memref<4x1x256xf32, #tpu.memory_space<vmem>>, vector<16xf32>,
      %mul3A_1286 = arith.mulf %get3A_43, %unpack3A_1276 : vector<16xf32>
      %add3A_1287 = arith.addf %get3A_1285, %mul3A_1286 : vector<16xf32>
      %swap3A_1288 = arith.constant 3 : i32
      %swap3A_1289 = arith.index_cast %swap3A_1288 : i32 to index
      %swap3A_1290 = arith.constant 0 : index
      %swap3A_1291 = tpu.vector_load %arg15[%swap3A_1289, %swap3A_1290] {strides = array<i32>} : memref<4x256xf32, #tpu.memory_space<vmem>>, vector<16xf32>,
      tpu.vector_store %arg15[%swap3A_1289, %swap3A_1290], %add3A_1287 {strides = array<i32>} : memref<4x256xf32, #tpu.memory_space<vmem>>, vector<16xf32>,
      %get3A_1292 = arith.constant 3 : i32
      %get3A_1293 = arith.constant 0 : i32
      %get3A_1294 = arith.index_cast %get3A_1292 : i32 to index
      %get3A_1295 = arith.index_cast %get3A_1293 : i32 to index
      %get3A_1296 = arith.constant 64 : index
      %get3A_1297 = tpu.vector_load %arg14[%get3A_1294, %get3A_1295, %get3A_1296] {strides = array<i32>} : memref<4x1x256xf32, #tpu.memory_space<vmem>>, vector<16xf32>,
      %mul3A_1298 = arith.mulf %get3A_51, %unpack3A_1277 : vector<16xf32>
      %add3A_1299 = arith.addf %get3A_1297, %mul3A_1298 : vector<16xf32>
      %swap3A_1300 = arith.constant 3 : i32
      %swap3A_1301 = arith.index_cast %swap3A_1300 : i32 to index
      %swap3A_1302 = arith.constant 64 : index
      %swap3A_1303 = tpu.vector_load %arg15[%swap3A_1301, %swap3A_1302] {strides = array<i32>} : memref<4x256xf32, #tpu.memory_space<vmem>>, vector<16xf32>,
      tpu.vector_store %arg15[%swap3A_1301, %swap3A_1302], %add3A_1299 {strides = array<i32>} : memref<4x256xf32, #tpu.memory_space<vmem>>, vector<16xf32>,
      %get3A_1304 = arith.constant 3 : i32
      %get3A_1305 = arith.constant 0 : i32
      %get3A_1306 = arith.index_cast %get3A_1304 : i32 to index
      %get3A_1307 = arith.index_cast %get3A_1305 : i32 to index
      %get3A_1308 = arith.constant 128 : index
      %get3A_1309 = tpu.vector_load %arg14[%get3A_1306, %get3A_1307, %get3A_1308] {strides = array<i32>} : memref<4x1x256xf32, #tpu.memory_space<vmem>>, vector<16xf32>,
      %mul3A_1310 = arith.mulf %get3A_43, %unpack3A_1278 : vector<16xf32>
      %add3A_1311 = arith.addf %get3A_1309, %mul3A_1310 : vector<16xf32>
      %swap3A_1312 = arith.constant 3 : i32
      %swap3A_1313 = arith.index_cast %swap3A_1312 : i32 to index
      %swap3A_1314 = arith.constant 128 : index
      %swap3A_1315 = tpu.vector_load %arg15[%swap3A_1313, %swap3A_1314] {strides = array<i32>} : memref<4x256xf32, #tpu.memory_space<vmem>>, vector<16xf32>,
      tpu.vector_store %arg15[%swap3A_1313, %swap3A_1314], %add3A_1311 {strides = array<i32>} : memref<4x256xf32, #tpu.memory_space<vmem>>, vector<16xf32>,
      %get3A_1316 = arith.constant 3 : i32
      %get3A_1317 = arith.constant 0 : i32
      %get3A_1318 = arith.index_cast %get3A_1316 : i32 to index
      %get3A_1319 = arith.index_cast %get3A_1317 : i32 to index
      %get3A_1320 = arith.constant 192 : index
      %get3A_1321 = tpu.vector_load %arg14[%get3A_1318, %get3A_1319, %get3A_1320] {strides = array<i32>} : memref<4x1x256xf32, #tpu.memory_space<vmem>>, vector<16xf32>,
      %mul3A_1322 = arith.mulf %get3A_51, %unpack3A_1279 : vector<16xf32>
      %add3A_1323 = arith.addf %get3A_1321, %mul3A_1322 : vector<16xf32>
      %swap3A_1324 = arith.constant 3 : i32
      %swap3A_1325 = arith.index_cast %swap3A_1324 : i32 to index
      %swap3A_1326 = arith.constant 192 : index
      %swap3A_1327 = tpu.vector_load %arg15[%swap3A_1325, %swap3A_1326] {strides = array<i32>} : memref<4x256xf32, #tpu.memory_space<vmem>>, vector<16xf32>,
      tpu.vector_store %arg15[%swap3A_1325, %swap3A_1326], %add3A_1323 {strides = array<i32>} : memref<4x256xf32, #tpu.memory_space<vmem>>, vector<16xf32>,
      %unpack3A_1328 = tpu.unpack_subelements %scan3A_1274#2, 0 {pack_format = #tpu.pack_format<interleaved>} : vector<32xbf16> -> vector<16xf32>
      %unpack3A_1329 = tpu.unpack_subelements %scan3A_1274#2, 1 {pack_format = #tpu.pack_format<interleaved>} : vector<32xbf16> -> vector<16xf32>
      %unpack3A_1330 = tpu.unpack_subelements %scan3A_1274#3, 0 {pack_format = #tpu.pack_format<interleaved>} : vector<32xbf16> -> vector<16xf32>
      %unpack3A_1331 = tpu.unpack_subelements %scan3A_1274#3, 1 {pack_format = #tpu.pack_format<interleaved>} : vector<32xbf16> -> vector<16xf32>
      %get3A_1332 = arith.constant 3 : i32
      %get3A_1333 = arith.constant 0 : i32
      %get3A_1334 = arith.index_cast %get3A_1332 : i32 to index
      %get3A_1335 = arith.index_cast %get3A_1333 : i32 to index
      %get3A_1336 = arith.constant 16 : index
      %get3A_1337 = tpu.vector_load %arg14[%get3A_1334, %get3A_1335, %get3A_1336] {strides = array<i32>} : memref<4x1x256xf32, #tpu.memory_space<vmem>>, vector<16xf32>,
      %mul3A_1338 = arith.mulf %get3A_45, %unpack3A_1328 : vector<16xf32>
      %add3A_1339 = arith.addf %get3A_1337, %mul3A_1338 : vector<16xf32>
      %swap3A_1340 = arith.constant 3 : i32
      %swap3A_1341 = arith.index_cast %swap3A_1340 : i32 to index
      %swap3A_1342 = arith.constant 16 : index
      %swap3A_1343 = tpu.vector_load %arg15[%swap3A_1341, %swap3A_1342] {strides = array<i32>} : memref<4x256xf32, #tpu.memory_space<vmem>>, vector<16xf32>,
      tpu.vector_store %arg15[%swap3A_1341, %swap3A_1342], %add3A_1339 {strides = array<i32>} : memref<4x256xf32, #tpu.memory_space<vmem>>, vector<16xf32>,
      %get3A_1344 = arith.constant 3 : i32
      %get3A_1345 = arith.constant 0 : i32
      %get3A_1346 = arith.index_cast %get3A_1344 : i32 to index
      %get3A_1347 = arith.index_cast %get3A_1345 : i32 to index
      %get3A_1348 = arith.constant 80 : index
      %get3A_1349 = tpu.vector_load %arg14[%get3A_1346, %get3A_1347, %get3A_1348] {strides = array<i32>} : memref<4x1x256xf32, #tpu.memory_space<vmem>>, vector<16xf32>,
      %mul3A_1350 = arith.mulf %get3A_53, %unpack3A_1329 : vector<16xf32>
      %add3A_1351 = arith.addf %get3A_1349, %mul3A_1350 : vector<16xf32>
      %swap3A_1352 = arith.constant 3 : i32
      %swap3A_1353 = arith.index_cast %swap3A_1352 : i32 to index
      %swap3A_1354 = arith.constant 80 : index
      %swap3A_1355 = tpu.vector_load %arg15[%swap3A_1353, %swap3A_1354] {strides = array<i32>} : memref<4x256xf32, #tpu.memory_space<vmem>>, vector<16xf32>,
      tpu.vector_store %arg15[%swap3A_1353, %swap3A_1354], %add3A_1351 {strides = array<i32>} : memref<4x256xf32, #tpu.memory_space<vmem>>, vector<16xf32>,
      %get3A_1356 = arith.constant 3 : i32
      %get3A_1357 = arith.constant 0 : i32
      %get3A_1358 = arith.index_cast %get3A_1356 : i32 to index
      %get3A_1359 = arith.index_cast %get3A_1357 : i32 to index
      %get3A_1360 = arith.constant 144 : index
      %get3A_1361 = tpu.vector_load %arg14[%get3A_1358, %get3A_1359, %get3A_1360] {strides = array<i32>} : memref<4x1x256xf32, #tpu.memory_space<vmem>>, vector<16xf32>,
      %mul3A_1362 = arith.mulf %get3A_45, %unpack3A_1330 : vector<16xf32>
      %add3A_1363 = arith.addf %get3A_1361, %mul3A_1362 : vector<16xf32>
      %swap3A_1364 = arith.constant 3 : i32
      %swap3A_1365 = arith.index_cast %swap3A_1364 : i32 to index
      %swap3A_1366 = arith.constant 144 : index
      %swap3A_1367 = tpu.vector_load %arg15[%swap3A_1365, %swap3A_1366] {strides = array<i32>} : memref<4x256xf32, #tpu.memory_space<vmem>>, vector<16xf32>,
      tpu.vector_store %arg15[%swap3A_1365, %swap3A_1366], %add3A_1363 {strides = array<i32>} : memref<4x256xf32, #tpu.memory_space<vmem>>, vector<16xf32>,
      %get3A_1368 = arith.constant 3 : i32
      %get3A_1369 = arith.constant 0 : i32
      %get3A_1370 = arith.index_cast %get3A_1368 : i32 to index
      %get3A_1371 = arith.index_cast %get3A_1369 : i32 to index
      %get3A_1372 = arith.constant 208 : index
      %get3A_1373 = tpu.vector_load %arg14[%get3A_1370, %get3A_1371, %get3A_1372] {strides = array<i32>} : memref<4x1x256xf32, #tpu.memory_space<vmem>>, vector<16xf32>,
      %mul3A_1374 = arith.mulf %get3A_53, %unpack3A_1331 : vector<16xf32>
      %add3A_1375 = arith.addf %get3A_1373, %mul3A_1374 : vector<16xf32>
      %swap3A_1376 = arith.constant 3 : i32
      %swap3A_1377 = arith.index_cast %swap3A_1376 : i32 to index
      %swap3A_1378 = arith.constant 208 : index
      %swap3A_1379 = tpu.vector_load %arg15[%swap3A_1377, %swap3A_1378] {strides = array<i32>} : memref<4x256xf32, #tpu.memory_space<vmem>>, vector<16xf32>,
      tpu.vector_store %arg15[%swap3A_1377, %swap3A_1378], %add3A_1375 {strides = array<i32>} : memref<4x256xf32, #tpu.memory_space<vmem>>, vector<16xf32>,
      %unpack3A_1380 = tpu.unpack_subelements %scan3A_1274#4, 0 {pack_format = #tpu.pack_format<interleaved>} : vector<32xbf16> -> vector<16xf32>
      %unpack3A_1381 = tpu.unpack_subelements %scan3A_1274#4, 1 {pack_format = #tpu.pack_format<interleaved>} : vector<32xbf16> -> vector<16xf32>
      %unpack3A_1382 = tpu.unpack_subelements %scan3A_1274#5, 0 {pack_format = #tpu.pack_format<interleaved>} : vector<32xbf16> -> vector<16xf32>
      %unpack3A_1383 = tpu.unpack_subelements %scan3A_1274#5, 1 {pack_format = #tpu.pack_format<interleaved>} : vector<32xbf16> -> vector<16xf32>
      %get3A_1384 = arith.constant 3 : i32
      %get3A_1385 = arith.constant 0 : i32
      %get3A_1386 = arith.index_cast %get3A_1384 : i32 to index
      %get3A_1387 = arith.index_cast %get3A_1385 : i32 to index
      %get3A_1388 = arith.constant 32 : index
      %get3A_1389 = tpu.vector_load %arg14[%get3A_1386, %get3A_1387, %get3A_1388] {strides = array<i32>} : memref<4x1x256xf32, #tpu.memory_space<vmem>>, vector<16xf32>,
      %mul3A_1390 = arith.mulf %get3A_47, %unpack3A_1380 : vector<16xf32>
      %add3A_1391 = arith.addf %get3A_1389, %mul3A_1390 : vector<16xf32>
      %swap3A_1392 = arith.constant 3 : i32
      %swap3A_1393 = arith.index_cast %swap3A_1392 : i32 to index
      %swap3A_1394 = arith.constant 32 : index
      %swap3A_1395 = tpu.vector_load %arg15[%swap3A_1393, %swap3A_1394] {strides = array<i32>} : memref<4x256xf32, #tpu.memory_space<vmem>>, vector<16xf32>,
      tpu.vector_store %arg15[%swap3A_1393, %swap3A_1394], %add3A_1391 {strides = array<i32>} : memref<4x256xf32, #tpu.memory_space<vmem>>, vector<16xf32>,
      %get3A_1396 = arith.constant 3 : i32
      %get3A_1397 = arith.constant 0 : i32
      %get3A_1398 = arith.index_cast %get3A_1396 : i32 to index
      %get3A_1399 = arith.index_cast %get3A_1397 : i32 to index
      %get3A_1400 = arith.constant 96 : index
      %get3A_1401 = tpu.vector_load %arg14[%get3A_1398, %get3A_1399, %get3A_1400] {strides = array<i32>} : memref<4x1x256xf32, #tpu.memory_space<vmem>>, vector<16xf32>,
      %mul3A_1402 = arith.mulf %get3A_55, %unpack3A_1381 : vector<16xf32>
      %add3A_1403 = arith.addf %get3A_1401, %mul3A_1402 : vector<16xf32>
      %swap3A_1404 = arith.constant 3 : i32
      %swap3A_1405 = arith.index_cast %swap3A_1404 : i32 to index
      %swap3A_1406 = arith.constant 96 : index
      %swap3A_1407 = tpu.vector_load %arg15[%swap3A_1405, %swap3A_1406] {strides = array<i32>} : memref<4x256xf32, #tpu.memory_space<vmem>>, vector<16xf32>,
      tpu.vector_store %arg15[%swap3A_1405, %swap3A_1406], %add3A_1403 {strides = array<i32>} : memref<4x256xf32, #tpu.memory_space<vmem>>, vector<16xf32>,
      %get3A_1408 = arith.constant 3 : i32
      %get3A_1409 = arith.constant 0 : i32
      %get3A_1410 = arith.index_cast %get3A_1408 : i32 to index
      %get3A_1411 = arith.index_cast %get3A_1409 : i32 to index
      %get3A_1412 = arith.constant 160 : index
      %get3A_1413 = tpu.vector_load %arg14[%get3A_1410, %get3A_1411, %get3A_1412] {strides = array<i32>} : memref<4x1x256xf32, #tpu.memory_space<vmem>>, vector<16xf32>,
      %mul3A_1414 = arith.mulf %get3A_47, %unpack3A_1382 : vector<16xf32>
      %add3A_1415 = arith.addf %get3A_1413, %mul3A_1414 : vector<16xf32>
      %swap3A_1416 = arith.constant 3 : i32
      %swap3A_1417 = arith.index_cast %swap3A_1416 : i32 to index
      %swap3A_1418 = arith.constant 160 : index
      %swap3A_1419 = tpu.vector_load %arg15[%swap3A_1417, %swap3A_1418] {strides = array<i32>} : memref<4x256xf32, #tpu.memory_space<vmem>>, vector<16xf32>,
      tpu.vector_store %arg15[%swap3A_1417, %swap3A_1418], %add3A_1415 {strides = array<i32>} : memref<4x256xf32, #tpu.memory_space<vmem>>, vector<16xf32>,
      %get3A_1420 = arith.constant 3 : i32
      %get3A_1421 = arith.constant 0 : i32
      %get3A_1422 = arith.index_cast %get3A_1420 : i32 to index
      %get3A_1423 = arith.index_cast %get3A_1421 : i32 to index
      %get3A_1424 = arith.constant 224 : index
      %get3A_1425 = tpu.vector_load %arg14[%get3A_1422, %get3A_1423, %get3A_1424] {strides = array<i32>} : memref<4x1x256xf32, #tpu.memory_space<vmem>>, vector<16xf32>,
      %mul3A_1426 = arith.mulf %get3A_55, %unpack3A_1383 : vector<16xf32>
      %add3A_1427 = arith.addf %get3A_1425, %mul3A_1426 : vector<16xf32>
      %swap3A_1428 = arith.constant 3 : i32
      %swap3A_1429 = arith.index_cast %swap3A_1428 : i32 to index
      %swap3A_1430 = arith.constant 224 : index
      %swap3A_1431 = tpu.vector_load %arg15[%swap3A_1429, %swap3A_1430] {strides = array<i32>} : memref<4x256xf32, #tpu.memory_space<vmem>>, vector<16xf32>,
      tpu.vector_store %arg15[%swap3A_1429, %swap3A_1430], %add3A_1427 {strides = array<i32>} : memref<4x256xf32, #tpu.memory_space<vmem>>, vector<16xf32>,
      %unpack3A_1432 = tpu.unpack_subelements %scan3A_1274#6, 0 {pack_format = #tpu.pack_format<interleaved>} : vector<32xbf16> -> vector<16xf32>
      %unpack3A_1433 = tpu.unpack_subelements %scan3A_1274#6, 1 {pack_format = #tpu.pack_format<interleaved>} : vector<32xbf16> -> vector<16xf32>
      %unpack3A_1434 = tpu.unpack_subelements %scan3A_1274#7, 0 {pack_format = #tpu.pack_format<interleaved>} : vector<32xbf16> -> vector<16xf32>
      %unpack3A_1435 = tpu.unpack_subelements %scan3A_1274#7, 1 {pack_format = #tpu.pack_format<interleaved>} : vector<32xbf16> -> vector<16xf32>
      %get3A_1436 = arith.constant 3 : i32
      %get3A_1437 = arith.constant 0 : i32
      %get3A_1438 = arith.index_cast %get3A_1436 : i32 to index
      %get3A_1439 = arith.index_cast %get3A_1437 : i32 to index
      %get3A_1440 = arith.constant 48 : index
      %get3A_1441 = tpu.vector_load %arg14[%get3A_1438, %get3A_1439, %get3A_1440] {strides = array<i32>} : memref<4x1x256xf32, #tpu.memory_space<vmem>>, vector<16xf32>,
      %mul3A_1442 = arith.mulf %get3A_49, %unpack3A_1432 : vector<16xf32>
      %add3A_1443 = arith.addf %get3A_1441, %mul3A_1442 : vector<16xf32>
      %swap3A_1444 = arith.constant 3 : i32
      %swap3A_1445 = arith.index_cast %swap3A_1444 : i32 to index
      %swap3A_1446 = arith.constant 48 : index
      %swap3A_1447 = tpu.vector_load %arg15[%swap3A_1445, %swap3A_1446] {strides = array<i32>} : memref<4x256xf32, #tpu.memory_space<vmem>>, vector<16xf32>,
      tpu.vector_store %arg15[%swap3A_1445, %swap3A_1446], %add3A_1443 {strides = array<i32>} : memref<4x256xf32, #tpu.memory_space<vmem>>, vector<16xf32>,
      %get3A_1448 = arith.constant 3 : i32
      %get3A_1449 = arith.constant 0 : i32
      %get3A_1450 = arith.index_cast %get3A_1448 : i32 to index
      %get3A_1451 = arith.index_cast %get3A_1449 : i32 to index
      %get3A_1452 = arith.constant 112 : index
      %get3A_1453 = tpu.vector_load %arg14[%get3A_1450, %get3A_1451, %get3A_1452] {strides = array<i32>} : memref<4x1x256xf32, #tpu.memory_space<vmem>>, vector<16xf32>,
      %mul3A_1454 = arith.mulf %get3A_57, %unpack3A_1433 : vector<16xf32>
      %add3A_1455 = arith.addf %get3A_1453, %mul3A_1454 : vector<16xf32>
      %swap3A_1456 = arith.constant 3 : i32
      %swap3A_1457 = arith.index_cast %swap3A_1456 : i32 to index
      %swap3A_1458 = arith.constant 112 : index
      %swap3A_1459 = tpu.vector_load %arg15[%swap3A_1457, %swap3A_1458] {strides = array<i32>} : memref<4x256xf32, #tpu.memory_space<vmem>>, vector<16xf32>,
      tpu.vector_store %arg15[%swap3A_1457, %swap3A_1458], %add3A_1455 {strides = array<i32>} : memref<4x256xf32, #tpu.memory_space<vmem>>, vector<16xf32>,
      %get3A_1460 = arith.constant 3 : i32
      %get3A_1461 = arith.constant 0 : i32
      %get3A_1462 = arith.index_cast %get3A_1460 : i32 to index
      %get3A_1463 = arith.index_cast %get3A_1461 : i32 to index
      %get3A_1464 = arith.constant 176 : index
      %get3A_1465 = tpu.vector_load %arg14[%get3A_1462, %get3A_1463, %get3A_1464] {strides = array<i32>} : memref<4x1x256xf32, #tpu.memory_space<vmem>>, vector<16xf32>,
      %mul3A_1466 = arith.mulf %get3A_49, %unpack3A_1434 : vector<16xf32>
      %add3A_1467 = arith.addf %get3A_1465, %mul3A_1466 : vector<16xf32>
      %swap3A_1468 = arith.constant 3 : i32
      %swap3A_1469 = arith.index_cast %swap3A_1468 : i32 to index
      %swap3A_1470 = arith.constant 176 : index
      %swap3A_1471 = tpu.vector_load %arg15[%swap3A_1469, %swap3A_1470] {strides = array<i32>} : memref<4x256xf32, #tpu.memory_space<vmem>>, vector<16xf32>,
      tpu.vector_store %arg15[%swap3A_1469, %swap3A_1470], %add3A_1467 {strides = array<i32>} : memref<4x256xf32, #tpu.memory_space<vmem>>, vector<16xf32>,
      %get3A_1472 = arith.constant 3 : i32
      %get3A_1473 = arith.constant 0 : i32
      %get3A_1474 = arith.index_cast %get3A_1472 : i32 to index
      %get3A_1475 = arith.index_cast %get3A_1473 : i32 to index
      %get3A_1476 = arith.constant 240 : index
      %get3A_1477 = tpu.vector_load %arg14[%get3A_1474, %get3A_1475, %get3A_1476] {strides = array<i32>} : memref<4x1x256xf32, #tpu.memory_space<vmem>>, vector<16xf32>,
      %mul3A_1478 = arith.mulf %get3A_57, %unpack3A_1435 : vector<16xf32>
      %add3A_1479 = arith.addf %get3A_1477, %mul3A_1478 : vector<16xf32>
      %swap3A_1480 = arith.constant 3 : i32
      %swap3A_1481 = arith.index_cast %swap3A_1480 : i32 to index
      %swap3A_1482 = arith.constant 240 : index
      %swap3A_1483 = tpu.vector_load %arg15[%swap3A_1481, %swap3A_1482] {strides = array<i32>} : memref<4x256xf32, #tpu.memory_space<vmem>>, vector<16xf32>,
      tpu.vector_store %arg15[%swap3A_1481, %swap3A_1482], %add3A_1479 {strides = array<i32>} : memref<4x256xf32, #tpu.memory_space<vmem>>, vector<16xf32>,
      %add3A_1484 = arith.addi %mul3A_2, %add3A_1184 : i32
      %dma_start3A_1485 = arith.constant 3 : i32
      %dma_start3A_1486 = arith.constant 0 : i32
      %dma_start3A_1487 = tpu.memref_slice %arg15[%dma_start3A_1485, %dma_start3A_1486] : memref<4x256xf32, #tpu.memory_space<vmem>> -> memref<1x256xf32, #tpu.memory_space<vmem>>
      %dma_start3A_1488 = tpu.memref_squeeze %dma_start3A_1487 : memref<1x256xf32, #tpu.memory_space<vmem>> -> memref<256xf32, #tpu.memory_space<vmem>>
      %dma_start3A_1489 = arith.constant 0 : i32
      %dma_start3A_1490 = tpu.memref_slice %arg8[%add3A_1484, %dma_start3A_1489] : memref<4096x256xf32, #tpu.memory_space<hbm>> -> memref<1x256xf32, #tpu.memory_space<hbm>>
      %dma_start3A_1491 = tpu.memref_squeeze %dma_start3A_1490 : memref<1x256xf32, #tpu.memory_space<hbm>> -> memref<256xf32, #tpu.memory_space<hbm>>
      %dma_start3A_1492 = arith.constant 0 : i32
      %dma_start3A_1493 = tpu.memref_slice %arg8[%add3A_1484, %dma_start3A_1492] : memref<4096x256xf32, #tpu.memory_space<hbm>> -> memref<1x256xf32, #tpu.memory_space<hbm>>
      %dma_start3A_1494 = tpu.memref_squeeze %dma_start3A_1493 : memref<1x256xf32, #tpu.memory_space<hbm>> -> memref<256xf32, #tpu.memory_space<hbm>>
      %dma_start3A_1495 = arith.constant 0 : i32
      %dma_start3A_1496 = tpu.memref_slice %arg15[%dma_start3A_1485, %dma_start3A_1495] : memref<4x256xf32, #tpu.memory_space<vmem>> -> memref<1x256xf32, #tpu.memory_space<vmem>>
      %dma_start3A_1497 = tpu.memref_squeeze %dma_start3A_1496 : memref<1x256xf32, #tpu.memory_space<vmem>> -> memref<256xf32, #tpu.memory_space<vmem>>
      tpu.enqueue_dma source(%dma_start3A_1497 : memref<256xf32, #tpu.memory_space<vmem>>) target(%dma_start3A_1494 : memref<256xf32, #tpu.memory_space<hbm>>) target_semaphore(%arg28 : memref<!tpu.dma_semaphore, #tpu.memory_space<semaphore_mem>>)
      %add3A_1498 = arith.constant 4 : i32
      %add3A_1499 = arith.addi %add3A_1184, %add3A_1498 : i32
      %lt3A_1500 = arith.constant 128 : i32
      %lt3A_1501 = arith.cmpi slt, %add3A_1499, %lt3A_1500 : i32
      %convert_element_type3A_1502 = arith.extui %lt3A_1501 : i1 to i32
      %cond3A_1503 = arith.constant 0 : i32
      %cond3A_1504 = arith.cmpi ne, %convert_element_type3A_1502, %cond3A_1503 : i32
      scf.if %cond3A_1504 {
        %dma_start3A_1505 = arith.constant 3 : i32
        %dma_start3A_1506 = arith.constant 0 : i32
        %dma_start3A_1507 = arith.constant 0 : i32
        %dma_start3A_1508 = tpu.memref_slice %arg13[%dma_start3A_1505, %dma_start3A_1506, %dma_start3A_1507] : memref<4x32x128xi32, #tpu.memory_space<vmem>> -> memref<1x32x128xi32, #tpu.memory_space<vmem>>
        %dma_start3A_1509 = tpu.memref_squeeze %dma_start3A_1508 : memref<1x32x128xi32, #tpu.memory_space<vmem>> -> memref<32x128xi32, #tpu.memory_space<vmem>>
        %dma_start3A_1510 = arith.constant 0 : i32
        %dma_start3A_1511 = tpu.memref_slice %arg10[%add3A_1499, %dma_start3A_1510] : memref<128x128xi32, #tpu.memory_space<vmem>> -> memref<1x32xi32, #tpu.memory_space<vmem>>
        %dma_start3A_1512 = tpu.memref_squeeze %dma_start3A_1511 : memref<1x32xi32, #tpu.memory_space<vmem>> -> memref<32xi32, #tpu.memory_space<vmem>>
        %dma_start3A_1513 = arith.constant 0 : i32
        %dma_start3A_1514 = arith.constant 0 : i32
        %dma_start3A_1515 = tpu.memref_slice %arg5[%dma_start3A_1513, %dma_start3A_1514] : memref<10000x128xi32, #tpu.memory_space<hbm>> -> memref<10000x128xi32, #tpu.memory_space<hbm>>
        tpu.enqueue_indirect_dma source(%dma_start3A_1515 : memref<10000x128xi32, #tpu.memory_space<hbm>>) target(%dma_start3A_1509 : memref<32x128xi32, #tpu.memory_space<vmem>>) offsets(%dma_start3A_1512 : memref<32xi32, #tpu.memory_space<vmem>>) semaphore(%arg20 : memref<!tpu.dma_semaphore, #tpu.memory_space<semaphore_mem>>)
        %dma_start3A_1516 = arith.constant 3 : i32
        %dma_start3A_1517 = arith.constant 0 : i32
        %dma_start3A_1518 = arith.constant 0 : i32
        %dma_start3A_1519 = tpu.memref_slice %arg14[%dma_start3A_1516, %dma_start3A_1517, %dma_start3A_1518] : memref<4x1x256xf32, #tpu.memory_space<vmem>> -> memref<1x1x256xf32, #tpu.memory_space<vmem>>
        %dma_start3A_1520 = tpu.memref_squeeze %dma_start3A_1519 : memref<1x1x256xf32, #tpu.memory_space<vmem>> -> memref<1x256xf32, #tpu.memory_space<vmem>>
        %dma_start3A_1521 = arith.constant 96 : i32
        %dma_start3A_1522 = tpu.memref_slice %arg10[%add3A_1499, %dma_start3A_1521] : memref<128x128xi32, #tpu.memory_space<vmem>> -> memref<1x1xi32, #tpu.memory_space<vmem>>
        %dma_start3A_1523 = tpu.memref_squeeze %dma_start3A_1522 : memref<1x1xi32, #tpu.memory_space<vmem>> -> memref<1xi32, #tpu.memory_space<vmem>>
        %dma_start3A_1524 = arith.constant 0 : i32
        %dma_start3A_1525 = arith.constant 0 : i32
        %dma_start3A_1526 = tpu.memref_slice %arg4[%dma_start3A_1524, %dma_start3A_1525] : memref<10000x256xf32, #tpu.memory_space<hbm>> -> memref<10000x256xf32, #tpu.memory_space<hbm>>
        tpu.enqueue_indirect_dma source(%dma_start3A_1526 : memref<10000x256xf32, #tpu.memory_space<hbm>>) target(%dma_start3A_1520 : memref<1x256xf32, #tpu.memory_space<vmem>>) offsets(%dma_start3A_1523 : memref<1xi32, #tpu.memory_space<vmem>>) semaphore(%arg24 : memref<!tpu.dma_semaphore, #tpu.memory_space<semaphore_mem>>)
      } else {
      }
    }
    %scan3A_158 = arith.constant 32 : i32
    %add3A_159 = arith.constant 124 : i32
    %add3A_160 = arith.addi %mul3A_2, %add3A_159 : i32
    %dma_wait3A_161 = arith.constant 0 : i32
    %dma_wait3A_162 = arith.constant 0 : i32
    %dma_wait3A_163 = tpu.memref_slice %arg15[%dma_wait3A_161, %dma_wait3A_162] : memref<4x256xf32, #tpu.memory_space<vmem>> -> memref<1x256xf32, #tpu.memory_space<vmem>>
    %dma_wait3A_164 = tpu.memref_squeeze %dma_wait3A_163 : memref<1x256xf32, #tpu.memory_space<vmem>> -> memref<256xf32, #tpu.memory_space<vmem>>
    %dma_wait3A_165 = arith.constant 0 : i32
    %dma_wait3A_166 = tpu.memref_slice %arg8[%add3A_160, %dma_wait3A_165] : memref<4096x256xf32, #tpu.memory_space<hbm>> -> memref<1x256xf32, #tpu.memory_space<hbm>>
    %dma_wait3A_167 = tpu.memref_squeeze %dma_wait3A_166 : memref<1x256xf32, #tpu.memory_space<hbm>> -> memref<256xf32, #tpu.memory_space<hbm>>
    %dma_wait3A_168 = arith.constant 0 : i32
    %dma_wait3A_169 = tpu.memref_slice %arg8[%add3A_160, %dma_wait3A_168] : memref<4096x256xf32, #tpu.memory_space<hbm>> -> memref<1x256xf32, #tpu.memory_space<hbm>>
    %dma_wait3A_170 = tpu.memref_squeeze %dma_wait3A_169 : memref<1x256xf32, #tpu.memory_space<hbm>> -> memref<256xf32, #tpu.memory_space<hbm>>
    %dma_wait3A_171 = arith.constant 0 : i32
    %dma_wait3A_172 = tpu.memref_slice %arg15[%dma_wait3A_161, %dma_wait3A_171] : memref<4x256xf32, #tpu.memory_space<vmem>> -> memref<1x256xf32, #tpu.memory_space<vmem>>
    %dma_wait3A_173 = tpu.memref_squeeze %dma_wait3A_172 : memref<1x256xf32, #tpu.memory_space<vmem>> -> memref<256xf32, #tpu.memory_space<vmem>>
    tpu.wait_dma2 semaphore(%arg25 : memref<!tpu.dma_semaphore, #tpu.memory_space<semaphore_mem>>) src(%dma_wait3A_173 : memref<256xf32, #tpu.memory_space<vmem>>) dst(%dma_wait3A_170 : memref<256xf32, #tpu.memory_space<hbm>>)
    %add3A_174 = arith.constant 125 : i32
    %add3A_175 = arith.addi %mul3A_2, %add3A_174 : i32
    %dma_wait3A_176 = arith.constant 1 : i32
    %dma_wait3A_177 = arith.constant 0 : i32
    %dma_wait3A_178 = tpu.memref_slice %arg15[%dma_wait3A_176, %dma_wait3A_177] : memref<4x256xf32, #tpu.memory_space<vmem>> -> memref<1x256xf32, #tpu.memory_space<vmem>>
    %dma_wait3A_179 = tpu.memref_squeeze %dma_wait3A_178 : memref<1x256xf32, #tpu.memory_space<vmem>> -> memref<256xf32, #tpu.memory_space<vmem>>
    %dma_wait3A_180 = arith.constant 0 : i32
    %dma_wait3A_181 = tpu.memref_slice %arg8[%add3A_175, %dma_wait3A_180] : memref<4096x256xf32, #tpu.memory_space<hbm>> -> memref<1x256xf32, #tpu.memory_space<hbm>>
    %dma_wait3A_182 = tpu.memref_squeeze %dma_wait3A_181 : memref<1x256xf32, #tpu.memory_space<hbm>> -> memref<256xf32, #tpu.memory_space<hbm>>
    %dma_wait3A_183 = arith.constant 0 : i32
    %dma_wait3A_184 = tpu.memref_slice %arg8[%add3A_175, %dma_wait3A_183] : memref<4096x256xf32, #tpu.memory_space<hbm>> -> memref<1x256xf32, #tpu.memory_space<hbm>>
    %dma_wait3A_185 = tpu.memref_squeeze %dma_wait3A_184 : memref<1x256xf32, #tpu.memory_space<hbm>> -> memref<256xf32, #tpu.memory_space<hbm>>
    %dma_wait3A_186 = arith.constant 0 : i32
    %dma_wait3A_187 = tpu.memref_slice %arg15[%dma_wait3A_176, %dma_wait3A_186] : memref<4x256xf32, #tpu.memory_space<vmem>> -> memref<1x256xf32, #tpu.memory_space<vmem>>
    %dma_wait3A_188 = tpu.memref_squeeze %dma_wait3A_187 : memref<1x256xf32, #tpu.memory_space<vmem>> -> memref<256xf32, #tpu.memory_space<vmem>>
    tpu.wait_dma2 semaphore(%arg26 : memref<!tpu.dma_semaphore, #tpu.memory_space<semaphore_mem>>) src(%dma_wait3A_188 : memref<256xf32, #tpu.memory_space<vmem>>) dst(%dma_wait3A_185 : memref<256xf32, #tpu.memory_space<hbm>>)
    %add3A_189 = arith.constant 126 : i32
    %add3A_190 = arith.addi %mul3A_2, %add3A_189 : i32
    %dma_wait3A_191 = arith.constant 2 : i32
    %dma_wait3A_192 = arith.constant 0 : i32
    %dma_wait3A_193 = tpu.memref_slice %arg15[%dma_wait3A_191, %dma_wait3A_192] : memref<4x256xf32, #tpu.memory_space<vmem>> -> memref<1x256xf32, #tpu.memory_space<vmem>>
    %dma_wait3A_194 = tpu.memref_squeeze %dma_wait3A_193 : memref<1x256xf32, #tpu.memory_space<vmem>> -> memref<256xf32, #tpu.memory_space<vmem>>
    %dma_wait3A_195 = arith.constant 0 : i32
    %dma_wait3A_196 = tpu.memref_slice %arg8[%add3A_190, %dma_wait3A_195] : memref<4096x256xf32, #tpu.memory_space<hbm>> -> memref<1x256xf32, #tpu.memory_space<hbm>>
    %dma_wait3A_197 = tpu.memref_squeeze %dma_wait3A_196 : memref<1x256xf32, #tpu.memory_space<hbm>> -> memref<256xf32, #tpu.memory_space<hbm>>
    %dma_wait3A_198 = arith.constant 0 : i32
    %dma_wait3A_199 = tpu.memref_slice %arg8[%add3A_190, %dma_wait3A_198] : memref<4096x256xf32, #tpu.memory_space<hbm>> -> memref<1x256xf32, #tpu.memory_space<hbm>>
    %dma_wait3A_200 = tpu.memref_squeeze %dma_wait3A_199 : memref<1x256xf32, #tpu.memory_space<hbm>> -> memref<256xf32, #tpu.memory_space<hbm>>
    %dma_wait3A_201 = arith.constant 0 : i32
    %dma_wait3A_202 = tpu.memref_slice %arg15[%dma_wait3A_191, %dma_wait3A_201] : memref<4x256xf32, #tpu.memory_space<vmem>> -> memref<1x256xf32, #tpu.memory_space<vmem>>
    %dma_wait3A_203 = tpu.memref_squeeze %dma_wait3A_202 : memref<1x256xf32, #tpu.memory_space<vmem>> -> memref<256xf32, #tpu.memory_space<vmem>>
    tpu.wait_dma2 semaphore(%arg27 : memref<!tpu.dma_semaphore, #tpu.memory_space<semaphore_mem>>) src(%dma_wait3A_203 : memref<256xf32, #tpu.memory_space<vmem>>) dst(%dma_wait3A_200 : memref<256xf32, #tpu.memory_space<hbm>>)
    %add3A_204 = arith.constant 127 : i32
    %add3A_205 = arith.addi %mul3A_2, %add3A_204 : i32
    %dma_wait3A_206 = arith.constant 3 : i32
    %dma_wait3A_207 = arith.constant 0 : i32
    %dma_wait3A_208 = tpu.memref_slice %arg15[%dma_wait3A_206, %dma_wait3A_207] : memref<4x256xf32, #tpu.memory_space<vmem>> -> memref<1x256xf32, #tpu.memory_space<vmem>>
    %dma_wait3A_209 = tpu.memref_squeeze %dma_wait3A_208 : memref<1x256xf32, #tpu.memory_space<vmem>> -> memref<256xf32, #tpu.memory_space<vmem>>
    %dma_wait3A_210 = arith.constant 0 : i32
    %dma_wait3A_211 = tpu.memref_slice %arg8[%add3A_205, %dma_wait3A_210] : memref<4096x256xf32, #tpu.memory_space<hbm>> -> memref<1x256xf32, #tpu.memory_space<hbm>>
    %dma_wait3A_212 = tpu.memref_squeeze %dma_wait3A_211 : memref<1x256xf32, #tpu.memory_space<hbm>> -> memref<256xf32, #tpu.memory_space<hbm>>
    %dma_wait3A_213 = arith.constant 0 : i32
    %dma_wait3A_214 = tpu.memref_slice %arg8[%add3A_205, %dma_wait3A_213] : memref<4096x256xf32, #tpu.memory_space<hbm>> -> memref<1x256xf32, #tpu.memory_space<hbm>>
    %dma_wait3A_215 = tpu.memref_squeeze %dma_wait3A_214 : memref<1x256xf32, #tpu.memory_space<hbm>> -> memref<256xf32, #tpu.memory_space<hbm>>
    %dma_wait3A_216 = arith.constant 0 : i32
    %dma_wait3A_217 = tpu.memref_slice %arg15[%dma_wait3A_206, %dma_wait3A_216] : memref<4x256xf32, #tpu.memory_space<vmem>> -> memref<1x256xf32, #tpu.memory_space<vmem>>
    %dma_wait3A_218 = tpu.memref_squeeze %dma_wait3A_217 : memref<1x256xf32, #tpu.memory_space<vmem>> -> memref<256xf32, #tpu.memory_space<vmem>>
    tpu.wait_dma2 semaphore(%arg28 : memref<!tpu.dma_semaphore, #tpu.memory_space<semaphore_mem>>) src(%dma_wait3A_218 : memref<256xf32, #tpu.memory_space<vmem>>) dst(%dma_wait3A_215 : memref<256xf32, #tpu.memory_space<hbm>>)
    return
  }
}

module attributes {stable_mosaic.version = 14 : i64} {
  func.func @_prep_body(%arg0: memref<500x128xf32, #tpu.memory_space<vmem>>, %arg1: memref<1x10000xf32, #tpu.memory_space<vmem>>, %arg2: memref<10000x32xi32, #tpu.memory_space<vmem>>, %arg3: memref<10000x32xi32, #tpu.memory_space<vmem>>, %arg4: memref<10000x32xf32, #tpu.memory_space<vmem>>, %arg5: memref<10000x32xf32, #tpu.memory_space<vmem>>, %arg6: memref<1x1xf32, #tpu.memory_space<vmem>>, %arg7: memref<1x1xf32, #tpu.memory_space<vmem>>, %arg8: memref<1x1xf32, #tpu.memory_space<vmem>>, %arg9: memref<500x128xi32, #tpu.memory_space<vmem>>, %arg10: memref<10000x128xi32, #tpu.memory_space<vmem>>) attributes {dimension_semantics = [], scalar_prefetch = 0 : i64, scratch_operands = 0 : i64, tpu.core_type = #tpu.core_type<tc>} {
    %get3A = arith.constant 0 : index
    %get3A_0 = arith.constant 0 : index
    %get3A_1 = vector.load %arg0[%get3A, %get3A_0] : memref<500x128xf32, #tpu.memory_space<vmem>>, vector<500x128xf32>
    %cos3A = math.cos %get3A_1 : vector<500x128xf32>
    %convert_element_type3A = arith.truncf %cos3A : vector<500x128xf32> to vector<500x128xbf16>
    %bitcast_convert_type3A = tpu.bitcast %convert_element_type3A : vector<500x128xbf16> -> vector<500x128xi16>
    %slice3A = vector.extract_strided_slice %bitcast_convert_type3A {offsets = [0, 0], sizes = [500, 64], strides = [1, 1]} : vector<500x128xi16> to vector<500x64xi16>
    %convert_element_type3A_2 = arith.extui %slice3A : vector<500x64xi16> to vector<500x64xi32>
    %slice3A_3 = vector.extract_strided_slice %bitcast_convert_type3A {offsets = [0, 64], sizes = [500, 64], strides = [1, 1]} : vector<500x128xi16> to vector<500x64xi16>
    %convert_element_type3A_4 = arith.extui %slice3A_3 : vector<500x64xi16> to vector<500x64xi32>
    %shift_left3A = arith.constant 16 : i32
    %shift_left3A_5 = vector.broadcast %shift_left3A : i32 to vector<500x64xi32>
    %shift_left3A_6 = arith.shli %convert_element_type3A_4, %shift_left3A_5 : vector<500x64xi32>
    %or3A = arith.ori %convert_element_type3A_2, %shift_left3A_6 : vector<500x64xi32>
    %bitcast_convert_type3A_7 = tpu.bitcast %or3A : vector<500x64xi32> -> vector<500x64xi32>
    %swap3A = arith.constant 0 : index
    %swap3A_8 = arith.constant 0 : index
    %swap3A_9 = vector.load %arg9[%swap3A, %swap3A_8] : memref<500x128xi32, #tpu.memory_space<vmem>>, vector<500x64xi32>
    tpu.vector_store %arg9[%swap3A, %swap3A_8], %bitcast_convert_type3A_7 {strides = array<i32>} : memref<500x128xi32, #tpu.memory_space<vmem>>, vector<500x64xi32>,
    %sin3A = math.sin %get3A_1 : vector<500x128xf32>
    %convert_element_type3A_10 = arith.truncf %sin3A : vector<500x128xf32> to vector<500x128xbf16>
    %bitcast_convert_type3A_11 = tpu.bitcast %convert_element_type3A_10 : vector<500x128xbf16> -> vector<500x128xi16>
    %slice3A_12 = vector.extract_strided_slice %bitcast_convert_type3A_11 {offsets = [0, 0], sizes = [500, 64], strides = [1, 1]} : vector<500x128xi16> to vector<500x64xi16>
    %convert_element_type3A_13 = arith.extui %slice3A_12 : vector<500x64xi16> to vector<500x64xi32>
    %slice3A_14 = vector.extract_strided_slice %bitcast_convert_type3A_11 {offsets = [0, 64], sizes = [500, 64], strides = [1, 1]} : vector<500x128xi16> to vector<500x64xi16>
    %convert_element_type3A_15 = arith.extui %slice3A_14 : vector<500x64xi16> to vector<500x64xi32>
    %shift_left3A_16 = arith.constant 16 : i32
    %shift_left3A_17 = vector.broadcast %shift_left3A_16 : i32 to vector<500x64xi32>
    %shift_left3A_18 = arith.shli %convert_element_type3A_15, %shift_left3A_17 : vector<500x64xi32>
    %or3A_19 = arith.ori %convert_element_type3A_13, %shift_left3A_18 : vector<500x64xi32>
    %bitcast_convert_type3A_20 = tpu.bitcast %or3A_19 : vector<500x64xi32> -> vector<500x64xi32>
    %swap3A_21 = arith.constant 0 : index
    %swap3A_22 = arith.constant 64 : index
    %swap3A_23 = vector.load %arg9[%swap3A_21, %swap3A_22] : memref<500x128xi32, #tpu.memory_space<vmem>>, vector<500x64xi32>
    tpu.vector_store %arg9[%swap3A_21, %swap3A_22], %bitcast_convert_type3A_20 {strides = array<i32>} : memref<500x128xi32, #tpu.memory_space<vmem>>, vector<500x64xi32>,
    %get3A_24 = arith.constant 0 : index
    %get3A_25 = arith.constant 0 : index
    %get3A_26 = vector.load %arg6[%get3A_24, %get3A_25] : memref<1x1xf32, #tpu.memory_space<vmem>>, vector<1x1xf32>
    %get3A_27 = vector.extract %get3A_26[0, 0] : f32 from vector<1x1xf32>
    %max3A = arith.constant 0.000000e+00 : f32
    %max3A_28 = arith.maximumf %get3A_27, %max3A : f32
    %abs3A = math.absf %get3A_27 : f32
    %neg3A = arith.constant 0.000000e+00 : f32
    %neg3A_29 = arith.subf %neg3A, %abs3A : f32
    %exp3A = math.exp %neg3A_29 : f32
    %log1p3A = math.log1p %exp3A : f32
    %add3A = arith.addf %max3A_28, %log1p3A : f32
    %get3A_30 = arith.constant 0 : index
    %get3A_31 = arith.constant 0 : index
    %get3A_32 = vector.load %arg7[%get3A_30, %get3A_31] : memref<1x1xf32, #tpu.memory_space<vmem>>, vector<1x1xf32>
    %get3A_33 = vector.extract %get3A_32[0, 0] : f32 from vector<1x1xf32>
    %max3A_34 = arith.constant 0.000000e+00 : f32
    %max3A_35 = arith.maximumf %get3A_33, %max3A_34 : f32
    %abs3A_36 = math.absf %get3A_33 : f32
    %neg3A_37 = arith.constant 0.000000e+00 : f32
    %neg3A_38 = arith.subf %neg3A_37, %abs3A_36 : f32
    %exp3A_39 = math.exp %neg3A_38 : f32
    %log1p3A_40 = math.log1p %exp3A_39 : f32
    %add3A_41 = arith.addf %max3A_35, %log1p3A_40 : f32
    %get3A_42 = arith.constant 0 : index
    %get3A_43 = arith.constant 0 : index
    %get3A_44 = vector.load %arg8[%get3A_42, %get3A_43] : memref<1x1xf32, #tpu.memory_space<vmem>>, vector<1x1xf32>
    %get3A_45 = vector.extract %get3A_44[0, 0] : f32 from vector<1x1xf32>
    %get3A_46 = arith.constant 0 : index
    %get3A_47 = arith.constant 0 : index
    %get3A_48 = vector.load %arg1[%get3A_46, %get3A_47] : memref<1x10000xf32, #tpu.memory_space<vmem>>, vector<1x10000xf32>
    %log1p3A_49 = math.log1p %get3A_48 : vector<1x10000xf32>
    %mul3A = vector.broadcast %add3A_41 : f32 to vector<1x10000xf32>
    %mul3A_50 = arith.mulf %mul3A, %log1p3A_49 : vector<1x10000xf32>
    %add3A_51 = vector.broadcast %get3A_45 : f32 to vector<1x10000xf32>
    %add3A_52 = arith.addf %mul3A_50, %add3A_51 : vector<1x10000xf32>
    %neg3A_53 = arith.constant 0.000000e+00 : f32
    %neg3A_54 = vector.broadcast %neg3A_53 : f32 to vector<1x10000xf32>
    %neg3A_55 = arith.subf %neg3A_54, %add3A_52 : vector<1x10000xf32>
    %exp3A_56 = math.exp %neg3A_55 : vector<1x10000xf32>
    %add3A_57 = arith.constant 1.000000e+00 : f32
    %add3A_58 = vector.broadcast %add3A_57 : f32 to vector<1x10000xf32>
    %add3A_59 = arith.addf %add3A_58, %exp3A_56 : vector<1x10000xf32>
    %div3A = arith.constant 1.000000e+00 : f32
    %div3A_60 = vector.broadcast %div3A : f32 to vector<1x10000xf32>
    %div3A_61 = arith.divf %div3A_60, %add3A_59 : vector<1x10000xf32>
    %sub3A = arith.constant 1.000000e+00 : f32
    %sub3A_62 = vector.broadcast %sub3A : f32 to vector<1x10000xf32>
    %sub3A_63 = arith.subf %sub3A_62, %div3A_61 : vector<1x10000xf32>
    %mul3A_64 = vector.broadcast %add3A : f32 to vector<1x10000xf32>
    %mul3A_65 = arith.mulf %sub3A_63, %mul3A_64 : vector<1x10000xf32>
    %get3A_66 = arith.constant 0 : index
    %get3A_67 = arith.constant 0 : index
    %get3A_68 = vector.load %arg5[%get3A_66, %get3A_67] : memref<10000x32xf32, #tpu.memory_space<vmem>>, vector<10000x32xf32>
    %reduce_sum3A = arith.constant dense<0.000000e+00> : vector<10000xf32>
    %reduce_sum3A_69 = vector.multi_reduction <add>, %get3A_68, %reduce_sum3A [1] : vector<10000x32xf32> to vector<10000xf32>
    %broadcast_in_dim3A = vector.shape_cast %reduce_sum3A_69 : vector<10000xf32> to vector<10000x1xf32>
    %max3A_70 = arith.constant 1.000000e+00 : f32
    %max3A_71 = vector.broadcast %max3A_70 : f32 to vector<10000x1xf32>
    %max3A_72 = arith.maximumf %broadcast_in_dim3A, %max3A_71 : vector<10000x1xf32>
    %reshape3A = vector.shape_cast %mul3A_65 : vector<1x10000xf32> to vector<10000x1xf32>
    %div3A_73 = arith.divf %reshape3A, %max3A_72 : vector<10000x1xf32>
    %mul3A_74 = vector.broadcast %div3A_73 : vector<10000x1xf32> to vector<10000x32xf32>
    %mul3A_75 = arith.mulf %get3A_68, %mul3A_74 : vector<10000x32xf32>
    %get3A_76 = arith.constant 0 : index
    %get3A_77 = arith.constant 0 : index
    %get3A_78 = vector.load %arg2[%get3A_76, %get3A_77] : memref<10000x32xi32, #tpu.memory_space<vmem>>, vector<10000x32xi32>
    %swap3A_79 = arith.constant 0 : index
    %swap3A_80 = arith.constant 0 : index
    %swap3A_81 = vector.load %arg10[%swap3A_79, %swap3A_80] : memref<10000x128xi32, #tpu.memory_space<vmem>>, vector<10000x32xi32>
    tpu.vector_store %arg10[%swap3A_79, %swap3A_80], %get3A_78 {strides = array<i32>} : memref<10000x128xi32, #tpu.memory_space<vmem>>, vector<10000x32xi32>,
    %get3A_82 = arith.constant 0 : index
    %get3A_83 = arith.constant 0 : index
    %get3A_84 = vector.load %arg3[%get3A_82, %get3A_83] : memref<10000x32xi32, #tpu.memory_space<vmem>>, vector<10000x32xi32>
    %mul3A_85 = arith.constant 2 : i32
    %mul3A_86 = vector.broadcast %mul3A_85 : i32 to vector<10000x32xi32>
    %mul3A_87 = arith.muli %mul3A_86, %get3A_84 : vector<10000x32xi32>
    %get3A_88 = arith.constant 0 : index
    %get3A_89 = arith.constant 0 : index
    %get3A_90 = vector.load %arg4[%get3A_88, %get3A_89] : memref<10000x32xf32, #tpu.memory_space<vmem>>, vector<10000x32xf32>
    %convert_element_type3A_91 = arith.fptosi %get3A_90 : vector<10000x32xf32> to vector<10000x32xi32>
    %add3A_92 = arith.addi %mul3A_87, %convert_element_type3A_91 : vector<10000x32xi32>
    %swap3A_93 = arith.constant 0 : index
    %swap3A_94 = arith.constant 32 : index
    %swap3A_95 = vector.load %arg10[%swap3A_93, %swap3A_94] : memref<10000x128xi32, #tpu.memory_space<vmem>>, vector<10000x32xi32>
    tpu.vector_store %arg10[%swap3A_93, %swap3A_94], %add3A_92 {strides = array<i32>} : memref<10000x128xi32, #tpu.memory_space<vmem>>, vector<10000x32xi32>,
    %bitcast_convert_type3A_96 = tpu.bitcast %mul3A_75 : vector<10000x32xf32> -> vector<10000x32xi32>
    %swap3A_97 = arith.constant 0 : index
    %swap3A_98 = arith.constant 64 : index
    %swap3A_99 = vector.load %arg10[%swap3A_97, %swap3A_98] : memref<10000x128xi32, #tpu.memory_space<vmem>>, vector<10000x32xi32>
    tpu.vector_store %arg10[%swap3A_97, %swap3A_98], %bitcast_convert_type3A_96 {strides = array<i32>} : memref<10000x128xi32, #tpu.memory_space<vmem>>, vector<10000x32xi32>,
    %iota3A = tpu.iota {dimensions = array<i32: 0>} : vector<10000x32xi32>
    %swap3A_100 = arith.constant 0 : index
    %swap3A_101 = arith.constant 96 : index
    %swap3A_102 = vector.load %arg10[%swap3A_100, %swap3A_101] : memref<10000x128xi32, #tpu.memory_space<vmem>>, vector<10000x32xi32>
    tpu.vector_store %arg10[%swap3A_100, %swap3A_101], %iota3A {strides = array<i32>} : memref<10000x128xi32, #tpu.memory_space<vmem>>, vector<10000x32xi32>,
    return
  }
}

</mosaic_0001>

<sc_bundles>
// kernel: kernel.4.cloned.1.call-start
scs
__scs_entry_jumppad:
0x0: {  	(pc) =	sbr.rel $0x88, $3  }
0x1: {  	(tag) =	ssettag $0x0;
	lr =	simm.s32 $0x1  }
0x2: {  	[smem:$0x3F95] =	sst lr;
	_ =	strace $0xD0000000  }
0x3: {  	_ = 	snop  }
0x4: {  	_ = 	snop  }
0x5: {  	_ = 	snop  }
0x6: {  	_ = 	snop  }
0x7: {  	_ = 	snop  }
__scs_overlays_trampoline_lowered:
0x8: {  	[smem:$0x3FA4] =	sst s0  }
0x9: {  	[smem:$0x3FA5] =	sst s1  }
0xa: {  	[smem:$0x3FA6] =	sst s2  }
0xb: {  	[smem:$0x3FA7] =	sst s3  }
0xc: {  	[smem:$0x3FA8] =	sst s4  }
0xd: {  	[smem:$0x3FA9] =	sst s5  }
0xe: {  	[smem:$0x3FAA] =	sst s6  }
0xf: {  	[smem:$0x3FAB] =	sst s7  }
0x10: {  	[smem:$0x3FAC] =	sst s8  }
0x11: {  	[smem:$0x3FAD] =	sst s9;
	s0 =	simm.s32 @!p0 $0x0  }
0x12: {  	s1 =	sld [smem:$0x3F93];
	s0 =	simm.s32 @p0 $0x1  }
0x13: {  	[smem:$0x3FAE] =	sst s0;
	s0 =	simm.s32 @!p1 $0x0  }
0x14: {  	s2 =	sld [smem:$0x3F92];
	s0 =	simm.s32 @p1 $0x1  }
0x15: {  	[smem:$0x3FAF] =	sst s0;
	s0 =	simm.s32 @!p2 $0x0  }
0x16: {  	s3 =	sld [smem:$0x3FDB];
	s0 =	simm.s32 @p2 $0x1  }
0x17: {  	s4 =	simm.s32 $0x1BF5;
	[smem:$0x3FB1] =	sst s0  }
0x18: {  	s0 =	sld [smem:$0x3F94];
	_ =	swait.ge [sflag:s4], $0x0  }
0x19: {  	s7 =	sld [smem:$0x3F95]  }
0x1a: {  	s8 =	sadd.s32 $0xFFFFE003, lr  }
0x1b: {  	s9 =	sadd.s32 $0xFFFFFEF7, lr;
	s5 =	simm.s32 $0xFFFFFFFF;
	p2 =	slt.u32 s8, $0xFFFFF086  }
0x1c: {  	p1 =	slt.u32 s9, $0xF7A;
	s5 =	simm.s32 @!p2 $0x0  }
0x1d: {  	s5 =	simm.s32 @p1 $0x1;
	p0 =	seq.s32 s7, s2  }
0x1e: {  	s7 =	smul.u32 @!p0 $0xF7A, s2;
	p2 =	seq.s32 @!p0 s5, $0x0  }
0x1f: {  	s9 =	smul.u32 $0xF7A, s1;
	s8 =	simm.s32 @!p0 $0x1BF5;
	p2 =	por !p2, p0  }
0x20: {  	[sflag:s8] =	ssyncset.s32 @!p0 $0xFFFFF086;
	s6 =	sadd.s32 @!p0 s3, s7;
	s7 =	simm.s32 @!p0 $0x108  }
0x21: {  	s3 =	sadd.s32 s3, s9;
	s6 =	sadd.s32 @!p0 $0x88, s6;
	s7 =	simm.s32 @p2 $0x1082  }
0x22: {  	[simem:s7], [sflag:s8] =	dma.local @!p0 [hbm:s6], $0xF7A  }
0x23: {  	s9 =	sor.u32 $0xD0000000, s2;
	s6 =	simm.s32 $0x108;
	_ =	swait.ge @!p0 [sflag:s8], $0x0  }
0x24: {  	s3 =	sadd.s32 $0x88, s3;
	s6 =	simm.s32 @!p1 $0x1082;
	[sflag:s4] =	ssyncset.s32 $0xFFFFF086  }
0x25: {  	[simem:s6], [sflag:s4] =	dma.local [hbm:s3], $0xF7A  }
0x26: {  	[smem:$0x3F95] =	sst s1;
	(tag) =	ssettag s2;
	_ =	strace s9  }
0x27: {  	s1 =	sld [smem:$0x3FA5]  }
0x28: {  	s2 =	sld [smem:$0x3FA6]  }
0x29: {  	s4 =	sld [smem:$0x3FA8]  }
0x2a: {  	p0 =	seq.s32 s5, $0x0;
	s5 =	sld [smem:$0x3FA9]  }
0x2b: {  	s6 =	sld [smem:$0x3FAA]  }
0x2c: {  	s7 =	sld [smem:$0x3FAB]  }
0x2d: {  	s3 =	simm.s32 $0x108;
	s8 =	sld [smem:$0x3FAC]  }
0x2e: {  	s3 =	simm.s32 @!p0 $0x1082;
	s9 =	sld [smem:$0x3FAD]  }
0x2f: {  	lr =	sadd.s32 s0, s3;
	s0 =	sld [smem:$0x3FA4]  }
0x30: {  	s3 =	sld [smem:$0x3FA7]  }
0x31: {  	[smem:$0x3FB0] =	sst s10  }
0x32: {  	s10 =	sld [smem:$0x3FAE];
	_ =	sdelay $0x3  }
0x33: {  	p0 =	seq.s32 s10, $0x1;
	s10 =	sld [smem:$0x3FB0];
	_ =	sdelay $0x3  }
0x34: {  	[smem:$0x3FB0] =	sst s10  }
0x35: {  	s10 =	sld [smem:$0x3FAF];
	_ =	sdelay $0x3  }
0x36: {  	p1 =	seq.s32 s10, $0x1;
	s10 =	sld [smem:$0x3FB0];
	_ =	sdelay $0x3  }
0x37: {  	[smem:$0x3FB0] =	sst s10  }
0x38: {  	s10 =	sld [smem:$0x3FB1]  }
0x39: {  	_ = 	snop;
	(pc) =	sbr.ind lr, $3  }
0x3a: {  	_ = 	snop  }
0x3b: {  	_ = 	snop  }
0x3c: {  	p2 =	seq.s32 s10, $0x1;
	s10 =	sld [smem:$0x3FB0]  }
0x3d: {  	_ =	shalt  }
0x3e: {  	_ =	shalt  }
0x3f: {  	_ =	shalt  }
0x40: {  	_ =	shalt  }
0x41: {  	_ =	shalt  }
0x42: {  	_ =	shalt  }
0x43: {  	_ =	shalt  }
0x44: {  	_ =	shalt  }
0x45: {  	_ =	shalt  }
0x46: {  	_ =	shalt  }
0x47: {  	_ =	shalt  }
0x48: {  	_ =	shalt  }
0x49: {  	_ =	shalt  }
0x4a: {  	_ =	shalt  }
0x4b: {  	_ =	shalt  }
0x4c: {  	_ =	shalt  }
0x4d: {  	_ =	shalt  }
0x4e: {  	_ =	shalt  }
0x4f: {  	_ =	shalt  }
0x50: {  	_ =	shalt  }
0x51: {  	_ =	shalt  }
0x52: {  	_ =	shalt  }
0x53: {  	_ =	shalt  }
0x54: {  	_ =	shalt  }
0x55: {  	_ =	shalt  }
0x56: {  	_ =	shalt  }
0x57: {  	_ =	shalt  }
0x58: {  	_ =	shalt  }
0x59: {  	_ =	shalt  }
0x5a: {  	_ =	shalt  }
0x5b: {  	_ =	shalt  }
0x5c: {  	_ =	shalt  }
0x5d: {  	_ =	shalt  }
0x5e: {  	_ =	shalt  }
0x5f: {  	_ =	shalt  }
0x60: {  	_ =	shalt  }
0x61: {  	_ =	shalt  }
0x62: {  	_ =	shalt  }
0x63: {  	_ =	shalt  }
0x64: {  	_ =	shalt  }
0x65: {  	_ =	shalt  }
0x66: {  	_ =	shalt  }
0x67: {  	_ =	shalt  }
0x68: {  	_ =	shalt  }
0x69: {  	_ =	shalt  }
0x6a: {  	_ =	shalt  }
0x6b: {  	_ =	shalt  }
0x6c: {  	_ =	shalt  }
0x6d: {  	_ =	shalt  }
0x6e: {  	_ =	shalt  }
0x6f: {  	_ =	shalt  }
0x70: {  	_ =	shalt  }
0x71: {  	_ =	shalt  }
0x72: {  	_ =	shalt  }
0x73: {  	_ =	shalt  }
0x74: {  	_ =	shalt  }
0x75: {  	_ =	shalt  }
0x76: {  	_ =	shalt  }
0x77: {  	_ =	shalt  }
0x78: {  	_ =	shalt  }
0x79: {  	_ =	shalt  }
0x7a: {  	_ =	shalt  }
0x7b: {  	_ =	shalt  }
0x7c: {  	_ =	shalt  }
0x7d: {  	_ =	shalt  }
0x7e: {  	_ =	shalt  }
0x7f: {  	_ =	shalt  }
0x80: {  	_ =	shalt  }
0x81: {  	_ =	shalt  }
0x82: {  	_ =	shalt  }
0x83: {  	_ =	shalt  }
0x84: {  	_ =	shalt  }
0x85: {  	_ =	shalt  }
0x86: {  	_ =	shalt  }
0x87: {  	_ =	shalt  }
.Lfunc_end0:
.L_simem_size_0:
called_computation_lowered:
.L_overlay_start_0:
0x88: {  	s2 =	sld [smem:$0x3FD9]  }
0x89: {  	s3 =	sld [smem:$0x3FFE];
	_ =	sdelay $0x1  }
0x8a: {  	s1 =	srdreg.scid  }
0x8b: {  	s0 =	sand.u32 $0x1, s1  }
0x8c: {  	s17 =	sshll.u32 s0, $0xA;
	s2 =	sadd.s32 s3, s2  }
0x8d: {  	s2 =	sadd.s32 s2, s17  }
0x8e: {  	[smem:$0x3FBC] =	sst s2  }
0x8f: {  	_ = 	snop  }
0x90: {  	s2 =	sld [smem:$0x3FC9]  }
0x91: {  	s18 =	sld [smem:$0x3FC3]  }
0x92: {  	s4 =	sld [smem:$0x3FC1]  }
0x93: {  	s5 =	sld [smem:$0x3FD0];
	(tm) =	ssettm $0x1  }
0x94: {  	s6 =	sld [smem:$0x3FFB];
	_ =	sdelay $0x3  }
0x95: {  	_ =	strace s6  }
0x96: {  	s6 =	sld [smem:$0x3FFC];
	_ =	sdelay $0x3  }
0x97: {  	_ =	strace s6  }
0x98: {  	s6 =	sld [smem:$0x3FFD];
	_ =	sdelay $0x3  }
0x99: {  	_ =	strace s6  }
0x9a: {  	_ =	strace $0x8FFFFFFF  }
0x9b: {  	s19 =	sld [smem:$0x3FDB];
	_ =	sdelay $0x1  }
0x9c: {  	s7 =	simm.s32 $_scs_section_size  }
0x9d: {  	s8 =	simm.s32 $_size__tile_overlayer_lowered;
	s9 =	simm.s32 $_tile_overlayer_lowered  }
0x9e: {  	s22 =	simm.s32 $0x1BFF;
	s21 =	sshll.u32 s9, $0x1;
	s6 =	sadd.s32 s7, s19  }
0x9f: {  	s10 =	simm.s32 $0x0;
	s20 =	sshll.u32 s8, $0x1;
	s8 =	sadd.s32 s21, s6  }
0xa0: {  	[timem:s10], [sflag:s22] =	dma.local [hbm:s8], s20  }
0xa1: {  	_ =	swait.ge [sflag:s22], s20  }
0xa2: {  	s7 =	ssub.s32 $0x0, s20;
	[sflag:s22] =	ssyncset.done $0x0  }
0xa3: {  	[sflag:s22] =	ssyncadd.s32 s7;
	_ =	sdelay $0x1  }
0xa4: {  	s23 =	simm.s32 $0x1B8B  }
0xa5: {  	_ =	swait.ge [sflag:s23], $0x1  }
0xa6: {  	[sflag:s23] =	ssyncset.done $0x0  }
0xa7: {  	s25 =	simm.s32 $0x1B8E;
	s24 =	sld [smem:$0x3FFE];
	[sflag:s23] =	ssyncadd.s32 $0xFFFFFFFF  }
0xa8: {  	s26 =	simm.s32 $execute0_lowered;
	[smem:$0x3FD2] =	sst s25  }
0xa9: {  	s8 =	sshll.u32 s26, $0x1;
	_ =	strace $0x80000046;
	[dreg:$0x1] =	wrdreg $0xFFFFFFFF  }
0xaa: {  	s28 =	simm.s32 $_size_execute0_lowered;
	s6 =	sadd.s32 s6, s8;
	[dreg:$0x0] =	wrdreg $0x0  }
0xab: {  	s8 =	sshll.u32 s28, $0x1;
	[dreg:$0x2] =	wrdreg s6  }
0xac: {  	[dreg:$0x3] =	wrdreg s8  }
0xad: {  	[dreg:$0x4] =	wrdreg $0xC0  }
0xae: {  	_ =	task [dreg:s10], $0x5FFFF  }
0xaf: {  	[dreg:$0x1] =	wrdreg $0xFFFFFFFF  }
0xb0: {  	[dreg:$0x0] =	wrdreg $0x60  }
0xb1: {  	[dreg:$0x2] =	wrdreg s2  }
0xb2: {  	[dreg:$0x3] =	wrdreg s24  }
0xb3: {  	[dreg:$0x4] =	wrdreg s18  }
0xb4: {  	[dreg:$0x5] =	wrdreg s4  }
0xb5: {  	[dreg:$0x6] =	wrdreg s5  }
0xb6: {  	[dreg:$0x7] =	wrdreg $0x9  }
0xb7: {  	_ =	task.clear_ibuf [dreg:s10], $0x8FFFF;
	_ =	strace $0x90000046  }
0xb8: {  	s29 =	simm.s32 $0x9;
	_ =	strace $0x80000048  }
0xb9: {  	_ =	swait.ge [sflag:s29], $0x1  }
0xba: {  	[sflag:s29] =	ssyncadd.s32 $0xFFFFFFFF  }
0xbb: {  	_ =	strace $0x90000048  }
0xbc: {  	_ =	sfence  }
0xbd: {  	s30 =	sld [smem:$0x0];
	_ =	sdelay $0x2  }
0xbe: {  	s31 =	sshll.u32 s1, $0xD;
	s1 =	sshrl.u32 s1, $0x2  }
0xbf: {  	s3 =	sand.u32 $0x4000, s31;
	s1 =	sadd.s32 s1, s30  }
0xc0: {  	s0 =	sor.u32 s3, s0;
	s1 =	sshll.u32 s1, $0x11  }
0xc1: {  	s0 =	sor.u32 s1, s0  }
0xc2: {  	s0 =	sadd.s32 $0x8F2B, s0  }
0xc3: {  	[sflag:s0] =	ssyncadd.remote.s32 $0x1  }
0xc4: {  	_ =	sfence.sel $0xFFFF  }
0xc5: {  	[dreg:$0x0] =	wrdreg $0xFFFFFFFF;
	(pc) =	sbr.abs _section_cstart, $3  }
0xc6: {  	[dreg:$0x1] =	wrdreg $0xFFFFFFFF  }
0xc7: {  	_ =	task.clear_ibuf [dreg:s10], $0x2FFFF;
	_ =	strace $0x9FFFFFFF  }
0xc8: {  	(tm) =	ssettm $0x7FFFFFFF  }
0xc9: {  	_ =	shalt  }
tec
execute0_lowered:
.L_overlay_start_1:
0x0: {  	(tag) =	ssettag $0x1  }
0x1: {  	s0 =	rddreg [dreg:$0x0]  }
0x2: {  	s2 =	rddreg [dreg:$0x1]  }
0x3: {  	s1 =	rddreg [dreg:$0x2]  }
0x4: {  	s3 =	rddreg [dreg:$0x4];
	s5 =	simm.s32 $0x0;
	s4 =	srdreg.scid  }
0x5: {  	s6 =	stileid.u32;
	s14 =	simm.s32 $0x4080;
	s17 =	simm.s32 $0x20  }
0x6: {  	s30 =	simm.s32 $0x2;
	s31 =	simm.s32 $0x6;
	s13 =	simm.s32 $0x7  }
0x7: {  	s18 =	simm.s32 $0x18180;
	s19 =	simm.s32 $0x18380;
	s20 =	simm.s32 $0x4  }
0x8: {  	v3 =	vlaneseq.u32;
	s21 =	simm.s32 $0x8;
	s22 =	simm.s32 $0x18200;
	s23 =	simm.s32 $0x18400  }
0x9: {  	s24 =	simm.s32 $0x5;
	s25 =	simm.s32 $0x9;
	[smem:$0x7FF] =	sst s5;
	v5 =	vor.u32 $0x10, v3  }
0xa: {  	s15 =	simm.s32 $0x18480;
	s4 =	sand.u32 $0x1, s4;
	v6 =	vor.u32 $0x50, v3;
	_ =	strace $0x80000047;
	[tilespmem:$0x1FF90] =	vst v5  }
0xb: {  	s6 =	sshll.u32 s6, $0x8;
	s8 =	sadd.s32 $0x1E00, s2;
	v7 =	vor.u32 $0x20, v3;
	s7 =	sshll.u32 s4, $0x7;
	[tilespmem:$0x1FFA0] =	vst v6  }
0xc: {  	v8 =	vor.u32 $0x60, v3;
	[dreg:$0x6] =	wrdreg s8;
	s4 =	ssub.s32 $0x2, s4;
	s8 =	sadd.s32 $0x29400, s2;
	[tilespmem:$0x1FFB0] =	vst v7  }
.Ltmp0:
0xd: {  	v17 =	vor.u32 $0x30, v3;
	s2 =	sadd.s32 $0x50600, s2;
	[tilespmem:$0x1FFC0] =	vst v8;
	s7 =	sor.u32 s7, s6;
	(pc) =	sbr.rel .LBB2_1-.Ltmp0, $4  }
0xe: {  	v18 =	vor.u32 $0x70, v3;
	[tilespmem:$0x1FFD0] =	vst v17;
	s26 =	sshrl.u32 s4, $0x1;
	[dreg:$0x7] =	wrdreg s2;
	s9 =	sshrl.u32 s7, $0x3  }
0xf: {  	v0 =	vmul.u32 $0x8, v3;
	v9 =	vor.u32 $0x40, v3;
	[tilespmem:$0x1FFE0] =	vst v18;
	s2 =	simm.s32 $0x3;
	s28 =	ssub.s32 s4, s26;
	s0 =	sadd.s32 s0, s9  }
0x10: {  	[tilespmem:$0x1FFF0] =	vst v9;
	s4 =	simm.s32 $0x18300;
	s29 =	smax.u32 s28, $0x1;
	[dreg:$0x8] =	wrdreg s0  }
0x11: {  	vm0 =	vmmov $0x3;
	[tilespmem:$0x1FF80] =	vst v0;
	s26 =	simm.s32 $0x18280;
	s9 =	simm.s32 $0x0;
	[dreg:$0x9] =	wrdreg s29  }
.LBB2_12:
0x12: {  	s0 =	simm.s32 $0xA  }
0x13: {  	_ =	swait.ge [sflag:s0], $0x100  }
0x14: {  	[sflag:s0] =	ssyncset.done $0x0  }
0x15: {  	s16 =	simm.s32 $0xB;
	[sflag:s0] =	ssyncadd.s32 $0xFFFFFF00  }
0x16: {  	_ =	swait.ge [sflag:s16], $0x100  }
0x17: {  	[sflag:s16] =	ssyncset.done $0x0  }
0x18: {  	s28 =	simm.s32 $0xC;
	[sflag:s16] =	ssyncadd.s32 $0xFFFFFF00  }
0x19: {  	_ =	swait.ge [sflag:s28], $0x100  }
0x1a: {  	[sflag:s28] =	ssyncset.done $0x0  }
0x1b: {  	s6 =	simm.s32 $0xD;
	[sflag:s28] =	ssyncadd.s32 $0xFFFFFF00  }
0x1c: {  	_ =	swait.ge [sflag:s6], $0x100  }
0x1d: {  	s9 =	rddreg [dreg:$0xa]  }
0x1e: {  	s29 =	rddreg [dreg:$0x9];
	s9 =	sadd.s32 $0x1, s9  }
0x1f: {  	v5 =	vld [tilespmem:$0x1FF90];
	p0 =	sne.s32 s9, s29  }
.Ltmp1:
0x20: {  	v6 =	vld [tilespmem:$0x1FFA0];
	(pc) =	sbr.rel @!p0 .LBB2_13-.Ltmp1, $4  }
0x21: {  	v7 =	vld [tilespmem:$0x1FFB0]  }
0x22: {  	v8 =	vld [tilespmem:$0x1FFC0]  }
0x23: {  	[sflag:s6] =	ssyncset.done $0x0;
	v17 =	vld [tilespmem:$0x1FFD0]  }
0x24: {  	v3 =	vlaneseq.u32;
	v18 =	vld [tilespmem:$0x1FFE0];
	[sflag:s6] =	ssyncadd.s32 $0xFFFFFF00  }
.LBB2_1:
0x25: {  	[dreg:$0xa] =	wrdreg s9  }
0x26: {  	s0 =	rddreg [dreg:$0x8];
	s6 =	simm.s32 $0xE  }
0x27: {  	[tilespmem:s5], [sflag:$0xE] =	stream.linear.gather [hbm4b:s0+s5], $0x80, $0x38;
	[tilespmem:$0x18500] =	vst v63  }
0x28: {  	_ =	swait.ge [sflag:s6], $0x80  }
0x29: {  	[sflag:s6] =	ssyncset.done $0x0  }
0x2a: {  	[sflag:s6] =	ssyncadd.s32 $0xFFFFFF80  }
0x2b: {  	s29 =	simm.s32 $0x13C80;
	s28 =	rddreg [dreg:$0x3]  }
0x2c: {  	[tilespmem:s29], [sflag:$0xE] =	stream.linear.gather [hbm4b:s28+s5], $0x80, $0x38;
	[tilespmem:$0x18500] =	vst v63  }
0x2d: {  	_ =	swait.ge [sflag:s6], $0x80  }
0x2e: {  	[sflag:s6] =	ssyncset.done $0x0  }
0x2f: {  	[sflag:s6] =	ssyncadd.s32 $0xFFFFFF80;
	s6 =	rddreg [dreg:$0x7]  }
0x30: {  	[tilespmem:s14], [sflag:$0x1] =	stream.linear.gather [hbm4b:s6+s5], $0xFA00, $0x38;
	[tilespmem:$0x18500] =	vst v63  }
0x31: {  	s10 =	simm.s32 $0x80;
	s11 =	simm.s32 $0x1;
	s9 =	rddreg [dreg:$0x6]  }
0x32: {  	[tilespmem:s10], [sflag:$0x1] =	stream.indirect.gather [hbm4b:s9+s10], $0x80, s5, s10, $0xb8;
	[tilespmem:$0x18500] =	vst v63  }
0x33: {  	_ =	swait.ge [sflag:s11], $0xFA00  }
0x34: {  	[sflag:s11] =	ssyncset.done $0x0  }
0x35: {  	[sflag:s11] =	ssyncadd.s32 $0xFFFF0600  }
0x36: {  	_ =	swait.ge [sflag:s11], $0x4000  }
0x37: {  	[sflag:s11] =	ssyncset.done $0x0  }
0x38: {  	[sflag:s11] =	ssyncadd.s32 $0xFFFFC000  }
0x39: {  	v0 =	vld [tilespmem:$0x13C80];
	_ =	sdelay $0x4  }
0x3a: {  	[tilespmem:$0x1FF00] =	vst v0;
	v0 =	vld [tilespmem:$0x13C90];
	_ =	sdelay $0x4  }
0x3b: {  	[tilespmem:$0x1FF10] =	vst v0;
	v0 =	vld [tilespmem:$0x13CA0];
	_ =	sdelay $0x4  }
0x3c: {  	[tilespmem:$0x1FF20] =	vst v0;
	v0 =	vld [tilespmem:$0x13CB0];
	_ =	sdelay $0x4  }
0x3d: {  	[tilespmem:$0x1FF30] =	vst v0;
	v0 =	vld [tilespmem:$0x13CC0];
	_ =	sdelay $0x4  }
0x3e: {  	[tilespmem:$0x1FF40] =	vst v0;
	v0 =	vld [tilespmem:$0x13CD0];
	_ =	sdelay $0x4  }
0x3f: {  	[tilespmem:$0x1FF50] =	vst v0;
	v0 =	vld [tilespmem:$0x13CE0];
	_ =	sdelay $0x4  }
0x40: {  	[tilespmem:$0x1FF60] =	vst v0;
	v0 =	vld [tilespmem:$0x13CF0];
	_ =	sdelay $0x2  }
0x41: {  	s12 =	simm.s32 $0x13D00  }
0x42: {  	[tilespmem:s12], [sflag:$0x2] =	stream.indirect.gather [hbm4b:s8+s17], $0x80, s10, s17, $0xb8;
	[tilespmem:$0x18500] =	vst v63  }
0x43: {  	[tilespmem:$0x1FF70] =	vst v0;
	v0 =	vld.msk [tilespmem:$0xE0], $0x1;
	_ =	sdelay $0x4  }
0x44: {  	v4 =	vld [tilespmem:$0x1FF80];
	v2 =	vshll.u32 v0, $0x1  }
0x45: {  	v0 =	vand.u32 $0x7, v0;
	v2 =	vand.u32 $0xFFFFFFF0, v2  }
0x46: {  	v1 =	vimm.s32 $0x0;
	v0 =	vor.u32 v0, v2  }
0x47: {  	v0 =	vperm.xlane v0, v1;
	_ =	sdelay $0x1  }
0x48: {  	v0 =	vadd.s32 v4, v0;
	_ =	sdelay $0x3  }
0x49: {  	s16 =	simm.s32 $0x17D00  }
0x4a: {  	[tilespmem:s16], [sflag:$0x6] =	stream.indirect_vreg.gather [hbm4b:s1+s5], $0x80, v0, vm0, $0xb8;
	[tilespmem:$0x18500] =	vst v63  }
0x4b: {  	s28 =	simm.s32 $0x100;
	s29 =	simm.s32 $0x14D00  }
0x4c: {  	[tilespmem:s29], [sflag:$0x3] =	stream.indirect.gather [hbm4b:s8+s17], $0x80, s28, s17, $0xb8;
	[tilespmem:$0x18500] =	vst v63  }
0x4d: {  	v0 =	vld.msk [tilespmem:$0x160], $0x1;
	_ =	sdelay $0x4  }
0x4e: {  	v2 =	vshll.u32 v0, $0x1  }
0x4f: {  	v0 =	vand.u32 $0x7, v0;
	v2 =	vand.u32 $0xFFFFFFF0, v2  }
0x50: {  	v0 =	vor.u32 v0, v2  }
0x51: {  	v0 =	vperm.xlane v0, v1;
	_ =	sdelay $0x1  }
0x52: {  	v0 =	vadd.s32 v4, v0;
	_ =	sdelay $0x3  }
0x53: {  	s9 =	simm.s32 $0x17E00  }
0x54: {  	[tilespmem:s9], [sflag:$0x7] =	stream.indirect_vreg.gather [hbm4b:s1+s5], $0x80, v0, vm0, $0xb8;
	[tilespmem:$0x18500] =	vst v63  }
0x55: {  	s11 =	simm.s32 $0x15D00;
	s10 =	simm.s32 $0x180  }
0x56: {  	[tilespmem:s11], [sflag:$0x4] =	stream.indirect.gather [hbm4b:s8+s17], $0x80, s10, s17, $0xb8;
	[tilespmem:$0x18500] =	vst v63  }
0x57: {  	v0 =	vld.msk [tilespmem:$0x1E0], $0x1;
	_ =	sdelay $0x4  }
0x58: {  	v2 =	vshll.u32 v0, $0x1  }
0x59: {  	v0 =	vand.u32 $0x7, v0;
	v2 =	vand.u32 $0xFFFFFFF0, v2  }
0x5a: {  	v0 =	vor.u32 v0, v2  }
0x5b: {  	v0 =	vperm.xlane v0, v1;
	_ =	sdelay $0x1  }
0x5c: {  	v0 =	vadd.s32 v4, v0;
	_ =	sdelay $0x3  }
0x5d: {  	s12 =	simm.s32 $0x17F00  }
0x5e: {  	[tilespmem:s12], [sflag:$0x8] =	stream.indirect_vreg.gather [hbm4b:s1+s5], $0x80, v0, vm0, $0xb8;
	[tilespmem:$0x18500] =	vst v63  }
0x5f: {  	s16 =	simm.s32 $0x200;
	s28 =	simm.s32 $0x16D00  }
0x60: {  	[tilespmem:s28], [sflag:$0x5] =	stream.indirect.gather [hbm4b:s8+s17], $0x80, s16, s17, $0xb8;
	[tilespmem:$0x18500] =	vst v63  }
0x61: {  	v0 =	vld.msk [tilespmem:$0x260], $0x1;
	_ =	sdelay $0x4  }
0x62: {  	v2 =	vshll.u32 v0, $0x1  }
0x63: {  	v0 =	vand.u32 $0x7, v0;
	v2 =	vand.u32 $0xFFFFFFF0, v2  }
0x64: {  	v0 =	vor.u32 v0, v2  }
0x65: {  	v0 =	vperm.xlane v0, v1;
	_ =	sdelay $0x1  }
0x66: {  	v0 =	vadd.s32 v4, v0;
	_ =	sdelay $0x3  }
0x67: {  	s29 =	simm.s32 $0x18000;
	s9 =	simm.s32 $0x0  }
0x68: {  	[tilespmem:s29], [sflag:$0x9] =	stream.indirect_vreg.gather [hbm4b:s1+s5], $0x80, v0, vm0, $0xb8;
	[tilespmem:$0x18500] =	vst v63  }
.LBB2_2:
0x69: {  	_ =	swait.ge [sflag:s30], $0x1000  }
0x6a: {  	[sflag:s30] =	ssyncset.done $0x0  }
0x6b: {  	[sflag:s30] =	ssyncadd.s32 $0xFFFFF000  }
0x6c: {  	_ =	swait.ge [sflag:s31], $0x100  }
0x6d: {  	p0 =	seq.s32 s9, $0x0;
	[sflag:s31] =	ssyncset.done $0x0  }
0x6e: {  	s6 =	simm.s32 @!p0 $0xA;
	[sflag:s31] =	ssyncadd.s32 $0xFFFFFF00  }
0x6f: {  	_ =	swait.ge @!p0 [sflag:s6], $0x100  }
0x70: {  	s10 =	sshll.u32 s9, $0xB;
	[sflag:s6] =	ssyncset.done @!p0 $0x0  }
0x71: {  	s10 =	sshra.s32 s10, $0x2;
	[sflag:s6] =	ssyncadd.s32 @!p0 $0xFFFFFF00  }
0x72: {  	v0 =	vld [tilespmem:s10+$0xA0];
	_ =	sdelay $0x3  }
0x73: {  	s11 =	simm.s32 $0x0;
	v2 =	vld [tilespmem:s10+$0xB0]  }
0x74: {  	v10 =	vmov s11;
	v1 =	vld [tilespmem:s10+$0xC0];
	v19 =	vshrl.u32 v0, $0x1  }
0x75: {  	s28 =	simm.s32 $0x14500;
	v4 =	vld [tilespmem:s10+$0xD0];
	v11 =	vperm.xlane v19, v10  }
0x76: {  	v46 =	vld [tilespmem:s28+$0x40]  }
0x77: {  	v12 =	vld [tilespmem:s28+$0xFFFFF860];
	v11 =	vshll.u32 v11, $0x7  }
0x78: {  	v32 =	vld [tilespmem:s28+$0x70];
	v20 =	vshrl.u32 v2, $0x1;
	v14 =	vor.u32 v3, v11  }
0x79: {  	v13 =	vld [tilespmem:s28+$0x30];
	v22 =	vperm.xlane v20, v10;
	v16 =	vor.u32 v6, v11  }
0x7a: {  	v15 =	vld [tilespmem:s28+$0x50];
	v23 =	vor.u32 v7, v11  }
0x7b: {  	v26 =	vld [tilespmem:s28+$0xFFFFF810];
	v0 =	vand.u32 $0x1, v0;
	v29 =	vshll.u32 v22, $0x7;
	v25 =	vor.u32 v9, v11  }
0x7c: {  	v28 =	vld [tilespmem:s28+$0xFFFFF800];
	v2 =	vand.u32 $0x1, v2;
	v0 =	vcvt.s32.f32 v0;
	v30 =	vor.u32 v7, v29  }
0x7d: {  	v2 =	vcvt.s32.f32 v2;
	v31 =	vor.u32 v18, v29;
	v14 =	vld.idx.msk [tilespmem:v14+s14+$0x0], $0xffff  }
0x7e: {  	v0 =	vadd.f32 v0, v0;
	v35 =	vor.u32 v17, v29;
	v16 =	vld.idx.msk [tilespmem:v16+s14+$0x0], $0xffff  }
0x7f: {  	v2 =	vadd.f32 v2, v2;
	v40 =	vor.u32 v8, v29;
	v34 =	vld.idx.msk [tilespmem:v23+s14+$0x0], $0xffff  }
0x80: {  	v43 =	vor.u32 v8, v11;
	v0 =	vsub.f32 $1.000000000e+00, v0;
	v25 =	vld.idx.msk [tilespmem:v25+s14+$0x0], $0xffff  }
0x81: {  	v2 =	vsub.f32 $1.000000000e+00, v2;
	v30 =	vld.idx.msk [tilespmem:v30+s14+$0x0], $0xffff  }
0x82: {  	v41 =	vperm.xlane v4, v10;
	v21 =	vmul.f32 v0, v1;
	v31 =	vld.idx.msk [tilespmem:v31+s14+$0x0], $0xffff  }
0x83: {  	v36 =	vperm.xlane v1, v10;
	v22 =	vmul.f32 v2, v4;
	v35 =	vld.idx.msk [tilespmem:v35+s14+$0x0], $0xffff  }
0x84: {  	v41 =	vpack.i.f32.bf16 v41, v41;
	v38 =	vperm.xlane v21, v10;
	v40 =	vld.idx.msk [tilespmem:v40+s14+$0x0], $0xffff  }
0x85: {  	v58 =	vor.u32 v9, v29;
	v2 =	vpack.i.f32.bf16 v36, v36;
	v10 =	vperm.xlane v22, v10;
	v43 =	vld.idx.msk [tilespmem:v43+s14+$0x0], $0xffff  }
0x86: {  	v39 =	vld [tilespmem:s28+$0xFFFFF850];
	v42 =	vor.u32 v6, v29;
	v57 =	vpack.i.f32.bf16 v38, v38;
	v14 =	vmul.bf16 v14, v2  }
0x87: {  	v27 =	vld [tilespmem:s28+$0xFFFFF840];
	v10 =	vpack.i.f32.bf16 v10, v10;
	v16 =	vmul.bf16 v16, v57;
	v25 =	vmul.bf16 v25, v57  }
0x88: {  	v24 =	vld [tilespmem:s28+$0x20];
	v30 =	vmul.bf16 v30, v41;
	v49 =	vmul.bf16 v31, v10  }
0x89: {  	v45 =	vld [tilespmem:s28+$0xFFFFF820];
	v0 =	vor.u32 v5, v29;
	v35 =	vmul.bf16 v35, v41;
	v34 =	vmul.bf16 v34, v2  }
0x8a: {  	v51 =	vld [tilespmem:s28+$0x60];
	v37 =	vor.u32 v18, v11;
	v40 =	vmul.bf16 v40, v10;
	v36 =	vmul.bf16 v43, v57  }
0x8b: {  	v38 =	vld.idx.msk [tilespmem:v58+s14+$0x0], $0xffff;
	v44 =	vmul.bf16 v14, v28;
	v62 =	vmul.bf16 v16, v39  }
0x8c: {  	v42 =	vld.idx.msk [tilespmem:v42+s14+$0x0], $0xffff;
	v14 =	vmul.bf16 v27, v14;
	v63 =	vmul.bf16 v16, v26  }
0x8d: {  	v53 =	vld [tilespmem:s28+$0xFFFFF830];
	v31 =	vor.u32 v5, v11;
	v47 =	vmul.bf16 v30, v24;
	v48 =	vmul.bf16 v25, v27  }
0x8e: {  	v0 =	vld.idx.msk [tilespmem:v0+s14+$0x0], $0xffff;
	v11 =	vor.u32 v17, v11;
	v52 =	vmul.bf16 v35, v13;
	v27 =	vmul.bf16 v32, v35  }
0x8f: {  	v37 =	vld.idx.msk [tilespmem:v37+s14+$0x0], $0xffff;
	v35 =	vmul.bf16 v34, v45;
	v25 =	vmul.bf16 v25, v28  }
0x90: {  	v54 =	vld [tilespmem:s28+$0xFFFFF870];
	v34 =	vmul.bf16 v12, v34;
	v28 =	vmul.bf16 v38, v10  }
0x91: {  	v10 =	vmul.bf16 v42, v10;
	v14 =	vadd.bf16 v14, v25;
	v25 =	vmul.bf16 v36, v45;
	v45 =	vld [tilespmem:s28+$0x10]  }
0x92: {  	v29 =	vor.u32 v3, v29;
	v60 =	vmul.bf16 v40, v51;
	v40 =	vmul.bf16 v40, v24;
	v55 =	vld.idx.msk [tilespmem:v31+s14+$0x0], $0xffff  }
0x93: {  	s29 =	simm.s32 $0x1;
	v23 =	vimm.bf16 $0.0e+00;
	v30 =	vmul.bf16 v51, v30;
	v0 =	vmul.bf16 v0, v41;
	v11 =	vld.idx.msk [tilespmem:v11+s14+$0x0], $0xffff  }
0x94: {  	s11 =	simm.s32 $0x14580;
	v43 =	vld [tilespmem:s28+$0x0];
	v12 =	vmul.bf16 v36, v12;
	v51 =	vmov s29;
	v31 =	vmul.bf16 v37, v57  }
0x95: {  	v24 =	vld [tilespmem:s11+$0xFFFFF870];
	v59 =	vsub.bf16 v44, v48;
	v50 =	vmul.bf16 v15, v0;
	v15 =	vmul.bf16 v10, v15  }
0x96: {  	v12 =	vsub.bf16 v35, v12;
	v36 =	vld [tilespmem:s11+$0x50];
	v42 =	vmul.bf16 v31, v53;
	v61 =	vmul.bf16 v31, v54  }
0x97: {  	v35 =	vld [tilespmem:s11+$0x20];
	v31 =	vadd.bf16 v14, v23;
	v10 =	vmul.bf16 v10, v45;
	v0 =	vmul.bf16 v0, v45  }
0x98: {  	v48 =	vld [tilespmem:s11+$0xFFFFF840];
	v14 =	vmul.bf16 v55, v2;
	v55 =	vadd.bf16 v34, v25;
	v2 =	vmul.bf16 v11, v2  }
0x99: {  	[tilespmem:$0x1FE70] =	vst v19;
	v45 =	vld [tilespmem:s11+$0xFFFFF800];
	v11 =	vmul.bf16 v49, v13;
	v34 =	vadd.bf16 v30, v40;
	v30 =	vperm.xlane v19, v51  }
0x9a: {  	v33 =	vmul.bf16 v28, v46;
	v38 =	vsub.bf16 v47, v60;
	v16 =	vadd.bf16 v59, v23;
	v13 =	vld.idx.msk [tilespmem:v29+s14+$0x0], $0xffff  }
0x9b: {  	v25 =	vld [tilespmem:s11+$0x40];
	v19 =	vadd.bf16 v50, v10;
	[tilespmem:$0x1FEE0] =	vst v11;
	v11 =	vmul.bf16 v28, v43;
	v60 =	vshll.u32 v30, $0x7  }
0x9c: {  	v56 =	vmul.bf16 v14, v26;
	v29 =	vmul.bf16 v2, v53;
	v28 =	vld [tilespmem:s11+$0xFFFFF860];
	v58 =	vor.u32 v3, v60  }
0x9d: {  	v26 =	vld [tilespmem:s11+$0x70];
	v14 =	vmul.bf16 v39, v14;
	v39 =	vperm.xlane v20, v51;
	v10 =	vor.u32 v6, v60  }
0x9e: {  	[tilespmem:$0x1FED0] =	vst v16;
	v53 =	vperm.xlane v1, v51;
	v30 =	vld [tilespmem:s11+$0xFFFFF810];
	v59 =	vor.u32 v9, v60;
	v50 =	vor.u32 v7, v60  }
0x9f: {  	[tilespmem:$0x1FE80] =	vst v1;
	v1 =	vld [tilespmem:$0x1FED0];
	v13 =	vmul.bf16 v13, v41;
	v41 =	vsub.bf16 v0, v15;
	v15 =	vshll.u32 v39, $0x7  }
0xa0: {  	[tilespmem:$0x1FEA0] =	vst v4;
	v2 =	vmul.bf16 v54, v2;
	v61 =	vsub.bf16 v29, v61;
	v29 =	vld [tilespmem:s11+$0x30];
	v54 =	vor.u32 v7, v15  }
0xa1: {  	v32 =	vmul.bf16 v49, v32;
	v44 =	vperm.xlane v22, v51;
	v14 =	vadd.bf16 v14, v63;
	v63 =	vld.idx.msk [tilespmem:v58+s14+$0x0], $0xffff  }
0xa2: {  	v57 =	vperm.xlane v4, v51;
	v12 =	vadd.bf16 v12, v23;
	v39 =	vmul.bf16 v13, v43;
	v10 =	vld.idx.msk [tilespmem:v10+s14+$0x0], $0xffff  }
0xa3: {  	v49 =	vsub.bf16 v52, v32;
	[tilespmem:$0x1FEF0] =	vst v11;
	v0 =	vor.u32 v18, v15;
	v58 =	vld.idx.msk [tilespmem:v50+s14+$0x0], $0xffff  }
0xa4: {  	v11 =	vld.idx.msk [tilespmem:v59+s14+$0x0], $0xffff;
	v59 =	vsub.bf16 v56, v62;
	v56 =	vperm.xlane v21, v51;
	v33 =	vsub.bf16 v39, v33  }
0xa5: {  	v32 =	vadd.bf16 v38, v12;
	v40 =	vor.u32 v5, v60;
	v7 =	vor.u32 v5, v15;
	v4 =	vld.idx.msk [tilespmem:v54+s14+$0x0], $0xffff  }
0xa6: {  	v54 =	vpack.i.f32.bf16 v56, v56;
	v56 =	vadd.bf16 v55, v23;
	v55 =	vadd.bf16 v33, v1;
	v1 =	vld [tilespmem:$0x1FEE0]  }
0xa7: {  	[tilespmem:$0x1FE90] =	vst v20;
	v47 =	vor.u32 v8, v60;
	v12 =	vor.u32 v17, v15;
	v51 =	vadd.bf16 v61, v23;
	v61 =	vld [tilespmem:s11+$0xFFFFF820]  }
0xa8: {  	[tilespmem:$0x1FEB0] =	vst v22;
	v20 =	vor.u32 v17, v60;
	v60 =	vor.u32 v18, v60;
	v43 =	vor.u32 v9, v15;
	v39 =	vld [tilespmem:s11+$0xFFFFF850]  }
0xa9: {  	v2 =	vadd.bf16 v2, v42;
	v42 =	vpack.i.f32.bf16 v57, v57;
	v37 =	vor.u32 v3, v15;
	v17 =	vld.idx.msk [tilespmem:v0+s14+$0x0], $0xffff  }
0xaa: {  	v62 =	vmul.bf16 v46, v13;
	v13 =	vor.u32 v8, v15;
	v46 =	vpack.i.f32.bf16 v53, v53;
	v7 =	vld.idx.msk [tilespmem:v7+s14+$0x0], $0xffff  }
0xab: {  	[tilespmem:$0x1FEC0] =	vst v21;
	v0 =	vmul.bf16 v63, v46;
	v16 =	vmul.bf16 v10, v54;
	v50 =	vadd.bf16 v27, v1;
	v1 =	vld [tilespmem:$0x1FEF0]  }
0xac: {  	v5 =	vadd.bf16 v14, v23;
	v15 =	vor.u32 v6, v15;
	v14 =	vld.idx.msk [tilespmem:v12+s14+$0x0], $0xffff;
	v11 =	vmul.bf16 v11, v54  }
0xad: {  	v53 =	vadd.bf16 v2, v23;
	v12 =	vld.idx.msk [tilespmem:v43+s14+$0x0], $0xffff;
	v2 =	vmul.bf16 v0, v45;
	v33 =	vmul.bf16 v16, v39  }
0xae: {  	v63 =	vld.idx.msk [tilespmem:v60+s14+$0x0], $0xffff;
	v10 =	vpack.i.f32.bf16 v44, v44;
	v0 =	vmul.bf16 v48, v0;
	v57 =	vmul.bf16 v4, v42  }
0xaf: {  	v38 =	vadd.bf16 v19, v5;
	v13 =	vld.idx.msk [tilespmem:v13+s14+$0x0], $0xffff;
	v43 =	vmul.bf16 v16, v30;
	v44 =	vmul.bf16 v17, v10  }
0xb0: {  	s12 =	sshll.u32 s9, $0x2;
	s16 =	simm.s32 $0x2;
	s6 =	simm.s32 $0x14580;
	v60 =	vld.idx.msk [tilespmem:v20+s14+$0x0], $0xffff;
	v52 =	vmul.bf16 v7, v42;
	v16 =	vadd.bf16 v62, v1;
	v62 =	vmul.bf16 v57, v35  }
.LBB2_3:
0xb1: {  	v15 =	vld.idx.msk [tilespmem:v15+s14+$0x0], $0xffff  }
0xb2: {  	v47 =	vld.idx.msk [tilespmem:v47+s14+$0x0], $0xffff  }
0xb3: {  	v1 =	vld [tilespmem:s6+$0x60]  }
0xb4: {  	v4 =	vld [tilespmem:s6+$0xFFFFF830]  }
0xb5: {  	v17 =	vmul.bf16 v58, v46;
	v5 =	vld.idx.msk [tilespmem:v40+s14+$0x0], $0xffff  }
0xb6: {  	v7 =	vld [tilespmem:s6+$0x10];
	v14 =	vmul.bf16 v14, v42;
	v48 =	vmul.bf16 v11, v48  }
0xb7: {  	v56 =	vadd.bf16 v34, v56;
	v37 =	vld.idx.msk [tilespmem:v37+s14+$0x0], $0xffff;
	v16 =	vadd.bf16 v16, v31;
	v11 =	vmul.bf16 v11, v45  }
0xb8: {  	v9 =	vld [tilespmem:$0x1FFA0];
	v3 =	vmul.bf16 v26, v14;
	v2 =	vsub.bf16 v2, v48;
	v58 =	vmul.bf16 v36, v52  }
0xb9: {  	v27 =	vld [tilespmem:$0x1FFC0];
	v0 =	vadd.bf16 v0, v11;
	v18 =	vmul.bf16 v14, v29;
	v48 =	vmul.bf16 v17, v61  }
0xba: {  	v8 =	vld [tilespmem:$0x1FFD0];
	v14 =	vadd.bf16 v59, v23;
	v13 =	vmul.bf16 v13, v10;
	v12 =	vmul.bf16 v12, v10  }
0xbb: {  	s11 =	sadd.s32 $0x80, s11;
	[tilespmem:$0x1FE60] =	vst v3;
	v55 =	vadd.bf16 v2, v55;
	v2 =	vmul.bf16 v63, v54;
	v10 =	vmul.bf16 v15, v10;
	v3 =	vld [tilespmem:$0x1FE70]  }
0xbc: {  	v45 =	vld [tilespmem:s11+$0xFFFFF870];
	v31 =	vadd.bf16 v0, v16;
	v16 =	vmul.bf16 v5, v46;
	v15 =	vmul.bf16 v13, v1  }
0xbd: {  	v53 =	vadd.bf16 v50, v53;
	v5 =	vld [tilespmem:$0x1FFB0];
	v13 =	vmul.bf16 v13, v35;
	v1 =	vmul.bf16 v1, v57  }
0xbe: {  	s28 =	smov.u32 s16;
	v11 =	vmul.bf16 v47, v54;
	v50 =	vadd.bf16 v41, v14;
	v14 =	vadd.bf16 v49, v51;
	v51 =	vld [tilespmem:s6+$0x0]  }
0xbf: {  	v46 =	vmul.bf16 v60, v46;
	v57 =	vld [tilespmem:s11+$0x70];
	v34 =	vadd.bf16 v1, v13;
	v1 =	vmov s28  }
0xc0: {  	v60 =	vmul.bf16 v44, v29;
	v29 =	vperm.xlane v3, v1;
	v3 =	vld [tilespmem:$0x1FE80]  }
0xc1: {  	v17 =	vmul.bf16 v28, v17;
	v35 =	vld [tilespmem:s11+$0x20];
	v49 =	vmul.bf16 v2, v4  }
0xc2: {  	v6 =	vmul.bf16 v11, v61;
	v11 =	vmul.bf16 v11, v28;
	v28 =	vld [tilespmem:s11+$0xFFFFF860]  }
0xc3: {  	v0 =	vmul.bf16 v2, v24;
	v2 =	vmul.bf16 v10, v36;
	v36 =	vld [tilespmem:s11+$0x50]  }
0xc4: {  	v63 =	vmul.bf16 v12, v25;
	v15 =	vsub.bf16 v62, v15;
	v62 =	vld [tilespmem:s11+$0x40]  }
0xc5: {  	v10 =	vmul.bf16 v10, v7;
	v54 =	vperm.xlane v3, v1;
	v3 =	vld [tilespmem:$0x1FE90]  }
0xc6: {  	v61 =	vmul.bf16 v37, v42;
	v13 =	vmul.bf16 v46, v4;
	v4 =	vld [tilespmem:$0x1FF90];
	v17 =	vadd.bf16 v17, v6  }
0xc7: {  	v11 =	vsub.bf16 v48, v11;
	v48 =	vmul.bf16 v52, v7;
	v6 =	vld [tilespmem:$0x1FFF0];
	v20 =	vadd.bf16 v58, v10  }
0xc8: {  	v7 =	vld [tilespmem:$0x1FFE0];
	v0 =	vsub.bf16 v13, v0;
	v19 =	vmul.bf16 v12, v51;
	v12 =	vmul.bf16 v16, v30  }
0xc9: {  	v16 =	vmul.bf16 v39, v16;
	v30 =	vld [tilespmem:s11+$0xFFFFF810];
	v41 =	vsub.bf16 v48, v2;
	v13 =	vshll.u32 v29, $0x7  }
0xca: {  	v48 =	vld [tilespmem:s11+$0xFFFFF840];
	v42 =	vor.u32 v5, v13;
	v39 =	vperm.xlane v3, v1;
	v3 =	vlaneseq.u32  }
0xcb: {  	v2 =	vmul.bf16 v24, v46;
	v24 =	vmovc v45;
	v45 =	vld [tilespmem:s11+$0xFFFFF800];
	v56 =	vadd.bf16 v17, v56;
	v52 =	vor.u32 v3, v13  }
0xcc: {  	v16 =	vadd.bf16 v16, v43;
	v43 =	vmul.bf16 v44, v26;
	v26 =	vmovc v57;
	v57 =	vmul.bf16 v61, v51;
	v51 =	vld [tilespmem:$0x1FEB0]  }
0xcd: {  	v17 =	vmul.bf16 v25, v61;
	v10 =	vor.u32 v9, v13;
	v61 =	vld [tilespmem:$0x1FE60];
	v22 =	vshll.u32 v39, $0x7  }
0xce: {  	v40 =	vor.u32 v4, v13;
	v37 =	vor.u32 v3, v22;
	v3 =	vld [tilespmem:$0x1FEA0]  }
0xcf: {  	v47 =	vor.u32 v27, v13;
	v21 =	vor.u32 v8, v13;
	v59 =	vor.u32 v6, v13;
	v58 =	vld.idx.msk [tilespmem:v42+s14+$0x0], $0xffff  }
0xd0: {  	v13 =	vor.u32 v7, v13;
	v42 =	vor.u32 v8, v22;
	v44 =	vld.idx.msk [tilespmem:v52+s14+$0x0], $0xffff;
	v52 =	vor.u32 v5, v22  }
0xd1: {  	v5 =	vperm.xlane v51, v1;
	v51 =	vadd.bf16 v0, v14;
	v0 =	vadd.bf16 v2, v49;
	v2 =	vld [tilespmem:$0x1FEC0]  }
0xd2: {  	v11 =	vadd.bf16 v11, v32;
	v10 =	vld.idx.msk [tilespmem:v10+s14+$0x0], $0xffff  }
0xd3: {  	v39 =	vld [tilespmem:s11+$0xFFFFF850];
	v23 =	vperm.xlane v3, v1;
	v3 =	vor.u32 v4, v22;
	v4 =	vor.u32 v7, v22  }
0xd4: {  	v7 =	vld.idx.msk [tilespmem:v59+s14+$0x0], $0xffff  }
0xd5: {  	v32 =	vadd.bf16 v15, v11;
	v8 =	vor.u32 v27, v22;
	v14 =	vld.idx.msk [tilespmem:v42+s14+$0x0], $0xffff  }
0xd6: {  	v59 =	vsub.bf16 v12, v33;
	v12 =	vsub.bf16 v57, v63;
	v63 =	vld.idx.msk [tilespmem:v13+s14+$0x0], $0xffff;
	v1 =	vperm.xlane v2, v1  }
0xd7: {  	v46 =	vpack.i.f32.bf16 v54, v54;
	v6 =	vor.u32 v6, v22;
	v49 =	vsub.bf16 v18, v43;
	v18 =	vld.idx.msk [tilespmem:v52+s14+$0x0], $0xffff  }
0xd8: {  	v53 =	vadd.bf16 v0, v53;
	v0 =	vmul.bf16 v44, v46;
	v54 =	vpack.i.f32.bf16 v1, v1;
	v1 =	vld.idx.msk [tilespmem:v4+s14+$0x0], $0xffff  }
0xd9: {  	p1 =	sne.s32 s16, $0xF;
	v16 =	vadd.bf16 v16, v38;
	v15 =	vor.u32 v9, v22;
	v42 =	vpack.i.f32.bf16 v23, v23;
	v3 =	vld.idx.msk [tilespmem:v3+s14+$0x0], $0xffff  }
.Ltmp2:
0xda: {  	v13 =	vld.idx.msk [tilespmem:v8+s14+$0x0], $0xffff;
	v55 =	vadd.bf16 v12, v55;
	v2 =	vmul.bf16 v0, v45;
	v38 =	vmul.bf16 v10, v54;
	(pc) =	sbr.rel @p1 .LBB2_3-.Ltmp2, $4  }
0xdb: {  	v29 =	vld [tilespmem:s11+$0x30];
	v23 =	vmovc v50;
	v50 =	vadd.bf16 v61, v60;
	v0 =	vmul.bf16 v48, v0;
	v11 =	vmul.bf16 v7, v54  }
0xdc: {  	v12 =	vld.idx.msk [tilespmem:v6+s14+$0x0], $0xffff;
	v10 =	vpack.i.f32.bf16 v5, v5;
	v33 =	vmul.bf16 v38, v39;
	v57 =	vmul.bf16 v18, v42  }
0xdd: {  	v25 =	vmovc v62;
	v61 =	vld [tilespmem:s11+$0xFFFFF820];
	v43 =	vmul.bf16 v38, v30;
	v38 =	vadd.bf16 v20, v16;
	v44 =	vmul.bf16 v1, v10  }
0xde: {  	s16 =	sadd.s32 $0x1, s16;
	s6 =	smov.u32 s11;
	v60 =	vld.idx.msk [tilespmem:v21+s14+$0x0], $0xffff;
	v16 =	vadd.bf16 v17, v19;
	v52 =	vmul.bf16 v3, v42;
	v62 =	vmul.bf16 v57, v35  }
0xdf: {  	_ =	sdelay $0x3  }
0xe0: {  	v1 =	vld.idx.msk [tilespmem:v15+s14+$0x0], $0xffff;
	v3 =	vmul.bf16 v14, v42  }
0xe1: {  	v4 =	vmul.bf16 v58, v46;
	v5 =	vmul.bf16 v11, v48;
	v6 =	vld.idx.msk [tilespmem:v47+s14+$0x0], $0xffff  }
0xe2: {  	v8 =	vld [tilespmem:s6+$0x60];
	v15 =	vadd.bf16 v50, v53;
	v13 =	vmul.bf16 v13, v10;
	v11 =	vmul.bf16 v11, v45  }
0xe3: {  	v18 =	vld [tilespmem:s6+$0xFFFFF830];
	v19 =	vadd.bf16 v59, v23;
	v53 =	vmul.bf16 v63, v54;
	v7 =	vmul.bf16 v36, v52  }
0xe4: {  	v20 =	vld.idx.msk [tilespmem:v40+s14+$0x0], $0xffff;
	v27 =	vadd.bf16 v49, v51;
	v14 =	vmul.bf16 v3, v29;
	v12 =	vmul.bf16 v12, v10  }
0xe5: {  	v2 =	vsub.bf16 v2, v5;
	v5 =	vmul.bf16 v53, v24;
	v17 =	vmul.bf16 v4, v61  }
0xe6: {  	v16 =	vadd.bf16 v16, v31;
	v4 =	vmul.bf16 v28, v4;
	v60 =	vmul.bf16 v60, v46  }
0xe7: {  	v58 =	vld [tilespmem:s6+$0x10];
	v19 =	vadd.bf16 v41, v19;
	v1 =	vmul.bf16 v1, v10;
	v6 =	vmul.bf16 v6, v54  }
0xe8: {  	v0 =	vadd.bf16 v0, v11;
	v21 =	vmul.bf16 v13, v8;
	v22 =	vmul.bf16 v53, v18  }
0xe9: {  	v2 =	vadd.bf16 v2, v55;
	v11 =	vmul.bf16 v20, v46;
	v13 =	vmul.bf16 v13, v35  }
0xea: {  	v0 =	vadd.bf16 v0, v16;
	v8 =	vmul.bf16 v8, v57;
	v18 =	vmul.bf16 v60, v18  }
0xeb: {  	v10 =	vadd.bf16 v34, v56;
	v31 =	vmul.bf16 v1, v36;
	v59 =	vmul.bf16 v6, v61  }
0xec: {  	v61 =	vld.idx.msk [tilespmem:v37+s14+$0x0], $0xffff;
	v6 =	vmul.bf16 v6, v28;
	v16 =	vsub.bf16 v62, v21;
	v1 =	vmul.bf16 v1, v58  }
0xed: {  	v63 =	vld [tilespmem:s6+$0x0];
	v8 =	vadd.bf16 v8, v13;
	v13 =	vmul.bf16 v39, v11;
	v37 =	vmul.bf16 v44, v26  }
0xee: {  	v11 =	vmul.bf16 v11, v30;
	v5 =	vsub.bf16 v18, v5;
	v4 =	vadd.bf16 v4, v59  }
0xef: {  	v6 =	vsub.bf16 v17, v6;
	v17 =	vmul.bf16 v52, v58;
	v1 =	vadd.bf16 v7, v1  }
0xf0: {  	v56 =	vmul.bf16 v12, v25;
	v13 =	vadd.bf16 v13, v43;
	v11 =	vsub.bf16 v11, v33  }
0xf1: {  	v14 =	vsub.bf16 v14, v37;
	v17 =	vsub.bf16 v17, v31;
	v36 =	vmul.bf16 v61, v42  }
0xf2: {  	v12 =	vmul.bf16 v12, v63;
	v6 =	vadd.bf16 v6, v32;
	v11 =	vadd.bf16 v11, v19  }
0xf3: {  	v13 =	vadd.bf16 v13, v38;
	v39 =	vmul.bf16 v36, v63;
	v7 =	vmul.bf16 v25, v36  }
0xf4: {  	v6 =	vadd.bf16 v16, v6;
	v11 =	vadd.bf16 v17, v11  }
0xf5: {  	v17 =	vld [tilespmem:$0x1FF40];
	v16 =	vsub.bf16 v39, v56;
	v7 =	vadd.bf16 v7, v12  }
0xf6: {  	v5 =	vadd.bf16 v5, v27;
	v1 =	vadd.bf16 v1, v13;
	v13 =	vld [tilespmem:$0x17DC0]  }
0xf7: {  	v2 =	vadd.bf16 v16, v2;
	v0 =	vadd.bf16 v7, v0;
	v16 =	vld [tilespmem:$0x1FF00]  }
0xf8: {  	v18 =	vmul.bf16 v24, v60;
	v4 =	vadd.bf16 v4, v10  }
0xf9: {  	v10 =	vld [tilespmem:$0x17D00];
	v5 =	vadd.bf16 v14, v5;
	v14 =	vunpack.i.l.bf16.f32 v0;
	v0 =	vunpack.i.u.bf16.f32 v0  }
0xfa: {  	v3 =	vmul.bf16 v26, v3;
	v4 =	vadd.bf16 v8, v4;
	v8 =	vld [tilespmem:$0x17D80];
	v0 =	vmul.f32 v0, v17  }
0xfb: {  	v24 =	vmul.bf16 v44, v29;
	v18 =	vadd.bf16 v18, v22;
	v12 =	vld [tilespmem:$0x17D40];
	v40 =	vunpack.i.l.bf16.f32 v2  }
0xfc: {  	v2 =	vunpack.i.u.bf16.f32 v2;
	v7 =	vmul.f32 v40, v16;
	v0 =	vadd.f32 v13, v0;
	v13 =	vld [tilespmem:$0x1FF50]  }
0xfd: {  	v3 =	vadd.bf16 v3, v24;
	v15 =	vadd.bf16 v18, v15;
	v2 =	vmul.f32 v2, v17;
	v17 =	vld [tilespmem:$0x1FF10]  }
0xfe: {  	v7 =	vadd.f32 v10, v7;
	v10 =	vmul.f32 v14, v16;
	v14 =	vld [tilespmem:$0x17D50]  }
0xff: {  	v3 =	vadd.bf16 v3, v15;
	v15 =	vld [tilespmem:$0x17D10]  }
0x100: {  	v41 =	vadd.f32 v8, v10;
	v8 =	vunpack.i.u.bf16.f32 v11  }
0x101: {  	v2 =	vadd.f32 v12, v2;
	v12 =	vunpack.i.l.bf16.f32 v11;
	v16 =	vld [tilespmem:$0x17D90];
	v8 =	vmul.f32 v8, v13  }
0x102: {  	v10 =	vmul.f32 v12, v17;
	v11 =	vld [tilespmem:$0x17DD0]  }
0x103: {  	[tilespmem:$0x18340] =	vst v0;
	v0 =	vadd.f32 v14, v8;
	v14 =	vld [tilespmem:$0x1FF20]  }
0x104: {  	v42 =	vadd.f32 v15, v10;
	v15 =	vld [tilespmem:$0x1FF60]  }
0x105: {  	[tilespmem:$0x18140] =	vst v2;
	v2 =	vunpack.i.l.bf16.f32 v1  }
0x106: {  	v1 =	vunpack.i.u.bf16.f32 v1;
	v2 =	vmul.f32 v2, v17;
	v10 =	vld [tilespmem:$0x17D60]  }
0x107: {  	v12 =	vld [tilespmem:$0x17D20];
	v1 =	vmul.f32 v1, v13;
	v8 =	vunpack.i.l.bf16.f32 v6  }
0x108: {  	v2 =	vadd.f32 v16, v2;
	v6 =	vunpack.i.u.bf16.f32 v6;
	v43 =	vmul.f32 v8, v14;
	v8 =	vld [tilespmem:$0x17DE0]  }
0x109: {  	[tilespmem:$0x18150] =	vst v0;
	v0 =	vadd.f32 v11, v1;
	v6 =	vmul.f32 v6, v15  }
0x10a: {  	[tilespmem:$0x18310] =	vst v2;
	v2 =	vunpack.i.u.bf16.f32 v4  }
0x10b: {  	v13 =	vld [tilespmem:$0x17DA0];
	[tilespmem:$0x18350] =	vst v0;
	v2 =	vmul.f32 v2, v15;
	v0 =	vadd.f32 v10, v6  }
0x10c: {  	v44 =	vadd.f32 v12, v43;
	v12 =	vld [tilespmem:$0x1FF30]  }
0x10d: {  	[tilespmem:$0x18160] =	vst v0;
	v0 =	vadd.f32 v8, v2;
	v8 =	vld [tilespmem:$0x1FF70]  }
0x10e: {  	v1 =	vunpack.i.l.bf16.f32 v4;
	v11 =	vld [tilespmem:$0x17D30]  }
0x10f: {  	v45 =	vld [tilespmem:$0x17D70];
	[tilespmem:$0x18100] =	vst v7;
	v1 =	vmul.f32 v1, v14  }
0x110: {  	v46 =	vunpack.i.l.bf16.f32 v5;
	[tilespmem:$0x18300] =	vst v41;
	v10 =	vld [tilespmem:$0x17DB0]  }
0x111: {  	v49 =	vld [tilespmem:$0x17DF0];
	v47 =	vunpack.i.u.bf16.f32 v5;
	[tilespmem:$0x18110] =	vst v42;
	v1 =	vadd.f32 v13, v1;
	v48 =	vmul.f32 v46, v12  }
0x112: {  	[tilespmem:$0x18120] =	vst v44;
	v2 =	vunpack.i.l.bf16.f32 v3;
	v4 =	vmul.f32 v47, v8  }
0x113: {  	[tilespmem:$0x18320] =	vst v1;
	v1 =	vunpack.i.u.bf16.f32 v3;
	v2 =	vmul.f32 v2, v12;
	v3 =	vadd.f32 v11, v48  }
0x114: {  	[tilespmem:$0x18360] =	vst v0;
	v1 =	vmul.f32 v1, v8;
	v0 =	vadd.f32 v45, v4  }
0x115: {  	s0 =	sadd.s32 s7, s12;
	s11 =	sshll.u32 s9, $0x6;
	v2 =	vadd.f32 v10, v2;
	[tilespmem:$0x18130] =	vst v3  }
0x116: {  	s6 =	sshll.u32 s0, $0x5;
	s16 =	sand.u32 $0x40, s11;
	[tilespmem:$0x18170] =	vst v0;
	v0 =	vadd.f32 v49, v1  }
0x117: {  	s11 =	sand.u32 $0x1FF00, s6;
	s16 =	sadd.s32 s3, s16;
	[tilespmem:$0x18330] =	vst v2  }
0x118: {  	s0 =	simm.s32 $0x18100;
	s6 =	sadd.s32 s11, s16;
	[tilespmem:$0x18370] =	vst v0  }
0x119: {  	[hbm4b:s6+s5] =	stream.linear.scatter [tilespmem:s0], [sflag:$0xA], $0x80, $0x38;
	[tilespmem:$0x18500] =	vst v63  }
0x11a: {  	p1 =	seq.s32 s9, $0x1F;
	s6 =	sadd.s32 $0x80, s6  }
0x11b: {  	[hbm4b:s6+s5] =	stream.linear.scatter [tilespmem:s4], [sflag:$0xA], $0x80, $0x38;
	[tilespmem:$0x18500] =	vst v63  }
0x11c: {  	s28 =	simm.s32 @!p1 $0x13D00;
	s16 =	simm.s32 @!p1 $0x20;
	s6 =	sadd.s32 @!p1 $0x280, s10  }
0x11d: {  	[tilespmem:s28], [sflag:$0x2] =	stream.indirect.gather @!p1 [hbm4b:s8+s16], $0x80, s6, s16, $0xb8;
	[tilespmem:$0x18500] =	vst v63  }
0x11e: {  	v0 =	vld.msk @!p1 [tilespmem:s10+$0x2E0], $0x1;
	_ =	sdelay $0x4  }
0x11f: {  	v1 =	vshll.u32 @!p1 v0, $0x1  }
0x120: {  	v0 =	vand.u32 @!p1 $0x7, v0;
	v1 =	vand.u32 @!p1 $0xFFFFFFF0, v1  }
0x121: {  	v2 =	vlaneseq.u32 @!p1;
	v0 =	vor.u32 @!p1 v0, v1;
	v1 =	vimm.s32 @!p1 $0x0  }
0x122: {  	v0 =	vperm.xlane @!p1 v0, v1;
	v1 =	vmul.u32 @!p1 $0x8, v2;
	_ =	sdelay $0x1  }
0x123: {  	v0 =	vadd.s32 @!p1 v1, v0;
	_ =	sdelay $0x3  }
0x124: {  	vm1 =	vmmov @!p1 $0x3;
	s6 =	simm.s32 @!p1 $0x0;
	s16 =	simm.s32 @!p1 $0x17D00  }
0x125: {  	[tilespmem:s16], [sflag:$0x6] =	stream.indirect_vreg.gather @!p1 [hbm4b:s1+s6], $0x80, v0, vm1, $0xb8;
	[tilespmem:$0x18500] =	vst v63  }
0x126: {  	_ =	swait.ge [sflag:s2], $0x1000  }
0x127: {  	[sflag:s2] =	ssyncset.done $0x0  }
0x128: {  	[sflag:s2] =	ssyncadd.s32 $0xFFFFF000  }
0x129: {  	_ =	swait.ge [sflag:s13], $0x100  }
0x12a: {  	[sflag:s13] =	ssyncset.done $0x0  }
0x12b: {  	s6 =	simm.s32 @!p0 $0xB;
	[sflag:s13] =	ssyncadd.s32 $0xFFFFFF00  }
0x12c: {  	_ =	swait.ge @!p0 [sflag:s6], $0x100  }
0x12d: {  	v20 =	vld [tilespmem:$0x1FFA0]  }
0x12e: {  	s16 =	sor.u32 $0x1, s12;
	v23 =	vld [tilespmem:$0x1FFB0]  }
0x12f: {  	s28 =	sshll.u32 s16, $0x7;
	[sflag:s6] =	ssyncset.done @!p0 $0x0;
	v19 =	vld [tilespmem:$0x1FFF0]  }
0x130: {  	s0 =	sand.u32 $0x3FFFFF80, s28;
	v55 =	vld [tilespmem:$0x1FFE0];
	[sflag:s6] =	ssyncadd.s32 @!p0 $0xFFFFFF00  }
0x131: {  	v0 =	vld [tilespmem:s0+$0xA0]  }
0x132: {  	v21 =	vld [tilespmem:$0x1FF90]  }
0x133: {  	v18 =	vld [tilespmem:$0x1FFD0]  }
0x134: {  	v22 =	vld [tilespmem:$0x1FFC0]  }
0x135: {  	s28 =	simm.s32 $0x0;
	v1 =	vld [tilespmem:s0+$0xB0]  }
0x136: {  	v2 =	vmov s28;
	v47 =	vld [tilespmem:s0+$0xC0];
	v48 =	vshrl.u32 v0, $0x1  }
0x137: {  	v56 =	vld [tilespmem:s0+$0xD0];
	s0 =	simm.s32 $0x15570;
	v3 =	vperm.xlane v48, v2  }
0x138: {  	v33 =	vld [tilespmem:s0+$0xFFFFFFD0]  }
0x139: {  	v9 =	vlaneseq.u32;
	v4 =	vld [tilespmem:s0+$0xFFFFF7F0];
	v3 =	vshll.u32 v3, $0x7  }
0x13a: {  	v32 =	vld [tilespmem:s0+$0x0];
	v53 =	vshrl.u32 v1, $0x1;
	v50 =	vor.u32 v9, v3  }
0x13b: {  	v5 =	vld [tilespmem:s0+$0xFFFFFFC0];
	v11 =	vperm.xlane v53, v2;
	v8 =	vor.u32 v20, v3  }
0x13c: {  	v10 =	vld [tilespmem:s0+$0xFFFFFFB0];
	v0 =	vand.u32 $0x1, v0;
	v1 =	vand.u32 $0x1, v1;
	v13 =	vor.u32 v23, v3  }
0x13d: {  	v12 =	vld [tilespmem:s0+$0xFFFFF7A0];
	v0 =	vcvt.s32.f32 v0;
	v11 =	vshll.u32 v11, $0x7;
	v14 =	vor.u32 v19, v3  }
0x13e: {  	v16 =	vld [tilespmem:s0+$0xFFFFF790];
	v1 =	vcvt.s32.f32 v1;
	v17 =	vor.u32 v23, v11  }
0x13f: {  	v0 =	vadd.f32 v0, v0;
	v24 =	vor.u32 v55, v11;
	v6 =	vld.idx.msk [tilespmem:v50+s14+$0x0], $0xffff  }
0x140: {  	v1 =	vadd.f32 v1, v1;
	v25 =	vor.u32 v18, v11;
	v8 =	vld.idx.msk [tilespmem:v8+s14+$0x0], $0xffff  }
0x141: {  	v0 =	vsub.f32 $1.000000000e+00, v0;
	v13 =	vld.idx.msk [tilespmem:v13+s14+$0x0], $0xffff  }
0x142: {  	v1 =	vsub.f32 $1.000000000e+00, v1;
	v14 =	vld.idx.msk [tilespmem:v14+s14+$0x0], $0xffff  }
0x143: {  	v26 =	vperm.xlane v47, v2;
	v27 =	vor.u32 v55, v3;
	v61 =	vmul.f32 v0, v47;
	v17 =	vld.idx.msk [tilespmem:v17+s14+$0x0], $0xffff  }
0x144: {  	v31 =	vperm.xlane v56, v2;
	v30 =	vor.u32 v22, v11;
	v59 =	vmul.f32 v1, v56;
	v24 =	vld.idx.msk [tilespmem:v24+s14+$0x0], $0xffff  }
0x145: {  	v28 =	vperm.xlane v61, v2;
	v25 =	vld.idx.msk [tilespmem:v25+s14+$0x0], $0xffff  }
0x146: {  	v29 =	vld [tilespmem:s0+$0xFFFFF7E0];
	v39 =	vpack.i.f32.bf16 v31, v31;
	v1 =	vpack.i.f32.bf16 v26, v26;
	v2 =	vperm.xlane v59, v2  }
0x147: {  	v15 =	vld [tilespmem:s0+$0xFFFFF7D0];
	v0 =	vor.u32 v21, v11;
	v26 =	vpack.i.f32.bf16 v28, v28;
	v6 =	vmul.bf16 v6, v1  }
0x148: {  	v58 =	vld.idx.msk [tilespmem:v27+s14+$0x0], $0xffff;
	v2 =	vpack.i.f32.bf16 v2, v2;
	v8 =	vmul.bf16 v8, v26;
	v14 =	vmul.bf16 v14, v26  }
0x149: {  	v52 =	vor.u32 v20, v11;
	v27 =	vld.idx.msk [tilespmem:v30+s14+$0x0], $0xffff;
	v17 =	vmul.bf16 v17, v39;
	v42 =	vmul.bf16 v24, v2  }
0x14a: {  	v30 =	vld [tilespmem:s0+$0xFFFFF7B0];
	v28 =	vor.u32 v19, v11;
	v25 =	vmul.bf16 v25, v39;
	v13 =	vmul.bf16 v13, v1  }
0x14b: {  	v63 =	vld [tilespmem:s0+$0xFFFFFFF0];
	v54 =	vor.u32 v22, v3;
	v57 =	vmul.bf16 v6, v16;
	v38 =	vmul.bf16 v8, v29  }
0x14c: {  	v0 =	vld.idx.msk [tilespmem:v0+s14+$0x0], $0xffff;
	v6 =	vmul.bf16 v15, v6;
	v8 =	vmul.bf16 v8, v12  }
0x14d: {  	v7 =	vld [tilespmem:s0+$0xFFFFFFE0];
	v60 =	vmul.bf16 v17, v10;
	v15 =	vmul.bf16 v14, v15  }
0x14e: {  	v31 =	vld.idx.msk [tilespmem:v52+s14+$0x0], $0xffff;
	v43 =	vmul.bf16 v25, v5;
	v44 =	vmul.bf16 v32, v25  }
0x14f: {  	v11 =	vor.u32 v9, v11;
	v28 =	vld.idx.msk [tilespmem:v28+s14+$0x0], $0xffff;
	v45 =	vmul.bf16 v13, v30;
	v13 =	vmul.bf16 v4, v13  }
0x150: {  	v62 =	vld.idx.msk [tilespmem:v54+s14+$0x0], $0xffff;
	v24 =	vor.u32 v21, v3;
	v25 =	vmul.bf16 v27, v2;
	v14 =	vmul.bf16 v14, v16  }
0x151: {  	v46 =	vld [tilespmem:s0+$0xFFFFF7C0];
	v3 =	vor.u32 v18, v3;
	v17 =	vmul.bf16 v63, v17;
	v0 =	vmul.bf16 v0, v39  }
0x152: {  	v49 =	vld [tilespmem:s0+$0xFFFFF800];
	v15 =	vsub.bf16 v57, v15;
	v57 =	vmul.bf16 v25, v63;
	v10 =	vmul.bf16 v25, v10  }
0x153: {  	v50 =	vld [tilespmem:s0+$0xFFFFFF90];
	v63 =	vmul.bf16 v42, v5;
	v35 =	vmul.bf16 v7, v0  }
0x154: {  	s28 =	simm.s32 $0x1;
	v5 =	vld.idx.msk [tilespmem:v11+s14+$0x0], $0xffff;
	v34 =	vadd.bf16 v17, v10;
	v16 =	vmul.bf16 v28, v2;
	v28 =	vmul.bf16 v58, v26  }
0x155: {  	v24 =	vld.idx.msk [tilespmem:v24+s14+$0x0], $0xffff;
	v10 =	vmov s28;
	v2 =	vmul.bf16 v31, v2;
	v26 =	vmul.bf16 v62, v26  }
0x156: {  	v3 =	vld.idx.msk [tilespmem:v3+s14+$0x0], $0xffff;
	v52 =	vsub.bf16 v60, v57;
	v17 =	vperm.xlane v48, v10;
	v57 =	vperm.xlane v53, v10  }
0x157: {  	s6 =	simm.s32 $0x155F0;
	v6 =	vadd.bf16 v6, v14;
	v14 =	vmul.bf16 v28, v46;
	v51 =	vmul.bf16 v16, v33  }
0x158: {  	v36 =	vld [tilespmem:s6+$0xFFFFFFE0];
	v27 =	vimm.bf16 $0.0e+00;
	v58 =	vmul.bf16 v28, v49;
	v7 =	vmul.bf16 v2, v7  }
0x159: {  	v25 =	vld [tilespmem:s6+$0xFFFFFFD0];
	v31 =	vadd.bf16 v6, v27;
	v28 =	vmul.bf16 v26, v30;
	v4 =	vmul.bf16 v26, v4  }
0x15a: {  	v30 =	vld [tilespmem:s0+$0xFFFFFFA0];
	v17 =	vshll.u32 v17, $0x7;
	v5 =	vmul.bf16 v5, v39;
	v37 =	vmul.bf16 v24, v1  }
0x15b: {  	[tilespmem:$0x1FDF0] =	vst v48;
	v48 =	vld [tilespmem:s6+$0xFFFFF7D0];
	v1 =	vmul.bf16 v3, v1;
	v3 =	vmul.bf16 v16, v50;
	v54 =	vor.u32 v19, v17  }
0x15c: {  	v26 =	vld [tilespmem:s6+$0x0];
	v40 =	vor.u32 v21, v17;
	v39 =	vor.u32 v23, v17;
	v16 =	vor.u32 v18, v17  }
0x15d: {  	v24 =	vld [tilespmem:s6+$0xFFFFF800];
	v13 =	vadd.bf16 v13, v28;
	v11 =	vmul.bf16 v37, v12;
	v12 =	vmul.bf16 v1, v46  }
0x15e: {  	v28 =	vld [tilespmem:s6+$0xFFFFF7F0];
	v4 =	vsub.bf16 v45, v4;
	v46 =	vperm.xlane v47, v10;
	v6 =	vmul.bf16 v29, v37  }
0x15f: {  	[tilespmem:$0x1FE00] =	vst v47;
	v45 =	vld [tilespmem:s6+$0xFFFFF790];
	v47 =	vor.u32 v22, v17;
	v2 =	vmul.bf16 v2, v30;
	v12 =	vsub.bf16 v12, v58  }
0x160: {  	v29 =	vld [tilespmem:s6+$0xFFFFFFC0];
	v0 =	vmul.bf16 v0, v30;
	v58 =	vor.u32 v9, v17;
	v6 =	vadd.bf16 v6, v8  }
0x161: {  	v30 =	vld [tilespmem:s6+$0xFFFFF7A0];
	v8 =	vmul.bf16 v42, v32;
	v60 =	vadd.bf16 v35, v2;
	v2 =	vor.u32 v20, v17  }
0x162: {  	v1 =	vmul.bf16 v49, v1;
	v35 =	vld [tilespmem:s6+$0xFFFFFFB0];
	v41 =	vsub.bf16 v0, v7;
	v0 =	vor.u32 v55, v17  }
0x163: {  	[tilespmem:$0x1FE10] =	vst v53;
	v17 =	vshll.u32 v57, $0x7;
	v57 =	vperm.xlane v56, v10;
	v49 =	vsub.bf16 v43, v8;
	v43 =	vld.idx.msk [tilespmem:v54+s14+$0x0], $0xffff  }
0x164: {  	[tilespmem:$0x1FE40] =	vst v61;
	v8 =	vperm.xlane v59, v10;
	v10 =	vperm.xlane v61, v10;
	v61 =	vld [tilespmem:s6+$0xFFFFF7B0];
	v62 =	vor.u32 v23, v17  }
0x165: {  	[tilespmem:$0x1FE30] =	vst v59;
	v4 =	vadd.bf16 v4, v27;
	v55 =	vor.u32 v55, v17;
	v42 =	vld.idx.msk [tilespmem:v58+s14+$0x0], $0xffff  }
0x166: {  	v50 =	vmul.bf16 v5, v50;
	v1 =	vadd.bf16 v1, v14;
	v14 =	vor.u32 v21, v17;
	v2 =	vld.idx.msk [tilespmem:v2+s14+$0x0], $0xffff  }
0x167: {  	v15 =	vadd.bf16 v15, v27;
	v46 =	vpack.i.f32.bf16 v46, v46;
	v32 =	vadd.bf16 v52, v4;
	v58 =	vld.idx.msk [tilespmem:v39+s14+$0x0], $0xffff  }
0x168: {  	[tilespmem:$0x1FE50] =	vst v3;
	v59 =	vsub.bf16 v11, v38;
	v11 =	vsub.bf16 v50, v51;
	v7 =	vmul.bf16 v33, v5;
	v39 =	vld [tilespmem:s6+$0xFFFFF7E0]  }
0x169: {  	v51 =	vadd.bf16 v12, v27;
	v53 =	vadd.bf16 v1, v27;
	v4 =	vor.u32 v18, v17;
	v21 =	vld.idx.msk [tilespmem:v62+s14+$0x0], $0xffff  }
0x16a: {  	v52 =	vor.u32 v22, v17;
	v22 =	vld.idx.msk [tilespmem:v55+s14+$0x0], $0xffff;
	v55 =	vpack.i.f32.bf16 v10, v10;
	v1 =	vmul.bf16 v42, v46  }
0x16b: {  	v6 =	vadd.bf16 v6, v27;
	v38 =	vor.u32 v19, v17;
	v23 =	vld.idx.msk [tilespmem:v14+s14+$0x0], $0xffff;
	v3 =	vmul.bf16 v2, v55  }
0x16c: {  	[tilespmem:$0x1FE20] =	vst v56;
	v50 =	vadd.bf16 v44, v63;
	v2 =	vmul.bf16 v1, v45;
	v63 =	vmul.bf16 v48, v1;
	v1 =	vld [tilespmem:$0x1FE50]  }
0x16d: {  	v56 =	vadd.bf16 v13, v27;
	v54 =	vadd.bf16 v11, v15;
	v15 =	vor.u32 v20, v17;
	v0 =	vld.idx.msk [tilespmem:v0+s14+$0x0], $0xffff  }
0x16e: {  	v14 =	vld.idx.msk [tilespmem:v4+s14+$0x0], $0xffff;
	v10 =	vpack.i.f32.bf16 v8, v8;
	v11 =	vmul.bf16 v43, v55;
	v42 =	vpack.i.f32.bf16 v57, v57  }
0x16f: {  	v37 =	vor.u32 v9, v17;
	v13 =	vld.idx.msk [tilespmem:v52+s14+$0x0], $0xffff;
	v57 =	vmul.bf16 v21, v42;
	v44 =	vmul.bf16 v22, v10  }
0x170: {  	v12 =	vld.idx.msk [tilespmem:v38+s14+$0x0], $0xffff;
	v38 =	vadd.bf16 v60, v6;
	v52 =	vmul.bf16 v23, v42;
	v33 =	vmul.bf16 v3, v39  }
0x171: {  	s29 =	simm.s32 $0x2;
	s28 =	simm.s32 $0x155F0;
	v60 =	vld.idx.msk [tilespmem:v16+s14+$0x0], $0xffff;
	v43 =	vmul.bf16 v3, v30;
	v62 =	vmul.bf16 v57, v35;
	v16 =	vadd.bf16 v7, v1  }
.LBB2_5:
0x172: {  	v3 =	vld.idx.msk [tilespmem:v15+s14+$0x0], $0xffff  }
0x173: {  	v6 =	vld.idx.msk [tilespmem:v47+s14+$0x0], $0xffff  }
0x174: {  	v17 =	vld.idx.msk [tilespmem:v40+s14+$0x0], $0xffff  }
0x175: {  	v1 =	vmul.bf16 v58, v46;
	v58 =	vld [tilespmem:s28+$0xFFFFFFA0]  }
0x176: {  	v37 =	vld.idx.msk [tilespmem:v37+s14+$0x0], $0xffff  }
0x177: {  	v9 =	vld [tilespmem:$0x1FDF0];
	v4 =	vmul.bf16 v14, v42  }
0x178: {  	v21 =	vld [tilespmem:$0x1FF90];
	v53 =	vadd.bf16 v50, v53;
	v5 =	vmul.bf16 v11, v48  }
0x179: {  	v8 =	vadd.bf16 v16, v31;
	v14 =	vld [tilespmem:s28+$0xFFFFFFF0];
	v40 =	vmul.bf16 v11, v45;
	v50 =	vmul.bf16 v26, v4  }
0x17a: {  	v22 =	vadd.bf16 v59, v27;
	v16 =	vld [tilespmem:s28+$0xFFFFF7C0];
	v7 =	vmul.bf16 v36, v52;
	v15 =	vmul.bf16 v4, v29  }
0x17b: {  	s6 =	sadd.s32 $0x80, s6;
	v20 =	vld [tilespmem:$0x1FFB0];
	v2 =	vsub.bf16 v2, v5;
	v23 =	vmul.bf16 v1, v61;
	v1 =	vmul.bf16 v28, v1  }
0x17c: {  	v45 =	vld [tilespmem:s6+$0xFFFFF800];
	v27 =	vadd.bf16 v41, v22;
	v13 =	vmul.bf16 v13, v10;
	v11 =	vmul.bf16 v12, v10  }
0x17d: {  	v59 =	vld [tilespmem:$0x1FE00];
	v0 =	vmul.bf16 v0, v55;
	v54 =	vadd.bf16 v2, v54;
	v2 =	vmul.bf16 v3, v10  }
0x17e: {  	v48 =	vld [tilespmem:s6+$0xFFFFF7D0];
	v12 =	vadd.bf16 v49, v51;
	v41 =	vmul.bf16 v6, v55;
	v55 =	vmul.bf16 v13, v14  }
0x17f: {  	v49 =	vld [tilespmem:s28+$0xFFFFFF90];
	v3 =	vadd.bf16 v63, v40;
	v10 =	vmul.bf16 v0, v16;
	v63 =	vmul.bf16 v11, v25  }
0x180: {  	v22 =	vld [tilespmem:$0x1FFE0];
	v0 =	vmul.bf16 v0, v24;
	v13 =	vmul.bf16 v13, v35  }
0x181: {  	v35 =	vld [tilespmem:s6+$0xFFFFFFB0];
	v31 =	vadd.bf16 v3, v8;
	v8 =	vmul.bf16 v17, v46;
	v17 =	vmul.bf16 v41, v61  }
0x182: {  	v56 =	vadd.bf16 v34, v56;
	v14 =	vmul.bf16 v14, v57;
	v4 =	vmul.bf16 v41, v28;
	v28 =	vld [tilespmem:s6+$0xFFFFF7F0]  }
0x183: {  	s0 =	smov.u32 s29;
	v3 =	vmul.bf16 v2, v36;
	v36 =	vld [tilespmem:s6+$0xFFFFFFE0];
	v1 =	vadd.bf16 v1, v17;
	v17 =	vmul.bf16 v60, v46  }
0x184: {  	v6 =	vsub.bf16 v62, v55;
	v62 =	vld [tilespmem:s6+$0xFFFFFFD0];
	v18 =	vmul.bf16 v11, v49;
	v11 =	vmov s0  }
0x185: {  	v34 =	vadd.bf16 v14, v13;
	v14 =	vmul.bf16 v17, v16;
	v16 =	vperm.xlane v9, v11;
	v9 =	vld [tilespmem:$0x1FE10]  }
0x186: {  	v19 =	vlaneseq.u32;
	v55 =	vld [tilespmem:$0x1FFC0]  }
0x187: {  	v4 =	vsub.bf16 v23, v4;
	v23 =	vld [tilespmem:$0x1FFF0];
	v0 =	vsub.bf16 v14, v0;
	v14 =	vshll.u32 v16, $0x7  }
0x188: {  	v2 =	vmul.bf16 v2, v58;
	v46 =	vld [tilespmem:s6+$0x0];
	v51 =	vor.u32 v19, v14  }
0x189: {  	v13 =	vmul.bf16 v8, v30;
	v8 =	vmul.bf16 v39, v8;
	v39 =	vld [tilespmem:$0x1FFD0]  }
0x18a: {  	v61 =	vmul.bf16 v52, v58;
	v16 =	vperm.xlane v9, v11;
	v9 =	vld [tilespmem:$0x1FFA0]  }
0x18b: {  	v57 =	vmul.bf16 v37, v42;
	v60 =	vmul.bf16 v44, v29;
	v29 =	vld [tilespmem:s6+$0xFFFFFFC0];
	v42 =	vor.u32 v20, v14  }
0x18c: {  	v7 =	vadd.bf16 v7, v2;
	v30 =	vld [tilespmem:s6+$0xFFFFF7A0];
	v41 =	vsub.bf16 v61, v3;
	v52 =	vor.u32 v23, v14  }
0x18d: {  	v8 =	vadd.bf16 v8, v43;
	v40 =	vor.u32 v21, v14;
	v47 =	vor.u32 v55, v14;
	v43 =	vld.idx.msk [tilespmem:v51+s14+$0x0], $0xffff  }
0x18e: {  	v3 =	vor.u32 v39, v14;
	v61 =	vor.u32 v22, v14;
	v16 =	vshll.u32 v16, $0x7;
	v51 =	vld [tilespmem:$0x1FE30]  }
0x18f: {  	v37 =	vor.u32 v19, v16;
	v19 =	vmul.bf16 v57, v49;
	v49 =	vld [tilespmem:$0x1FE20];
	v2 =	vor.u32 v9, v14  }
0x190: {  	v58 =	vld.idx.msk [tilespmem:v42+s14+$0x0], $0xffff;
	v14 =	vmul.bf16 v24, v17;
	v17 =	vmul.bf16 v44, v26;
	v44 =	vor.u32 v20, v16  }
0x191: {  	v5 =	vperm.xlane v59, v11;
	v4 =	vadd.bf16 v4, v32;
	v56 =	vadd.bf16 v1, v56;
	v52 =	vld.idx.msk [tilespmem:v52+s14+$0x0], $0xffff  }
0x192: {  	v59 =	vor.u32 v21, v16;
	v21 =	vor.u32 v22, v16;
	v42 =	vor.u32 v39, v16;
	v39 =	vld [tilespmem:s6+$0xFFFFF7E0]  }
0x193: {  	v22 =	vperm.xlane v51, v11;
	v51 =	vadd.bf16 v0, v12;
	v0 =	vadd.bf16 v14, v10;
	v10 =	vld [tilespmem:$0x1FE40]  }
0x194: {  	v50 =	vadd.bf16 v50, v60;
	v24 =	vmov v45;
	v45 =	vld [tilespmem:s6+$0xFFFFF790];
	v1 =	vsub.bf16 v19, v63  }
0x195: {  	v8 =	vadd.bf16 v8, v38;
	v26 =	vmov v46;
	v46 =	vpack.i.f32.bf16 v5, v5;
	v5 =	vld.idx.msk [tilespmem:v44+s14+$0x0], $0xffff  }
0x196: {  	v32 =	vadd.bf16 v6, v4;
	v23 =	vor.u32 v23, v16;
	v54 =	vadd.bf16 v1, v54;
	v2 =	vld.idx.msk [tilespmem:v2+s14+$0x0], $0xffff  }
0x197: {  	v20 =	vperm.xlane v49, v11;
	v12 =	vor.u32 v55, v16;
	v49 =	vsub.bf16 v15, v17;
	v21 =	vld.idx.msk [tilespmem:v21+s14+$0x0], $0xffff  }
0x198: {  	v17 =	vmul.bf16 v43, v46;
	v6 =	vld.idx.msk [tilespmem:v59+s14+$0x0], $0xffff;
	v15 =	vor.u32 v9, v16;
	v10 =	vperm.xlane v10, v11  }
0x199: {  	p2 =	sne.s32 s29, $0xF;
	v14 =	vld.idx.msk [tilespmem:v42+s14+$0x0], $0xffff;
	v16 =	vmul.bf16 v25, v57;
	v53 =	vadd.bf16 v0, v53;
	v42 =	vpack.i.f32.bf16 v20, v20  }
.Ltmp3:
0x19a: {  	v60 =	vld.idx.msk [tilespmem:v3+s14+$0x0], $0xffff;
	v63 =	vmul.bf16 v48, v17;
	v55 =	vpack.i.f32.bf16 v10, v10;
	v57 =	vmul.bf16 v5, v42;
	(pc) =	sbr.rel @p2 .LBB2_5-.Ltmp3, $4  }
0x19b: {  	v0 =	vld.idx.msk [tilespmem:v61+s14+$0x0], $0xffff;
	v10 =	vpack.i.f32.bf16 v22, v22;
	v38 =	vmul.bf16 v2, v55;
	v2 =	vmul.bf16 v17, v45  }
0x19c: {  	v59 =	vsub.bf16 v13, v33;
	v25 =	vmovc v62;
	v61 =	vld [tilespmem:s6+$0xFFFFF7B0];
	v11 =	vmul.bf16 v52, v55;
	v44 =	vmul.bf16 v21, v10  }
0x19d: {  	v16 =	vadd.bf16 v16, v18;
	v13 =	vld.idx.msk [tilespmem:v12+s14+$0x0], $0xffff;
	v52 =	vmul.bf16 v6, v42;
	v62 =	vmul.bf16 v57, v35  }
0x19e: {  	s29 =	sadd.s32 $0x1, s29;
	s28 =	smov.u32 s6;
	v12 =	vld.idx.msk [tilespmem:v23+s14+$0x0], $0xffff;
	v33 =	vmul.bf16 v38, v39;
	v43 =	vmul.bf16 v38, v30;
	v38 =	vadd.bf16 v7, v8  }
0x19f: {  	_ =	sdelay $0x3  }
0x1a0: {  	v1 =	vld.idx.msk [tilespmem:v15+s14+$0x0], $0xffff  }
0x1a1: {  	v3 =	vmul.bf16 v14, v42;
	v4 =	vmul.bf16 v58, v46;
	v6 =	vld.idx.msk [tilespmem:v47+s14+$0x0], $0xffff  }
0x1a2: {  	v5 =	vmul.bf16 v11, v48;
	v7 =	vmul.bf16 v36, v52;
	v8 =	vld [tilespmem:s28+$0xFFFFFFF0];
	v15 =	vadd.bf16 v50, v53  }
0x1a3: {  	v18 =	vld [tilespmem:s28+$0xFFFFF7C0];
	v16 =	vadd.bf16 v16, v31;
	v11 =	vmul.bf16 v11, v45;
	v0 =	vmul.bf16 v0, v55  }
0x1a4: {  	v19 =	vadd.bf16 v59, v27;
	v20 =	vld.idx.msk [tilespmem:v40+s14+$0x0], $0xffff;
	v14 =	vmul.bf16 v3, v29;
	v17 =	vmul.bf16 v4, v61  }
0x1a5: {  	v58 =	vadd.bf16 v34, v56;
	v4 =	vmul.bf16 v28, v4;
	v13 =	vmul.bf16 v13, v10  }
0x1a6: {  	v23 =	vadd.bf16 v49, v51;
	v12 =	vmul.bf16 v12, v10;
	v1 =	vmul.bf16 v1, v10  }
0x1a7: {  	v2 =	vsub.bf16 v2, v5;
	v6 =	vmul.bf16 v6, v55;
	v10 =	vmul.bf16 v13, v8  }
0x1a8: {  	v31 =	vld [tilespmem:s28+$0xFFFFFFA0];
	v19 =	vadd.bf16 v41, v19;
	v21 =	vmul.bf16 v0, v18;
	v0 =	vmul.bf16 v0, v24  }
0x1a9: {  	v11 =	vadd.bf16 v63, v11;
	v63 =	vld.idx.msk [tilespmem:v37+s14+$0x0], $0xffff;
	v20 =	vmul.bf16 v20, v46;
	v13 =	vmul.bf16 v13, v35  }
0x1aa: {  	v2 =	vadd.bf16 v2, v54;
	v8 =	vmul.bf16 v8, v57;
	v22 =	vmul.bf16 v12, v25  }
0x1ab: {  	v11 =	vadd.bf16 v11, v16;
	v59 =	vmul.bf16 v6, v61;
	v61 =	vmul.bf16 v60, v46  }
0x1ac: {  	v27 =	vmul.bf16 v1, v36;
	v6 =	vmul.bf16 v6, v28;
	v10 =	vsub.bf16 v62, v10  }
0x1ad: {  	v8 =	vadd.bf16 v8, v13;
	v1 =	vmul.bf16 v1, v31;
	v16 =	vmul.bf16 v61, v18;
	v18 =	vld [tilespmem:s28+$0xFFFFFF90]  }
0x1ae: {  	v13 =	vmul.bf16 v39, v20;
	v36 =	vmul.bf16 v63, v42;
	v4 =	vadd.bf16 v4, v59  }
0x1af: {  	v6 =	vsub.bf16 v17, v6;
	v1 =	vadd.bf16 v7, v1;
	v17 =	vmul.bf16 v24, v61  }
0x1b0: {  	v13 =	vadd.bf16 v13, v43;
	v24 =	vmul.bf16 v44, v26;
	v0 =	vsub.bf16 v16, v0  }
0x1b1: {  	v20 =	vmul.bf16 v20, v30;
	v6 =	vadd.bf16 v6, v32;
	v17 =	vadd.bf16 v17, v21  }
0x1b2: {  	v14 =	vsub.bf16 v14, v24;
	v13 =	vadd.bf16 v13, v38;
	v37 =	vmul.bf16 v36, v18  }
0x1b3: {  	v15 =	vadd.bf16 v17, v15;
	v6 =	vadd.bf16 v10, v6  }
0x1b4: {  	v16 =	vmul.bf16 v52, v31;
	v17 =	vsub.bf16 v20, v33;
	v10 =	vsub.bf16 v37, v22  }
0x1b5: {  	v4 =	vadd.bf16 v4, v58;
	v38 =	vmul.bf16 v25, v36;
	v12 =	vmul.bf16 v12, v18  }
0x1b6: {  	v2 =	vadd.bf16 v10, v2;
	v10 =	vadd.bf16 v17, v19;
	v17 =	vld [tilespmem:$0x1FF40]  }
0x1b7: {  	v16 =	vsub.bf16 v16, v27;
	v5 =	vadd.bf16 v38, v12  }
0x1b8: {  	v0 =	vadd.bf16 v0, v23;
	v1 =	vadd.bf16 v1, v13;
	v12 =	vld [tilespmem:$0x17E40]  }
0x1b9: {  	v4 =	vadd.bf16 v8, v4;
	v13 =	vld [tilespmem:$0x17EC0];
	v5 =	vadd.bf16 v5, v11  }
0x1ba: {  	v8 =	vunpack.i.l.bf16.f32 v2;
	v10 =	vadd.bf16 v16, v10;
	v2 =	vunpack.i.u.bf16.f32 v2;
	v16 =	vld [tilespmem:$0x1FF00]  }
0x1bb: {  	v2 =	vmul.f32 v2, v17  }
0x1bc: {  	v39 =	vld [tilespmem:$0x17E00];
	v0 =	vadd.bf16 v14, v0;
	v14 =	vunpack.i.l.bf16.f32 v5;
	v5 =	vunpack.i.u.bf16.f32 v5  }
0x1bd: {  	v5 =	vmul.f32 v5, v17;
	v2 =	vadd.f32 v12, v2  }
0x1be: {  	v3 =	vmul.bf16 v26, v3;
	v26 =	vmul.bf16 v44, v29;
	v11 =	vld [tilespmem:$0x17E80]  }
0x1bf: {  	v8 =	vmul.f32 v8, v16;
	[tilespmem:$0x181C0] =	vst v2;
	v2 =	vadd.f32 v13, v5;
	v13 =	vld [tilespmem:$0x1FF50]  }
0x1c0: {  	v3 =	vadd.bf16 v3, v26;
	v17 =	vld [tilespmem:$0x1FF10]  }
0x1c1: {  	v7 =	vadd.f32 v39, v8;
	v8 =	vmul.f32 v14, v16;
	v14 =	vld [tilespmem:$0x17E50]  }
0x1c2: {  	v3 =	vadd.bf16 v3, v15;
	v15 =	vld [tilespmem:$0x17E10]  }
0x1c3: {  	v40 =	vadd.f32 v11, v8;
	v8 =	vunpack.i.u.bf16.f32 v10  }
0x1c4: {  	v12 =	vunpack.i.l.bf16.f32 v10;
	v8 =	vmul.f32 v8, v13  }
0x1c5: {  	v10 =	vmul.f32 v12, v17;
	v11 =	vld [tilespmem:$0x17ED0]  }
0x1c6: {  	[tilespmem:$0x183C0] =	vst v2;
	v2 =	vadd.f32 v14, v8;
	v14 =	vld [tilespmem:$0x1FF20]  }
0x1c7: {  	v42 =	vadd.f32 v15, v10;
	v15 =	vld [tilespmem:$0x1FF60];
	_ =	sdelay $0x1  }
0x1c8: {  	v41 =	vunpack.i.l.bf16.f32 v1;
	v1 =	vunpack.i.u.bf16.f32 v1;
	v10 =	vld [tilespmem:$0x17E60]  }
0x1c9: {  	v12 =	vld [tilespmem:$0x17E20];
	v1 =	vmul.f32 v1, v13;
	v8 =	vunpack.i.l.bf16.f32 v6  }
0x1ca: {  	v6 =	vunpack.i.u.bf16.f32 v6;
	v43 =	vmul.f32 v8, v14;
	v8 =	vld [tilespmem:$0x17EE0]  }
0x1cb: {  	v1 =	vadd.f32 v11, v1;
	v6 =	vmul.f32 v6, v15  }
0x1cc: {  	v16 =	vld [tilespmem:$0x17E90];
	[tilespmem:$0x181D0] =	vst v2;
	v2 =	vunpack.i.l.bf16.f32 v4;
	v4 =	vunpack.i.u.bf16.f32 v4  }
0x1cd: {  	v13 =	vld [tilespmem:$0x17EA0];
	[tilespmem:$0x183D0] =	vst v1;
	v4 =	vmul.f32 v4, v15;
	v1 =	vadd.f32 v10, v6  }
0x1ce: {  	v44 =	vadd.f32 v12, v43;
	v12 =	vld [tilespmem:$0x1FF30]  }
0x1cf: {  	v5 =	vmul.f32 v41, v17;
	[tilespmem:$0x181E0] =	vst v1;
	v1 =	vadd.f32 v8, v4;
	v8 =	vld [tilespmem:$0x1FF70]  }
0x1d0: {  	[tilespmem:$0x18180] =	vst v7;
	v11 =	vld [tilespmem:$0x17E30]  }
0x1d1: {  	v45 =	vld [tilespmem:$0x17E70];
	[tilespmem:$0x18380] =	vst v40;
	v5 =	vadd.f32 v16, v5;
	v2 =	vmul.f32 v2, v14  }
0x1d2: {  	v46 =	vunpack.i.l.bf16.f32 v0;
	[tilespmem:$0x18190] =	vst v42;
	v10 =	vld [tilespmem:$0x17EB0]  }
0x1d3: {  	v48 =	vld [tilespmem:$0x17EF0];
	v0 =	vunpack.i.u.bf16.f32 v0;
	[tilespmem:$0x18390] =	vst v5;
	v2 =	vadd.f32 v13, v2;
	v47 =	vmul.f32 v46, v12  }
0x1d4: {  	v49 =	vunpack.i.l.bf16.f32 v3;
	[tilespmem:$0x181A0] =	vst v44;
	v0 =	vmul.f32 v0, v8  }
0x1d5: {  	[tilespmem:$0x183A0] =	vst v2;
	v2 =	vunpack.i.u.bf16.f32 v3;
	v4 =	vmul.f32 v49, v12;
	v3 =	vadd.f32 v11, v47  }
0x1d6: {  	[tilespmem:$0x183E0] =	vst v1;
	v1 =	vmul.f32 v2, v8;
	v0 =	vadd.f32 v45, v0  }
0x1d7: {  	s0 =	sshll.u32 s16, $0x4;
	v2 =	vadd.f32 v10, v4;
	[tilespmem:$0x181B0] =	vst v3  }
0x1d8: {  	s0 =	sand.u32 $0x50, s0;
	[tilespmem:$0x181F0] =	vst v0;
	v0 =	vadd.f32 v48, v1  }
0x1d9: {  	s0 =	sadd.s32 s3, s0;
	[tilespmem:$0x183B0] =	vst v2  }
0x1da: {  	s0 =	sadd.s32 s11, s0;
	[tilespmem:$0x183F0] =	vst v0  }
0x1db: {  	[hbm4b:s0+s5] =	stream.linear.scatter [tilespmem:s18], [sflag:$0xB], $0x80, $0x38;
	[tilespmem:$0x18500] =	vst v63  }
0x1dc: {  	s0 =	sadd.s32 $0x80, s0  }
0x1dd: {  	[hbm4b:s0+s5] =	stream.linear.scatter [tilespmem:s19], [sflag:$0xB], $0x80, $0x38;
	[tilespmem:$0x18500] =	vst v63  }
0x1de: {  	s6 =	simm.s32 @!p1 $0x20;
	s16 =	simm.s32 @!p1 $0x14D00;
	s0 =	sadd.s32 @!p1 $0x300, s10  }
0x1df: {  	[tilespmem:s16], [sflag:$0x3] =	stream.indirect.gather @!p1 [hbm4b:s8+s6], $0x80, s0, s6, $0xb8;
	[tilespmem:$0x18500] =	vst v63  }
0x1e0: {  	v0 =	vld.msk @!p1 [tilespmem:s10+$0x360], $0x1;
	_ =	sdelay $0x4  }
0x1e1: {  	v1 =	vshll.u32 @!p1 v0, $0x1  }
0x1e2: {  	v0 =	vand.u32 @!p1 $0x7, v0;
	v1 =	vand.u32 @!p1 $0xFFFFFFF0, v1  }
0x1e3: {  	v2 =	vlaneseq.u32 @!p1;
	v0 =	vor.u32 @!p1 v0, v1;
	v1 =	vimm.s32 @!p1 $0x0  }
0x1e4: {  	v0 =	vperm.xlane @!p1 v0, v1;
	v1 =	vmul.u32 @!p1 $0x8, v2;
	_ =	sdelay $0x1  }
0x1e5: {  	v0 =	vadd.s32 @!p1 v1, v0;
	_ =	sdelay $0x3  }
0x1e6: {  	s0 =	simm.s32 @!p1 $0x0;
	s6 =	simm.s32 @!p1 $0x17E00  }
0x1e7: {  	[tilespmem:s6], [sflag:$0x7] =	stream.indirect_vreg.gather @!p1 [hbm4b:s1+s0], $0x80, v0, vm1, $0xb8;
	[tilespmem:$0x18500] =	vst v63  }
0x1e8: {  	_ =	swait.ge [sflag:s20], $0x1000  }
0x1e9: {  	[sflag:s20] =	ssyncset.done $0x0  }
0x1ea: {  	[sflag:s20] =	ssyncadd.s32 $0xFFFFF000  }
0x1eb: {  	_ =	swait.ge [sflag:s21], $0x100  }
0x1ec: {  	[sflag:s21] =	ssyncset.done $0x0  }
0x1ed: {  	s0 =	simm.s32 @!p0 $0xC;
	[sflag:s21] =	ssyncadd.s32 $0xFFFFFF00  }
0x1ee: {  	_ =	swait.ge @!p0 [sflag:s0], $0x100  }
0x1ef: {  	v20 =	vld [tilespmem:$0x1FFA0]  }
0x1f0: {  	s16 =	sor.u32 $0x2, s12;
	v23 =	vld [tilespmem:$0x1FFB0]  }
0x1f1: {  	s6 =	sshll.u32 s16, $0x7;
	[sflag:s0] =	ssyncset.done @!p0 $0x0;
	v19 =	vld [tilespmem:$0x1FFF0]  }
0x1f2: {  	s6 =	sand.u32 $0x3FFFFF80, s6;
	v55 =	vld [tilespmem:$0x1FFE0];
	[sflag:s0] =	ssyncadd.s32 @!p0 $0xFFFFFF00  }
0x1f3: {  	v0 =	vld [tilespmem:s6+$0xA0]  }
0x1f4: {  	v21 =	vld [tilespmem:$0x1FF90]  }
0x1f5: {  	v18 =	vld [tilespmem:$0x1FFD0]  }
0x1f6: {  	v22 =	vld [tilespmem:$0x1FFC0]  }
0x1f7: {  	s0 =	simm.s32 $0x0;
	v1 =	vld [tilespmem:s6+$0xB0]  }
0x1f8: {  	v47 =	vld [tilespmem:s6+$0xC0];
	v2 =	vmov s0;
	v48 =	vshrl.u32 v0, $0x1  }
0x1f9: {  	v56 =	vld [tilespmem:s6+$0xD0];
	s6 =	simm.s32 $0x16570;
	v3 =	vperm.xlane v48, v2  }
0x1fa: {  	v33 =	vld [tilespmem:s6+$0xFFFFFFD0]  }
0x1fb: {  	v9 =	vlaneseq.u32;
	v4 =	vld [tilespmem:s6+$0xFFFFF7F0];
	v3 =	vshll.u32 v3, $0x7  }
0x1fc: {  	v32 =	vld [tilespmem:s6+$0x0];
	v53 =	vshrl.u32 v1, $0x1;
	v50 =	vor.u32 v9, v3  }
0x1fd: {  	v5 =	vld [tilespmem:s6+$0xFFFFFFC0];
	v11 =	vperm.xlane v53, v2;
	v8 =	vor.u32 v20, v3  }
0x1fe: {  	v10 =	vld [tilespmem:s6+$0xFFFFFFB0];
	v0 =	vand.u32 $0x1, v0;
	v1 =	vand.u32 $0x1, v1;
	v13 =	vor.u32 v23, v3  }
0x1ff: {  	v12 =	vld [tilespmem:s6+$0xFFFFF7A0];
	v0 =	vcvt.s32.f32 v0;
	v11 =	vshll.u32 v11, $0x7;
	v14 =	vor.u32 v19, v3  }
0x200: {  	v16 =	vld [tilespmem:s6+$0xFFFFF790];
	v1 =	vcvt.s32.f32 v1;
	v17 =	vor.u32 v23, v11  }
0x201: {  	v0 =	vadd.f32 v0, v0;
	v24 =	vor.u32 v55, v11;
	v6 =	vld.idx.msk [tilespmem:v50+s14+$0x0], $0xffff  }
0x202: {  	v1 =	vadd.f32 v1, v1;
	v25 =	vor.u32 v18, v11;
	v8 =	vld.idx.msk [tilespmem:v8+s14+$0x0], $0xffff  }
0x203: {  	v0 =	vsub.f32 $1.000000000e+00, v0;
	v13 =	vld.idx.msk [tilespmem:v13+s14+$0x0], $0xffff  }
0x204: {  	v1 =	vsub.f32 $1.000000000e+00, v1;
	v14 =	vld.idx.msk [tilespmem:v14+s14+$0x0], $0xffff  }
0x205: {  	v26 =	vperm.xlane v47, v2;
	v27 =	vor.u32 v55, v3;
	v61 =	vmul.f32 v0, v47;
	v17 =	vld.idx.msk [tilespmem:v17+s14+$0x0], $0xffff  }
0x206: {  	v31 =	vperm.xlane v56, v2;
	v30 =	vor.u32 v22, v11;
	v59 =	vmul.f32 v1, v56;
	v24 =	vld.idx.msk [tilespmem:v24+s14+$0x0], $0xffff  }
0x207: {  	v28 =	vperm.xlane v61, v2;
	v25 =	vld.idx.msk [tilespmem:v25+s14+$0x0], $0xffff  }
0x208: {  	v29 =	vld [tilespmem:s6+$0xFFFFF7E0];
	v39 =	vpack.i.f32.bf16 v31, v31;
	v1 =	vpack.i.f32.bf16 v26, v26;
	v2 =	vperm.xlane v59, v2  }
0x209: {  	v15 =	vld [tilespmem:s6+$0xFFFFF7D0];
	v0 =	vor.u32 v21, v11;
	v26 =	vpack.i.f32.bf16 v28, v28;
	v6 =	vmul.bf16 v6, v1  }
0x20a: {  	v58 =	vld.idx.msk [tilespmem:v27+s14+$0x0], $0xffff;
	v2 =	vpack.i.f32.bf16 v2, v2;
	v8 =	vmul.bf16 v8, v26;
	v14 =	vmul.bf16 v14, v26  }
0x20b: {  	v52 =	vor.u32 v20, v11;
	v27 =	vld.idx.msk [tilespmem:v30+s14+$0x0], $0xffff;
	v17 =	vmul.bf16 v17, v39;
	v42 =	vmul.bf16 v24, v2  }
0x20c: {  	v30 =	vld [tilespmem:s6+$0xFFFFF7B0];
	v28 =	vor.u32 v19, v11;
	v25 =	vmul.bf16 v25, v39;
	v13 =	vmul.bf16 v13, v1  }
0x20d: {  	v63 =	vld [tilespmem:s6+$0xFFFFFFF0];
	v54 =	vor.u32 v22, v3;
	v57 =	vmul.bf16 v6, v16;
	v38 =	vmul.bf16 v8, v29  }
0x20e: {  	v0 =	vld.idx.msk [tilespmem:v0+s14+$0x0], $0xffff;
	v6 =	vmul.bf16 v15, v6;
	v8 =	vmul.bf16 v8, v12  }
0x20f: {  	v7 =	vld [tilespmem:s6+$0xFFFFFFE0];
	v60 =	vmul.bf16 v17, v10;
	v15 =	vmul.bf16 v14, v15  }
0x210: {  	v31 =	vld.idx.msk [tilespmem:v52+s14+$0x0], $0xffff;
	v43 =	vmul.bf16 v25, v5;
	v44 =	vmul.bf16 v32, v25  }
0x211: {  	v24 =	vor.u32 v21, v3;
	v28 =	vld.idx.msk [tilespmem:v28+s14+$0x0], $0xffff;
	v45 =	vmul.bf16 v13, v30;
	v13 =	vmul.bf16 v4, v13  }
0x212: {  	v62 =	vld.idx.msk [tilespmem:v54+s14+$0x0], $0xffff;
	v11 =	vor.u32 v9, v11;
	v25 =	vmul.bf16 v27, v2;
	v14 =	vmul.bf16 v14, v16  }
0x213: {  	v46 =	vld [tilespmem:s6+$0xFFFFF7C0];
	v3 =	vor.u32 v18, v3;
	v17 =	vmul.bf16 v63, v17;
	v0 =	vmul.bf16 v0, v39  }
0x214: {  	v49 =	vld [tilespmem:s6+$0xFFFFF800];
	v15 =	vsub.bf16 v57, v15;
	v57 =	vmul.bf16 v25, v63;
	v10 =	vmul.bf16 v25, v10  }
0x215: {  	v50 =	vld [tilespmem:s6+$0xFFFFFF90];
	v63 =	vmul.bf16 v42, v5;
	v35 =	vmul.bf16 v7, v0  }
0x216: {  	s0 =	simm.s32 $0x1;
	v24 =	vld.idx.msk [tilespmem:v24+s14+$0x0], $0xffff;
	v34 =	vadd.bf16 v17, v10;
	v16 =	vmul.bf16 v28, v2;
	v28 =	vmul.bf16 v58, v26  }
0x217: {  	v5 =	vld.idx.msk [tilespmem:v11+s14+$0x0], $0xffff;
	v10 =	vmov s0;
	v2 =	vmul.bf16 v31, v2;
	v26 =	vmul.bf16 v62, v26  }
0x218: {  	v3 =	vld.idx.msk [tilespmem:v3+s14+$0x0], $0xffff;
	v52 =	vsub.bf16 v60, v57;
	v17 =	vperm.xlane v48, v10;
	v57 =	vperm.xlane v53, v10  }
0x219: {  	v6 =	vadd.bf16 v6, v14;
	v14 =	vmul.bf16 v28, v46;
	v51 =	vmul.bf16 v16, v33  }
0x21a: {  	v27 =	vimm.bf16 $0.0e+00;
	v58 =	vmul.bf16 v28, v49;
	v28 =	vmul.bf16 v26, v30;
	v30 =	vld [tilespmem:s6+$0xFFFFFFA0];
	s6 =	simm.s32 $0x165F0  }
0x21b: {  	v31 =	vadd.bf16 v6, v27;
	v7 =	vmul.bf16 v2, v7;
	v37 =	vmul.bf16 v24, v1;
	v24 =	vld [tilespmem:s6+$0xFFFFF800]  }
0x21c: {  	v4 =	vmul.bf16 v26, v4;
	v17 =	vshll.u32 v17, $0x7;
	v5 =	vmul.bf16 v5, v39;
	v25 =	vld [tilespmem:s6+$0xFFFFFFD0]  }
0x21d: {  	v1 =	vmul.bf16 v3, v1;
	v3 =	vmul.bf16 v16, v50;
	v26 =	vld [tilespmem:s6+$0x0];
	v54 =	vor.u32 v19, v17  }
0x21e: {  	v36 =	vld [tilespmem:s6+$0xFFFFFFE0];
	v40 =	vor.u32 v21, v17;
	v39 =	vor.u32 v23, v17;
	v16 =	vor.u32 v18, v17  }
0x21f: {  	[tilespmem:$0x1FD80] =	vst v48;
	v48 =	vld [tilespmem:s6+$0xFFFFF7D0];
	v13 =	vadd.bf16 v13, v28;
	v11 =	vmul.bf16 v37, v12;
	v12 =	vmul.bf16 v1, v46  }
0x220: {  	v28 =	vld [tilespmem:s6+$0xFFFFF7F0];
	v4 =	vsub.bf16 v45, v4;
	v46 =	vperm.xlane v47, v10;
	v6 =	vmul.bf16 v29, v37  }
0x221: {  	[tilespmem:$0x1FD90] =	vst v47;
	v45 =	vld [tilespmem:s6+$0xFFFFF790];
	v47 =	vor.u32 v22, v17;
	v2 =	vmul.bf16 v2, v30;
	v12 =	vsub.bf16 v12, v58  }
0x222: {  	v29 =	vld [tilespmem:s6+$0xFFFFFFC0];
	v0 =	vmul.bf16 v0, v30;
	v58 =	vor.u32 v9, v17;
	v6 =	vadd.bf16 v6, v8  }
0x223: {  	v30 =	vld [tilespmem:s6+$0xFFFFF7A0];
	v8 =	vmul.bf16 v42, v32;
	v60 =	vadd.bf16 v35, v2;
	v2 =	vor.u32 v20, v17  }
0x224: {  	v1 =	vmul.bf16 v49, v1;
	v35 =	vld [tilespmem:s6+$0xFFFFFFB0];
	v41 =	vsub.bf16 v0, v7;
	v0 =	vor.u32 v55, v17  }
0x225: {  	[tilespmem:$0x1FDA0] =	vst v53;
	v17 =	vshll.u32 v57, $0x7;
	v57 =	vperm.xlane v56, v10;
	v49 =	vsub.bf16 v43, v8;
	v43 =	vld.idx.msk [tilespmem:v54+s14+$0x0], $0xffff  }
0x226: {  	[tilespmem:$0x1FDD0] =	vst v61;
	v8 =	vperm.xlane v59, v10;
	v10 =	vperm.xlane v61, v10;
	v61 =	vld [tilespmem:s6+$0xFFFFF7B0];
	v62 =	vor.u32 v23, v17  }
0x227: {  	[tilespmem:$0x1FDC0] =	vst v59;
	v4 =	vadd.bf16 v4, v27;
	v55 =	vor.u32 v55, v17;
	v42 =	vld.idx.msk [tilespmem:v58+s14+$0x0], $0xffff  }
0x228: {  	v50 =	vmul.bf16 v5, v50;
	v1 =	vadd.bf16 v1, v14;
	v14 =	vor.u32 v21, v17;
	v2 =	vld.idx.msk [tilespmem:v2+s14+$0x0], $0xffff  }
0x229: {  	v15 =	vadd.bf16 v15, v27;
	v46 =	vpack.i.f32.bf16 v46, v46;
	v32 =	vadd.bf16 v52, v4;
	v58 =	vld.idx.msk [tilespmem:v39+s14+$0x0], $0xffff  }
0x22a: {  	[tilespmem:$0x1FDE0] =	vst v3;
	v59 =	vsub.bf16 v11, v38;
	v11 =	vsub.bf16 v50, v51;
	v7 =	vmul.bf16 v33, v5;
	v39 =	vld [tilespmem:s6+$0xFFFFF7E0]  }
0x22b: {  	v51 =	vadd.bf16 v12, v27;
	v53 =	vadd.bf16 v1, v27;
	v4 =	vor.u32 v18, v17;
	v21 =	vld.idx.msk [tilespmem:v62+s14+$0x0], $0xffff  }
0x22c: {  	v52 =	vor.u32 v22, v17;
	v22 =	vld.idx.msk [tilespmem:v55+s14+$0x0], $0xffff;
	v55 =	vpack.i.f32.bf16 v10, v10;
	v1 =	vmul.bf16 v42, v46  }
0x22d: {  	v6 =	vadd.bf16 v6, v27;
	v38 =	vor.u32 v19, v17;
	v23 =	vld.idx.msk [tilespmem:v14+s14+$0x0], $0xffff;
	v3 =	vmul.bf16 v2, v55  }
0x22e: {  	[tilespmem:$0x1FDB0] =	vst v56;
	v50 =	vadd.bf16 v44, v63;
	v2 =	vmul.bf16 v1, v45;
	v63 =	vmul.bf16 v48, v1;
	v1 =	vld [tilespmem:$0x1FDE0]  }
0x22f: {  	v56 =	vadd.bf16 v13, v27;
	v54 =	vadd.bf16 v11, v15;
	v15 =	vor.u32 v20, v17;
	v0 =	vld.idx.msk [tilespmem:v0+s14+$0x0], $0xffff  }
0x230: {  	v14 =	vld.idx.msk [tilespmem:v4+s14+$0x0], $0xffff;
	v10 =	vpack.i.f32.bf16 v8, v8;
	v11 =	vmul.bf16 v43, v55;
	v42 =	vpack.i.f32.bf16 v57, v57  }
0x231: {  	v37 =	vor.u32 v9, v17;
	v13 =	vld.idx.msk [tilespmem:v52+s14+$0x0], $0xffff;
	v57 =	vmul.bf16 v21, v42;
	v44 =	vmul.bf16 v22, v10  }
0x232: {  	v12 =	vld.idx.msk [tilespmem:v38+s14+$0x0], $0xffff;
	v38 =	vadd.bf16 v60, v6;
	v52 =	vmul.bf16 v23, v42;
	v33 =	vmul.bf16 v3, v39  }
0x233: {  	s29 =	simm.s32 $0x2;
	s28 =	simm.s32 $0x165F0;
	v60 =	vld.idx.msk [tilespmem:v16+s14+$0x0], $0xffff;
	v43 =	vmul.bf16 v3, v30;
	v62 =	vmul.bf16 v57, v35;
	v16 =	vadd.bf16 v7, v1  }
.LBB2_7:
0x234: {  	v3 =	vld.idx.msk [tilespmem:v15+s14+$0x0], $0xffff  }
0x235: {  	v6 =	vld.idx.msk [tilespmem:v47+s14+$0x0], $0xffff  }
0x236: {  	v17 =	vld.idx.msk [tilespmem:v40+s14+$0x0], $0xffff  }
0x237: {  	v1 =	vmul.bf16 v58, v46;
	v58 =	vld [tilespmem:s28+$0xFFFFFFA0]  }
0x238: {  	v37 =	vld.idx.msk [tilespmem:v37+s14+$0x0], $0xffff  }
0x239: {  	v9 =	vld [tilespmem:$0x1FD80];
	v4 =	vmul.bf16 v14, v42  }
0x23a: {  	v21 =	vld [tilespmem:$0x1FF90];
	v53 =	vadd.bf16 v50, v53;
	v5 =	vmul.bf16 v11, v48  }
0x23b: {  	v8 =	vadd.bf16 v16, v31;
	v14 =	vld [tilespmem:s28+$0xFFFFFFF0];
	v40 =	vmul.bf16 v11, v45;
	v50 =	vmul.bf16 v26, v4  }
0x23c: {  	v22 =	vadd.bf16 v59, v27;
	v16 =	vld [tilespmem:s28+$0xFFFFF7C0];
	v7 =	vmul.bf16 v36, v52;
	v15 =	vmul.bf16 v4, v29  }
0x23d: {  	s6 =	sadd.s32 $0x80, s6;
	v20 =	vld [tilespmem:$0x1FFB0];
	v2 =	vsub.bf16 v2, v5;
	v23 =	vmul.bf16 v1, v61;
	v1 =	vmul.bf16 v28, v1  }
0x23e: {  	v45 =	vld [tilespmem:s6+$0xFFFFF800];
	v27 =	vadd.bf16 v41, v22;
	v13 =	vmul.bf16 v13, v10;
	v11 =	vmul.bf16 v12, v10  }
0x23f: {  	v59 =	vld [tilespmem:$0x1FD90];
	v0 =	vmul.bf16 v0, v55;
	v54 =	vadd.bf16 v2, v54;
	v2 =	vmul.bf16 v3, v10  }
0x240: {  	v48 =	vld [tilespmem:s6+$0xFFFFF7D0];
	v12 =	vadd.bf16 v49, v51;
	v41 =	vmul.bf16 v6, v55;
	v55 =	vmul.bf16 v13, v14  }
0x241: {  	v49 =	vld [tilespmem:s28+$0xFFFFFF90];
	v3 =	vadd.bf16 v63, v40;
	v10 =	vmul.bf16 v0, v16;
	v63 =	vmul.bf16 v11, v25  }
0x242: {  	v22 =	vld [tilespmem:$0x1FFE0];
	v0 =	vmul.bf16 v0, v24;
	v13 =	vmul.bf16 v13, v35  }
0x243: {  	v35 =	vld [tilespmem:s6+$0xFFFFFFB0];
	v31 =	vadd.bf16 v3, v8;
	v8 =	vmul.bf16 v17, v46;
	v17 =	vmul.bf16 v41, v61  }
0x244: {  	v56 =	vadd.bf16 v34, v56;
	v14 =	vmul.bf16 v14, v57;
	v4 =	vmul.bf16 v41, v28;
	v28 =	vld [tilespmem:s6+$0xFFFFF7F0]  }
0x245: {  	s0 =	smov.u32 s29;
	v3 =	vmul.bf16 v2, v36;
	v36 =	vld [tilespmem:s6+$0xFFFFFFE0];
	v1 =	vadd.bf16 v1, v17;
	v17 =	vmul.bf16 v60, v46  }
0x246: {  	v6 =	vsub.bf16 v62, v55;
	v62 =	vld [tilespmem:s6+$0xFFFFFFD0];
	v18 =	vmul.bf16 v11, v49;
	v11 =	vmov s0  }
0x247: {  	v34 =	vadd.bf16 v14, v13;
	v14 =	vmul.bf16 v17, v16;
	v16 =	vperm.xlane v9, v11;
	v9 =	vld [tilespmem:$0x1FDA0]  }
0x248: {  	v19 =	vlaneseq.u32;
	v55 =	vld [tilespmem:$0x1FFC0]  }
0x249: {  	v4 =	vsub.bf16 v23, v4;
	v23 =	vld [tilespmem:$0x1FFF0];
	v0 =	vsub.bf16 v14, v0;
	v14 =	vshll.u32 v16, $0x7  }
0x24a: {  	v2 =	vmul.bf16 v2, v58;
	v46 =	vld [tilespmem:s6+$0x0];
	v51 =	vor.u32 v19, v14  }
0x24b: {  	v13 =	vmul.bf16 v8, v30;
	v8 =	vmul.bf16 v39, v8;
	v39 =	vld [tilespmem:$0x1FFD0]  }
0x24c: {  	v61 =	vmul.bf16 v52, v58;
	v16 =	vperm.xlane v9, v11;
	v9 =	vld [tilespmem:$0x1FFA0]  }
0x24d: {  	v57 =	vmul.bf16 v37, v42;
	v60 =	vmul.bf16 v44, v29;
	v29 =	vld [tilespmem:s6+$0xFFFFFFC0];
	v42 =	vor.u32 v20, v14  }
0x24e: {  	v7 =	vadd.bf16 v7, v2;
	v30 =	vld [tilespmem:s6+$0xFFFFF7A0];
	v41 =	vsub.bf16 v61, v3;
	v52 =	vor.u32 v23, v14  }
0x24f: {  	v8 =	vadd.bf16 v8, v43;
	v40 =	vor.u32 v21, v14;
	v47 =	vor.u32 v55, v14;
	v43 =	vld.idx.msk [tilespmem:v51+s14+$0x0], $0xffff  }
0x250: {  	v3 =	vor.u32 v39, v14;
	v61 =	vor.u32 v22, v14;
	v16 =	vshll.u32 v16, $0x7;
	v51 =	vld [tilespmem:$0x1FDC0]  }
0x251: {  	v37 =	vor.u32 v19, v16;
	v19 =	vmul.bf16 v57, v49;
	v49 =	vld [tilespmem:$0x1FDB0];
	v2 =	vor.u32 v9, v14  }
0x252: {  	v58 =	vld.idx.msk [tilespmem:v42+s14+$0x0], $0xffff;
	v14 =	vmul.bf16 v24, v17;
	v17 =	vmul.bf16 v44, v26;
	v44 =	vor.u32 v20, v16  }
0x253: {  	v5 =	vperm.xlane v59, v11;
	v4 =	vadd.bf16 v4, v32;
	v56 =	vadd.bf16 v1, v56;
	v52 =	vld.idx.msk [tilespmem:v52+s14+$0x0], $0xffff  }
0x254: {  	v59 =	vor.u32 v21, v16;
	v21 =	vor.u32 v22, v16;
	v42 =	vor.u32 v39, v16;
	v39 =	vld [tilespmem:s6+$0xFFFFF7E0]  }
0x255: {  	v22 =	vperm.xlane v51, v11;
	v51 =	vadd.bf16 v0, v12;
	v0 =	vadd.bf16 v14, v10;
	v10 =	vld [tilespmem:$0x1FDD0]  }
0x256: {  	v50 =	vadd.bf16 v50, v60;
	v24 =	vmov v45;
	v45 =	vld [tilespmem:s6+$0xFFFFF790];
	v1 =	vsub.bf16 v19, v63  }
0x257: {  	v8 =	vadd.bf16 v8, v38;
	v26 =	vmov v46;
	v46 =	vpack.i.f32.bf16 v5, v5;
	v5 =	vld.idx.msk [tilespmem:v44+s14+$0x0], $0xffff  }
0x258: {  	v32 =	vadd.bf16 v6, v4;
	v23 =	vor.u32 v23, v16;
	v54 =	vadd.bf16 v1, v54;
	v2 =	vld.idx.msk [tilespmem:v2+s14+$0x0], $0xffff  }
0x259: {  	v20 =	vperm.xlane v49, v11;
	v12 =	vor.u32 v55, v16;
	v49 =	vsub.bf16 v15, v17;
	v21 =	vld.idx.msk [tilespmem:v21+s14+$0x0], $0xffff  }
0x25a: {  	v17 =	vmul.bf16 v43, v46;
	v6 =	vld.idx.msk [tilespmem:v59+s14+$0x0], $0xffff;
	v15 =	vor.u32 v9, v16;
	v10 =	vperm.xlane v10, v11  }
0x25b: {  	p2 =	sne.s32 s29, $0xF;
	v14 =	vld.idx.msk [tilespmem:v42+s14+$0x0], $0xffff;
	v16 =	vmul.bf16 v25, v57;
	v53 =	vadd.bf16 v0, v53;
	v42 =	vpack.i.f32.bf16 v20, v20  }
.Ltmp4:
0x25c: {  	v60 =	vld.idx.msk [tilespmem:v3+s14+$0x0], $0xffff;
	v63 =	vmul.bf16 v48, v17;
	v55 =	vpack.i.f32.bf16 v10, v10;
	v57 =	vmul.bf16 v5, v42;
	(pc) =	sbr.rel @p2 .LBB2_7-.Ltmp4, $4  }
0x25d: {  	v0 =	vld.idx.msk [tilespmem:v61+s14+$0x0], $0xffff;
	v10 =	vpack.i.f32.bf16 v22, v22;
	v38 =	vmul.bf16 v2, v55;
	v2 =	vmul.bf16 v17, v45  }
0x25e: {  	v59 =	vsub.bf16 v13, v33;
	v25 =	vmovc v62;
	v61 =	vld [tilespmem:s6+$0xFFFFF7B0];
	v11 =	vmul.bf16 v52, v55;
	v44 =	vmul.bf16 v21, v10  }
0x25f: {  	v16 =	vadd.bf16 v16, v18;
	v13 =	vld.idx.msk [tilespmem:v12+s14+$0x0], $0xffff;
	v52 =	vmul.bf16 v6, v42;
	v62 =	vmul.bf16 v57, v35  }
0x260: {  	s29 =	sadd.s32 $0x1, s29;
	s28 =	smov.u32 s6;
	v12 =	vld.idx.msk [tilespmem:v23+s14+$0x0], $0xffff;
	v33 =	vmul.bf16 v38, v39;
	v43 =	vmul.bf16 v38, v30;
	v38 =	vadd.bf16 v7, v8  }
0x261: {  	_ =	sdelay $0x3  }
0x262: {  	v1 =	vld.idx.msk [tilespmem:v15+s14+$0x0], $0xffff  }
0x263: {  	v3 =	vmul.bf16 v14, v42;
	v4 =	vmul.bf16 v58, v46;
	v6 =	vld.idx.msk [tilespmem:v47+s14+$0x0], $0xffff  }
0x264: {  	v5 =	vmul.bf16 v11, v48;
	v7 =	vmul.bf16 v36, v52;
	v8 =	vld [tilespmem:s28+$0xFFFFFFF0];
	v15 =	vadd.bf16 v50, v53  }
0x265: {  	v18 =	vld [tilespmem:s28+$0xFFFFF7C0];
	v16 =	vadd.bf16 v16, v31;
	v11 =	vmul.bf16 v11, v45;
	v0 =	vmul.bf16 v0, v55  }
0x266: {  	v19 =	vadd.bf16 v59, v27;
	v20 =	vld.idx.msk [tilespmem:v40+s14+$0x0], $0xffff;
	v14 =	vmul.bf16 v3, v29;
	v17 =	vmul.bf16 v4, v61  }
0x267: {  	v58 =	vadd.bf16 v34, v56;
	v4 =	vmul.bf16 v28, v4;
	v13 =	vmul.bf16 v13, v10  }
0x268: {  	v23 =	vadd.bf16 v49, v51;
	v12 =	vmul.bf16 v12, v10;
	v1 =	vmul.bf16 v1, v10  }
0x269: {  	v2 =	vsub.bf16 v2, v5;
	v6 =	vmul.bf16 v6, v55;
	v10 =	vmul.bf16 v13, v8  }
0x26a: {  	v31 =	vld [tilespmem:s28+$0xFFFFFFA0];
	v19 =	vadd.bf16 v41, v19;
	v21 =	vmul.bf16 v0, v18;
	v0 =	vmul.bf16 v0, v24  }
0x26b: {  	v11 =	vadd.bf16 v63, v11;
	v63 =	vld.idx.msk [tilespmem:v37+s14+$0x0], $0xffff;
	v20 =	vmul.bf16 v20, v46;
	v13 =	vmul.bf16 v13, v35  }
0x26c: {  	v2 =	vadd.bf16 v2, v54;
	v8 =	vmul.bf16 v8, v57;
	v22 =	vmul.bf16 v12, v25  }
0x26d: {  	v11 =	vadd.bf16 v11, v16;
	v59 =	vmul.bf16 v6, v61;
	v61 =	vmul.bf16 v60, v46  }
0x26e: {  	v27 =	vmul.bf16 v1, v36;
	v6 =	vmul.bf16 v6, v28;
	v10 =	vsub.bf16 v62, v10  }
0x26f: {  	v8 =	vadd.bf16 v8, v13;
	v1 =	vmul.bf16 v1, v31;
	v16 =	vmul.bf16 v61, v18;
	v18 =	vld [tilespmem:s28+$0xFFFFFF90]  }
0x270: {  	v13 =	vmul.bf16 v39, v20;
	v36 =	vmul.bf16 v63, v42;
	v4 =	vadd.bf16 v4, v59  }
0x271: {  	v6 =	vsub.bf16 v17, v6;
	v1 =	vadd.bf16 v7, v1;
	v17 =	vmul.bf16 v24, v61  }
0x272: {  	v13 =	vadd.bf16 v13, v43;
	v24 =	vmul.bf16 v44, v26;
	v0 =	vsub.bf16 v16, v0  }
0x273: {  	v20 =	vmul.bf16 v20, v30;
	v6 =	vadd.bf16 v6, v32;
	v17 =	vadd.bf16 v17, v21  }
0x274: {  	v14 =	vsub.bf16 v14, v24;
	v13 =	vadd.bf16 v13, v38;
	v37 =	vmul.bf16 v36, v18  }
0x275: {  	v15 =	vadd.bf16 v17, v15;
	v6 =	vadd.bf16 v10, v6  }
0x276: {  	v16 =	vmul.bf16 v52, v31;
	v17 =	vsub.bf16 v20, v33;
	v10 =	vsub.bf16 v37, v22  }
0x277: {  	v4 =	vadd.bf16 v4, v58;
	v38 =	vmul.bf16 v25, v36;
	v12 =	vmul.bf16 v12, v18  }
0x278: {  	v2 =	vadd.bf16 v10, v2;
	v10 =	vadd.bf16 v17, v19;
	v17 =	vld [tilespmem:$0x1FF40]  }
0x279: {  	v16 =	vsub.bf16 v16, v27;
	v5 =	vadd.bf16 v38, v12  }
0x27a: {  	v0 =	vadd.bf16 v0, v23;
	v1 =	vadd.bf16 v1, v13;
	v12 =	vld [tilespmem:$0x17F40]  }
0x27b: {  	v4 =	vadd.bf16 v8, v4;
	v13 =	vld [tilespmem:$0x17FC0];
	v5 =	vadd.bf16 v5, v11  }
0x27c: {  	v8 =	vunpack.i.l.bf16.f32 v2;
	v10 =	vadd.bf16 v16, v10;
	v2 =	vunpack.i.u.bf16.f32 v2;
	v16 =	vld [tilespmem:$0x1FF00]  }
0x27d: {  	v2 =	vmul.f32 v2, v17  }
0x27e: {  	v39 =	vld [tilespmem:$0x17F00];
	v0 =	vadd.bf16 v14, v0;
	v14 =	vunpack.i.l.bf16.f32 v5;
	v5 =	vunpack.i.u.bf16.f32 v5  }
0x27f: {  	v5 =	vmul.f32 v5, v17;
	v2 =	vadd.f32 v12, v2  }
0x280: {  	v3 =	vmul.bf16 v26, v3;
	v26 =	vmul.bf16 v44, v29;
	v11 =	vld [tilespmem:$0x17F80]  }
0x281: {  	v8 =	vmul.f32 v8, v16;
	[tilespmem:$0x18240] =	vst v2;
	v2 =	vadd.f32 v13, v5;
	v13 =	vld [tilespmem:$0x1FF50]  }
0x282: {  	v3 =	vadd.bf16 v3, v26;
	v17 =	vld [tilespmem:$0x1FF10]  }
0x283: {  	v7 =	vadd.f32 v39, v8;
	v8 =	vmul.f32 v14, v16;
	v14 =	vld [tilespmem:$0x17F50]  }
0x284: {  	v3 =	vadd.bf16 v3, v15;
	v15 =	vld [tilespmem:$0x17F10]  }
0x285: {  	v40 =	vadd.f32 v11, v8;
	v8 =	vunpack.i.u.bf16.f32 v10  }
0x286: {  	v12 =	vunpack.i.l.bf16.f32 v10;
	v8 =	vmul.f32 v8, v13  }
0x287: {  	v10 =	vmul.f32 v12, v17;
	v11 =	vld [tilespmem:$0x17FD0]  }
0x288: {  	[tilespmem:$0x18440] =	vst v2;
	v2 =	vadd.f32 v14, v8;
	v14 =	vld [tilespmem:$0x1FF20]  }
0x289: {  	v42 =	vadd.f32 v15, v10;
	v15 =	vld [tilespmem:$0x1FF60];
	_ =	sdelay $0x1  }
0x28a: {  	v41 =	vunpack.i.l.bf16.f32 v1;
	v1 =	vunpack.i.u.bf16.f32 v1;
	v10 =	vld [tilespmem:$0x17F60]  }
0x28b: {  	v12 =	vld [tilespmem:$0x17F20];
	v1 =	vmul.f32 v1, v13;
	v8 =	vunpack.i.l.bf16.f32 v6  }
0x28c: {  	v6 =	vunpack.i.u.bf16.f32 v6;
	v43 =	vmul.f32 v8, v14;
	v8 =	vld [tilespmem:$0x17FE0]  }
0x28d: {  	v1 =	vadd.f32 v11, v1;
	v6 =	vmul.f32 v6, v15  }
0x28e: {  	v16 =	vld [tilespmem:$0x17F90];
	[tilespmem:$0x18250] =	vst v2;
	v2 =	vunpack.i.l.bf16.f32 v4;
	v4 =	vunpack.i.u.bf16.f32 v4  }
0x28f: {  	v13 =	vld [tilespmem:$0x17FA0];
	[tilespmem:$0x18450] =	vst v1;
	v4 =	vmul.f32 v4, v15;
	v1 =	vadd.f32 v10, v6  }
0x290: {  	v44 =	vadd.f32 v12, v43;
	v12 =	vld [tilespmem:$0x1FF30]  }
0x291: {  	v5 =	vmul.f32 v41, v17;
	[tilespmem:$0x18260] =	vst v1;
	v1 =	vadd.f32 v8, v4;
	v8 =	vld [tilespmem:$0x1FF70]  }
0x292: {  	[tilespmem:$0x18200] =	vst v7;
	v11 =	vld [tilespmem:$0x17F30]  }
0x293: {  	v45 =	vld [tilespmem:$0x17F70];
	[tilespmem:$0x18400] =	vst v40;
	v5 =	vadd.f32 v16, v5;
	v2 =	vmul.f32 v2, v14  }
0x294: {  	v46 =	vunpack.i.l.bf16.f32 v0;
	[tilespmem:$0x18210] =	vst v42;
	v10 =	vld [tilespmem:$0x17FB0]  }
0x295: {  	v48 =	vld [tilespmem:$0x17FF0];
	v0 =	vunpack.i.u.bf16.f32 v0;
	[tilespmem:$0x18410] =	vst v5;
	v2 =	vadd.f32 v13, v2;
	v47 =	vmul.f32 v46, v12  }
0x296: {  	v49 =	vunpack.i.l.bf16.f32 v3;
	[tilespmem:$0x18220] =	vst v44;
	v0 =	vmul.f32 v0, v8  }
0x297: {  	[tilespmem:$0x18420] =	vst v2;
	v2 =	vunpack.i.u.bf16.f32 v3;
	v4 =	vmul.f32 v49, v12;
	v3 =	vadd.f32 v11, v47  }
0x298: {  	[tilespmem:$0x18460] =	vst v1;
	v1 =	vmul.f32 v2, v8;
	v0 =	vadd.f32 v45, v0  }
0x299: {  	s0 =	sshll.u32 s16, $0x4;
	v2 =	vadd.f32 v10, v4;
	[tilespmem:$0x18230] =	vst v3  }
0x29a: {  	s0 =	sand.u32 $0x60, s0;
	[tilespmem:$0x18270] =	vst v0;
	v0 =	vadd.f32 v48, v1  }
0x29b: {  	s0 =	sadd.s32 s3, s0;
	[tilespmem:$0x18430] =	vst v2  }
0x29c: {  	s0 =	sadd.s32 s11, s0;
	[tilespmem:$0x18470] =	vst v0  }
0x29d: {  	[hbm4b:s0+s5] =	stream.linear.scatter [tilespmem:s22], [sflag:$0xC], $0x80, $0x38;
	[tilespmem:$0x18500] =	vst v63  }
0x29e: {  	s0 =	sadd.s32 $0x80, s0  }
0x29f: {  	[hbm4b:s0+s5] =	stream.linear.scatter [tilespmem:s23], [sflag:$0xC], $0x80, $0x38;
	[tilespmem:$0x18500] =	vst v63  }
0x2a0: {  	s6 =	simm.s32 @!p1 $0x20;
	s16 =	simm.s32 @!p1 $0x15D00;
	s0 =	sadd.s32 @!p1 $0x380, s10  }
0x2a1: {  	[tilespmem:s16], [sflag:$0x4] =	stream.indirect.gather @!p1 [hbm4b:s8+s6], $0x80, s0, s6, $0xb8;
	[tilespmem:$0x18500] =	vst v63  }
0x2a2: {  	v0 =	vld.msk @!p1 [tilespmem:s10+$0x3E0], $0x1;
	_ =	sdelay $0x4  }
0x2a3: {  	v1 =	vshll.u32 @!p1 v0, $0x1  }
0x2a4: {  	v0 =	vand.u32 @!p1 $0x7, v0;
	v1 =	vand.u32 @!p1 $0xFFFFFFF0, v1  }
0x2a5: {  	v2 =	vlaneseq.u32 @!p1;
	v0 =	vor.u32 @!p1 v0, v1;
	v1 =	vimm.s32 @!p1 $0x0  }
0x2a6: {  	v0 =	vperm.xlane @!p1 v0, v1;
	v1 =	vmul.u32 @!p1 $0x8, v2;
	_ =	sdelay $0x1  }
0x2a7: {  	v0 =	vadd.s32 @!p1 v1, v0;
	_ =	sdelay $0x3  }
0x2a8: {  	s0 =	simm.s32 @!p1 $0x0;
	s6 =	simm.s32 @!p1 $0x17F00  }
0x2a9: {  	[tilespmem:s6], [sflag:$0x8] =	stream.indirect_vreg.gather @!p1 [hbm4b:s1+s0], $0x80, v0, vm1, $0xb8;
	[tilespmem:$0x18500] =	vst v63  }
0x2aa: {  	_ =	swait.ge [sflag:s24], $0x1000  }
0x2ab: {  	[sflag:s24] =	ssyncset.done $0x0  }
0x2ac: {  	[sflag:s24] =	ssyncadd.s32 $0xFFFFF000  }
0x2ad: {  	_ =	swait.ge [sflag:s25], $0x100  }
0x2ae: {  	[sflag:s25] =	ssyncset.done $0x0  }
0x2af: {  	s0 =	simm.s32 @!p0 $0xD;
	[sflag:s25] =	ssyncadd.s32 $0xFFFFFF00  }
0x2b0: {  	_ =	swait.ge @!p0 [sflag:s0], $0x100  }
0x2b1: {  	v20 =	vld [tilespmem:$0x1FFA0]  }
0x2b2: {  	s12 =	sor.u32 $0x3, s12;
	v23 =	vld [tilespmem:$0x1FFB0]  }
0x2b3: {  	s16 =	sshll.u32 s12, $0x7;
	[sflag:s0] =	ssyncset.done @!p0 $0x0;
	v19 =	vld [tilespmem:$0x1FFF0]  }
0x2b4: {  	s29 =	sand.u32 $0x3FFFFF80, s16;
	v55 =	vld [tilespmem:$0x1FFE0];
	[sflag:s0] =	ssyncadd.s32 @!p0 $0xFFFFFF00  }
0x2b5: {  	v0 =	vld [tilespmem:s29+$0xA0]  }
0x2b6: {  	v21 =	vld [tilespmem:$0x1FF90]  }
0x2b7: {  	v18 =	vld [tilespmem:$0x1FFD0]  }
0x2b8: {  	v22 =	vld [tilespmem:$0x1FFC0]  }
0x2b9: {  	s6 =	simm.s32 $0x0;
	v1 =	vld [tilespmem:s29+$0xB0]  }
0x2ba: {  	v2 =	vmov s6;
	v47 =	vld [tilespmem:s29+$0xC0];
	v48 =	vshrl.u32 v0, $0x1  }
0x2bb: {  	s16 =	simm.s32 $0x17570;
	v56 =	vld [tilespmem:s29+$0xD0];
	v3 =	vperm.xlane v48, v2  }
0x2bc: {  	v33 =	vld [tilespmem:s16+$0xFFFFFFD0]  }
0x2bd: {  	v9 =	vlaneseq.u32;
	v4 =	vld [tilespmem:s16+$0xFFFFF7F0];
	v3 =	vshll.u32 v3, $0x7  }
0x2be: {  	v32 =	vld [tilespmem:s16+$0x0];
	v53 =	vshrl.u32 v1, $0x1;
	v50 =	vor.u32 v9, v3  }
0x2bf: {  	v5 =	vld [tilespmem:s16+$0xFFFFFFC0];
	v11 =	vperm.xlane v53, v2;
	v8 =	vor.u32 v20, v3  }
0x2c0: {  	v10 =	vld [tilespmem:s16+$0xFFFFFFB0];
	v0 =	vand.u32 $0x1, v0;
	v1 =	vand.u32 $0x1, v1;
	v13 =	vor.u32 v23, v3  }
0x2c1: {  	v12 =	vld [tilespmem:s16+$0xFFFFF7A0];
	v0 =	vcvt.s32.f32 v0;
	v11 =	vshll.u32 v11, $0x7;
	v14 =	vor.u32 v19, v3  }
0x2c2: {  	v16 =	vld [tilespmem:s16+$0xFFFFF790];
	v1 =	vcvt.s32.f32 v1;
	v17 =	vor.u32 v23, v11  }
0x2c3: {  	v0 =	vadd.f32 v0, v0;
	v24 =	vor.u32 v55, v11;
	v6 =	vld.idx.msk [tilespmem:v50+s14+$0x0], $0xffff  }
0x2c4: {  	v1 =	vadd.f32 v1, v1;
	v25 =	vor.u32 v18, v11;
	v8 =	vld.idx.msk [tilespmem:v8+s14+$0x0], $0xffff  }
0x2c5: {  	v0 =	vsub.f32 $1.000000000e+00, v0;
	v13 =	vld.idx.msk [tilespmem:v13+s14+$0x0], $0xffff  }
0x2c6: {  	v1 =	vsub.f32 $1.000000000e+00, v1;
	v14 =	vld.idx.msk [tilespmem:v14+s14+$0x0], $0xffff  }
0x2c7: {  	v26 =	vperm.xlane v47, v2;
	v27 =	vor.u32 v55, v3;
	v61 =	vmul.f32 v0, v47;
	v17 =	vld.idx.msk [tilespmem:v17+s14+$0x0], $0xffff  }
0x2c8: {  	v31 =	vperm.xlane v56, v2;
	v30 =	vor.u32 v22, v11;
	v59 =	vmul.f32 v1, v56;
	v24 =	vld.idx.msk [tilespmem:v24+s14+$0x0], $0xffff  }
0x2c9: {  	v28 =	vperm.xlane v61, v2;
	v25 =	vld.idx.msk [tilespmem:v25+s14+$0x0], $0xffff  }
0x2ca: {  	v29 =	vld [tilespmem:s16+$0xFFFFF7E0];
	v39 =	vpack.i.f32.bf16 v31, v31;
	v1 =	vpack.i.f32.bf16 v26, v26;
	v2 =	vperm.xlane v59, v2  }
0x2cb: {  	v15 =	vld [tilespmem:s16+$0xFFFFF7D0];
	v0 =	vor.u32 v21, v11;
	v26 =	vpack.i.f32.bf16 v28, v28;
	v6 =	vmul.bf16 v6, v1  }
0x2cc: {  	v58 =	vld.idx.msk [tilespmem:v27+s14+$0x0], $0xffff;
	v2 =	vpack.i.f32.bf16 v2, v2;
	v8 =	vmul.bf16 v8, v26;
	v14 =	vmul.bf16 v14, v26  }
0x2cd: {  	v52 =	vor.u32 v20, v11;
	v27 =	vld.idx.msk [tilespmem:v30+s14+$0x0], $0xffff;
	v17 =	vmul.bf16 v17, v39;
	v42 =	vmul.bf16 v24, v2  }
0x2ce: {  	v30 =	vld [tilespmem:s16+$0xFFFFF7B0];
	v28 =	vor.u32 v19, v11;
	v25 =	vmul.bf16 v25, v39;
	v13 =	vmul.bf16 v13, v1  }
0x2cf: {  	v63 =	vld [tilespmem:s16+$0xFFFFFFF0];
	v54 =	vor.u32 v22, v3;
	v57 =	vmul.bf16 v6, v16;
	v38 =	vmul.bf16 v8, v29  }
0x2d0: {  	v0 =	vld.idx.msk [tilespmem:v0+s14+$0x0], $0xffff;
	v6 =	vmul.bf16 v15, v6;
	v8 =	vmul.bf16 v8, v12  }
0x2d1: {  	v7 =	vld [tilespmem:s16+$0xFFFFFFE0];
	v60 =	vmul.bf16 v17, v10;
	v15 =	vmul.bf16 v14, v15  }
0x2d2: {  	v31 =	vld.idx.msk [tilespmem:v52+s14+$0x0], $0xffff;
	v43 =	vmul.bf16 v25, v5;
	v44 =	vmul.bf16 v32, v25  }
0x2d3: {  	v11 =	vor.u32 v9, v11;
	v28 =	vld.idx.msk [tilespmem:v28+s14+$0x0], $0xffff;
	v45 =	vmul.bf16 v13, v30;
	v13 =	vmul.bf16 v4, v13  }
0x2d4: {  	v62 =	vld.idx.msk [tilespmem:v54+s14+$0x0], $0xffff;
	v24 =	vor.u32 v21, v3;
	v25 =	vmul.bf16 v27, v2;
	v14 =	vmul.bf16 v14, v16  }
0x2d5: {  	v46 =	vld [tilespmem:s16+$0xFFFFF7C0];
	v3 =	vor.u32 v18, v3;
	v17 =	vmul.bf16 v63, v17;
	v0 =	vmul.bf16 v0, v39  }
0x2d6: {  	v49 =	vld [tilespmem:s16+$0xFFFFF800];
	v15 =	vsub.bf16 v57, v15;
	v57 =	vmul.bf16 v25, v63;
	v10 =	vmul.bf16 v25, v10  }
0x2d7: {  	v50 =	vld [tilespmem:s16+$0xFFFFFF90];
	v63 =	vmul.bf16 v42, v5;
	v35 =	vmul.bf16 v7, v0  }
0x2d8: {  	s29 =	simm.s32 $0x1;
	v5 =	vld.idx.msk [tilespmem:v11+s14+$0x0], $0xffff;
	v34 =	vadd.bf16 v17, v10;
	v16 =	vmul.bf16 v28, v2;
	v28 =	vmul.bf16 v58, v26  }
0x2d9: {  	v24 =	vld.idx.msk [tilespmem:v24+s14+$0x0], $0xffff;
	v10 =	vmov s29;
	v2 =	vmul.bf16 v31, v2;
	v26 =	vmul.bf16 v62, v26  }
0x2da: {  	v3 =	vld.idx.msk [tilespmem:v3+s14+$0x0], $0xffff;
	v52 =	vsub.bf16 v60, v57;
	v17 =	vperm.xlane v48, v10;
	v57 =	vperm.xlane v53, v10  }
0x2db: {  	s6 =	simm.s32 $0x175F0;
	v6 =	vadd.bf16 v6, v14;
	v14 =	vmul.bf16 v28, v46;
	v51 =	vmul.bf16 v16, v33  }
0x2dc: {  	v36 =	vld [tilespmem:s6+$0xFFFFFFE0];
	v27 =	vimm.bf16 $0.0e+00;
	v58 =	vmul.bf16 v28, v49;
	v7 =	vmul.bf16 v2, v7  }
0x2dd: {  	v25 =	vld [tilespmem:s6+$0xFFFFFFD0];
	v31 =	vadd.bf16 v6, v27;
	v28 =	vmul.bf16 v26, v30;
	v4 =	vmul.bf16 v26, v4  }
0x2de: {  	v30 =	vld [tilespmem:s16+$0xFFFFFFA0];
	v17 =	vshll.u32 v17, $0x7;
	v5 =	vmul.bf16 v5, v39;
	v37 =	vmul.bf16 v24, v1  }
0x2df: {  	[tilespmem:$0x1FD10] =	vst v48;
	v48 =	vld [tilespmem:s6+$0xFFFFF7D0];
	v1 =	vmul.bf16 v3, v1;
	v3 =	vmul.bf16 v16, v50;
	v54 =	vor.u32 v19, v17  }
0x2e0: {  	v26 =	vld [tilespmem:s6+$0x0];
	v40 =	vor.u32 v21, v17;
	v39 =	vor.u32 v23, v17;
	v16 =	vor.u32 v18, v17  }
0x2e1: {  	v24 =	vld [tilespmem:s6+$0xFFFFF800];
	v13 =	vadd.bf16 v13, v28;
	v11 =	vmul.bf16 v37, v12;
	v12 =	vmul.bf16 v1, v46  }
0x2e2: {  	v28 =	vld [tilespmem:s6+$0xFFFFF7F0];
	v4 =	vsub.bf16 v45, v4;
	v46 =	vperm.xlane v47, v10;
	v6 =	vmul.bf16 v29, v37  }
0x2e3: {  	[tilespmem:$0x1FD20] =	vst v47;
	v45 =	vld [tilespmem:s6+$0xFFFFF790];
	v47 =	vor.u32 v22, v17;
	v2 =	vmul.bf16 v2, v30;
	v12 =	vsub.bf16 v12, v58  }
0x2e4: {  	v29 =	vld [tilespmem:s6+$0xFFFFFFC0];
	v0 =	vmul.bf16 v0, v30;
	v58 =	vor.u32 v9, v17;
	v6 =	vadd.bf16 v6, v8  }
0x2e5: {  	v30 =	vld [tilespmem:s6+$0xFFFFF7A0];
	v8 =	vmul.bf16 v42, v32;
	v60 =	vadd.bf16 v35, v2;
	v2 =	vor.u32 v20, v17  }
0x2e6: {  	v1 =	vmul.bf16 v49, v1;
	v35 =	vld [tilespmem:s6+$0xFFFFFFB0];
	v41 =	vsub.bf16 v0, v7;
	v0 =	vor.u32 v55, v17  }
0x2e7: {  	[tilespmem:$0x1FD30] =	vst v53;
	v17 =	vshll.u32 v57, $0x7;
	v57 =	vperm.xlane v56, v10;
	v49 =	vsub.bf16 v43, v8;
	v43 =	vld.idx.msk [tilespmem:v54+s14+$0x0], $0xffff  }
0x2e8: {  	[tilespmem:$0x1FD60] =	vst v61;
	v8 =	vperm.xlane v59, v10;
	v10 =	vperm.xlane v61, v10;
	v61 =	vld [tilespmem:s6+$0xFFFFF7B0];
	v62 =	vor.u32 v23, v17  }
0x2e9: {  	[tilespmem:$0x1FD50] =	vst v59;
	v4 =	vadd.bf16 v4, v27;
	v55 =	vor.u32 v55, v17;
	v42 =	vld.idx.msk [tilespmem:v58+s14+$0x0], $0xffff  }
0x2ea: {  	v50 =	vmul.bf16 v5, v50;
	v1 =	vadd.bf16 v1, v14;
	v14 =	vor.u32 v21, v17;
	v2 =	vld.idx.msk [tilespmem:v2+s14+$0x0], $0xffff  }
0x2eb: {  	v15 =	vadd.bf16 v15, v27;
	v46 =	vpack.i.f32.bf16 v46, v46;
	v32 =	vadd.bf16 v52, v4;
	v58 =	vld.idx.msk [tilespmem:v39+s14+$0x0], $0xffff  }
0x2ec: {  	[tilespmem:$0x1FD70] =	vst v3;
	v59 =	vsub.bf16 v11, v38;
	v11 =	vsub.bf16 v50, v51;
	v7 =	vmul.bf16 v33, v5;
	v39 =	vld [tilespmem:s6+$0xFFFFF7E0]  }
0x2ed: {  	v51 =	vadd.bf16 v12, v27;
	v53 =	vadd.bf16 v1, v27;
	v4 =	vor.u32 v18, v17;
	v21 =	vld.idx.msk [tilespmem:v62+s14+$0x0], $0xffff  }
0x2ee: {  	v52 =	vor.u32 v22, v17;
	v22 =	vld.idx.msk [tilespmem:v55+s14+$0x0], $0xffff;
	v55 =	vpack.i.f32.bf16 v10, v10;
	v1 =	vmul.bf16 v42, v46  }
0x2ef: {  	v6 =	vadd.bf16 v6, v27;
	v38 =	vor.u32 v19, v17;
	v23 =	vld.idx.msk [tilespmem:v14+s14+$0x0], $0xffff;
	v3 =	vmul.bf16 v2, v55  }
0x2f0: {  	[tilespmem:$0x1FD40] =	vst v56;
	v50 =	vadd.bf16 v44, v63;
	v2 =	vmul.bf16 v1, v45;
	v63 =	vmul.bf16 v48, v1;
	v1 =	vld [tilespmem:$0x1FD70]  }
0x2f1: {  	v56 =	vadd.bf16 v13, v27;
	v54 =	vadd.bf16 v11, v15;
	v15 =	vor.u32 v20, v17;
	v0 =	vld.idx.msk [tilespmem:v0+s14+$0x0], $0xffff  }
0x2f2: {  	v14 =	vld.idx.msk [tilespmem:v4+s14+$0x0], $0xffff;
	v10 =	vpack.i.f32.bf16 v8, v8;
	v12 =	vmul.bf16 v43, v55;
	v42 =	vpack.i.f32.bf16 v57, v57  }
0x2f3: {  	v37 =	vor.u32 v9, v17;
	v11 =	vld.idx.msk [tilespmem:v52+s14+$0x0], $0xffff;
	v57 =	vmul.bf16 v21, v42;
	v44 =	vmul.bf16 v22, v10  }
0x2f4: {  	v13 =	vld.idx.msk [tilespmem:v38+s14+$0x0], $0xffff;
	v38 =	vadd.bf16 v60, v6;
	v52 =	vmul.bf16 v23, v42;
	v33 =	vmul.bf16 v3, v39  }
0x2f5: {  	s28 =	simm.s32 $0x2;
	s16 =	simm.s32 $0x175F0;
	v60 =	vld.idx.msk [tilespmem:v16+s14+$0x0], $0xffff;
	v43 =	vmul.bf16 v3, v30;
	v62 =	vmul.bf16 v57, v35;
	v16 =	vadd.bf16 v7, v1  }
.LBB2_9:
0x2f6: {  	v3 =	vld.idx.msk [tilespmem:v15+s14+$0x0], $0xffff  }
0x2f7: {  	v6 =	vld.idx.msk [tilespmem:v47+s14+$0x0], $0xffff  }
0x2f8: {  	v17 =	vld.idx.msk [tilespmem:v40+s14+$0x0], $0xffff  }
0x2f9: {  	v1 =	vmul.bf16 v58, v46;
	v58 =	vld [tilespmem:s16+$0xFFFFFFA0]  }
0x2fa: {  	v37 =	vld.idx.msk [tilespmem:v37+s14+$0x0], $0xffff  }
0x2fb: {  	v9 =	vld [tilespmem:$0x1FD10]  }
0x2fc: {  	v21 =	vld [tilespmem:$0x1FF90];
	v4 =	vmul.bf16 v14, v42  }
0x2fd: {  	v53 =	vadd.bf16 v50, v53;
	v5 =	vmul.bf16 v12, v48;
	v14 =	vld [tilespmem:s16+$0xFFFFFFF0];
	v40 =	vmul.bf16 v12, v45  }
0x2fe: {  	v8 =	vadd.bf16 v16, v31;
	v16 =	vld [tilespmem:s16+$0xFFFFF7C0];
	v50 =	vmul.bf16 v26, v4;
	v7 =	vmul.bf16 v36, v52  }
0x2ff: {  	s6 =	sadd.s32 $0x80, s6;
	v20 =	vld [tilespmem:$0x1FFB0];
	v22 =	vadd.bf16 v59, v27;
	v15 =	vmul.bf16 v4, v29;
	v23 =	vmul.bf16 v1, v61  }
0x300: {  	v45 =	vld [tilespmem:s6+$0xFFFFF800];
	v2 =	vsub.bf16 v2, v5;
	v1 =	vmul.bf16 v28, v1;
	v11 =	vmul.bf16 v11, v10  }
0x301: {  	v59 =	vld [tilespmem:$0x1FD20];
	v27 =	vadd.bf16 v41, v22;
	v12 =	vmul.bf16 v13, v10;
	v0 =	vmul.bf16 v0, v55  }
0x302: {  	v48 =	vld [tilespmem:s6+$0xFFFFF7D0];
	v54 =	vadd.bf16 v2, v54;
	v2 =	vmul.bf16 v3, v10;
	v41 =	vmul.bf16 v6, v55  }
0x303: {  	v22 =	vld [tilespmem:$0x1FFE0];
	v3 =	vadd.bf16 v63, v40;
	v55 =	vmul.bf16 v11, v14;
	v10 =	vmul.bf16 v0, v16  }
0x304: {  	v13 =	vadd.bf16 v49, v51;
	v49 =	vld [tilespmem:s16+$0xFFFFFF90];
	v0 =	vmul.bf16 v0, v24;
	v11 =	vmul.bf16 v11, v35  }
0x305: {  	v35 =	vld [tilespmem:s6+$0xFFFFFFB0];
	v31 =	vadd.bf16 v3, v8;
	v8 =	vmul.bf16 v17, v46;
	v17 =	vmul.bf16 v41, v61  }
0x306: {  	v56 =	vadd.bf16 v34, v56;
	v14 =	vmul.bf16 v14, v57;
	v4 =	vmul.bf16 v41, v28;
	v28 =	vld [tilespmem:s6+$0xFFFFF7F0]  }
0x307: {  	s0 =	smov.u32 s28;
	v3 =	vmul.bf16 v2, v36;
	v36 =	vld [tilespmem:s6+$0xFFFFFFE0];
	v1 =	vadd.bf16 v1, v17;
	v17 =	vmul.bf16 v60, v46  }
0x308: {  	v6 =	vsub.bf16 v62, v55;
	v34 =	vadd.bf16 v14, v11;
	v11 =	vmov s0;
	v62 =	vld [tilespmem:s6+$0xFFFFFFD0]  }
0x309: {  	v14 =	vmul.bf16 v17, v16;
	v16 =	vperm.xlane v9, v11;
	v9 =	vld [tilespmem:$0x1FD30]  }
0x30a: {  	v19 =	vlaneseq.u32;
	v63 =	vmul.bf16 v12, v25;
	v55 =	vld [tilespmem:$0x1FFC0]  }
0x30b: {  	v4 =	vsub.bf16 v23, v4;
	v23 =	vld [tilespmem:$0x1FFF0];
	v0 =	vsub.bf16 v14, v0;
	v14 =	vshll.u32 v16, $0x7  }
0x30c: {  	v2 =	vmul.bf16 v2, v58;
	v18 =	vmul.bf16 v12, v49;
	v46 =	vld [tilespmem:s6+$0x0];
	v51 =	vor.u32 v19, v14  }
0x30d: {  	v12 =	vmul.bf16 v8, v30;
	v8 =	vmul.bf16 v39, v8;
	v39 =	vld [tilespmem:$0x1FFD0]  }
0x30e: {  	v61 =	vmul.bf16 v52, v58;
	v16 =	vperm.xlane v9, v11;
	v9 =	vld [tilespmem:$0x1FFA0]  }
0x30f: {  	v57 =	vmul.bf16 v37, v42;
	v60 =	vmul.bf16 v44, v29;
	v29 =	vld [tilespmem:s6+$0xFFFFFFC0];
	v42 =	vor.u32 v20, v14  }
0x310: {  	v7 =	vadd.bf16 v7, v2;
	v30 =	vld [tilespmem:s6+$0xFFFFF7A0];
	v41 =	vsub.bf16 v61, v3;
	v52 =	vor.u32 v23, v14  }
0x311: {  	v8 =	vadd.bf16 v8, v43;
	v40 =	vor.u32 v21, v14;
	v47 =	vor.u32 v55, v14;
	v43 =	vld.idx.msk [tilespmem:v51+s14+$0x0], $0xffff  }
0x312: {  	v3 =	vor.u32 v39, v14;
	v61 =	vor.u32 v22, v14;
	v16 =	vshll.u32 v16, $0x7;
	v51 =	vld [tilespmem:$0x1FD50]  }
0x313: {  	v37 =	vor.u32 v19, v16;
	v19 =	vmul.bf16 v57, v49;
	v49 =	vld [tilespmem:$0x1FD40];
	v2 =	vor.u32 v9, v14  }
0x314: {  	v58 =	vld.idx.msk [tilespmem:v42+s14+$0x0], $0xffff;
	v14 =	vmul.bf16 v24, v17;
	v17 =	vmul.bf16 v44, v26;
	v44 =	vor.u32 v20, v16  }
0x315: {  	v5 =	vperm.xlane v59, v11;
	v4 =	vadd.bf16 v4, v32;
	v56 =	vadd.bf16 v1, v56;
	v52 =	vld.idx.msk [tilespmem:v52+s14+$0x0], $0xffff  }
0x316: {  	v59 =	vor.u32 v21, v16;
	v21 =	vor.u32 v22, v16;
	v42 =	vor.u32 v39, v16;
	v39 =	vld [tilespmem:s6+$0xFFFFF7E0]  }
0x317: {  	v22 =	vperm.xlane v51, v11;
	v51 =	vadd.bf16 v0, v13;
	v0 =	vadd.bf16 v14, v10;
	v10 =	vld [tilespmem:$0x1FD60]  }
0x318: {  	v50 =	vadd.bf16 v50, v60;
	v24 =	vmov v45;
	v45 =	vld [tilespmem:s6+$0xFFFFF790];
	v1 =	vsub.bf16 v19, v63  }
0x319: {  	v8 =	vadd.bf16 v8, v38;
	v26 =	vmov v46;
	v46 =	vpack.i.f32.bf16 v5, v5;
	v5 =	vld.idx.msk [tilespmem:v44+s14+$0x0], $0xffff  }
0x31a: {  	v32 =	vadd.bf16 v6, v4;
	v23 =	vor.u32 v23, v16;
	v54 =	vadd.bf16 v1, v54;
	v2 =	vld.idx.msk [tilespmem:v2+s14+$0x0], $0xffff  }
0x31b: {  	v20 =	vperm.xlane v49, v11;
	v49 =	vsub.bf16 v15, v17;
	v13 =	vmul.bf16 v43, v46;
	v17 =	vld.idx.msk [tilespmem:v21+s14+$0x0], $0xffff  }
0x31c: {  	v21 =	vld.idx.msk [tilespmem:v59+s14+$0x0], $0xffff;
	v15 =	vor.u32 v9, v16;
	v53 =	vadd.bf16 v0, v53;
	v10 =	vperm.xlane v10, v11  }
0x31d: {  	p0 =	sne.s32 s28, $0xF;
	v14 =	vld.idx.msk [tilespmem:v42+s14+$0x0], $0xffff;
	v42 =	vpack.i.f32.bf16 v20, v20;
	v63 =	vmul.bf16 v48, v13;
	v11 =	vor.u32 v55, v16  }
.Ltmp5:
0x31e: {  	v60 =	vld.idx.msk [tilespmem:v3+s14+$0x0], $0xffff;
	v16 =	vmul.bf16 v25, v57;
	v55 =	vpack.i.f32.bf16 v10, v10;
	v57 =	vmul.bf16 v5, v42;
	(pc) =	sbr.rel @p0 .LBB2_9-.Ltmp5, $4  }
0x31f: {  	v0 =	vld.idx.msk [tilespmem:v61+s14+$0x0], $0xffff;
	v10 =	vpack.i.f32.bf16 v22, v22;
	v38 =	vmul.bf16 v2, v55;
	v2 =	vmul.bf16 v13, v45  }
0x320: {  	v59 =	vsub.bf16 v12, v33;
	v61 =	vld [tilespmem:s6+$0xFFFFF7B0];
	v25 =	vmovc v62;
	v12 =	vmul.bf16 v52, v55;
	v44 =	vmul.bf16 v17, v10  }
0x321: {  	v16 =	vadd.bf16 v16, v18;
	v13 =	vld.idx.msk [tilespmem:v23+s14+$0x0], $0xffff;
	v52 =	vmul.bf16 v21, v42;
	v62 =	vmul.bf16 v57, v35  }
0x322: {  	s28 =	sadd.s32 $0x1, s28;
	s16 =	smov.u32 s6;
	v33 =	vmul.bf16 v38, v39;
	v11 =	vld.idx.msk [tilespmem:v11+s14+$0x0], $0xffff;
	v43 =	vmul.bf16 v38, v30;
	v38 =	vadd.bf16 v7, v8  }
0x323: {  	_ =	sdelay $0x3  }
0x324: {  	v1 =	vld.idx.msk [tilespmem:v15+s14+$0x0], $0xffff;
	v3 =	vmul.bf16 v14, v42  }
0x325: {  	v4 =	vmul.bf16 v58, v46;
	v5 =	vmul.bf16 v12, v48;
	v6 =	vld.idx.msk [tilespmem:v47+s14+$0x0], $0xffff  }
0x326: {  	v7 =	vmul.bf16 v36, v52;
	v47 =	vmul.bf16 v12, v45;
	v17 =	vld [tilespmem:s16+$0xFFFFF7C0]  }
0x327: {  	v20 =	vld.idx.msk [tilespmem:v40+s14+$0x0], $0xffff;
	v23 =	vadd.bf16 v49, v51;
	v0 =	vmul.bf16 v0, v55;
	v14 =	vmul.bf16 v3, v29  }
0x328: {  	v51 =	vld [tilespmem:s16+$0xFFFFFFA0];
	v18 =	vmul.bf16 v4, v61;
	v4 =	vmul.bf16 v28, v4;
	v2 =	vsub.bf16 v2, v5  }
0x329: {  	v8 =	vld [tilespmem:s16+$0xFFFFFFF0];
	v13 =	vmul.bf16 v13, v10;
	v11 =	vmul.bf16 v11, v10  }
0x32a: {  	v2 =	vadd.bf16 v2, v54;
	v54 =	vmul.bf16 v60, v46;
	v1 =	vmul.bf16 v1, v10  }
0x32b: {  	v15 =	vadd.bf16 v50, v53;
	v6 =	vmul.bf16 v6, v55;
	v21 =	vmul.bf16 v0, v17  }
0x32c: {  	v16 =	vadd.bf16 v16, v31;
	v22 =	vmul.bf16 v13, v25;
	v0 =	vmul.bf16 v0, v24  }
0x32d: {  	v19 =	vadd.bf16 v59, v27;
	v20 =	vmul.bf16 v20, v46;
	v58 =	vmul.bf16 v52, v51  }
0x32e: {  	v48 =	vadd.bf16 v34, v56;
	v55 =	vld.idx.msk [tilespmem:v37+s14+$0x0], $0xffff;
	v10 =	vmul.bf16 v11, v8;
	v11 =	vmul.bf16 v11, v35  }
0x32f: {  	v12 =	vadd.bf16 v63, v47;
	v8 =	vmul.bf16 v8, v57;
	v56 =	vmul.bf16 v54, v17  }
0x330: {  	v19 =	vadd.bf16 v41, v19;
	v57 =	vld [tilespmem:s16+$0xFFFFFF90];
	v60 =	vmul.bf16 v24, v54;
	v50 =	vmul.bf16 v1, v36  }
0x331: {  	v12 =	vadd.bf16 v12, v16;
	v53 =	vmul.bf16 v6, v61;
	v6 =	vmul.bf16 v6, v28  }
0x332: {  	v1 =	vmul.bf16 v1, v51;
	v10 =	vsub.bf16 v62, v10;
	v8 =	vadd.bf16 v8, v11  }
0x333: {  	v11 =	vmul.bf16 v39, v20;
	v6 =	vsub.bf16 v18, v6;
	v59 =	vmul.bf16 v55, v42  }
0x334: {  	v0 =	vsub.bf16 v56, v0;
	v20 =	vmul.bf16 v20, v30;
	v4 =	vadd.bf16 v4, v53  }
0x335: {  	v31 =	vld [tilespmem:$0x180C0];
	v1 =	vadd.bf16 v7, v1;
	v6 =	vadd.bf16 v6, v32;
	v63 =	vmul.bf16 v59, v57  }
0x336: {  	v34 =	vld [tilespmem:$0x18010];
	v16 =	vsub.bf16 v58, v50;
	v18 =	vadd.bf16 v60, v21;
	v13 =	vmul.bf16 v13, v57  }
0x337: {  	v30 =	vld [tilespmem:$0x1FF00];
	v27 =	vmul.bf16 v25, v59;
	v6 =	vadd.bf16 v10, v6;
	v10 =	vsub.bf16 v63, v22  }
0x338: {  	v3 =	vmul.bf16 v26, v3;
	v41 =	vld [tilespmem:$0x1FF50];
	v11 =	vadd.bf16 v11, v43;
	v4 =	vadd.bf16 v4, v48  }
0x339: {  	v61 =	vmul.bf16 v44, v26;
	v28 =	vld [tilespmem:$0x18000];
	v5 =	vadd.bf16 v27, v13;
	v2 =	vadd.bf16 v10, v2  }
0x33a: {  	v62 =	vmul.bf16 v44, v29;
	v29 =	vld [tilespmem:$0x18080];
	v24 =	vsub.bf16 v20, v33;
	v11 =	vadd.bf16 v11, v38  }
0x33b: {  	v33 =	vld [tilespmem:$0x1FF40];
	v4 =	vadd.bf16 v8, v4;
	v5 =	vadd.bf16 v5, v12;
	v8 =	vunpack.i.l.bf16.f32 v2  }
0x33c: {  	v35 =	vld [tilespmem:$0x18050];
	v14 =	vsub.bf16 v14, v61;
	v10 =	vadd.bf16 v24, v19;
	v8 =	vmul.f32 v8, v30  }
0x33d: {  	v0 =	vadd.bf16 v0, v23;
	v1 =	vadd.bf16 v1, v11;
	v11 =	vld [tilespmem:$0x18040];
	v32 =	vunpack.i.l.bf16.f32 v5  }
0x33e: {  	v38 =	vld [tilespmem:$0x1FF10];
	v10 =	vadd.bf16 v16, v10;
	v7 =	vadd.f32 v28, v8;
	v8 =	vmul.f32 v32, v30  }
0x33f: {  	v46 =	vld [tilespmem:$0x1FF20];
	v3 =	vadd.bf16 v3, v62;
	v48 =	vunpack.i.l.bf16.f32 v4;
	v2 =	vunpack.i.u.bf16.f32 v2  }
0x340: {  	v45 =	vld [tilespmem:$0x180A0];
	v2 =	vmul.f32 v2, v33;
	v37 =	vadd.f32 v29, v8;
	v8 =	vunpack.i.u.bf16.f32 v10  }
0x341: {  	v36 =	vld [tilespmem:$0x18090];
	v40 =	vunpack.i.l.bf16.f32 v1;
	v5 =	vunpack.i.u.bf16.f32 v5;
	v8 =	vmul.f32 v8, v41  }
0x342: {  	v49 =	vld [tilespmem:$0x1FF60];
	v5 =	vmul.f32 v5, v33;
	v2 =	vadd.f32 v11, v2;
	v11 =	vunpack.i.l.bf16.f32 v10  }
0x343: {  	v10 =	vmul.f32 v11, v38;
	v11 =	vld [tilespmem:$0x180D0];
	v44 =	vadd.f32 v35, v8;
	v8 =	vunpack.i.l.bf16.f32 v6  }
0x344: {  	v39 =	vadd.f32 v31, v5;
	v5 =	vmul.f32 v40, v38;
	[tilespmem:$0x18280] =	vst v7;
	v47 =	vmul.f32 v8, v46;
	v8 =	vld [tilespmem:$0x180E0]  }
0x345: {  	v4 =	vunpack.i.u.bf16.f32 v4;
	v1 =	vunpack.i.u.bf16.f32 v1;
	[tilespmem:$0x182C0] =	vst v2;
	v43 =	vadd.f32 v34, v10;
	v10 =	vld [tilespmem:$0x18060]  }
0x346: {  	v42 =	vld [tilespmem:$0x18020];
	v1 =	vmul.f32 v1, v41;
	[tilespmem:$0x184C0] =	vst v39;
	v5 =	vadd.f32 v36, v5;
	v2 =	vmul.f32 v48, v46  }
0x347: {  	v54 =	vld [tilespmem:$0x1FF30];
	v15 =	vadd.bf16 v18, v15;
	v4 =	vmul.f32 v4, v49;
	[tilespmem:$0x18480] =	vst v37;
	v6 =	vunpack.i.u.bf16.f32 v6  }
0x348: {  	[tilespmem:$0x18490] =	vst v5;
	v2 =	vadd.f32 v45, v2;
	v6 =	vmul.f32 v6, v49;
	v1 =	vadd.f32 v11, v1;
	v11 =	vld [tilespmem:$0x18030]  }
0x349: {  	v0 =	vadd.bf16 v14, v0;
	[tilespmem:$0x18290] =	vst v43;
	v57 =	vadd.f32 v8, v4;
	v8 =	vld [tilespmem:$0x1FF70]  }
0x34a: {  	v3 =	vadd.bf16 v3, v15;
	[tilespmem:$0x184A0] =	vst v2;
	v52 =	vadd.f32 v10, v6;
	v10 =	vld [tilespmem:$0x180B0]  }
0x34b: {  	v51 =	vld [tilespmem:$0x18070];
	v53 =	vunpack.i.l.bf16.f32 v0;
	[tilespmem:$0x182D0] =	vst v44;
	v50 =	vadd.f32 v42, v47  }
0x34c: {  	v56 =	vld [tilespmem:$0x180F0];
	v55 =	vmul.f32 v53, v54;
	v58 =	vunpack.i.l.bf16.f32 v3;
	[tilespmem:$0x184D0] =	vst v1  }
0x34d: {  	v0 =	vunpack.i.u.bf16.f32 v0;
	[tilespmem:$0x182A0] =	vst v50;
	v4 =	vmul.f32 v58, v54  }
0x34e: {  	v59 =	vunpack.i.u.bf16.f32 v3;
	[tilespmem:$0x182E0] =	vst v52;
	v60 =	vadd.f32 v11, v55;
	v0 =	vmul.f32 v0, v8  }
0x34f: {  	[tilespmem:$0x184E0] =	vst v57;
	v62 =	vadd.f32 v10, v4;
	v61 =	vmul.f32 v59, v8  }
0x350: {  	s0 =	sshll.u32 s12, $0x4;
	[tilespmem:$0x182B0] =	vst v60;
	v0 =	vadd.f32 v51, v0  }
0x351: {  	s0 =	sand.u32 $0x70, s0;
	[tilespmem:$0x184B0] =	vst v62;
	v63 =	vadd.f32 v56, v61  }
.Ltmp6:
0x352: {  	s0 =	sadd.s32 s3, s0;
	[tilespmem:$0x182F0] =	vst v0;
	(pc) =	sbr.rel @p1 .LBB2_12-.Ltmp6, $4  }
0x353: {  	s0 =	sadd.s32 s11, s0;
	[tilespmem:$0x184F0] =	vst v63  }
0x354: {  	[hbm4b:s0+s5] =	stream.linear.scatter [tilespmem:s26], [sflag:$0xD], $0x80, $0x38;
	[tilespmem:$0x18500] =	vst v63  }
0x355: {  	s0 =	sadd.s32 $0x80, s0  }
0x356: {  	v9 =	vld [tilespmem:$0x1FFF0];
	[hbm4b:s0+s5] =	stream.linear.scatter [tilespmem:s15], [sflag:$0xD], $0x80, $0x38  }
0x357: {  	s0 =	sadd.s32 $0x400, s10;
	s6 =	simm.s32 $0x16D00  }
0x358: {  	[tilespmem:s6], [sflag:$0x5] =	stream.indirect.gather [hbm4b:s8+s17], $0x80, s0, s17, $0xb8;
	[tilespmem:$0x18500] =	vst v63  }
0x359: {  	v0 =	vld.msk [tilespmem:s10+$0x460], $0x1;
	_ =	sdelay $0x4  }
0x35a: {  	v1 =	vshll.u32 v0, $0x1  }
0x35b: {  	v0 =	vand.u32 $0x7, v0;
	v1 =	vand.u32 $0xFFFFFFF0, v1  }
0x35c: {  	v0 =	vor.u32 v0, v1;
	v1 =	vimm.s32 $0x0  }
0x35d: {  	v0 =	vperm.xlane v0, v1;
	v1 =	vld [tilespmem:$0x1FF80];
	_ =	sdelay $0x4  }
0x35e: {  	v5 =	vld [tilespmem:$0x1FF90];
	v0 =	vadd.s32 v1, v0  }
.Ltmp7:
0x35f: {  	v6 =	vld [tilespmem:$0x1FFA0];
	(pc) =	sbr.rel .LBB2_2-.Ltmp7, $4  }
0x360: {  	v7 =	vld [tilespmem:$0x1FFB0]  }
0x361: {  	v8 =	vld [tilespmem:$0x1FFC0]  }
0x362: {  	s29 =	simm.s32 $0x18000;
	s9 =	sadd.s32 $0x1, s9;
	v17 =	vld [tilespmem:$0x1FFD0]  }
0x363: {  	v3 =	vlaneseq.u32;
	v18 =	vld [tilespmem:$0x1FFE0];
	[tilespmem:s29], [sflag:$0x9] =	stream.indirect_vreg.gather [hbm4b:s1+s5], $0x80, v0, vm0, $0xb8  }
.LBB2_13:
0x364: {  	_ =	sfence.sel $0x180000  }
0x365: {  	[bflag:$0x0] =	sbarrier.arrive $0xFFFF  }
0x366: {  	_ =	strace $0x90000047  }
0x367: {  	s0 =	stileid.u32;
	[bflag:$0x2] =	sbarrier.arrive $0xFFFF  }
0x368: {  	p0 =	sne.s32 s0, $0x0;
	s0 =	rddreg [dreg:$0x5]  }
0x369: {  	s0 =	sadd.s32 @!p0 $0x100000, s0  }
0x36a: {  	[sflag:s0] =	ssyncadd.tile.s32 @!p0 $0x1;
	_ =	shalt  }
.Lfunc_end2:
_tile_overlayer_lowered:
.L_overlay_start_2:
0x36b: {  	(tag) =	ssettag $0x2  }
0x36c: {  	s0 =	rddreg [dreg:$0x0];
	s2 =	stileid.u32  }
0x36d: {  	s1 =	rddreg [dreg:$0x1];
	p0 =	sne.s32 s2, $0x0  }
0x36e: {  	s3 =	rddreg [dreg:$0x2];
	[bflag:$0x3] =	sbarrier.arrive $0xFFFF;
	s2 =	simm.s32 @!p0 $0x1C0E  }
0x36f: {  	[timem:s3], [sflag:s2] =	dma.local @!p0 [hbm:s0], s1  }
0x370: {  	s0 =	simm.s32 @!p0 $0xE  }
0x371: {  	_ =	swait.ge @!p0 [sflag:s0], s1  }
0x372: {  	s1 =	ssub.s32 @!p0 $0x0, s1;
	[sflag:s0] =	ssyncset.done @!p0 $0x0  }
0x373: {  	[sflag:s0] =	ssyncadd.s32 @!p0 s1  }
0x374: {  	[bflag:$0x3] =	sbarrier.arrive $0xFFFF  }
0x375: {  	_ =	shalt  }

</sc_bundles>
